<compile_context>
chip_gen: v7x
topology: tpu7x:2x2x1
jax: 0.10.2.dev20260603
libtpu: 0.0.44.dev20260713+nightly
codegen_flags: <defaults>
</compile_context>

<pallas_src>
import functools
import math

import jax
import jax.numpy as jnp
from jax import lax
from jax.experimental import pallas as pl
from jax.experimental.pallas import tpu as pltpu
from jax.experimental.pallas import tpu_sc as plsc

N = 10000
E = 320000
EMB = 128
H = 2
HD = EMB // H
EA = 2

NC = 2
NS = 16
NW = NC * NS
L = 16

EPW = E // NW
CB = 80
KC = 5
C = CB * KC
NCHUNK = EPW // C
CB2 = 40
KC2 = 5
C2 = CB2 * KC2
NCHUNK2 = EPW // C2
RPT = 624
RW = EMB + L
SR = 64

_f32 = jnp.float32



def _stage1_body(x_ref, wkqv_ref, bkqv_ref, wk_ref, wq_ref,
                 kw_ref, qw_ref, v_ref):
    x = x_ref[...]
    kqv = lax.dot_general(x, wkqv_ref[...], (((1,), (1,)), ((), ())),
                          preferred_element_type=_f32) + bkqv_ref[...]
    q = kqv[:, :EMB]
    k = kqv[:, EMB:2 * EMB] * (1.0 / math.sqrt(HD))
    v_ref[...] = kqv[:, 2 * EMB:]
    kw_ref[...] = jnp.concatenate(
        [lax.dot_general(k[:, h * HD:(h + 1) * HD], wk_ref[...],
                         (((1,), (1,)), ((), ())), preferred_element_type=_f32)
         for h in range(H)], axis=1)
    qw_ref[...] = jnp.concatenate(
        [lax.dot_general(q[:, h * HD:(h + 1) * HD], wq_ref[...],
                         (((1,), (1,)), ((), ())), preferred_element_type=_f32)
         for h in range(H)], axis=1)


def _stage1(x, W_kqv, b_kqv2, Wk, Wq, interpret=False):
    BN_ = 1000
    grid = (N // BN_,)
    return pl.pallas_call(
        _stage1_body,
        grid=grid,
        in_specs=[
            pl.BlockSpec((BN_, EMB), lambda i: (i, 0)),
            pl.BlockSpec((3 * EMB, EMB), lambda i: (0, 0)),
            pl.BlockSpec((1, 3 * EMB), lambda i: (0, 0)),
            pl.BlockSpec((HD, HD), lambda i: (0, 0)),
            pl.BlockSpec((HD, HD), lambda i: (0, 0)),
        ],
        out_specs=[
            pl.BlockSpec((BN_, EMB), lambda i: (i, 0)),
            pl.BlockSpec((BN_, EMB), lambda i: (i, 0)),
            pl.BlockSpec((BN_, EMB), lambda i: (i, 0)),
        ],
        out_shape=[
            jax.ShapeDtypeStruct((N, EMB), _f32),
            jax.ShapeDtypeStruct((N, EMB), _f32),
            jax.ShapeDtypeStruct((N, EMB), _f32),
        ],
        interpret=interpret,
    )(x, W_kqv, b_kqv2, Wk, Wq)



def _sc_pass1(src1, dst1, kW, qW, interpret=False):
    mesh = plsc.VectorSubcoreMesh(core_axis_name="c", subcore_axis_name="s")

    @functools.partial(
        pl.kernel,
        out_type=jax.ShapeDtypeStruct((E // CB, CB, EMB), _f32),
        mesh=mesh,
        scratch_types=[
            pltpu.VMEM((C,), jnp.int32),
            pltpu.VMEM((C,), jnp.int32),
            pltpu.VMEM((KC, CB, EMB), _f32),
            pltpu.VMEM((KC, CB, EMB), _f32),
            pltpu.SemaphoreType.DMA,
            pltpu.SemaphoreType.DMA,
            pltpu.SemaphoreType.DMA,
            pltpu.SemaphoreType.DMA,
            pltpu.SemaphoreType.DMA,
            pltpu.SemaphoreType.DMA,
            pltpu.SemaphoreType.DMA,
        ],
        interpret=interpret,
    )
    def body(src_hbm, dst_hbm, kw_hbm, qw_hbm, g_hbm,
             sidx, didx, krows, qrows, semi, semw,
             sg0, sg1, sg2, sg3, sg4):
        cid = lax.axis_index("c")
        sid = lax.axis_index("s")
        wid = sid * NC + cid
        rows_pw = EPW // CB

        def chunk(i, carry):
            row0 = wid * rows_pw + i * KC
            off = row0 * CB
            cpi = [pltpu.async_copy(src_hbm.at[pl.ds(off, C)], sidx, semi),
                   pltpu.async_copy(dst_hbm.at[pl.ds(off, C)], didx, semi)]
            for cp in cpi:
                cp.wait()
            sgs = [sg0, sg1, sg2, sg3, sg4]
            cps = []
            for j in range(KC):
                cps.append((
                    pltpu.async_copy(kw_hbm.at[sidx.at[pl.ds(j * CB, CB)]],
                                     krows.at[j], sgs[j]),
                    pltpu.async_copy(qw_hbm.at[didx.at[pl.ds(j * CB, CB)]],
                                     qrows.at[j], sgs[j])))
            for j in range(KC):
                cps[j][0].wait()
                cps[j][1].wait()

                def add_rows(e, c2):
                    for t in range(EMB // L):
                        sl = pl.ds(t * L, L)
                        krows[j, e, sl] = krows[j, e, sl] + qrows[j, e, sl]
                    return c2

                lax.fori_loop(0, CB, add_rows, 0, unroll=False)
            pltpu.async_copy(krows, g_hbm.at[pl.ds(row0, KC)], semw).wait()
            return carry

        lax.fori_loop(0, NCHUNK, chunk, 0, unroll=False)

    return body(src1, dst1, kW, qW)



def _stage2_body(g_ref, ea_ref, wedge_ref, bedge_ref, we_ref, ba1_ref,
                 wa2_ref, ba2_ref, ex_ref):
    ea = lax.dot_general(ea_ref[...], wedge_ref[...], (((1,), (1,)), ((), ())),
                         preferred_element_type=_f32) + bedge_ref[...]
    r = jnp.maximum(ea, 0.0)
    g = g_ref[...]
    cols = []
    for h in range(H):
        z = (g[:, h * HD:(h + 1) * HD]
             + lax.dot_general(r[:, h * HD:(h + 1) * HD], we_ref[...],
                               (((1,), (1,)), ((), ())),
                               preferred_element_type=_f32)
             + ba1_ref[...])
        z = jnp.maximum(z, 0.0)
        a_h = jnp.sum(z * wa2_ref[...], axis=1, keepdims=True) + ba2_ref[...]
        cols.append(jnp.exp(a_h))
    b = cols[0].shape[0]
    cols.append(jnp.ones((b, 1), _f32))
    cols.append(jnp.zeros((b, L - H - 1), _f32))
    ex_ref[...] = jnp.concatenate(cols, axis=1)


def _stage2(g, edge_attr, W_edge, b_edge2, We, b_a12, W_a2, b_a22,
            interpret=False):
    BE = 4000
    grid = (E // BE,)
    return pl.pallas_call(
        _stage2_body,
        grid=grid,
        in_specs=[
            pl.BlockSpec((BE, EMB), lambda i: (i, 0)),
            pl.BlockSpec((BE, EA), lambda i: (i, 0)),
            pl.BlockSpec((EMB, EA), lambda i: (0, 0)),
            pl.BlockSpec((1, EMB), lambda i: (0, 0)),
            pl.BlockSpec((HD, HD), lambda i: (0, 0)),
            pl.BlockSpec((1, HD), lambda i: (0, 0)),
            pl.BlockSpec((1, HD), lambda i: (0, 0)),
            pl.BlockSpec((1, 1), lambda i: (0, 0)),
        ],
        out_specs=pl.BlockSpec((BE, L), lambda i: (i, 0)),
        out_shape=jax.ShapeDtypeStruct((E, L), _f32),
        interpret=interpret,
    )(g, edge_attr, W_edge, b_edge2, We, b_a12, W_a2, b_a22)



def _sc_pass2(src1, dst1, ex2, v, interpret=False):
    mesh = plsc.VectorSubcoreMesh(core_axis_name="c", subcore_axis_name="s")

    @functools.partial(
        pl.kernel,
        out_type=[
            jax.ShapeDtypeStruct((NC * N, EMB), _f32),
            jax.ShapeDtypeStruct((NC * N, EMB), _f32),
        ],
        mesh=mesh,
        scratch_types=[
            pltpu.VMEM((C2,), jnp.int32),
            pltpu.VMEM((KC2, CB2), jnp.int32),
            pltpu.VMEM((2, CB2, L), _f32),
            pltpu.VMEM((KC2, CB2, EMB), _f32),
            pltpu.VMEM_SHARED((N, EMB), _f32),
            pltpu.SemaphoreType.DMA,
            pltpu.SemaphoreType.DMA,
            pltpu.SemaphoreType.DMA,
            pltpu.SemaphoreType.DMA,
            pltpu.SemaphoreType.DMA,
            pltpu.SemaphoreType.DMA,
            pltpu.SemaphoreType.DMA,
            pltpu.SemaphoreType.DMA,
            pltpu.SemaphoreType.DMA,
        ],
        interpret=interpret,
    )
    def body(src_hbm, dst_hbm, ex_hbm, v_hbm, zrow_hbm, u_hbm, s_hbm,
             sidx, didx, exb, vrows, u_sh, semi, seme0, seme1, sems,
             sg0, sg1, sg2, sg3, sg4):
        cid = lax.axis_index("c")
        sid = lax.axis_index("s")
        wid = sid * NC + cid
        rows_pw = EPW // CB2

        r0 = sid * RPT
        t0 = jnp.where(sid == 0, NS * RPT, r0)
        tail = N - NS * RPT

        def zero_acc():
            pltpu.sync_copy(zrow_hbm.at[pl.ds(r0, RPT)],
                            u_sh.at[pl.ds(r0, RPT)])
            pltpu.sync_copy(zrow_hbm.at[pl.ds(t0, tail)],
                            u_sh.at[pl.ds(t0, tail)])

        def read_acc(out_hbm):
            pltpu.sync_copy(u_sh.at[pl.ds(r0, RPT)],
                            out_hbm.at[pl.ds(cid * N + r0, RPT)])
            pltpu.sync_copy(u_sh.at[pl.ds(t0, tail)],
                            out_hbm.at[pl.ds(cid * N + t0, tail)])

        def load_idx_async(off, with_src):
            cps = []
            if with_src:
                cps.append(pltpu.async_copy(src_hbm.at[pl.ds(off, C2)],
                                            sidx, semi))
            for j in range(KC2):
                cps.append(pltpu.async_copy(
                    dst_hbm.at[pl.ds(off + j * CB2, CB2)], didx.at[j], semi))
            return cps

        seme = [seme0, seme1]

        def fire_exb(off, j):
            return pltpu.async_copy(
                ex_hbm.at[pl.ds(off + j * CB2, CB2)], exb.at[j % 2],
                seme[j % 2])

        zero_acc()
        plsc.subcore_barrier()

        def chunk_a(i, carry):
            off = (wid * rows_pw + i * KC2) * CB2
            sgs = [sg0, sg1, sg2, sg3, sg4]
            cpi = load_idx_async(off, with_src=True)
            cpe = {0: fire_exb(off, 0)}
            for cp in cpi:
                cp.wait()
            cpg = [pltpu.async_copy(
                       v_hbm.at[sidx.at[pl.ds(j * CB2, CB2)]], vrows.at[j],
                       sgs[j])
                   for j in range(KC2)]
            cps = []
            for j in range(KC2):
                if j + 1 < KC2:
                    cpe[j + 1] = fire_exb(off, j + 1)
                cpg[j].wait()
                cpe[j].wait()
                b = j % 2

                def scale_rows(e, c2):
                    s = exb[b, e, :]
                    e0v = jnp.broadcast_to(s[0], (L,))
                    e1v = jnp.broadcast_to(s[1], (L,))
                    for t in range(HD // L):
                        sl = pl.ds(t * L, L)
                        vrows[j, e, sl] = vrows[j, e, sl] * e0v
                    for t in range(HD // L, EMB // L):
                        sl = pl.ds(t * L, L)
                        vrows[j, e, sl] = vrows[j, e, sl] * e1v
                    return c2

                lax.fori_loop(0, CB2, scale_rows, 0, unroll=False)
                cps.append(pltpu.async_copy(vrows.at[j],
                                            u_sh.at[didx.at[j]], sems,
                                            add=True))
            for cp in cps:
                cp.wait()
            return carry

        lax.fori_loop(0, NCHUNK2, chunk_a, 0, unroll=False)
        plsc.subcore_barrier()
        read_acc(u_hbm)
        plsc.subcore_barrier()

        zero_acc()
        zero16 = jnp.zeros((L,), _f32)

        def zero_vrows(e, c2):
            for j in range(KC2):
                for t in range(EMB // L):
                    vrows[j, e, pl.ds(t * L, L)] = zero16
            return c2

        lax.fori_loop(0, CB2, zero_vrows, 0, unroll=False)
        plsc.subcore_barrier()

        def chunk_b(i, carry):
            off = (wid * rows_pw + i * KC2) * CB2
            cpi = load_idx_async(off, with_src=False)
            cpe = {0: fire_exb(off, 0)}
            for cp in cpi:
                cp.wait()
            cps = []
            for j in range(KC2):
                if j + 1 < KC2:
                    cpe[j + 1] = fire_exb(off, j + 1)
                cpe[j].wait()
                b = j % 2

                def stat_rows(e, c2):
                    vrows[j, e, pl.ds(0, L)] = exb[b, e, :]
                    return c2

                lax.fori_loop(0, CB2, stat_rows, 0, unroll=False)
                cps.append(pltpu.async_copy(vrows.at[j],
                                            u_sh.at[didx.at[j]], sems,
                                            add=True))
            for cp in cps:
                cp.wait()
            return carry

        lax.fori_loop(0, NCHUNK2, chunk_b, 0, unroll=False)
        plsc.subcore_barrier()
        read_acc(s_hbm)

    zrow = jnp.zeros((N, EMB), _f32)
    return body(src1, dst1, ex2, v, zrow)



def _stage3_body(u0_ref, u1_ref, s0_ref, s1_ref, x_ref, wout_ref, bout_ref,
                 gam_ref, bet_ref, mu_ref, var_ref, out_ref):
    um = u0_ref[...] + u1_ref[...]
    us = s0_ref[...] + s1_ref[...]
    d0 = us[:, 0:1] + 1e-16
    d1 = us[:, 1:2] + 1e-16
    indeg = us[:, 2:3]
    aggp = jnp.concatenate([um[:, :HD] / d0, um[:, HD:] / d1], axis=1)
    agg = lax.dot_general(aggp, wout_ref[...], (((1,), (1,)), ((), ())),
                          preferred_element_type=_f32) + indeg * bout_ref[...]
    o = agg + x_ref[...]
    o = (o - mu_ref[...]) * lax.rsqrt(var_ref[...] + 1e-5) * gam_ref[...] \
        + bet_ref[...]
    out_ref[...] = o


def _stage3(U0, U1, S0, S1, x, W_out, b_out2, gam2, bet2, mu2, var2,
            interpret=False):
    BN_ = 1000
    grid = (N // BN_,)
    return pl.pallas_call(
        _stage3_body,
        grid=grid,
        in_specs=[
            pl.BlockSpec((BN_, EMB), lambda i: (i, 0)),
            pl.BlockSpec((BN_, EMB), lambda i: (i, 0)),
            pl.BlockSpec((BN_, L), lambda i: (i, 0)),
            pl.BlockSpec((BN_, L), lambda i: (i, 0)),
            pl.BlockSpec((BN_, EMB), lambda i: (i, 0)),
            pl.BlockSpec((EMB, EMB), lambda i: (0, 0)),
            pl.BlockSpec((1, EMB), lambda i: (0, 0)),
            pl.BlockSpec((1, EMB), lambda i: (0, 0)),
            pl.BlockSpec((1, EMB), lambda i: (0, 0)),
            pl.BlockSpec((1, EMB), lambda i: (0, 0)),
            pl.BlockSpec((1, EMB), lambda i: (0, 0)),
        ],
        out_specs=pl.BlockSpec((BN_, EMB), lambda i: (i, 0)),
        out_shape=jax.ShapeDtypeStruct((N, EMB), _f32),
        interpret=interpret,
    )(U0, U1, S0, S1, x, W_out, b_out2, gam2, bet2, mu2, var2)



def kernel(x, edge_index, edge_attr, W_kqv, b_kqv, W_edge, b_edge,
           W_a1, b_a1, W_a2, b_a2, W_out, b_out,
           bn_gamma, bn_beta, bn_mean, bn_var):
    src1 = edge_index[0]
    dst1 = edge_index[1]
    Wk = W_a1[:, :HD]
    Wq = W_a1[:, HD:2 * HD]
    We = W_a1[:, 2 * HD:]

    kW, qW, v = _stage1(x, W_kqv, b_kqv.reshape(1, -1), Wk, Wq)
    g3 = _sc_pass1(src1, dst1, kW, qW)
    ex = _stage2(g3.reshape(E, EMB), edge_attr, W_edge,
                 b_edge.reshape(1, -1), We, b_a1.reshape(1, -1),
                 W_a2, b_a2.reshape(1, 1))
    Um, Us = _sc_pass2(src1, dst1, ex, v)
    out = _stage3(Um[:N], Um[N:], Us[:N, :L], Us[N:, :L],
                  x, W_out, b_out.reshape(1, -1),
                  bn_gamma.reshape(1, -1), bn_beta.reshape(1, -1),
                  bn_mean.reshape(1, -1), bn_var.reshape(1, -1))
    return out

# --- scband reference (transcript-rebuilt; emitter-appended) ---
"""Pipeline reference for scband-prodigy-72164040508155 (READ-ONLY COPY).

The authoritative reference and input builder live on the scoring server;
editing this copy changes nothing except your own understanding.
"""

import jax, jax.numpy as jnp
import numpy as np
import math

N = 10000
E = 320000
EMB = 128
H = 2
HD = EMB // H
EA = 2

def setup_inputs(seed: int = 0):
    key = jax.random.key(seed)
    ks = jax.random.split(key, 12)
    s = 0.05
    return {
        "x": jax.random.normal(ks[0], (N, EMB), dtype=jnp.float32),
        "edge_index": jax.random.randint(ks[1], (2, E), 0, N, dtype=jnp.int32),
        "edge_attr": jax.random.uniform(ks[2], (E, EA), dtype=jnp.float32),
        "W_kqv": jax.random.normal(ks[3], (3 * EMB, EMB), dtype=jnp.float32) * s,
        "b_kqv": jnp.zeros((3 * EMB,), dtype=jnp.float32),
        "W_edge": jax.random.normal(ks[4], (EMB, EA), dtype=jnp.float32) * s,
        "b_edge": jnp.zeros((EMB,), dtype=jnp.float32),
        "W_a1": jax.random.normal(ks[5], (HD, 3 * HD), dtype=jnp.float32) * s,
        "b_a1": jnp.zeros((HD,), dtype=jnp.float32),
        "W_a2": jax.random.normal(ks[6], (1, HD), dtype=jnp.float32) * s,
        "b_a2": jnp.zeros((1,), dtype=jnp.float32),
        "W_out": jax.random.normal(ks[7], (EMB, EMB), dtype=jnp.float32) * s,
        "b_out": jnp.zeros((EMB,), dtype=jnp.float32),
        "bn_gamma": jnp.ones((EMB,), dtype=jnp.float32),
        "bn_beta": jnp.zeros((EMB,), dtype=jnp.float32),
        "bn_mean": jnp.zeros((EMB,), dtype=jnp.float32),
        "bn_var": jnp.ones((EMB,), dtype=jnp.float32),
    }

def reference(x, edge_index, edge_attr, W_kqv, b_kqv, W_edge, b_edge, W_a1, b_a1, W_a2, b_a2, W_out, b_out, bn_gamma, bn_beta, bn_mean, bn_var):
    # MetaGNN (n_layers=1, self_loops=False, eval mode) as instantiated inside Prodigy
    src = edge_index[0]
    dst = edge_index[1]
    # mlp_kqv
    kqv = x @ W_kqv.T + b_kqv
    # gather endpoint features per edge (PyG propagate: x_j=source, x_i=target)
    x_j = kqv[src]
    x_i = kqv[dst]
    q = x_i[:, :EMB].reshape(-1, H, HD)
    k = x_j[:, EMB:2 * EMB].reshape(-1, H, HD) / math.sqrt(HD)
    v = x_j[:, 2 * EMB:3 * EMB].reshape(-1, H, HD)
    ea = (edge_attr @ W_edge.T + b_edge).reshape(-1, H, HD)
    h = jnp.concatenate([k, q, jax.nn.relu(ea)], axis=-1)
    a = jax.nn.relu(h @ W_a1.T + b_a1) @ W_a2.T + b_a2  # [E, H, 1]
    a = a[..., 0]  # [E, H]
    # segment softmax over incoming edges of each dst node, per head (PyG softmax)
    amax = jax.ops.segment_max(a, dst, num_segments=N)
    amax = jnp.where(jnp.isfinite(amax), amax, 0.0)
    ex = jnp.exp(a - amax[dst])
    denom = jax.ops.segment_sum(ex, dst, num_segments=N)
    alpha = ex / (denom[dst] + 1e-16)
    msg = (alpha[..., None] * v).reshape(-1, EMB)
    msg = msg @ W_out.T + b_out
    # aggr='add': scatter-add messages to target nodes
    agg = jax.ops.segment_sum(msg, dst, num_segments=N)
    out = agg + x  # dropout p=0 / eval => identity, residual
    # BatchNorm1d in eval mode with running stats
    out = (out - bn_mean) / jnp.sqrt(bn_var + 1e-5) * bn_gamma + bn_beta
    return out

if __name__ == "__main__":
    import jax
    _d = setup_inputs()
    print(jax.jit(kernel)(*tuple(_d.values())))

</pallas_src>

<mosaic_0001>
#map = affine_map<(d0, d1) -> (0)>
#map1 = affine_map<(d0, d1) -> (0, 0)>
#map2 = affine_map<(d0, d1) -> (0, 0, 0)>
module attributes {stable_mosaic.version = 14 : i64} {
  func.func @body(%arg0: i32, %arg1: i32, %arg2: memref<320000xi32, #tpu.memory_space<hbm>>, %arg3: memref<320000xi32, #tpu.memory_space<hbm>>, %arg4: memref<10000x128xf32, #tpu.memory_space<hbm>>, %arg5: memref<10000x128xf32, #tpu.memory_space<hbm>>, %arg6: memref<4000x80x128xf32, #tpu.memory_space<hbm>>, %arg7: memref<400xi32, #tpu.memory_space<vmem>>, %arg8: memref<400xi32, #tpu.memory_space<vmem>>, %arg9: memref<5x80x128xf32, #tpu.memory_space<vmem>>, %arg10: memref<5x80x128xf32, #tpu.memory_space<vmem>>, %arg11: memref<!tpu.dma_semaphore, #tpu.memory_space<semaphore_mem>>, %arg12: memref<!tpu.dma_semaphore, #tpu.memory_space<semaphore_mem>>, %arg13: memref<!tpu.dma_semaphore, #tpu.memory_space<semaphore_mem>>, %arg14: memref<!tpu.dma_semaphore, #tpu.memory_space<semaphore_mem>>, %arg15: memref<!tpu.dma_semaphore, #tpu.memory_space<semaphore_mem>>, %arg16: memref<!tpu.dma_semaphore, #tpu.memory_space<semaphore_mem>>, %arg17: memref<!tpu.dma_semaphore, #tpu.memory_space<semaphore_mem>>) attributes {dimension_semantics = [#tpu.dimension_semantics<core_parallel>, #tpu.dimension_semantics<subcore_parallel>], iteration_bounds = array<i64: 2, 16>, scalar_prefetch = 0 : i64, scratch_operands = 11 : i64, tpu.core_type = #tpu.core_type<sc_vector_subcore>, window_params = [{transform_indices = #map}, {transform_indices = #map}, {transform_indices = #map1}, {transform_indices = #map1}, {transform_indices = #map2}]} {
    %mul3A = arith.constant 2 : i32
    %mul3A_0 = arith.muli %arg1, %mul3A : i32
    %add3A = arith.addi %mul3A_0, %arg0 : i32
    %scan3A = arith.constant 0 : i32
    %scan3A_1 = arith.constant 0 : i32
    %scan3A_2 = arith.constant 25 : i32
    %scan3A_3 = arith.addi %scan3A_1, %scan3A_2 : i32
    %scan3A_4 = arith.constant 1 : i32
    scf.for %scan3A_6 = %scan3A_1 to %scan3A_3 step %scan3A_4  : i32 {
      %mul3A_7 = arith.constant 125 : i32
      %mul3A_8 = arith.muli %add3A, %mul3A_7 : i32
      %mul3A_9 = arith.constant 5 : i32
      %mul3A_10 = arith.muli %scan3A_6, %mul3A_9 : i32
      %add3A_11 = arith.addi %mul3A_8, %mul3A_10 : i32
      %mul3A_12 = arith.constant 80 : i32
      %mul3A_13 = arith.muli %add3A_11, %mul3A_12 : i32
      %dma_start3A = tpu.memref_slice %arg2[%mul3A_13] : memref<320000xi32, #tpu.memory_space<hbm>> -> memref<400xi32, #tpu.memory_space<hbm>>
      %dma_start3A_14 = tpu.memref_slice %arg2[%mul3A_13] : memref<320000xi32, #tpu.memory_space<hbm>> -> memref<400xi32, #tpu.memory_space<hbm>>
      tpu.enqueue_dma source(%dma_start3A_14 : memref<400xi32, #tpu.memory_space<hbm>>) target(%arg7 : memref<400xi32, #tpu.memory_space<vmem>>) target_semaphore(%arg11 : memref<!tpu.dma_semaphore, #tpu.memory_space<semaphore_mem>>)
      %dma_start3A_15 = tpu.memref_slice %arg3[%mul3A_13] : memref<320000xi32, #tpu.memory_space<hbm>> -> memref<400xi32, #tpu.memory_space<hbm>>
      %dma_start3A_16 = tpu.memref_slice %arg3[%mul3A_13] : memref<320000xi32, #tpu.memory_space<hbm>> -> memref<400xi32, #tpu.memory_space<hbm>>
      tpu.enqueue_dma source(%dma_start3A_16 : memref<400xi32, #tpu.memory_space<hbm>>) target(%arg8 : memref<400xi32, #tpu.memory_space<vmem>>) target_semaphore(%arg11 : memref<!tpu.dma_semaphore, #tpu.memory_space<semaphore_mem>>)
      %dma_wait3A = tpu.memref_slice %arg2[%mul3A_13] : memref<320000xi32, #tpu.memory_space<hbm>> -> memref<400xi32, #tpu.memory_space<hbm>>
      %dma_wait3A_17 = tpu.memref_slice %arg2[%mul3A_13] : memref<320000xi32, #tpu.memory_space<hbm>> -> memref<400xi32, #tpu.memory_space<hbm>>
      tpu.wait_dma2 semaphore(%arg11 : memref<!tpu.dma_semaphore, #tpu.memory_space<semaphore_mem>>) src(%dma_wait3A_17 : memref<400xi32, #tpu.memory_space<hbm>>) dst(%arg7 : memref<400xi32, #tpu.memory_space<vmem>>)
      %dma_wait3A_18 = tpu.memref_slice %arg3[%mul3A_13] : memref<320000xi32, #tpu.memory_space<hbm>> -> memref<400xi32, #tpu.memory_space<hbm>>
      %dma_wait3A_19 = tpu.memref_slice %arg3[%mul3A_13] : memref<320000xi32, #tpu.memory_space<hbm>> -> memref<400xi32, #tpu.memory_space<hbm>>
      tpu.wait_dma2 semaphore(%arg11 : memref<!tpu.dma_semaphore, #tpu.memory_space<semaphore_mem>>) src(%dma_wait3A_19 : memref<400xi32, #tpu.memory_space<hbm>>) dst(%arg8 : memref<400xi32, #tpu.memory_space<vmem>>)
      %dma_start3A_20 = arith.constant 0 : i32
      %dma_start3A_21 = arith.constant 0 : i32
      %dma_start3A_22 = arith.constant 0 : i32
      %dma_start3A_23 = tpu.memref_slice %arg9[%dma_start3A_20, %dma_start3A_21, %dma_start3A_22] : memref<5x80x128xf32, #tpu.memory_space<vmem>> -> memref<1x80x128xf32, #tpu.memory_space<vmem>>
      %dma_start3A_24 = tpu.memref_squeeze %dma_start3A_23 : memref<1x80x128xf32, #tpu.memory_space<vmem>> -> memref<80x128xf32, #tpu.memory_space<vmem>>
      %dma_start3A_25 = arith.constant 0 : i32
      %dma_start3A_26 = tpu.memref_slice %arg7[%dma_start3A_25] : memref<400xi32, #tpu.memory_space<vmem>> -> memref<80xi32, #tpu.memory_space<vmem>>
      %dma_start3A_27 = arith.constant 0 : i32
      %dma_start3A_28 = arith.constant 0 : i32
      %dma_start3A_29 = tpu.memref_slice %arg4[%dma_start3A_27, %dma_start3A_28] : memref<10000x128xf32, #tpu.memory_space<hbm>> -> memref<10000x128xf32, #tpu.memory_space<hbm>>
      tpu.enqueue_indirect_dma source(%dma_start3A_29 : memref<10000x128xf32, #tpu.memory_space<hbm>>) target(%dma_start3A_24 : memref<80x128xf32, #tpu.memory_space<vmem>>) offsets(%dma_start3A_26 : memref<80xi32, #tpu.memory_space<vmem>>) semaphore(%arg13 : memref<!tpu.dma_semaphore, #tpu.memory_space<semaphore_mem>>)
      %dma_start3A_30 = arith.constant 0 : i32
      %dma_start3A_31 = arith.constant 0 : i32
      %dma_start3A_32 = arith.constant 0 : i32
      %dma_start3A_33 = tpu.memref_slice %arg10[%dma_start3A_30, %dma_start3A_31, %dma_start3A_32] : memref<5x80x128xf32, #tpu.memory_space<vmem>> -> memref<1x80x128xf32, #tpu.memory_space<vmem>>
      %dma_start3A_34 = tpu.memref_squeeze %dma_start3A_33 : memref<1x80x128xf32, #tpu.memory_space<vmem>> -> memref<80x128xf32, #tpu.memory_space<vmem>>
      %dma_start3A_35 = arith.constant 0 : i32
      %dma_start3A_36 = tpu.memref_slice %arg8[%dma_start3A_35] : memref<400xi32, #tpu.memory_space<vmem>> -> memref<80xi32, #tpu.memory_space<vmem>>
      %dma_start3A_37 = arith.constant 0 : i32
      %dma_start3A_38 = arith.constant 0 : i32
      %dma_start3A_39 = tpu.memref_slice %arg5[%dma_start3A_37, %dma_start3A_38] : memref<10000x128xf32, #tpu.memory_space<hbm>> -> memref<10000x128xf32, #tpu.memory_space<hbm>>
      tpu.enqueue_indirect_dma source(%dma_start3A_39 : memref<10000x128xf32, #tpu.memory_space<hbm>>) target(%dma_start3A_34 : memref<80x128xf32, #tpu.memory_space<vmem>>) offsets(%dma_start3A_36 : memref<80xi32, #tpu.memory_space<vmem>>) semaphore(%arg13 : memref<!tpu.dma_semaphore, #tpu.memory_space<semaphore_mem>>)
      %dma_start3A_40 = arith.constant 1 : i32
      %dma_start3A_41 = arith.constant 0 : i32
      %dma_start3A_42 = arith.constant 0 : i32
      %dma_start3A_43 = tpu.memref_slice %arg9[%dma_start3A_40, %dma_start3A_41, %dma_start3A_42] : memref<5x80x128xf32, #tpu.memory_space<vmem>> -> memref<1x80x128xf32, #tpu.memory_space<vmem>>
      %dma_start3A_44 = tpu.memref_squeeze %dma_start3A_43 : memref<1x80x128xf32, #tpu.memory_space<vmem>> -> memref<80x128xf32, #tpu.memory_space<vmem>>
      %dma_start3A_45 = arith.constant 80 : i32
      %dma_start3A_46 = tpu.memref_slice %arg7[%dma_start3A_45] : memref<400xi32, #tpu.memory_space<vmem>> -> memref<80xi32, #tpu.memory_space<vmem>>
      %dma_start3A_47 = arith.constant 0 : i32
      %dma_start3A_48 = arith.constant 0 : i32
      %dma_start3A_49 = tpu.memref_slice %arg4[%dma_start3A_47, %dma_start3A_48] : memref<10000x128xf32, #tpu.memory_space<hbm>> -> memref<10000x128xf32, #tpu.memory_space<hbm>>
      tpu.enqueue_indirect_dma source(%dma_start3A_49 : memref<10000x128xf32, #tpu.memory_space<hbm>>) target(%dma_start3A_44 : memref<80x128xf32, #tpu.memory_space<vmem>>) offsets(%dma_start3A_46 : memref<80xi32, #tpu.memory_space<vmem>>) semaphore(%arg14 : memref<!tpu.dma_semaphore, #tpu.memory_space<semaphore_mem>>)
      %dma_start3A_50 = arith.constant 1 : i32
      %dma_start3A_51 = arith.constant 0 : i32
      %dma_start3A_52 = arith.constant 0 : i32
      %dma_start3A_53 = tpu.memref_slice %arg10[%dma_start3A_50, %dma_start3A_51, %dma_start3A_52] : memref<5x80x128xf32, #tpu.memory_space<vmem>> -> memref<1x80x128xf32, #tpu.memory_space<vmem>>
      %dma_start3A_54 = tpu.memref_squeeze %dma_start3A_53 : memref<1x80x128xf32, #tpu.memory_space<vmem>> -> memref<80x128xf32, #tpu.memory_space<vmem>>
      %dma_start3A_55 = arith.constant 80 : i32
      %dma_start3A_56 = tpu.memref_slice %arg8[%dma_start3A_55] : memref<400xi32, #tpu.memory_space<vmem>> -> memref<80xi32, #tpu.memory_space<vmem>>
      %dma_start3A_57 = arith.constant 0 : i32
      %dma_start3A_58 = arith.constant 0 : i32
      %dma_start3A_59 = tpu.memref_slice %arg5[%dma_start3A_57, %dma_start3A_58] : memref<10000x128xf32, #tpu.memory_space<hbm>> -> memref<10000x128xf32, #tpu.memory_space<hbm>>
      tpu.enqueue_indirect_dma source(%dma_start3A_59 : memref<10000x128xf32, #tpu.memory_space<hbm>>) target(%dma_start3A_54 : memref<80x128xf32, #tpu.memory_space<vmem>>) offsets(%dma_start3A_56 : memref<80xi32, #tpu.memory_space<vmem>>) semaphore(%arg14 : memref<!tpu.dma_semaphore, #tpu.memory_space<semaphore_mem>>)
      %dma_start3A_60 = arith.constant 2 : i32
      %dma_start3A_61 = arith.constant 0 : i32
      %dma_start3A_62 = arith.constant 0 : i32
      %dma_start3A_63 = tpu.memref_slice %arg9[%dma_start3A_60, %dma_start3A_61, %dma_start3A_62] : memref<5x80x128xf32, #tpu.memory_space<vmem>> -> memref<1x80x128xf32, #tpu.memory_space<vmem>>
      %dma_start3A_64 = tpu.memref_squeeze %dma_start3A_63 : memref<1x80x128xf32, #tpu.memory_space<vmem>> -> memref<80x128xf32, #tpu.memory_space<vmem>>
      %dma_start3A_65 = arith.constant 160 : i32
      %dma_start3A_66 = tpu.memref_slice %arg7[%dma_start3A_65] : memref<400xi32, #tpu.memory_space<vmem>> -> memref<80xi32, #tpu.memory_space<vmem>>
      %dma_start3A_67 = arith.constant 0 : i32
      %dma_start3A_68 = arith.constant 0 : i32
      %dma_start3A_69 = tpu.memref_slice %arg4[%dma_start3A_67, %dma_start3A_68] : memref<10000x128xf32, #tpu.memory_space<hbm>> -> memref<10000x128xf32, #tpu.memory_space<hbm>>
      tpu.enqueue_indirect_dma source(%dma_start3A_69 : memref<10000x128xf32, #tpu.memory_space<hbm>>) target(%dma_start3A_64 : memref<80x128xf32, #tpu.memory_space<vmem>>) offsets(%dma_start3A_66 : memref<80xi32, #tpu.memory_space<vmem>>) semaphore(%arg15 : memref<!tpu.dma_semaphore, #tpu.memory_space<semaphore_mem>>)
      %dma_start3A_70 = arith.constant 2 : i32
      %dma_start3A_71 = arith.constant 0 : i32
      %dma_start3A_72 = arith.constant 0 : i32
      %dma_start3A_73 = tpu.memref_slice %arg10[%dma_start3A_70, %dma_start3A_71, %dma_start3A_72] : memref<5x80x128xf32, #tpu.memory_space<vmem>> -> memref<1x80x128xf32, #tpu.memory_space<vmem>>
      %dma_start3A_74 = tpu.memref_squeeze %dma_start3A_73 : memref<1x80x128xf32, #tpu.memory_space<vmem>> -> memref<80x128xf32, #tpu.memory_space<vmem>>
      %dma_start3A_75 = arith.constant 160 : i32
      %dma_start3A_76 = tpu.memref_slice %arg8[%dma_start3A_75] : memref<400xi32, #tpu.memory_space<vmem>> -> memref<80xi32, #tpu.memory_space<vmem>>
      %dma_start3A_77 = arith.constant 0 : i32
      %dma_start3A_78 = arith.constant 0 : i32
      %dma_start3A_79 = tpu.memref_slice %arg5[%dma_start3A_77, %dma_start3A_78] : memref<10000x128xf32, #tpu.memory_space<hbm>> -> memref<10000x128xf32, #tpu.memory_space<hbm>>
      tpu.enqueue_indirect_dma source(%dma_start3A_79 : memref<10000x128xf32, #tpu.memory_space<hbm>>) target(%dma_start3A_74 : memref<80x128xf32, #tpu.memory_space<vmem>>) offsets(%dma_start3A_76 : memref<80xi32, #tpu.memory_space<vmem>>) semaphore(%arg15 : memref<!tpu.dma_semaphore, #tpu.memory_space<semaphore_mem>>)
      %dma_start3A_80 = arith.constant 3 : i32
      %dma_start3A_81 = arith.constant 0 : i32
      %dma_start3A_82 = arith.constant 0 : i32
      %dma_start3A_83 = tpu.memref_slice %arg9[%dma_start3A_80, %dma_start3A_81, %dma_start3A_82] : memref<5x80x128xf32, #tpu.memory_space<vmem>> -> memref<1x80x128xf32, #tpu.memory_space<vmem>>
      %dma_start3A_84 = tpu.memref_squeeze %dma_start3A_83 : memref<1x80x128xf32, #tpu.memory_space<vmem>> -> memref<80x128xf32, #tpu.memory_space<vmem>>
      %dma_start3A_85 = arith.constant 240 : i32
      %dma_start3A_86 = tpu.memref_slice %arg7[%dma_start3A_85] : memref<400xi32, #tpu.memory_space<vmem>> -> memref<80xi32, #tpu.memory_space<vmem>>
      %dma_start3A_87 = arith.constant 0 : i32
      %dma_start3A_88 = arith.constant 0 : i32
      %dma_start3A_89 = tpu.memref_slice %arg4[%dma_start3A_87, %dma_start3A_88] : memref<10000x128xf32, #tpu.memory_space<hbm>> -> memref<10000x128xf32, #tpu.memory_space<hbm>>
      tpu.enqueue_indirect_dma source(%dma_start3A_89 : memref<10000x128xf32, #tpu.memory_space<hbm>>) target(%dma_start3A_84 : memref<80x128xf32, #tpu.memory_space<vmem>>) offsets(%dma_start3A_86 : memref<80xi32, #tpu.memory_space<vmem>>) semaphore(%arg16 : memref<!tpu.dma_semaphore, #tpu.memory_space<semaphore_mem>>)
      %dma_start3A_90 = arith.constant 3 : i32
      %dma_start3A_91 = arith.constant 0 : i32
      %dma_start3A_92 = arith.constant 0 : i32
      %dma_start3A_93 = tpu.memref_slice %arg10[%dma_start3A_90, %dma_start3A_91, %dma_start3A_92] : memref<5x80x128xf32, #tpu.memory_space<vmem>> -> memref<1x80x128xf32, #tpu.memory_space<vmem>>
      %dma_start3A_94 = tpu.memref_squeeze %dma_start3A_93 : memref<1x80x128xf32, #tpu.memory_space<vmem>> -> memref<80x128xf32, #tpu.memory_space<vmem>>
      %dma_start3A_95 = arith.constant 240 : i32
      %dma_start3A_96 = tpu.memref_slice %arg8[%dma_start3A_95] : memref<400xi32, #tpu.memory_space<vmem>> -> memref<80xi32, #tpu.memory_space<vmem>>
      %dma_start3A_97 = arith.constant 0 : i32
      %dma_start3A_98 = arith.constant 0 : i32
      %dma_start3A_99 = tpu.memref_slice %arg5[%dma_start3A_97, %dma_start3A_98] : memref<10000x128xf32, #tpu.memory_space<hbm>> -> memref<10000x128xf32, #tpu.memory_space<hbm>>
      tpu.enqueue_indirect_dma source(%dma_start3A_99 : memref<10000x128xf32, #tpu.memory_space<hbm>>) target(%dma_start3A_94 : memref<80x128xf32, #tpu.memory_space<vmem>>) offsets(%dma_start3A_96 : memref<80xi32, #tpu.memory_space<vmem>>) semaphore(%arg16 : memref<!tpu.dma_semaphore, #tpu.memory_space<semaphore_mem>>)
      %dma_start3A_100 = arith.constant 4 : i32
      %dma_start3A_101 = arith.constant 0 : i32
      %dma_start3A_102 = arith.constant 0 : i32
      %dma_start3A_103 = tpu.memref_slice %arg9[%dma_start3A_100, %dma_start3A_101, %dma_start3A_102] : memref<5x80x128xf32, #tpu.memory_space<vmem>> -> memref<1x80x128xf32, #tpu.memory_space<vmem>>
      %dma_start3A_104 = tpu.memref_squeeze %dma_start3A_103 : memref<1x80x128xf32, #tpu.memory_space<vmem>> -> memref<80x128xf32, #tpu.memory_space<vmem>>
      %dma_start3A_105 = arith.constant 320 : i32
      %dma_start3A_106 = tpu.memref_slice %arg7[%dma_start3A_105] : memref<400xi32, #tpu.memory_space<vmem>> -> memref<80xi32, #tpu.memory_space<vmem>>
      %dma_start3A_107 = arith.constant 0 : i32
      %dma_start3A_108 = arith.constant 0 : i32
      %dma_start3A_109 = tpu.memref_slice %arg4[%dma_start3A_107, %dma_start3A_108] : memref<10000x128xf32, #tpu.memory_space<hbm>> -> memref<10000x128xf32, #tpu.memory_space<hbm>>
      tpu.enqueue_indirect_dma source(%dma_start3A_109 : memref<10000x128xf32, #tpu.memory_space<hbm>>) target(%dma_start3A_104 : memref<80x128xf32, #tpu.memory_space<vmem>>) offsets(%dma_start3A_106 : memref<80xi32, #tpu.memory_space<vmem>>) semaphore(%arg17 : memref<!tpu.dma_semaphore, #tpu.memory_space<semaphore_mem>>)
      %dma_start3A_110 = arith.constant 4 : i32
      %dma_start3A_111 = arith.constant 0 : i32
      %dma_start3A_112 = arith.constant 0 : i32
      %dma_start3A_113 = tpu.memref_slice %arg10[%dma_start3A_110, %dma_start3A_111, %dma_start3A_112] : memref<5x80x128xf32, #tpu.memory_space<vmem>> -> memref<1x80x128xf32, #tpu.memory_space<vmem>>
      %dma_start3A_114 = tpu.memref_squeeze %dma_start3A_113 : memref<1x80x128xf32, #tpu.memory_space<vmem>> -> memref<80x128xf32, #tpu.memory_space<vmem>>
      %dma_start3A_115 = arith.constant 320 : i32
      %dma_start3A_116 = tpu.memref_slice %arg8[%dma_start3A_115] : memref<400xi32, #tpu.memory_space<vmem>> -> memref<80xi32, #tpu.memory_space<vmem>>
      %dma_start3A_117 = arith.constant 0 : i32
      %dma_start3A_118 = arith.constant 0 : i32
      %dma_start3A_119 = tpu.memref_slice %arg5[%dma_start3A_117, %dma_start3A_118] : memref<10000x128xf32, #tpu.memory_space<hbm>> -> memref<10000x128xf32, #tpu.memory_space<hbm>>
      tpu.enqueue_indirect_dma source(%dma_start3A_119 : memref<10000x128xf32, #tpu.memory_space<hbm>>) target(%dma_start3A_114 : memref<80x128xf32, #tpu.memory_space<vmem>>) offsets(%dma_start3A_116 : memref<80xi32, #tpu.memory_space<vmem>>) semaphore(%arg17 : memref<!tpu.dma_semaphore, #tpu.memory_space<semaphore_mem>>)
      %dma_wait3A_120 = arith.constant 0 : i32
      %dma_wait3A_121 = arith.constant 0 : i32
      %dma_wait3A_122 = arith.constant 0 : i32
      %dma_wait3A_123 = tpu.memref_slice %arg9[%dma_wait3A_120, %dma_wait3A_121, %dma_wait3A_122] : memref<5x80x128xf32, #tpu.memory_space<vmem>> -> memref<1x80x128xf32, #tpu.memory_space<vmem>>
      %dma_wait3A_124 = tpu.memref_squeeze %dma_wait3A_123 : memref<1x80x128xf32, #tpu.memory_space<vmem>> -> memref<80x128xf32, #tpu.memory_space<vmem>>
      %dma_wait3A_125 = arith.constant 0 : i32
      %dma_wait3A_126 = tpu.memref_slice %arg7[%dma_wait3A_125] : memref<400xi32, #tpu.memory_space<vmem>> -> memref<80xi32, #tpu.memory_space<vmem>>
      %dma_wait3A_127 = arith.constant 0 : i32
      %dma_wait3A_128 = arith.constant 0 : i32
      %dma_wait3A_129 = tpu.memref_slice %arg4[%dma_wait3A_127, %dma_wait3A_128] : memref<10000x128xf32, #tpu.memory_space<hbm>> -> memref<10000x128xf32, #tpu.memory_space<hbm>>
      tpu.wait_indirect_dma semaphore(%arg13 : memref<!tpu.dma_semaphore, #tpu.memory_space<semaphore_mem>>) src(%dma_wait3A_129 : memref<10000x128xf32, #tpu.memory_space<hbm>>) dst(%dma_wait3A_124 : memref<80x128xf32, #tpu.memory_space<vmem>>)
      %dma_wait3A_130 = arith.constant 0 : i32
      %dma_wait3A_131 = arith.constant 0 : i32
      %dma_wait3A_132 = arith.constant 0 : i32
      %dma_wait3A_133 = tpu.memref_slice %arg10[%dma_wait3A_130, %dma_wait3A_131, %dma_wait3A_132] : memref<5x80x128xf32, #tpu.memory_space<vmem>> -> memref<1x80x128xf32, #tpu.memory_space<vmem>>
      %dma_wait3A_134 = tpu.memref_squeeze %dma_wait3A_133 : memref<1x80x128xf32, #tpu.memory_space<vmem>> -> memref<80x128xf32, #tpu.memory_space<vmem>>
      %dma_wait3A_135 = arith.constant 0 : i32
      %dma_wait3A_136 = tpu.memref_slice %arg8[%dma_wait3A_135] : memref<400xi32, #tpu.memory_space<vmem>> -> memref<80xi32, #tpu.memory_space<vmem>>
      %dma_wait3A_137 = arith.constant 0 : i32
      %dma_wait3A_138 = arith.constant 0 : i32
      %dma_wait3A_139 = tpu.memref_slice %arg5[%dma_wait3A_137, %dma_wait3A_138] : memref<10000x128xf32, #tpu.memory_space<hbm>> -> memref<10000x128xf32, #tpu.memory_space<hbm>>
      tpu.wait_indirect_dma semaphore(%arg13 : memref<!tpu.dma_semaphore, #tpu.memory_space<semaphore_mem>>) src(%dma_wait3A_139 : memref<10000x128xf32, #tpu.memory_space<hbm>>) dst(%dma_wait3A_134 : memref<80x128xf32, #tpu.memory_space<vmem>>)
      %scan3A_140 = arith.constant 0 : i32
      %scan3A_141 = arith.constant 0 : i32
      %scan3A_142 = arith.constant 80 : i32
      %scan3A_143 = arith.addi %scan3A_141, %scan3A_142 : i32
      %scan3A_144 = arith.constant 1 : i32
      scf.for %scan3A_262 = %scan3A_141 to %scan3A_143 step %scan3A_144  : i32 {
        %get3A = arith.constant 0 : i32
        %get3A_263 = arith.index_cast %get3A : i32 to index
        %get3A_264 = arith.index_cast %scan3A_262 : i32 to index
        %get3A_265 = arith.constant 0 : index
        %get3A_266 = tpu.vector_load %arg9[%get3A_263, %get3A_264, %get3A_265] {strides = array<i32>} : memref<5x80x128xf32, #tpu.memory_space<vmem>>, vector<1x1x16xf32>,
        %get3A_267 = vector.shape_cast %get3A_266 : vector<1x1x16xf32> to vector<16xf32>
        %get3A_268 = arith.constant 0 : i32
        %get3A_269 = arith.index_cast %get3A_268 : i32 to index
        %get3A_270 = arith.index_cast %scan3A_262 : i32 to index
        %get3A_271 = arith.constant 0 : index
        %get3A_272 = tpu.vector_load %arg10[%get3A_269, %get3A_270, %get3A_271] {strides = array<i32>} : memref<5x80x128xf32, #tpu.memory_space<vmem>>, vector<1x1x16xf32>,
        %get3A_273 = vector.shape_cast %get3A_272 : vector<1x1x16xf32> to vector<16xf32>
        %add3A_274 = arith.addf %get3A_267, %get3A_273 : vector<16xf32>
        %swap3A = arith.constant 0 : i32
        %swap3A_275 = arith.index_cast %swap3A : i32 to index
        %swap3A_276 = arith.index_cast %scan3A_262 : i32 to index
        %swap3A_277 = arith.constant 0 : index
        %swap3A_278 = tpu.vector_load %arg9[%swap3A_275, %swap3A_276, %swap3A_277] {strides = array<i32>} : memref<5x80x128xf32, #tpu.memory_space<vmem>>, vector<1x1x16xf32>,
        %swap3A_279 = vector.shape_cast %swap3A_278 : vector<1x1x16xf32> to vector<16xf32>
        %swap3A_280 = vector.shape_cast %add3A_274 : vector<16xf32> to vector<1x1x16xf32>
        tpu.vector_store %arg9[%swap3A_275, %swap3A_276, %swap3A_277], %swap3A_280 {strides = array<i32>} : memref<5x80x128xf32, #tpu.memory_space<vmem>>, vector<1x1x16xf32>,
        %get3A_281 = arith.constant 0 : i32
        %get3A_282 = arith.index_cast %get3A_281 : i32 to index
        %get3A_283 = arith.index_cast %scan3A_262 : i32 to index
        %get3A_284 = arith.constant 16 : index
        %get3A_285 = tpu.vector_load %arg9[%get3A_282, %get3A_283, %get3A_284] {strides = array<i32>} : memref<5x80x128xf32, #tpu.memory_space<vmem>>, vector<1x1x16xf32>,
        %get3A_286 = vector.shape_cast %get3A_285 : vector<1x1x16xf32> to vector<16xf32>
        %get3A_287 = arith.constant 0 : i32
        %get3A_288 = arith.index_cast %get3A_287 : i32 to index
        %get3A_289 = arith.index_cast %scan3A_262 : i32 to index
        %get3A_290 = arith.constant 16 : index
        %get3A_291 = tpu.vector_load %arg10[%get3A_288, %get3A_289, %get3A_290] {strides = array<i32>} : memref<5x80x128xf32, #tpu.memory_space<vmem>>, vector<1x1x16xf32>,
        %get3A_292 = vector.shape_cast %get3A_291 : vector<1x1x16xf32> to vector<16xf32>
        %add3A_293 = arith.addf %get3A_286, %get3A_292 : vector<16xf32>
        %swap3A_294 = arith.constant 0 : i32
        %swap3A_295 = arith.index_cast %swap3A_294 : i32 to index
        %swap3A_296 = arith.index_cast %scan3A_262 : i32 to index
        %swap3A_297 = arith.constant 16 : index
        %swap3A_298 = tpu.vector_load %arg9[%swap3A_295, %swap3A_296, %swap3A_297] {strides = array<i32>} : memref<5x80x128xf32, #tpu.memory_space<vmem>>, vector<1x1x16xf32>,
        %swap3A_299 = vector.shape_cast %swap3A_298 : vector<1x1x16xf32> to vector<16xf32>
        %swap3A_300 = vector.shape_cast %add3A_293 : vector<16xf32> to vector<1x1x16xf32>
        tpu.vector_store %arg9[%swap3A_295, %swap3A_296, %swap3A_297], %swap3A_300 {strides = array<i32>} : memref<5x80x128xf32, #tpu.memory_space<vmem>>, vector<1x1x16xf32>,
        %get3A_301 = arith.constant 0 : i32
        %get3A_302 = arith.index_cast %get3A_301 : i32 to index
        %get3A_303 = arith.index_cast %scan3A_262 : i32 to index
        %get3A_304 = arith.constant 32 : index
        %get3A_305 = tpu.vector_load %arg9[%get3A_302, %get3A_303, %get3A_304] {strides = array<i32>} : memref<5x80x128xf32, #tpu.memory_space<vmem>>, vector<1x1x16xf32>,
        %get3A_306 = vector.shape_cast %get3A_305 : vector<1x1x16xf32> to vector<16xf32>
        %get3A_307 = arith.constant 0 : i32
        %get3A_308 = arith.index_cast %get3A_307 : i32 to index
        %get3A_309 = arith.index_cast %scan3A_262 : i32 to index
        %get3A_310 = arith.constant 32 : index
        %get3A_311 = tpu.vector_load %arg10[%get3A_308, %get3A_309, %get3A_310] {strides = array<i32>} : memref<5x80x128xf32, #tpu.memory_space<vmem>>, vector<1x1x16xf32>,
        %get3A_312 = vector.shape_cast %get3A_311 : vector<1x1x16xf32> to vector<16xf32>
        %add3A_313 = arith.addf %get3A_306, %get3A_312 : vector<16xf32>
        %swap3A_314 = arith.constant 0 : i32
        %swap3A_315 = arith.index_cast %swap3A_314 : i32 to index
        %swap3A_316 = arith.index_cast %scan3A_262 : i32 to index
        %swap3A_317 = arith.constant 32 : index
        %swap3A_318 = tpu.vector_load %arg9[%swap3A_315, %swap3A_316, %swap3A_317] {strides = array<i32>} : memref<5x80x128xf32, #tpu.memory_space<vmem>>, vector<1x1x16xf32>,
        %swap3A_319 = vector.shape_cast %swap3A_318 : vector<1x1x16xf32> to vector<16xf32>
        %swap3A_320 = vector.shape_cast %add3A_313 : vector<16xf32> to vector<1x1x16xf32>
        tpu.vector_store %arg9[%swap3A_315, %swap3A_316, %swap3A_317], %swap3A_320 {strides = array<i32>} : memref<5x80x128xf32, #tpu.memory_space<vmem>>, vector<1x1x16xf32>,
        %get3A_321 = arith.constant 0 : i32
        %get3A_322 = arith.index_cast %get3A_321 : i32 to index
        %get3A_323 = arith.index_cast %scan3A_262 : i32 to index
        %get3A_324 = arith.constant 48 : index
        %get3A_325 = tpu.vector_load %arg9[%get3A_322, %get3A_323, %get3A_324] {strides = array<i32>} : memref<5x80x128xf32, #tpu.memory_space<vmem>>, vector<1x1x16xf32>,
        %get3A_326 = vector.shape_cast %get3A_325 : vector<1x1x16xf32> to vector<16xf32>
        %get3A_327 = arith.constant 0 : i32
        %get3A_328 = arith.index_cast %get3A_327 : i32 to index
        %get3A_329 = arith.index_cast %scan3A_262 : i32 to index
        %get3A_330 = arith.constant 48 : index
        %get3A_331 = tpu.vector_load %arg10[%get3A_328, %get3A_329, %get3A_330] {strides = array<i32>} : memref<5x80x128xf32, #tpu.memory_space<vmem>>, vector<1x1x16xf32>,
        %get3A_332 = vector.shape_cast %get3A_331 : vector<1x1x16xf32> to vector<16xf32>
        %add3A_333 = arith.addf %get3A_326, %get3A_332 : vector<16xf32>
        %swap3A_334 = arith.constant 0 : i32
        %swap3A_335 = arith.index_cast %swap3A_334 : i32 to index
        %swap3A_336 = arith.index_cast %scan3A_262 : i32 to index
        %swap3A_337 = arith.constant 48 : index
        %swap3A_338 = tpu.vector_load %arg9[%swap3A_335, %swap3A_336, %swap3A_337] {strides = array<i32>} : memref<5x80x128xf32, #tpu.memory_space<vmem>>, vector<1x1x16xf32>,
        %swap3A_339 = vector.shape_cast %swap3A_338 : vector<1x1x16xf32> to vector<16xf32>
        %swap3A_340 = vector.shape_cast %add3A_333 : vector<16xf32> to vector<1x1x16xf32>
        tpu.vector_store %arg9[%swap3A_335, %swap3A_336, %swap3A_337], %swap3A_340 {strides = array<i32>} : memref<5x80x128xf32, #tpu.memory_space<vmem>>, vector<1x1x16xf32>,
        %get3A_341 = arith.constant 0 : i32
        %get3A_342 = arith.index_cast %get3A_341 : i32 to index
        %get3A_343 = arith.index_cast %scan3A_262 : i32 to index
        %get3A_344 = arith.constant 64 : index
        %get3A_345 = tpu.vector_load %arg9[%get3A_342, %get3A_343, %get3A_344] {strides = array<i32>} : memref<5x80x128xf32, #tpu.memory_space<vmem>>, vector<1x1x16xf32>,
        %get3A_346 = vector.shape_cast %get3A_345 : vector<1x1x16xf32> to vector<16xf32>
        %get3A_347 = arith.constant 0 : i32
        %get3A_348 = arith.index_cast %get3A_347 : i32 to index
        %get3A_349 = arith.index_cast %scan3A_262 : i32 to index
        %get3A_350 = arith.constant 64 : index
        %get3A_351 = tpu.vector_load %arg10[%get3A_348, %get3A_349, %get3A_350] {strides = array<i32>} : memref<5x80x128xf32, #tpu.memory_space<vmem>>, vector<1x1x16xf32>,
        %get3A_352 = vector.shape_cast %get3A_351 : vector<1x1x16xf32> to vector<16xf32>
        %add3A_353 = arith.addf %get3A_346, %get3A_352 : vector<16xf32>
        %swap3A_354 = arith.constant 0 : i32
        %swap3A_355 = arith.index_cast %swap3A_354 : i32 to index
        %swap3A_356 = arith.index_cast %scan3A_262 : i32 to index
        %swap3A_357 = arith.constant 64 : index
        %swap3A_358 = tpu.vector_load %arg9[%swap3A_355, %swap3A_356, %swap3A_357] {strides = array<i32>} : memref<5x80x128xf32, #tpu.memory_space<vmem>>, vector<1x1x16xf32>,
        %swap3A_359 = vector.shape_cast %swap3A_358 : vector<1x1x16xf32> to vector<16xf32>
        %swap3A_360 = vector.shape_cast %add3A_353 : vector<16xf32> to vector<1x1x16xf32>
        tpu.vector_store %arg9[%swap3A_355, %swap3A_356, %swap3A_357], %swap3A_360 {strides = array<i32>} : memref<5x80x128xf32, #tpu.memory_space<vmem>>, vector<1x1x16xf32>,
        %get3A_361 = arith.constant 0 : i32
        %get3A_362 = arith.index_cast %get3A_361 : i32 to index
        %get3A_363 = arith.index_cast %scan3A_262 : i32 to index
        %get3A_364 = arith.constant 80 : index
        %get3A_365 = tpu.vector_load %arg9[%get3A_362, %get3A_363, %get3A_364] {strides = array<i32>} : memref<5x80x128xf32, #tpu.memory_space<vmem>>, vector<1x1x16xf32>,
        %get3A_366 = vector.shape_cast %get3A_365 : vector<1x1x16xf32> to vector<16xf32>
        %get3A_367 = arith.constant 0 : i32
        %get3A_368 = arith.index_cast %get3A_367 : i32 to index
        %get3A_369 = arith.index_cast %scan3A_262 : i32 to index
        %get3A_370 = arith.constant 80 : index
        %get3A_371 = tpu.vector_load %arg10[%get3A_368, %get3A_369, %get3A_370] {strides = array<i32>} : memref<5x80x128xf32, #tpu.memory_space<vmem>>, vector<1x1x16xf32>,
        %get3A_372 = vector.shape_cast %get3A_371 : vector<1x1x16xf32> to vector<16xf32>
        %add3A_373 = arith.addf %get3A_366, %get3A_372 : vector<16xf32>
        %swap3A_374 = arith.constant 0 : i32
        %swap3A_375 = arith.index_cast %swap3A_374 : i32 to index
        %swap3A_376 = arith.index_cast %scan3A_262 : i32 to index
        %swap3A_377 = arith.constant 80 : index
        %swap3A_378 = tpu.vector_load %arg9[%swap3A_375, %swap3A_376, %swap3A_377] {strides = array<i32>} : memref<5x80x128xf32, #tpu.memory_space<vmem>>, vector<1x1x16xf32>,
        %swap3A_379 = vector.shape_cast %swap3A_378 : vector<1x1x16xf32> to vector<16xf32>
        %swap3A_380 = vector.shape_cast %add3A_373 : vector<16xf32> to vector<1x1x16xf32>
        tpu.vector_store %arg9[%swap3A_375, %swap3A_376, %swap3A_377], %swap3A_380 {strides = array<i32>} : memref<5x80x128xf32, #tpu.memory_space<vmem>>, vector<1x1x16xf32>,
        %get3A_381 = arith.constant 0 : i32
        %get3A_382 = arith.index_cast %get3A_381 : i32 to index
        %get3A_383 = arith.index_cast %scan3A_262 : i32 to index
        %get3A_384 = arith.constant 96 : index
        %get3A_385 = tpu.vector_load %arg9[%get3A_382, %get3A_383, %get3A_384] {strides = array<i32>} : memref<5x80x128xf32, #tpu.memory_space<vmem>>, vector<1x1x16xf32>,
        %get3A_386 = vector.shape_cast %get3A_385 : vector<1x1x16xf32> to vector<16xf32>
        %get3A_387 = arith.constant 0 : i32
        %get3A_388 = arith.index_cast %get3A_387 : i32 to index
        %get3A_389 = arith.index_cast %scan3A_262 : i32 to index
        %get3A_390 = arith.constant 96 : index
        %get3A_391 = tpu.vector_load %arg10[%get3A_388, %get3A_389, %get3A_390] {strides = array<i32>} : memref<5x80x128xf32, #tpu.memory_space<vmem>>, vector<1x1x16xf32>,
        %get3A_392 = vector.shape_cast %get3A_391 : vector<1x1x16xf32> to vector<16xf32>
        %add3A_393 = arith.addf %get3A_386, %get3A_392 : vector<16xf32>
        %swap3A_394 = arith.constant 0 : i32
        %swap3A_395 = arith.index_cast %swap3A_394 : i32 to index
        %swap3A_396 = arith.index_cast %scan3A_262 : i32 to index
        %swap3A_397 = arith.constant 96 : index
        %swap3A_398 = tpu.vector_load %arg9[%swap3A_395, %swap3A_396, %swap3A_397] {strides = array<i32>} : memref<5x80x128xf32, #tpu.memory_space<vmem>>, vector<1x1x16xf32>,
        %swap3A_399 = vector.shape_cast %swap3A_398 : vector<1x1x16xf32> to vector<16xf32>
        %swap3A_400 = vector.shape_cast %add3A_393 : vector<16xf32> to vector<1x1x16xf32>
        tpu.vector_store %arg9[%swap3A_395, %swap3A_396, %swap3A_397], %swap3A_400 {strides = array<i32>} : memref<5x80x128xf32, #tpu.memory_space<vmem>>, vector<1x1x16xf32>,
        %get3A_401 = arith.constant 0 : i32
        %get3A_402 = arith.index_cast %get3A_401 : i32 to index
        %get3A_403 = arith.index_cast %scan3A_262 : i32 to index
        %get3A_404 = arith.constant 112 : index
        %get3A_405 = tpu.vector_load %arg9[%get3A_402, %get3A_403, %get3A_404] {strides = array<i32>} : memref<5x80x128xf32, #tpu.memory_space<vmem>>, vector<1x1x16xf32>,
        %get3A_406 = vector.shape_cast %get3A_405 : vector<1x1x16xf32> to vector<16xf32>
        %get3A_407 = arith.constant 0 : i32
        %get3A_408 = arith.index_cast %get3A_407 : i32 to index
        %get3A_409 = arith.index_cast %scan3A_262 : i32 to index
        %get3A_410 = arith.constant 112 : index
        %get3A_411 = tpu.vector_load %arg10[%get3A_408, %get3A_409, %get3A_410] {strides = array<i32>} : memref<5x80x128xf32, #tpu.memory_space<vmem>>, vector<1x1x16xf32>,
        %get3A_412 = vector.shape_cast %get3A_411 : vector<1x1x16xf32> to vector<16xf32>
        %add3A_413 = arith.addf %get3A_406, %get3A_412 : vector<16xf32>
        %swap3A_414 = arith.constant 0 : i32
        %swap3A_415 = arith.index_cast %swap3A_414 : i32 to index
        %swap3A_416 = arith.index_cast %scan3A_262 : i32 to index
        %swap3A_417 = arith.constant 112 : index
        %swap3A_418 = tpu.vector_load %arg9[%swap3A_415, %swap3A_416, %swap3A_417] {strides = array<i32>} : memref<5x80x128xf32, #tpu.memory_space<vmem>>, vector<1x1x16xf32>,
        %swap3A_419 = vector.shape_cast %swap3A_418 : vector<1x1x16xf32> to vector<16xf32>
        %swap3A_420 = vector.shape_cast %add3A_413 : vector<16xf32> to vector<1x1x16xf32>
        tpu.vector_store %arg9[%swap3A_415, %swap3A_416, %swap3A_417], %swap3A_420 {strides = array<i32>} : memref<5x80x128xf32, #tpu.memory_space<vmem>>, vector<1x1x16xf32>,
      }
      %scan3A_145 = arith.constant 80 : i32
      %dma_wait3A_146 = arith.constant 1 : i32
      %dma_wait3A_147 = arith.constant 0 : i32
      %dma_wait3A_148 = arith.constant 0 : i32
      %dma_wait3A_149 = tpu.memref_slice %arg9[%dma_wait3A_146, %dma_wait3A_147, %dma_wait3A_148] : memref<5x80x128xf32, #tpu.memory_space<vmem>> -> memref<1x80x128xf32, #tpu.memory_space<vmem>>
      %dma_wait3A_150 = tpu.memref_squeeze %dma_wait3A_149 : memref<1x80x128xf32, #tpu.memory_space<vmem>> -> memref<80x128xf32, #tpu.memory_space<vmem>>
      %dma_wait3A_151 = arith.constant 80 : i32
      %dma_wait3A_152 = tpu.memref_slice %arg7[%dma_wait3A_151] : memref<400xi32, #tpu.memory_space<vmem>> -> memref<80xi32, #tpu.memory_space<vmem>>
      %dma_wait3A_153 = arith.constant 0 : i32
      %dma_wait3A_154 = arith.constant 0 : i32
      %dma_wait3A_155 = tpu.memref_slice %arg4[%dma_wait3A_153, %dma_wait3A_154] : memref<10000x128xf32, #tpu.memory_space<hbm>> -> memref<10000x128xf32, #tpu.memory_space<hbm>>
      tpu.wait_indirect_dma semaphore(%arg14 : memref<!tpu.dma_semaphore, #tpu.memory_space<semaphore_mem>>) src(%dma_wait3A_155 : memref<10000x128xf32, #tpu.memory_space<hbm>>) dst(%dma_wait3A_150 : memref<80x128xf32, #tpu.memory_space<vmem>>)
      %dma_wait3A_156 = arith.constant 1 : i32
      %dma_wait3A_157 = arith.constant 0 : i32
      %dma_wait3A_158 = arith.constant 0 : i32
      %dma_wait3A_159 = tpu.memref_slice %arg10[%dma_wait3A_156, %dma_wait3A_157, %dma_wait3A_158] : memref<5x80x128xf32, #tpu.memory_space<vmem>> -> memref<1x80x128xf32, #tpu.memory_space<vmem>>
      %dma_wait3A_160 = tpu.memref_squeeze %dma_wait3A_159 : memref<1x80x128xf32, #tpu.memory_space<vmem>> -> memref<80x128xf32, #tpu.memory_space<vmem>>
      %dma_wait3A_161 = arith.constant 80 : i32
      %dma_wait3A_162 = tpu.memref_slice %arg8[%dma_wait3A_161] : memref<400xi32, #tpu.memory_space<vmem>> -> memref<80xi32, #tpu.memory_space<vmem>>
      %dma_wait3A_163 = arith.constant 0 : i32
      %dma_wait3A_164 = arith.constant 0 : i32
      %dma_wait3A_165 = tpu.memref_slice %arg5[%dma_wait3A_163, %dma_wait3A_164] : memref<10000x128xf32, #tpu.memory_space<hbm>> -> memref<10000x128xf32, #tpu.memory_space<hbm>>
      tpu.wait_indirect_dma semaphore(%arg14 : memref<!tpu.dma_semaphore, #tpu.memory_space<semaphore_mem>>) src(%dma_wait3A_165 : memref<10000x128xf32, #tpu.memory_space<hbm>>) dst(%dma_wait3A_160 : memref<80x128xf32, #tpu.memory_space<vmem>>)
      %scan3A_166 = arith.constant 0 : i32
      %scan3A_167 = arith.constant 0 : i32
      %scan3A_168 = arith.constant 80 : i32
      %scan3A_169 = arith.addi %scan3A_167, %scan3A_168 : i32
      %scan3A_170 = arith.constant 1 : i32
      scf.for %scan3A_262 = %scan3A_167 to %scan3A_169 step %scan3A_170  : i32 {
        %get3A = arith.constant 1 : i32
        %get3A_263 = arith.index_cast %get3A : i32 to index
        %get3A_264 = arith.index_cast %scan3A_262 : i32 to index
        %get3A_265 = arith.constant 0 : index
        %get3A_266 = tpu.vector_load %arg9[%get3A_263, %get3A_264, %get3A_265] {strides = array<i32>} : memref<5x80x128xf32, #tpu.memory_space<vmem>>, vector<1x1x16xf32>,
        %get3A_267 = vector.shape_cast %get3A_266 : vector<1x1x16xf32> to vector<16xf32>
        %get3A_268 = arith.constant 1 : i32
        %get3A_269 = arith.index_cast %get3A_268 : i32 to index
        %get3A_270 = arith.index_cast %scan3A_262 : i32 to index
        %get3A_271 = arith.constant 0 : index
        %get3A_272 = tpu.vector_load %arg10[%get3A_269, %get3A_270, %get3A_271] {strides = array<i32>} : memref<5x80x128xf32, #tpu.memory_space<vmem>>, vector<1x1x16xf32>,
        %get3A_273 = vector.shape_cast %get3A_272 : vector<1x1x16xf32> to vector<16xf32>
        %add3A_274 = arith.addf %get3A_267, %get3A_273 : vector<16xf32>
        %swap3A = arith.constant 1 : i32
        %swap3A_275 = arith.index_cast %swap3A : i32 to index
        %swap3A_276 = arith.index_cast %scan3A_262 : i32 to index
        %swap3A_277 = arith.constant 0 : index
        %swap3A_278 = tpu.vector_load %arg9[%swap3A_275, %swap3A_276, %swap3A_277] {strides = array<i32>} : memref<5x80x128xf32, #tpu.memory_space<vmem>>, vector<1x1x16xf32>,
        %swap3A_279 = vector.shape_cast %swap3A_278 : vector<1x1x16xf32> to vector<16xf32>
        %swap3A_280 = vector.shape_cast %add3A_274 : vector<16xf32> to vector<1x1x16xf32>
        tpu.vector_store %arg9[%swap3A_275, %swap3A_276, %swap3A_277], %swap3A_280 {strides = array<i32>} : memref<5x80x128xf32, #tpu.memory_space<vmem>>, vector<1x1x16xf32>,
        %get3A_281 = arith.constant 1 : i32
        %get3A_282 = arith.index_cast %get3A_281 : i32 to index
        %get3A_283 = arith.index_cast %scan3A_262 : i32 to index
        %get3A_284 = arith.constant 16 : index
        %get3A_285 = tpu.vector_load %arg9[%get3A_282, %get3A_283, %get3A_284] {strides = array<i32>} : memref<5x80x128xf32, #tpu.memory_space<vmem>>, vector<1x1x16xf32>,
        %get3A_286 = vector.shape_cast %get3A_285 : vector<1x1x16xf32> to vector<16xf32>
        %get3A_287 = arith.constant 1 : i32
        %get3A_288 = arith.index_cast %get3A_287 : i32 to index
        %get3A_289 = arith.index_cast %scan3A_262 : i32 to index
        %get3A_290 = arith.constant 16 : index
        %get3A_291 = tpu.vector_load %arg10[%get3A_288, %get3A_289, %get3A_290] {strides = array<i32>} : memref<5x80x128xf32, #tpu.memory_space<vmem>>, vector<1x1x16xf32>,
        %get3A_292 = vector.shape_cast %get3A_291 : vector<1x1x16xf32> to vector<16xf32>
        %add3A_293 = arith.addf %get3A_286, %get3A_292 : vector<16xf32>
        %swap3A_294 = arith.constant 1 : i32
        %swap3A_295 = arith.index_cast %swap3A_294 : i32 to index
        %swap3A_296 = arith.index_cast %scan3A_262 : i32 to index
        %swap3A_297 = arith.constant 16 : index
        %swap3A_298 = tpu.vector_load %arg9[%swap3A_295, %swap3A_296, %swap3A_297] {strides = array<i32>} : memref<5x80x128xf32, #tpu.memory_space<vmem>>, vector<1x1x16xf32>,
        %swap3A_299 = vector.shape_cast %swap3A_298 : vector<1x1x16xf32> to vector<16xf32>
        %swap3A_300 = vector.shape_cast %add3A_293 : vector<16xf32> to vector<1x1x16xf32>
        tpu.vector_store %arg9[%swap3A_295, %swap3A_296, %swap3A_297], %swap3A_300 {strides = array<i32>} : memref<5x80x128xf32, #tpu.memory_space<vmem>>, vector<1x1x16xf32>,
        %get3A_301 = arith.constant 1 : i32
        %get3A_302 = arith.index_cast %get3A_301 : i32 to index
        %get3A_303 = arith.index_cast %scan3A_262 : i32 to index
        %get3A_304 = arith.constant 32 : index
        %get3A_305 = tpu.vector_load %arg9[%get3A_302, %get3A_303, %get3A_304] {strides = array<i32>} : memref<5x80x128xf32, #tpu.memory_space<vmem>>, vector<1x1x16xf32>,
        %get3A_306 = vector.shape_cast %get3A_305 : vector<1x1x16xf32> to vector<16xf32>
        %get3A_307 = arith.constant 1 : i32
        %get3A_308 = arith.index_cast %get3A_307 : i32 to index
        %get3A_309 = arith.index_cast %scan3A_262 : i32 to index
        %get3A_310 = arith.constant 32 : index
        %get3A_311 = tpu.vector_load %arg10[%get3A_308, %get3A_309, %get3A_310] {strides = array<i32>} : memref<5x80x128xf32, #tpu.memory_space<vmem>>, vector<1x1x16xf32>,
        %get3A_312 = vector.shape_cast %get3A_311 : vector<1x1x16xf32> to vector<16xf32>
        %add3A_313 = arith.addf %get3A_306, %get3A_312 : vector<16xf32>
        %swap3A_314 = arith.constant 1 : i32
        %swap3A_315 = arith.index_cast %swap3A_314 : i32 to index
        %swap3A_316 = arith.index_cast %scan3A_262 : i32 to index
        %swap3A_317 = arith.constant 32 : index
        %swap3A_318 = tpu.vector_load %arg9[%swap3A_315, %swap3A_316, %swap3A_317] {strides = array<i32>} : memref<5x80x128xf32, #tpu.memory_space<vmem>>, vector<1x1x16xf32>,
        %swap3A_319 = vector.shape_cast %swap3A_318 : vector<1x1x16xf32> to vector<16xf32>
        %swap3A_320 = vector.shape_cast %add3A_313 : vector<16xf32> to vector<1x1x16xf32>
        tpu.vector_store %arg9[%swap3A_315, %swap3A_316, %swap3A_317], %swap3A_320 {strides = array<i32>} : memref<5x80x128xf32, #tpu.memory_space<vmem>>, vector<1x1x16xf32>,
        %get3A_321 = arith.constant 1 : i32
        %get3A_322 = arith.index_cast %get3A_321 : i32 to index
        %get3A_323 = arith.index_cast %scan3A_262 : i32 to index
        %get3A_324 = arith.constant 48 : index
        %get3A_325 = tpu.vector_load %arg9[%get3A_322, %get3A_323, %get3A_324] {strides = array<i32>} : memref<5x80x128xf32, #tpu.memory_space<vmem>>, vector<1x1x16xf32>,
        %get3A_326 = vector.shape_cast %get3A_325 : vector<1x1x16xf32> to vector<16xf32>
        %get3A_327 = arith.constant 1 : i32
        %get3A_328 = arith.index_cast %get3A_327 : i32 to index
        %get3A_329 = arith.index_cast %scan3A_262 : i32 to index
        %get3A_330 = arith.constant 48 : index
        %get3A_331 = tpu.vector_load %arg10[%get3A_328, %get3A_329, %get3A_330] {strides = array<i32>} : memref<5x80x128xf32, #tpu.memory_space<vmem>>, vector<1x1x16xf32>,
        %get3A_332 = vector.shape_cast %get3A_331 : vector<1x1x16xf32> to vector<16xf32>
        %add3A_333 = arith.addf %get3A_326, %get3A_332 : vector<16xf32>
        %swap3A_334 = arith.constant 1 : i32
        %swap3A_335 = arith.index_cast %swap3A_334 : i32 to index
        %swap3A_336 = arith.index_cast %scan3A_262 : i32 to index
        %swap3A_337 = arith.constant 48 : index
        %swap3A_338 = tpu.vector_load %arg9[%swap3A_335, %swap3A_336, %swap3A_337] {strides = array<i32>} : memref<5x80x128xf32, #tpu.memory_space<vmem>>, vector<1x1x16xf32>,
        %swap3A_339 = vector.shape_cast %swap3A_338 : vector<1x1x16xf32> to vector<16xf32>
        %swap3A_340 = vector.shape_cast %add3A_333 : vector<16xf32> to vector<1x1x16xf32>
        tpu.vector_store %arg9[%swap3A_335, %swap3A_336, %swap3A_337], %swap3A_340 {strides = array<i32>} : memref<5x80x128xf32, #tpu.memory_space<vmem>>, vector<1x1x16xf32>,
        %get3A_341 = arith.constant 1 : i32
        %get3A_342 = arith.index_cast %get3A_341 : i32 to index
        %get3A_343 = arith.index_cast %scan3A_262 : i32 to index
        %get3A_344 = arith.constant 64 : index
        %get3A_345 = tpu.vector_load %arg9[%get3A_342, %get3A_343, %get3A_344] {strides = array<i32>} : memref<5x80x128xf32, #tpu.memory_space<vmem>>, vector<1x1x16xf32>,
        %get3A_346 = vector.shape_cast %get3A_345 : vector<1x1x16xf32> to vector<16xf32>
        %get3A_347 = arith.constant 1 : i32
        %get3A_348 = arith.index_cast %get3A_347 : i32 to index
        %get3A_349 = arith.index_cast %scan3A_262 : i32 to index
        %get3A_350 = arith.constant 64 : index
        %get3A_351 = tpu.vector_load %arg10[%get3A_348, %get3A_349, %get3A_350] {strides = array<i32>} : memref<5x80x128xf32, #tpu.memory_space<vmem>>, vector<1x1x16xf32>,
        %get3A_352 = vector.shape_cast %get3A_351 : vector<1x1x16xf32> to vector<16xf32>
        %add3A_353 = arith.addf %get3A_346, %get3A_352 : vector<16xf32>
        %swap3A_354 = arith.constant 1 : i32
        %swap3A_355 = arith.index_cast %swap3A_354 : i32 to index
        %swap3A_356 = arith.index_cast %scan3A_262 : i32 to index
        %swap3A_357 = arith.constant 64 : index
        %swap3A_358 = tpu.vector_load %arg9[%swap3A_355, %swap3A_356, %swap3A_357] {strides = array<i32>} : memref<5x80x128xf32, #tpu.memory_space<vmem>>, vector<1x1x16xf32>,
        %swap3A_359 = vector.shape_cast %swap3A_358 : vector<1x1x16xf32> to vector<16xf32>
        %swap3A_360 = vector.shape_cast %add3A_353 : vector<16xf32> to vector<1x1x16xf32>
        tpu.vector_store %arg9[%swap3A_355, %swap3A_356, %swap3A_357], %swap3A_360 {strides = array<i32>} : memref<5x80x128xf32, #tpu.memory_space<vmem>>, vector<1x1x16xf32>,
        %get3A_361 = arith.constant 1 : i32
        %get3A_362 = arith.index_cast %get3A_361 : i32 to index
        %get3A_363 = arith.index_cast %scan3A_262 : i32 to index
        %get3A_364 = arith.constant 80 : index
        %get3A_365 = tpu.vector_load %arg9[%get3A_362, %get3A_363, %get3A_364] {strides = array<i32>} : memref<5x80x128xf32, #tpu.memory_space<vmem>>, vector<1x1x16xf32>,
        %get3A_366 = vector.shape_cast %get3A_365 : vector<1x1x16xf32> to vector<16xf32>
        %get3A_367 = arith.constant 1 : i32
        %get3A_368 = arith.index_cast %get3A_367 : i32 to index
        %get3A_369 = arith.index_cast %scan3A_262 : i32 to index
        %get3A_370 = arith.constant 80 : index
        %get3A_371 = tpu.vector_load %arg10[%get3A_368, %get3A_369, %get3A_370] {strides = array<i32>} : memref<5x80x128xf32, #tpu.memory_space<vmem>>, vector<1x1x16xf32>,
        %get3A_372 = vector.shape_cast %get3A_371 : vector<1x1x16xf32> to vector<16xf32>
        %add3A_373 = arith.addf %get3A_366, %get3A_372 : vector<16xf32>
        %swap3A_374 = arith.constant 1 : i32
        %swap3A_375 = arith.index_cast %swap3A_374 : i32 to index
        %swap3A_376 = arith.index_cast %scan3A_262 : i32 to index
        %swap3A_377 = arith.constant 80 : index
        %swap3A_378 = tpu.vector_load %arg9[%swap3A_375, %swap3A_376, %swap3A_377] {strides = array<i32>} : memref<5x80x128xf32, #tpu.memory_space<vmem>>, vector<1x1x16xf32>,
        %swap3A_379 = vector.shape_cast %swap3A_378 : vector<1x1x16xf32> to vector<16xf32>
        %swap3A_380 = vector.shape_cast %add3A_373 : vector<16xf32> to vector<1x1x16xf32>
        tpu.vector_store %arg9[%swap3A_375, %swap3A_376, %swap3A_377], %swap3A_380 {strides = array<i32>} : memref<5x80x128xf32, #tpu.memory_space<vmem>>, vector<1x1x16xf32>,
        %get3A_381 = arith.constant 1 : i32
        %get3A_382 = arith.index_cast %get3A_381 : i32 to index
        %get3A_383 = arith.index_cast %scan3A_262 : i32 to index
        %get3A_384 = arith.constant 96 : index
        %get3A_385 = tpu.vector_load %arg9[%get3A_382, %get3A_383, %get3A_384] {strides = array<i32>} : memref<5x80x128xf32, #tpu.memory_space<vmem>>, vector<1x1x16xf32>,
        %get3A_386 = vector.shape_cast %get3A_385 : vector<1x1x16xf32> to vector<16xf32>
        %get3A_387 = arith.constant 1 : i32
        %get3A_388 = arith.index_cast %get3A_387 : i32 to index
        %get3A_389 = arith.index_cast %scan3A_262 : i32 to index
        %get3A_390 = arith.constant 96 : index
        %get3A_391 = tpu.vector_load %arg10[%get3A_388, %get3A_389, %get3A_390] {strides = array<i32>} : memref<5x80x128xf32, #tpu.memory_space<vmem>>, vector<1x1x16xf32>,
        %get3A_392 = vector.shape_cast %get3A_391 : vector<1x1x16xf32> to vector<16xf32>
        %add3A_393 = arith.addf %get3A_386, %get3A_392 : vector<16xf32>
        %swap3A_394 = arith.constant 1 : i32
        %swap3A_395 = arith.index_cast %swap3A_394 : i32 to index
        %swap3A_396 = arith.index_cast %scan3A_262 : i32 to index
        %swap3A_397 = arith.constant 96 : index
        %swap3A_398 = tpu.vector_load %arg9[%swap3A_395, %swap3A_396, %swap3A_397] {strides = array<i32>} : memref<5x80x128xf32, #tpu.memory_space<vmem>>, vector<1x1x16xf32>,
        %swap3A_399 = vector.shape_cast %swap3A_398 : vector<1x1x16xf32> to vector<16xf32>
        %swap3A_400 = vector.shape_cast %add3A_393 : vector<16xf32> to vector<1x1x16xf32>
        tpu.vector_store %arg9[%swap3A_395, %swap3A_396, %swap3A_397], %swap3A_400 {strides = array<i32>} : memref<5x80x128xf32, #tpu.memory_space<vmem>>, vector<1x1x16xf32>,
        %get3A_401 = arith.constant 1 : i32
        %get3A_402 = arith.index_cast %get3A_401 : i32 to index
        %get3A_403 = arith.index_cast %scan3A_262 : i32 to index
        %get3A_404 = arith.constant 112 : index
        %get3A_405 = tpu.vector_load %arg9[%get3A_402, %get3A_403, %get3A_404] {strides = array<i32>} : memref<5x80x128xf32, #tpu.memory_space<vmem>>, vector<1x1x16xf32>,
        %get3A_406 = vector.shape_cast %get3A_405 : vector<1x1x16xf32> to vector<16xf32>
        %get3A_407 = arith.constant 1 : i32
        %get3A_408 = arith.index_cast %get3A_407 : i32 to index
        %get3A_409 = arith.index_cast %scan3A_262 : i32 to index
        %get3A_410 = arith.constant 112 : index
        %get3A_411 = tpu.vector_load %arg10[%get3A_408, %get3A_409, %get3A_410] {strides = array<i32>} : memref<5x80x128xf32, #tpu.memory_space<vmem>>, vector<1x1x16xf32>,
        %get3A_412 = vector.shape_cast %get3A_411 : vector<1x1x16xf32> to vector<16xf32>
        %add3A_413 = arith.addf %get3A_406, %get3A_412 : vector<16xf32>
        %swap3A_414 = arith.constant 1 : i32
        %swap3A_415 = arith.index_cast %swap3A_414 : i32 to index
        %swap3A_416 = arith.index_cast %scan3A_262 : i32 to index
        %swap3A_417 = arith.constant 112 : index
        %swap3A_418 = tpu.vector_load %arg9[%swap3A_415, %swap3A_416, %swap3A_417] {strides = array<i32>} : memref<5x80x128xf32, #tpu.memory_space<vmem>>, vector<1x1x16xf32>,
        %swap3A_419 = vector.shape_cast %swap3A_418 : vector<1x1x16xf32> to vector<16xf32>
        %swap3A_420 = vector.shape_cast %add3A_413 : vector<16xf32> to vector<1x1x16xf32>
        tpu.vector_store %arg9[%swap3A_415, %swap3A_416, %swap3A_417], %swap3A_420 {strides = array<i32>} : memref<5x80x128xf32, #tpu.memory_space<vmem>>, vector<1x1x16xf32>,
      }
      %scan3A_171 = arith.constant 80 : i32
      %dma_wait3A_172 = arith.constant 2 : i32
      %dma_wait3A_173 = arith.constant 0 : i32
      %dma_wait3A_174 = arith.constant 0 : i32
      %dma_wait3A_175 = tpu.memref_slice %arg9[%dma_wait3A_172, %dma_wait3A_173, %dma_wait3A_174] : memref<5x80x128xf32, #tpu.memory_space<vmem>> -> memref<1x80x128xf32, #tpu.memory_space<vmem>>
      %dma_wait3A_176 = tpu.memref_squeeze %dma_wait3A_175 : memref<1x80x128xf32, #tpu.memory_space<vmem>> -> memref<80x128xf32, #tpu.memory_space<vmem>>
      %dma_wait3A_177 = arith.constant 160 : i32
      %dma_wait3A_178 = tpu.memref_slice %arg7[%dma_wait3A_177] : memref<400xi32, #tpu.memory_space<vmem>> -> memref<80xi32, #tpu.memory_space<vmem>>
      %dma_wait3A_179 = arith.constant 0 : i32
      %dma_wait3A_180 = arith.constant 0 : i32
      %dma_wait3A_181 = tpu.memref_slice %arg4[%dma_wait3A_179, %dma_wait3A_180] : memref<10000x128xf32, #tpu.memory_space<hbm>> -> memref<10000x128xf32, #tpu.memory_space<hbm>>
      tpu.wait_indirect_dma semaphore(%arg15 : memref<!tpu.dma_semaphore, #tpu.memory_space<semaphore_mem>>) src(%dma_wait3A_181 : memref<10000x128xf32, #tpu.memory_space<hbm>>) dst(%dma_wait3A_176 : memref<80x128xf32, #tpu.memory_space<vmem>>)
      %dma_wait3A_182 = arith.constant 2 : i32
      %dma_wait3A_183 = arith.constant 0 : i32
      %dma_wait3A_184 = arith.constant 0 : i32
      %dma_wait3A_185 = tpu.memref_slice %arg10[%dma_wait3A_182, %dma_wait3A_183, %dma_wait3A_184] : memref<5x80x128xf32, #tpu.memory_space<vmem>> -> memref<1x80x128xf32, #tpu.memory_space<vmem>>
      %dma_wait3A_186 = tpu.memref_squeeze %dma_wait3A_185 : memref<1x80x128xf32, #tpu.memory_space<vmem>> -> memref<80x128xf32, #tpu.memory_space<vmem>>
      %dma_wait3A_187 = arith.constant 160 : i32
      %dma_wait3A_188 = tpu.memref_slice %arg8[%dma_wait3A_187] : memref<400xi32, #tpu.memory_space<vmem>> -> memref<80xi32, #tpu.memory_space<vmem>>
      %dma_wait3A_189 = arith.constant 0 : i32
      %dma_wait3A_190 = arith.constant 0 : i32
      %dma_wait3A_191 = tpu.memref_slice %arg5[%dma_wait3A_189, %dma_wait3A_190] : memref<10000x128xf32, #tpu.memory_space<hbm>> -> memref<10000x128xf32, #tpu.memory_space<hbm>>
      tpu.wait_indirect_dma semaphore(%arg15 : memref<!tpu.dma_semaphore, #tpu.memory_space<semaphore_mem>>) src(%dma_wait3A_191 : memref<10000x128xf32, #tpu.memory_space<hbm>>) dst(%dma_wait3A_186 : memref<80x128xf32, #tpu.memory_space<vmem>>)
      %scan3A_192 = arith.constant 0 : i32
      %scan3A_193 = arith.constant 0 : i32
      %scan3A_194 = arith.constant 80 : i32
      %scan3A_195 = arith.addi %scan3A_193, %scan3A_194 : i32
      %scan3A_196 = arith.constant 1 : i32
      scf.for %scan3A_262 = %scan3A_193 to %scan3A_195 step %scan3A_196  : i32 {
        %get3A = arith.constant 2 : i32
        %get3A_263 = arith.index_cast %get3A : i32 to index
        %get3A_264 = arith.index_cast %scan3A_262 : i32 to index
        %get3A_265 = arith.constant 0 : index
        %get3A_266 = tpu.vector_load %arg9[%get3A_263, %get3A_264, %get3A_265] {strides = array<i32>} : memref<5x80x128xf32, #tpu.memory_space<vmem>>, vector<1x1x16xf32>,
        %get3A_267 = vector.shape_cast %get3A_266 : vector<1x1x16xf32> to vector<16xf32>
        %get3A_268 = arith.constant 2 : i32
        %get3A_269 = arith.index_cast %get3A_268 : i32 to index
        %get3A_270 = arith.index_cast %scan3A_262 : i32 to index
        %get3A_271 = arith.constant 0 : index
        %get3A_272 = tpu.vector_load %arg10[%get3A_269, %get3A_270, %get3A_271] {strides = array<i32>} : memref<5x80x128xf32, #tpu.memory_space<vmem>>, vector<1x1x16xf32>,
        %get3A_273 = vector.shape_cast %get3A_272 : vector<1x1x16xf32> to vector<16xf32>
        %add3A_274 = arith.addf %get3A_267, %get3A_273 : vector<16xf32>
        %swap3A = arith.constant 2 : i32
        %swap3A_275 = arith.index_cast %swap3A : i32 to index
        %swap3A_276 = arith.index_cast %scan3A_262 : i32 to index
        %swap3A_277 = arith.constant 0 : index
        %swap3A_278 = tpu.vector_load %arg9[%swap3A_275, %swap3A_276, %swap3A_277] {strides = array<i32>} : memref<5x80x128xf32, #tpu.memory_space<vmem>>, vector<1x1x16xf32>,
        %swap3A_279 = vector.shape_cast %swap3A_278 : vector<1x1x16xf32> to vector<16xf32>
        %swap3A_280 = vector.shape_cast %add3A_274 : vector<16xf32> to vector<1x1x16xf32>
        tpu.vector_store %arg9[%swap3A_275, %swap3A_276, %swap3A_277], %swap3A_280 {strides = array<i32>} : memref<5x80x128xf32, #tpu.memory_space<vmem>>, vector<1x1x16xf32>,
        %get3A_281 = arith.constant 2 : i32
        %get3A_282 = arith.index_cast %get3A_281 : i32 to index
        %get3A_283 = arith.index_cast %scan3A_262 : i32 to index
        %get3A_284 = arith.constant 16 : index
        %get3A_285 = tpu.vector_load %arg9[%get3A_282, %get3A_283, %get3A_284] {strides = array<i32>} : memref<5x80x128xf32, #tpu.memory_space<vmem>>, vector<1x1x16xf32>,
        %get3A_286 = vector.shape_cast %get3A_285 : vector<1x1x16xf32> to vector<16xf32>
        %get3A_287 = arith.constant 2 : i32
        %get3A_288 = arith.index_cast %get3A_287 : i32 to index
        %get3A_289 = arith.index_cast %scan3A_262 : i32 to index
        %get3A_290 = arith.constant 16 : index
        %get3A_291 = tpu.vector_load %arg10[%get3A_288, %get3A_289, %get3A_290] {strides = array<i32>} : memref<5x80x128xf32, #tpu.memory_space<vmem>>, vector<1x1x16xf32>,
        %get3A_292 = vector.shape_cast %get3A_291 : vector<1x1x16xf32> to vector<16xf32>
        %add3A_293 = arith.addf %get3A_286, %get3A_292 : vector<16xf32>
        %swap3A_294 = arith.constant 2 : i32
        %swap3A_295 = arith.index_cast %swap3A_294 : i32 to index
        %swap3A_296 = arith.index_cast %scan3A_262 : i32 to index
        %swap3A_297 = arith.constant 16 : index
        %swap3A_298 = tpu.vector_load %arg9[%swap3A_295, %swap3A_296, %swap3A_297] {strides = array<i32>} : memref<5x80x128xf32, #tpu.memory_space<vmem>>, vector<1x1x16xf32>,
        %swap3A_299 = vector.shape_cast %swap3A_298 : vector<1x1x16xf32> to vector<16xf32>
        %swap3A_300 = vector.shape_cast %add3A_293 : vector<16xf32> to vector<1x1x16xf32>
        tpu.vector_store %arg9[%swap3A_295, %swap3A_296, %swap3A_297], %swap3A_300 {strides = array<i32>} : memref<5x80x128xf32, #tpu.memory_space<vmem>>, vector<1x1x16xf32>,
        %get3A_301 = arith.constant 2 : i32
        %get3A_302 = arith.index_cast %get3A_301 : i32 to index
        %get3A_303 = arith.index_cast %scan3A_262 : i32 to index
        %get3A_304 = arith.constant 32 : index
        %get3A_305 = tpu.vector_load %arg9[%get3A_302, %get3A_303, %get3A_304] {strides = array<i32>} : memref<5x80x128xf32, #tpu.memory_space<vmem>>, vector<1x1x16xf32>,
        %get3A_306 = vector.shape_cast %get3A_305 : vector<1x1x16xf32> to vector<16xf32>
        %get3A_307 = arith.constant 2 : i32
        %get3A_308 = arith.index_cast %get3A_307 : i32 to index
        %get3A_309 = arith.index_cast %scan3A_262 : i32 to index
        %get3A_310 = arith.constant 32 : index
        %get3A_311 = tpu.vector_load %arg10[%get3A_308, %get3A_309, %get3A_310] {strides = array<i32>} : memref<5x80x128xf32, #tpu.memory_space<vmem>>, vector<1x1x16xf32>,
        %get3A_312 = vector.shape_cast %get3A_311 : vector<1x1x16xf32> to vector<16xf32>
        %add3A_313 = arith.addf %get3A_306, %get3A_312 : vector<16xf32>
        %swap3A_314 = arith.constant 2 : i32
        %swap3A_315 = arith.index_cast %swap3A_314 : i32 to index
        %swap3A_316 = arith.index_cast %scan3A_262 : i32 to index
        %swap3A_317 = arith.constant 32 : index
        %swap3A_318 = tpu.vector_load %arg9[%swap3A_315, %swap3A_316, %swap3A_317] {strides = array<i32>} : memref<5x80x128xf32, #tpu.memory_space<vmem>>, vector<1x1x16xf32>,
        %swap3A_319 = vector.shape_cast %swap3A_318 : vector<1x1x16xf32> to vector<16xf32>
        %swap3A_320 = vector.shape_cast %add3A_313 : vector<16xf32> to vector<1x1x16xf32>
        tpu.vector_store %arg9[%swap3A_315, %swap3A_316, %swap3A_317], %swap3A_320 {strides = array<i32>} : memref<5x80x128xf32, #tpu.memory_space<vmem>>, vector<1x1x16xf32>,
        %get3A_321 = arith.constant 2 : i32
        %get3A_322 = arith.index_cast %get3A_321 : i32 to index
        %get3A_323 = arith.index_cast %scan3A_262 : i32 to index
        %get3A_324 = arith.constant 48 : index
        %get3A_325 = tpu.vector_load %arg9[%get3A_322, %get3A_323, %get3A_324] {strides = array<i32>} : memref<5x80x128xf32, #tpu.memory_space<vmem>>, vector<1x1x16xf32>,
        %get3A_326 = vector.shape_cast %get3A_325 : vector<1x1x16xf32> to vector<16xf32>
        %get3A_327 = arith.constant 2 : i32
        %get3A_328 = arith.index_cast %get3A_327 : i32 to index
        %get3A_329 = arith.index_cast %scan3A_262 : i32 to index
        %get3A_330 = arith.constant 48 : index
        %get3A_331 = tpu.vector_load %arg10[%get3A_328, %get3A_329, %get3A_330] {strides = array<i32>} : memref<5x80x128xf32, #tpu.memory_space<vmem>>, vector<1x1x16xf32>,
        %get3A_332 = vector.shape_cast %get3A_331 : vector<1x1x16xf32> to vector<16xf32>
        %add3A_333 = arith.addf %get3A_326, %get3A_332 : vector<16xf32>
        %swap3A_334 = arith.constant 2 : i32
        %swap3A_335 = arith.index_cast %swap3A_334 : i32 to index
        %swap3A_336 = arith.index_cast %scan3A_262 : i32 to index
        %swap3A_337 = arith.constant 48 : index
        %swap3A_338 = tpu.vector_load %arg9[%swap3A_335, %swap3A_336, %swap3A_337] {strides = array<i32>} : memref<5x80x128xf32, #tpu.memory_space<vmem>>, vector<1x1x16xf32>,
        %swap3A_339 = vector.shape_cast %swap3A_338 : vector<1x1x16xf32> to vector<16xf32>
        %swap3A_340 = vector.shape_cast %add3A_333 : vector<16xf32> to vector<1x1x16xf32>
        tpu.vector_store %arg9[%swap3A_335, %swap3A_336, %swap3A_337], %swap3A_340 {strides = array<i32>} : memref<5x80x128xf32, #tpu.memory_space<vmem>>, vector<1x1x16xf32>,
        %get3A_341 = arith.constant 2 : i32
        %get3A_342 = arith.index_cast %get3A_341 : i32 to index
        %get3A_343 = arith.index_cast %scan3A_262 : i32 to index
        %get3A_344 = arith.constant 64 : index
        %get3A_345 = tpu.vector_load %arg9[%get3A_342, %get3A_343, %get3A_344] {strides = array<i32>} : memref<5x80x128xf32, #tpu.memory_space<vmem>>, vector<1x1x16xf32>,
        %get3A_346 = vector.shape_cast %get3A_345 : vector<1x1x16xf32> to vector<16xf32>
        %get3A_347 = arith.constant 2 : i32
        %get3A_348 = arith.index_cast %get3A_347 : i32 to index
        %get3A_349 = arith.index_cast %scan3A_262 : i32 to index
        %get3A_350 = arith.constant 64 : index
        %get3A_351 = tpu.vector_load %arg10[%get3A_348, %get3A_349, %get3A_350] {strides = array<i32>} : memref<5x80x128xf32, #tpu.memory_space<vmem>>, vector<1x1x16xf32>,
        %get3A_352 = vector.shape_cast %get3A_351 : vector<1x1x16xf32> to vector<16xf32>
        %add3A_353 = arith.addf %get3A_346, %get3A_352 : vector<16xf32>
        %swap3A_354 = arith.constant 2 : i32
        %swap3A_355 = arith.index_cast %swap3A_354 : i32 to index
        %swap3A_356 = arith.index_cast %scan3A_262 : i32 to index
        %swap3A_357 = arith.constant 64 : index
        %swap3A_358 = tpu.vector_load %arg9[%swap3A_355, %swap3A_356, %swap3A_357] {strides = array<i32>} : memref<5x80x128xf32, #tpu.memory_space<vmem>>, vector<1x1x16xf32>,
        %swap3A_359 = vector.shape_cast %swap3A_358 : vector<1x1x16xf32> to vector<16xf32>
        %swap3A_360 = vector.shape_cast %add3A_353 : vector<16xf32> to vector<1x1x16xf32>
        tpu.vector_store %arg9[%swap3A_355, %swap3A_356, %swap3A_357], %swap3A_360 {strides = array<i32>} : memref<5x80x128xf32, #tpu.memory_space<vmem>>, vector<1x1x16xf32>,
        %get3A_361 = arith.constant 2 : i32
        %get3A_362 = arith.index_cast %get3A_361 : i32 to index
        %get3A_363 = arith.index_cast %scan3A_262 : i32 to index
        %get3A_364 = arith.constant 80 : index
        %get3A_365 = tpu.vector_load %arg9[%get3A_362, %get3A_363, %get3A_364] {strides = array<i32>} : memref<5x80x128xf32, #tpu.memory_space<vmem>>, vector<1x1x16xf32>,
        %get3A_366 = vector.shape_cast %get3A_365 : vector<1x1x16xf32> to vector<16xf32>
        %get3A_367 = arith.constant 2 : i32
        %get3A_368 = arith.index_cast %get3A_367 : i32 to index
        %get3A_369 = arith.index_cast %scan3A_262 : i32 to index
        %get3A_370 = arith.constant 80 : index
        %get3A_371 = tpu.vector_load %arg10[%get3A_368, %get3A_369, %get3A_370] {strides = array<i32>} : memref<5x80x128xf32, #tpu.memory_space<vmem>>, vector<1x1x16xf32>,
        %get3A_372 = vector.shape_cast %get3A_371 : vector<1x1x16xf32> to vector<16xf32>
        %add3A_373 = arith.addf %get3A_366, %get3A_372 : vector<16xf32>
        %swap3A_374 = arith.constant 2 : i32
        %swap3A_375 = arith.index_cast %swap3A_374 : i32 to index
        %swap3A_376 = arith.index_cast %scan3A_262 : i32 to index
        %swap3A_377 = arith.constant 80 : index
        %swap3A_378 = tpu.vector_load %arg9[%swap3A_375, %swap3A_376, %swap3A_377] {strides = array<i32>} : memref<5x80x128xf32, #tpu.memory_space<vmem>>, vector<1x1x16xf32>,
        %swap3A_379 = vector.shape_cast %swap3A_378 : vector<1x1x16xf32> to vector<16xf32>
        %swap3A_380 = vector.shape_cast %add3A_373 : vector<16xf32> to vector<1x1x16xf32>
        tpu.vector_store %arg9[%swap3A_375, %swap3A_376, %swap3A_377], %swap3A_380 {strides = array<i32>} : memref<5x80x128xf32, #tpu.memory_space<vmem>>, vector<1x1x16xf32>,
        %get3A_381 = arith.constant 2 : i32
        %get3A_382 = arith.index_cast %get3A_381 : i32 to index
        %get3A_383 = arith.index_cast %scan3A_262 : i32 to index
        %get3A_384 = arith.constant 96 : index
        %get3A_385 = tpu.vector_load %arg9[%get3A_382, %get3A_383, %get3A_384] {strides = array<i32>} : memref<5x80x128xf32, #tpu.memory_space<vmem>>, vector<1x1x16xf32>,
        %get3A_386 = vector.shape_cast %get3A_385 : vector<1x1x16xf32> to vector<16xf32>
        %get3A_387 = arith.constant 2 : i32
        %get3A_388 = arith.index_cast %get3A_387 : i32 to index
        %get3A_389 = arith.index_cast %scan3A_262 : i32 to index
        %get3A_390 = arith.constant 96 : index
        %get3A_391 = tpu.vector_load %arg10[%get3A_388, %get3A_389, %get3A_390] {strides = array<i32>} : memref<5x80x128xf32, #tpu.memory_space<vmem>>, vector<1x1x16xf32>,
        %get3A_392 = vector.shape_cast %get3A_391 : vector<1x1x16xf32> to vector<16xf32>
        %add3A_393 = arith.addf %get3A_386, %get3A_392 : vector<16xf32>
        %swap3A_394 = arith.constant 2 : i32
        %swap3A_395 = arith.index_cast %swap3A_394 : i32 to index
        %swap3A_396 = arith.index_cast %scan3A_262 : i32 to index
        %swap3A_397 = arith.constant 96 : index
        %swap3A_398 = tpu.vector_load %arg9[%swap3A_395, %swap3A_396, %swap3A_397] {strides = array<i32>} : memref<5x80x128xf32, #tpu.memory_space<vmem>>, vector<1x1x16xf32>,
        %swap3A_399 = vector.shape_cast %swap3A_398 : vector<1x1x16xf32> to vector<16xf32>
        %swap3A_400 = vector.shape_cast %add3A_393 : vector<16xf32> to vector<1x1x16xf32>
        tpu.vector_store %arg9[%swap3A_395, %swap3A_396, %swap3A_397], %swap3A_400 {strides = array<i32>} : memref<5x80x128xf32, #tpu.memory_space<vmem>>, vector<1x1x16xf32>,
        %get3A_401 = arith.constant 2 : i32
        %get3A_402 = arith.index_cast %get3A_401 : i32 to index
        %get3A_403 = arith.index_cast %scan3A_262 : i32 to index
        %get3A_404 = arith.constant 112 : index
        %get3A_405 = tpu.vector_load %arg9[%get3A_402, %get3A_403, %get3A_404] {strides = array<i32>} : memref<5x80x128xf32, #tpu.memory_space<vmem>>, vector<1x1x16xf32>,
        %get3A_406 = vector.shape_cast %get3A_405 : vector<1x1x16xf32> to vector<16xf32>
        %get3A_407 = arith.constant 2 : i32
        %get3A_408 = arith.index_cast %get3A_407 : i32 to index
        %get3A_409 = arith.index_cast %scan3A_262 : i32 to index
        %get3A_410 = arith.constant 112 : index
        %get3A_411 = tpu.vector_load %arg10[%get3A_408, %get3A_409, %get3A_410] {strides = array<i32>} : memref<5x80x128xf32, #tpu.memory_space<vmem>>, vector<1x1x16xf32>,
        %get3A_412 = vector.shape_cast %get3A_411 : vector<1x1x16xf32> to vector<16xf32>
        %add3A_413 = arith.addf %get3A_406, %get3A_412 : vector<16xf32>
        %swap3A_414 = arith.constant 2 : i32
        %swap3A_415 = arith.index_cast %swap3A_414 : i32 to index
        %swap3A_416 = arith.index_cast %scan3A_262 : i32 to index
        %swap3A_417 = arith.constant 112 : index
        %swap3A_418 = tpu.vector_load %arg9[%swap3A_415, %swap3A_416, %swap3A_417] {strides = array<i32>} : memref<5x80x128xf32, #tpu.memory_space<vmem>>, vector<1x1x16xf32>,
        %swap3A_419 = vector.shape_cast %swap3A_418 : vector<1x1x16xf32> to vector<16xf32>
        %swap3A_420 = vector.shape_cast %add3A_413 : vector<16xf32> to vector<1x1x16xf32>
        tpu.vector_store %arg9[%swap3A_415, %swap3A_416, %swap3A_417], %swap3A_420 {strides = array<i32>} : memref<5x80x128xf32, #tpu.memory_space<vmem>>, vector<1x1x16xf32>,
      }
      %scan3A_197 = arith.constant 80 : i32
      %dma_wait3A_198 = arith.constant 3 : i32
      %dma_wait3A_199 = arith.constant 0 : i32
      %dma_wait3A_200 = arith.constant 0 : i32
      %dma_wait3A_201 = tpu.memref_slice %arg9[%dma_wait3A_198, %dma_wait3A_199, %dma_wait3A_200] : memref<5x80x128xf32, #tpu.memory_space<vmem>> -> memref<1x80x128xf32, #tpu.memory_space<vmem>>
      %dma_wait3A_202 = tpu.memref_squeeze %dma_wait3A_201 : memref<1x80x128xf32, #tpu.memory_space<vmem>> -> memref<80x128xf32, #tpu.memory_space<vmem>>
      %dma_wait3A_203 = arith.constant 240 : i32
      %dma_wait3A_204 = tpu.memref_slice %arg7[%dma_wait3A_203] : memref<400xi32, #tpu.memory_space<vmem>> -> memref<80xi32, #tpu.memory_space<vmem>>
      %dma_wait3A_205 = arith.constant 0 : i32
      %dma_wait3A_206 = arith.constant 0 : i32
      %dma_wait3A_207 = tpu.memref_slice %arg4[%dma_wait3A_205, %dma_wait3A_206] : memref<10000x128xf32, #tpu.memory_space<hbm>> -> memref<10000x128xf32, #tpu.memory_space<hbm>>
      tpu.wait_indirect_dma semaphore(%arg16 : memref<!tpu.dma_semaphore, #tpu.memory_space<semaphore_mem>>) src(%dma_wait3A_207 : memref<10000x128xf32, #tpu.memory_space<hbm>>) dst(%dma_wait3A_202 : memref<80x128xf32, #tpu.memory_space<vmem>>)
      %dma_wait3A_208 = arith.constant 3 : i32
      %dma_wait3A_209 = arith.constant 0 : i32
      %dma_wait3A_210 = arith.constant 0 : i32
      %dma_wait3A_211 = tpu.memref_slice %arg10[%dma_wait3A_208, %dma_wait3A_209, %dma_wait3A_210] : memref<5x80x128xf32, #tpu.memory_space<vmem>> -> memref<1x80x128xf32, #tpu.memory_space<vmem>>
      %dma_wait3A_212 = tpu.memref_squeeze %dma_wait3A_211 : memref<1x80x128xf32, #tpu.memory_space<vmem>> -> memref<80x128xf32, #tpu.memory_space<vmem>>
      %dma_wait3A_213 = arith.constant 240 : i32
      %dma_wait3A_214 = tpu.memref_slice %arg8[%dma_wait3A_213] : memref<400xi32, #tpu.memory_space<vmem>> -> memref<80xi32, #tpu.memory_space<vmem>>
      %dma_wait3A_215 = arith.constant 0 : i32
      %dma_wait3A_216 = arith.constant 0 : i32
      %dma_wait3A_217 = tpu.memref_slice %arg5[%dma_wait3A_215, %dma_wait3A_216] : memref<10000x128xf32, #tpu.memory_space<hbm>> -> memref<10000x128xf32, #tpu.memory_space<hbm>>
      tpu.wait_indirect_dma semaphore(%arg16 : memref<!tpu.dma_semaphore, #tpu.memory_space<semaphore_mem>>) src(%dma_wait3A_217 : memref<10000x128xf32, #tpu.memory_space<hbm>>) dst(%dma_wait3A_212 : memref<80x128xf32, #tpu.memory_space<vmem>>)
      %scan3A_218 = arith.constant 0 : i32
      %scan3A_219 = arith.constant 0 : i32
      %scan3A_220 = arith.constant 80 : i32
      %scan3A_221 = arith.addi %scan3A_219, %scan3A_220 : i32
      %scan3A_222 = arith.constant 1 : i32
      scf.for %scan3A_262 = %scan3A_219 to %scan3A_221 step %scan3A_222  : i32 {
        %get3A = arith.constant 3 : i32
        %get3A_263 = arith.index_cast %get3A : i32 to index
        %get3A_264 = arith.index_cast %scan3A_262 : i32 to index
        %get3A_265 = arith.constant 0 : index
        %get3A_266 = tpu.vector_load %arg9[%get3A_263, %get3A_264, %get3A_265] {strides = array<i32>} : memref<5x80x128xf32, #tpu.memory_space<vmem>>, vector<1x1x16xf32>,
        %get3A_267 = vector.shape_cast %get3A_266 : vector<1x1x16xf32> to vector<16xf32>
        %get3A_268 = arith.constant 3 : i32
        %get3A_269 = arith.index_cast %get3A_268 : i32 to index
        %get3A_270 = arith.index_cast %scan3A_262 : i32 to index
        %get3A_271 = arith.constant 0 : index
        %get3A_272 = tpu.vector_load %arg10[%get3A_269, %get3A_270, %get3A_271] {strides = array<i32>} : memref<5x80x128xf32, #tpu.memory_space<vmem>>, vector<1x1x16xf32>,
        %get3A_273 = vector.shape_cast %get3A_272 : vector<1x1x16xf32> to vector<16xf32>
        %add3A_274 = arith.addf %get3A_267, %get3A_273 : vector<16xf32>
        %swap3A = arith.constant 3 : i32
        %swap3A_275 = arith.index_cast %swap3A : i32 to index
        %swap3A_276 = arith.index_cast %scan3A_262 : i32 to index
        %swap3A_277 = arith.constant 0 : index
        %swap3A_278 = tpu.vector_load %arg9[%swap3A_275, %swap3A_276, %swap3A_277] {strides = array<i32>} : memref<5x80x128xf32, #tpu.memory_space<vmem>>, vector<1x1x16xf32>,
        %swap3A_279 = vector.shape_cast %swap3A_278 : vector<1x1x16xf32> to vector<16xf32>
        %swap3A_280 = vector.shape_cast %add3A_274 : vector<16xf32> to vector<1x1x16xf32>
        tpu.vector_store %arg9[%swap3A_275, %swap3A_276, %swap3A_277], %swap3A_280 {strides = array<i32>} : memref<5x80x128xf32, #tpu.memory_space<vmem>>, vector<1x1x16xf32>,
        %get3A_281 = arith.constant 3 : i32
        %get3A_282 = arith.index_cast %get3A_281 : i32 to index
        %get3A_283 = arith.index_cast %scan3A_262 : i32 to index
        %get3A_284 = arith.constant 16 : index
        %get3A_285 = tpu.vector_load %arg9[%get3A_282, %get3A_283, %get3A_284] {strides = array<i32>} : memref<5x80x128xf32, #tpu.memory_space<vmem>>, vector<1x1x16xf32>,
        %get3A_286 = vector.shape_cast %get3A_285 : vector<1x1x16xf32> to vector<16xf32>
        %get3A_287 = arith.constant 3 : i32
        %get3A_288 = arith.index_cast %get3A_287 : i32 to index
        %get3A_289 = arith.index_cast %scan3A_262 : i32 to index
        %get3A_290 = arith.constant 16 : index
        %get3A_291 = tpu.vector_load %arg10[%get3A_288, %get3A_289, %get3A_290] {strides = array<i32>} : memref<5x80x128xf32, #tpu.memory_space<vmem>>, vector<1x1x16xf32>,
        %get3A_292 = vector.shape_cast %get3A_291 : vector<1x1x16xf32> to vector<16xf32>
        %add3A_293 = arith.addf %get3A_286, %get3A_292 : vector<16xf32>
        %swap3A_294 = arith.constant 3 : i32
        %swap3A_295 = arith.index_cast %swap3A_294 : i32 to index
        %swap3A_296 = arith.index_cast %scan3A_262 : i32 to index
        %swap3A_297 = arith.constant 16 : index
        %swap3A_298 = tpu.vector_load %arg9[%swap3A_295, %swap3A_296, %swap3A_297] {strides = array<i32>} : memref<5x80x128xf32, #tpu.memory_space<vmem>>, vector<1x1x16xf32>,
        %swap3A_299 = vector.shape_cast %swap3A_298 : vector<1x1x16xf32> to vector<16xf32>
        %swap3A_300 = vector.shape_cast %add3A_293 : vector<16xf32> to vector<1x1x16xf32>
        tpu.vector_store %arg9[%swap3A_295, %swap3A_296, %swap3A_297], %swap3A_300 {strides = array<i32>} : memref<5x80x128xf32, #tpu.memory_space<vmem>>, vector<1x1x16xf32>,
        %get3A_301 = arith.constant 3 : i32
        %get3A_302 = arith.index_cast %get3A_301 : i32 to index
        %get3A_303 = arith.index_cast %scan3A_262 : i32 to index
        %get3A_304 = arith.constant 32 : index
        %get3A_305 = tpu.vector_load %arg9[%get3A_302, %get3A_303, %get3A_304] {strides = array<i32>} : memref<5x80x128xf32, #tpu.memory_space<vmem>>, vector<1x1x16xf32>,
        %get3A_306 = vector.shape_cast %get3A_305 : vector<1x1x16xf32> to vector<16xf32>
        %get3A_307 = arith.constant 3 : i32
        %get3A_308 = arith.index_cast %get3A_307 : i32 to index
        %get3A_309 = arith.index_cast %scan3A_262 : i32 to index
        %get3A_310 = arith.constant 32 : index
        %get3A_311 = tpu.vector_load %arg10[%get3A_308, %get3A_309, %get3A_310] {strides = array<i32>} : memref<5x80x128xf32, #tpu.memory_space<vmem>>, vector<1x1x16xf32>,
        %get3A_312 = vector.shape_cast %get3A_311 : vector<1x1x16xf32> to vector<16xf32>
        %add3A_313 = arith.addf %get3A_306, %get3A_312 : vector<16xf32>
        %swap3A_314 = arith.constant 3 : i32
        %swap3A_315 = arith.index_cast %swap3A_314 : i32 to index
        %swap3A_316 = arith.index_cast %scan3A_262 : i32 to index
        %swap3A_317 = arith.constant 32 : index
        %swap3A_318 = tpu.vector_load %arg9[%swap3A_315, %swap3A_316, %swap3A_317] {strides = array<i32>} : memref<5x80x128xf32, #tpu.memory_space<vmem>>, vector<1x1x16xf32>,
        %swap3A_319 = vector.shape_cast %swap3A_318 : vector<1x1x16xf32> to vector<16xf32>
        %swap3A_320 = vector.shape_cast %add3A_313 : vector<16xf32> to vector<1x1x16xf32>
        tpu.vector_store %arg9[%swap3A_315, %swap3A_316, %swap3A_317], %swap3A_320 {strides = array<i32>} : memref<5x80x128xf32, #tpu.memory_space<vmem>>, vector<1x1x16xf32>,
        %get3A_321 = arith.constant 3 : i32
        %get3A_322 = arith.index_cast %get3A_321 : i32 to index
        %get3A_323 = arith.index_cast %scan3A_262 : i32 to index
        %get3A_324 = arith.constant 48 : index
        %get3A_325 = tpu.vector_load %arg9[%get3A_322, %get3A_323, %get3A_324] {strides = array<i32>} : memref<5x80x128xf32, #tpu.memory_space<vmem>>, vector<1x1x16xf32>,
        %get3A_326 = vector.shape_cast %get3A_325 : vector<1x1x16xf32> to vector<16xf32>
        %get3A_327 = arith.constant 3 : i32
        %get3A_328 = arith.index_cast %get3A_327 : i32 to index
        %get3A_329 = arith.index_cast %scan3A_262 : i32 to index
        %get3A_330 = arith.constant 48 : index
        %get3A_331 = tpu.vector_load %arg10[%get3A_328, %get3A_329, %get3A_330] {strides = array<i32>} : memref<5x80x128xf32, #tpu.memory_space<vmem>>, vector<1x1x16xf32>,
        %get3A_332 = vector.shape_cast %get3A_331 : vector<1x1x16xf32> to vector<16xf32>
        %add3A_333 = arith.addf %get3A_326, %get3A_332 : vector<16xf32>
        %swap3A_334 = arith.constant 3 : i32
        %swap3A_335 = arith.index_cast %swap3A_334 : i32 to index
        %swap3A_336 = arith.index_cast %scan3A_262 : i32 to index
        %swap3A_337 = arith.constant 48 : index
        %swap3A_338 = tpu.vector_load %arg9[%swap3A_335, %swap3A_336, %swap3A_337] {strides = array<i32>} : memref<5x80x128xf32, #tpu.memory_space<vmem>>, vector<1x1x16xf32>,
        %swap3A_339 = vector.shape_cast %swap3A_338 : vector<1x1x16xf32> to vector<16xf32>
        %swap3A_340 = vector.shape_cast %add3A_333 : vector<16xf32> to vector<1x1x16xf32>
        tpu.vector_store %arg9[%swap3A_335, %swap3A_336, %swap3A_337], %swap3A_340 {strides = array<i32>} : memref<5x80x128xf32, #tpu.memory_space<vmem>>, vector<1x1x16xf32>,
        %get3A_341 = arith.constant 3 : i32
        %get3A_342 = arith.index_cast %get3A_341 : i32 to index
        %get3A_343 = arith.index_cast %scan3A_262 : i32 to index
        %get3A_344 = arith.constant 64 : index
        %get3A_345 = tpu.vector_load %arg9[%get3A_342, %get3A_343, %get3A_344] {strides = array<i32>} : memref<5x80x128xf32, #tpu.memory_space<vmem>>, vector<1x1x16xf32>,
        %get3A_346 = vector.shape_cast %get3A_345 : vector<1x1x16xf32> to vector<16xf32>
        %get3A_347 = arith.constant 3 : i32
        %get3A_348 = arith.index_cast %get3A_347 : i32 to index
        %get3A_349 = arith.index_cast %scan3A_262 : i32 to index
        %get3A_350 = arith.constant 64 : index
        %get3A_351 = tpu.vector_load %arg10[%get3A_348, %get3A_349, %get3A_350] {strides = array<i32>} : memref<5x80x128xf32, #tpu.memory_space<vmem>>, vector<1x1x16xf32>,
        %get3A_352 = vector.shape_cast %get3A_351 : vector<1x1x16xf32> to vector<16xf32>
        %add3A_353 = arith.addf %get3A_346, %get3A_352 : vector<16xf32>
        %swap3A_354 = arith.constant 3 : i32
        %swap3A_355 = arith.index_cast %swap3A_354 : i32 to index
        %swap3A_356 = arith.index_cast %scan3A_262 : i32 to index
        %swap3A_357 = arith.constant 64 : index
        %swap3A_358 = tpu.vector_load %arg9[%swap3A_355, %swap3A_356, %swap3A_357] {strides = array<i32>} : memref<5x80x128xf32, #tpu.memory_space<vmem>>, vector<1x1x16xf32>,
        %swap3A_359 = vector.shape_cast %swap3A_358 : vector<1x1x16xf32> to vector<16xf32>
        %swap3A_360 = vector.shape_cast %add3A_353 : vector<16xf32> to vector<1x1x16xf32>
        tpu.vector_store %arg9[%swap3A_355, %swap3A_356, %swap3A_357], %swap3A_360 {strides = array<i32>} : memref<5x80x128xf32, #tpu.memory_space<vmem>>, vector<1x1x16xf32>,
        %get3A_361 = arith.constant 3 : i32
        %get3A_362 = arith.index_cast %get3A_361 : i32 to index
        %get3A_363 = arith.index_cast %scan3A_262 : i32 to index
        %get3A_364 = arith.constant 80 : index
        %get3A_365 = tpu.vector_load %arg9[%get3A_362, %get3A_363, %get3A_364] {strides = array<i32>} : memref<5x80x128xf32, #tpu.memory_space<vmem>>, vector<1x1x16xf32>,
        %get3A_366 = vector.shape_cast %get3A_365 : vector<1x1x16xf32> to vector<16xf32>
        %get3A_367 = arith.constant 3 : i32
        %get3A_368 = arith.index_cast %get3A_367 : i32 to index
        %get3A_369 = arith.index_cast %scan3A_262 : i32 to index
        %get3A_370 = arith.constant 80 : index
        %get3A_371 = tpu.vector_load %arg10[%get3A_368, %get3A_369, %get3A_370] {strides = array<i32>} : memref<5x80x128xf32, #tpu.memory_space<vmem>>, vector<1x1x16xf32>,
        %get3A_372 = vector.shape_cast %get3A_371 : vector<1x1x16xf32> to vector<16xf32>
        %add3A_373 = arith.addf %get3A_366, %get3A_372 : vector<16xf32>
        %swap3A_374 = arith.constant 3 : i32
        %swap3A_375 = arith.index_cast %swap3A_374 : i32 to index
        %swap3A_376 = arith.index_cast %scan3A_262 : i32 to index
        %swap3A_377 = arith.constant 80 : index
        %swap3A_378 = tpu.vector_load %arg9[%swap3A_375, %swap3A_376, %swap3A_377] {strides = array<i32>} : memref<5x80x128xf32, #tpu.memory_space<vmem>>, vector<1x1x16xf32>,
        %swap3A_379 = vector.shape_cast %swap3A_378 : vector<1x1x16xf32> to vector<16xf32>
        %swap3A_380 = vector.shape_cast %add3A_373 : vector<16xf32> to vector<1x1x16xf32>
        tpu.vector_store %arg9[%swap3A_375, %swap3A_376, %swap3A_377], %swap3A_380 {strides = array<i32>} : memref<5x80x128xf32, #tpu.memory_space<vmem>>, vector<1x1x16xf32>,
        %get3A_381 = arith.constant 3 : i32
        %get3A_382 = arith.index_cast %get3A_381 : i32 to index
        %get3A_383 = arith.index_cast %scan3A_262 : i32 to index
        %get3A_384 = arith.constant 96 : index
        %get3A_385 = tpu.vector_load %arg9[%get3A_382, %get3A_383, %get3A_384] {strides = array<i32>} : memref<5x80x128xf32, #tpu.memory_space<vmem>>, vector<1x1x16xf32>,
        %get3A_386 = vector.shape_cast %get3A_385 : vector<1x1x16xf32> to vector<16xf32>
        %get3A_387 = arith.constant 3 : i32
        %get3A_388 = arith.index_cast %get3A_387 : i32 to index
        %get3A_389 = arith.index_cast %scan3A_262 : i32 to index
        %get3A_390 = arith.constant 96 : index
        %get3A_391 = tpu.vector_load %arg10[%get3A_388, %get3A_389, %get3A_390] {strides = array<i32>} : memref<5x80x128xf32, #tpu.memory_space<vmem>>, vector<1x1x16xf32>,
        %get3A_392 = vector.shape_cast %get3A_391 : vector<1x1x16xf32> to vector<16xf32>
        %add3A_393 = arith.addf %get3A_386, %get3A_392 : vector<16xf32>
        %swap3A_394 = arith.constant 3 : i32
        %swap3A_395 = arith.index_cast %swap3A_394 : i32 to index
        %swap3A_396 = arith.index_cast %scan3A_262 : i32 to index
        %swap3A_397 = arith.constant 96 : index
        %swap3A_398 = tpu.vector_load %arg9[%swap3A_395, %swap3A_396, %swap3A_397] {strides = array<i32>} : memref<5x80x128xf32, #tpu.memory_space<vmem>>, vector<1x1x16xf32>,
        %swap3A_399 = vector.shape_cast %swap3A_398 : vector<1x1x16xf32> to vector<16xf32>
        %swap3A_400 = vector.shape_cast %add3A_393 : vector<16xf32> to vector<1x1x16xf32>
        tpu.vector_store %arg9[%swap3A_395, %swap3A_396, %swap3A_397], %swap3A_400 {strides = array<i32>} : memref<5x80x128xf32, #tpu.memory_space<vmem>>, vector<1x1x16xf32>,
        %get3A_401 = arith.constant 3 : i32
        %get3A_402 = arith.index_cast %get3A_401 : i32 to index
        %get3A_403 = arith.index_cast %scan3A_262 : i32 to index
        %get3A_404 = arith.constant 112 : index
        %get3A_405 = tpu.vector_load %arg9[%get3A_402, %get3A_403, %get3A_404] {strides = array<i32>} : memref<5x80x128xf32, #tpu.memory_space<vmem>>, vector<1x1x16xf32>,
        %get3A_406 = vector.shape_cast %get3A_405 : vector<1x1x16xf32> to vector<16xf32>
        %get3A_407 = arith.constant 3 : i32
        %get3A_408 = arith.index_cast %get3A_407 : i32 to index
        %get3A_409 = arith.index_cast %scan3A_262 : i32 to index
        %get3A_410 = arith.constant 112 : index
        %get3A_411 = tpu.vector_load %arg10[%get3A_408, %get3A_409, %get3A_410] {strides = array<i32>} : memref<5x80x128xf32, #tpu.memory_space<vmem>>, vector<1x1x16xf32>,
        %get3A_412 = vector.shape_cast %get3A_411 : vector<1x1x16xf32> to vector<16xf32>
        %add3A_413 = arith.addf %get3A_406, %get3A_412 : vector<16xf32>
        %swap3A_414 = arith.constant 3 : i32
        %swap3A_415 = arith.index_cast %swap3A_414 : i32 to index
        %swap3A_416 = arith.index_cast %scan3A_262 : i32 to index
        %swap3A_417 = arith.constant 112 : index
        %swap3A_418 = tpu.vector_load %arg9[%swap3A_415, %swap3A_416, %swap3A_417] {strides = array<i32>} : memref<5x80x128xf32, #tpu.memory_space<vmem>>, vector<1x1x16xf32>,
        %swap3A_419 = vector.shape_cast %swap3A_418 : vector<1x1x16xf32> to vector<16xf32>
        %swap3A_420 = vector.shape_cast %add3A_413 : vector<16xf32> to vector<1x1x16xf32>
        tpu.vector_store %arg9[%swap3A_415, %swap3A_416, %swap3A_417], %swap3A_420 {strides = array<i32>} : memref<5x80x128xf32, #tpu.memory_space<vmem>>, vector<1x1x16xf32>,
      }
      %scan3A_223 = arith.constant 80 : i32
      %dma_wait3A_224 = arith.constant 4 : i32
      %dma_wait3A_225 = arith.constant 0 : i32
      %dma_wait3A_226 = arith.constant 0 : i32
      %dma_wait3A_227 = tpu.memref_slice %arg9[%dma_wait3A_224, %dma_wait3A_225, %dma_wait3A_226] : memref<5x80x128xf32, #tpu.memory_space<vmem>> -> memref<1x80x128xf32, #tpu.memory_space<vmem>>
      %dma_wait3A_228 = tpu.memref_squeeze %dma_wait3A_227 : memref<1x80x128xf32, #tpu.memory_space<vmem>> -> memref<80x128xf32, #tpu.memory_space<vmem>>
      %dma_wait3A_229 = arith.constant 320 : i32
      %dma_wait3A_230 = tpu.memref_slice %arg7[%dma_wait3A_229] : memref<400xi32, #tpu.memory_space<vmem>> -> memref<80xi32, #tpu.memory_space<vmem>>
      %dma_wait3A_231 = arith.constant 0 : i32
      %dma_wait3A_232 = arith.constant 0 : i32
      %dma_wait3A_233 = tpu.memref_slice %arg4[%dma_wait3A_231, %dma_wait3A_232] : memref<10000x128xf32, #tpu.memory_space<hbm>> -> memref<10000x128xf32, #tpu.memory_space<hbm>>
      tpu.wait_indirect_dma semaphore(%arg17 : memref<!tpu.dma_semaphore, #tpu.memory_space<semaphore_mem>>) src(%dma_wait3A_233 : memref<10000x128xf32, #tpu.memory_space<hbm>>) dst(%dma_wait3A_228 : memref<80x128xf32, #tpu.memory_space<vmem>>)
      %dma_wait3A_234 = arith.constant 4 : i32
      %dma_wait3A_235 = arith.constant 0 : i32
      %dma_wait3A_236 = arith.constant 0 : i32
      %dma_wait3A_237 = tpu.memref_slice %arg10[%dma_wait3A_234, %dma_wait3A_235, %dma_wait3A_236] : memref<5x80x128xf32, #tpu.memory_space<vmem>> -> memref<1x80x128xf32, #tpu.memory_space<vmem>>
      %dma_wait3A_238 = tpu.memref_squeeze %dma_wait3A_237 : memref<1x80x128xf32, #tpu.memory_space<vmem>> -> memref<80x128xf32, #tpu.memory_space<vmem>>
      %dma_wait3A_239 = arith.constant 320 : i32
      %dma_wait3A_240 = tpu.memref_slice %arg8[%dma_wait3A_239] : memref<400xi32, #tpu.memory_space<vmem>> -> memref<80xi32, #tpu.memory_space<vmem>>
      %dma_wait3A_241 = arith.constant 0 : i32
      %dma_wait3A_242 = arith.constant 0 : i32
      %dma_wait3A_243 = tpu.memref_slice %arg5[%dma_wait3A_241, %dma_wait3A_242] : memref<10000x128xf32, #tpu.memory_space<hbm>> -> memref<10000x128xf32, #tpu.memory_space<hbm>>
      tpu.wait_indirect_dma semaphore(%arg17 : memref<!tpu.dma_semaphore, #tpu.memory_space<semaphore_mem>>) src(%dma_wait3A_243 : memref<10000x128xf32, #tpu.memory_space<hbm>>) dst(%dma_wait3A_238 : memref<80x128xf32, #tpu.memory_space<vmem>>)
      %scan3A_244 = arith.constant 0 : i32
      %scan3A_245 = arith.constant 0 : i32
      %scan3A_246 = arith.constant 80 : i32
      %scan3A_247 = arith.addi %scan3A_245, %scan3A_246 : i32
      %scan3A_248 = arith.constant 1 : i32
      scf.for %scan3A_262 = %scan3A_245 to %scan3A_247 step %scan3A_248  : i32 {
        %get3A = arith.constant 4 : i32
        %get3A_263 = arith.index_cast %get3A : i32 to index
        %get3A_264 = arith.index_cast %scan3A_262 : i32 to index
        %get3A_265 = arith.constant 0 : index
        %get3A_266 = tpu.vector_load %arg9[%get3A_263, %get3A_264, %get3A_265] {strides = array<i32>} : memref<5x80x128xf32, #tpu.memory_space<vmem>>, vector<1x1x16xf32>,
        %get3A_267 = vector.shape_cast %get3A_266 : vector<1x1x16xf32> to vector<16xf32>
        %get3A_268 = arith.constant 4 : i32
        %get3A_269 = arith.index_cast %get3A_268 : i32 to index
        %get3A_270 = arith.index_cast %scan3A_262 : i32 to index
        %get3A_271 = arith.constant 0 : index
        %get3A_272 = tpu.vector_load %arg10[%get3A_269, %get3A_270, %get3A_271] {strides = array<i32>} : memref<5x80x128xf32, #tpu.memory_space<vmem>>, vector<1x1x16xf32>,
        %get3A_273 = vector.shape_cast %get3A_272 : vector<1x1x16xf32> to vector<16xf32>
        %add3A_274 = arith.addf %get3A_267, %get3A_273 : vector<16xf32>
        %swap3A = arith.constant 4 : i32
        %swap3A_275 = arith.index_cast %swap3A : i32 to index
        %swap3A_276 = arith.index_cast %scan3A_262 : i32 to index
        %swap3A_277 = arith.constant 0 : index
        %swap3A_278 = tpu.vector_load %arg9[%swap3A_275, %swap3A_276, %swap3A_277] {strides = array<i32>} : memref<5x80x128xf32, #tpu.memory_space<vmem>>, vector<1x1x16xf32>,
        %swap3A_279 = vector.shape_cast %swap3A_278 : vector<1x1x16xf32> to vector<16xf32>
        %swap3A_280 = vector.shape_cast %add3A_274 : vector<16xf32> to vector<1x1x16xf32>
        tpu.vector_store %arg9[%swap3A_275, %swap3A_276, %swap3A_277], %swap3A_280 {strides = array<i32>} : memref<5x80x128xf32, #tpu.memory_space<vmem>>, vector<1x1x16xf32>,
        %get3A_281 = arith.constant 4 : i32
        %get3A_282 = arith.index_cast %get3A_281 : i32 to index
        %get3A_283 = arith.index_cast %scan3A_262 : i32 to index
        %get3A_284 = arith.constant 16 : index
        %get3A_285 = tpu.vector_load %arg9[%get3A_282, %get3A_283, %get3A_284] {strides = array<i32>} : memref<5x80x128xf32, #tpu.memory_space<vmem>>, vector<1x1x16xf32>,
        %get3A_286 = vector.shape_cast %get3A_285 : vector<1x1x16xf32> to vector<16xf32>
        %get3A_287 = arith.constant 4 : i32
        %get3A_288 = arith.index_cast %get3A_287 : i32 to index
        %get3A_289 = arith.index_cast %scan3A_262 : i32 to index
        %get3A_290 = arith.constant 16 : index
        %get3A_291 = tpu.vector_load %arg10[%get3A_288, %get3A_289, %get3A_290] {strides = array<i32>} : memref<5x80x128xf32, #tpu.memory_space<vmem>>, vector<1x1x16xf32>,
        %get3A_292 = vector.shape_cast %get3A_291 : vector<1x1x16xf32> to vector<16xf32>
        %add3A_293 = arith.addf %get3A_286, %get3A_292 : vector<16xf32>
        %swap3A_294 = arith.constant 4 : i32
        %swap3A_295 = arith.index_cast %swap3A_294 : i32 to index
        %swap3A_296 = arith.index_cast %scan3A_262 : i32 to index
        %swap3A_297 = arith.constant 16 : index
        %swap3A_298 = tpu.vector_load %arg9[%swap3A_295, %swap3A_296, %swap3A_297] {strides = array<i32>} : memref<5x80x128xf32, #tpu.memory_space<vmem>>, vector<1x1x16xf32>,
        %swap3A_299 = vector.shape_cast %swap3A_298 : vector<1x1x16xf32> to vector<16xf32>
        %swap3A_300 = vector.shape_cast %add3A_293 : vector<16xf32> to vector<1x1x16xf32>
        tpu.vector_store %arg9[%swap3A_295, %swap3A_296, %swap3A_297], %swap3A_300 {strides = array<i32>} : memref<5x80x128xf32, #tpu.memory_space<vmem>>, vector<1x1x16xf32>,
        %get3A_301 = arith.constant 4 : i32
        %get3A_302 = arith.index_cast %get3A_301 : i32 to index
        %get3A_303 = arith.index_cast %scan3A_262 : i32 to index
        %get3A_304 = arith.constant 32 : index
        %get3A_305 = tpu.vector_load %arg9[%get3A_302, %get3A_303, %get3A_304] {strides = array<i32>} : memref<5x80x128xf32, #tpu.memory_space<vmem>>, vector<1x1x16xf32>,
        %get3A_306 = vector.shape_cast %get3A_305 : vector<1x1x16xf32> to vector<16xf32>
        %get3A_307 = arith.constant 4 : i32
        %get3A_308 = arith.index_cast %get3A_307 : i32 to index
        %get3A_309 = arith.index_cast %scan3A_262 : i32 to index
        %get3A_310 = arith.constant 32 : index
        %get3A_311 = tpu.vector_load %arg10[%get3A_308, %get3A_309, %get3A_310] {strides = array<i32>} : memref<5x80x128xf32, #tpu.memory_space<vmem>>, vector<1x1x16xf32>,
        %get3A_312 = vector.shape_cast %get3A_311 : vector<1x1x16xf32> to vector<16xf32>
        %add3A_313 = arith.addf %get3A_306, %get3A_312 : vector<16xf32>
        %swap3A_314 = arith.constant 4 : i32
        %swap3A_315 = arith.index_cast %swap3A_314 : i32 to index
        %swap3A_316 = arith.index_cast %scan3A_262 : i32 to index
        %swap3A_317 = arith.constant 32 : index
        %swap3A_318 = tpu.vector_load %arg9[%swap3A_315, %swap3A_316, %swap3A_317] {strides = array<i32>} : memref<5x80x128xf32, #tpu.memory_space<vmem>>, vector<1x1x16xf32>,
        %swap3A_319 = vector.shape_cast %swap3A_318 : vector<1x1x16xf32> to vector<16xf32>
        %swap3A_320 = vector.shape_cast %add3A_313 : vector<16xf32> to vector<1x1x16xf32>
        tpu.vector_store %arg9[%swap3A_315, %swap3A_316, %swap3A_317], %swap3A_320 {strides = array<i32>} : memref<5x80x128xf32, #tpu.memory_space<vmem>>, vector<1x1x16xf32>,
        %get3A_321 = arith.constant 4 : i32
        %get3A_322 = arith.index_cast %get3A_321 : i32 to index
        %get3A_323 = arith.index_cast %scan3A_262 : i32 to index
        %get3A_324 = arith.constant 48 : index
        %get3A_325 = tpu.vector_load %arg9[%get3A_322, %get3A_323, %get3A_324] {strides = array<i32>} : memref<5x80x128xf32, #tpu.memory_space<vmem>>, vector<1x1x16xf32>,
        %get3A_326 = vector.shape_cast %get3A_325 : vector<1x1x16xf32> to vector<16xf32>
        %get3A_327 = arith.constant 4 : i32
        %get3A_328 = arith.index_cast %get3A_327 : i32 to index
        %get3A_329 = arith.index_cast %scan3A_262 : i32 to index
        %get3A_330 = arith.constant 48 : index
        %get3A_331 = tpu.vector_load %arg10[%get3A_328, %get3A_329, %get3A_330] {strides = array<i32>} : memref<5x80x128xf32, #tpu.memory_space<vmem>>, vector<1x1x16xf32>,
        %get3A_332 = vector.shape_cast %get3A_331 : vector<1x1x16xf32> to vector<16xf32>
        %add3A_333 = arith.addf %get3A_326, %get3A_332 : vector<16xf32>
        %swap3A_334 = arith.constant 4 : i32
        %swap3A_335 = arith.index_cast %swap3A_334 : i32 to index
        %swap3A_336 = arith.index_cast %scan3A_262 : i32 to index
        %swap3A_337 = arith.constant 48 : index
        %swap3A_338 = tpu.vector_load %arg9[%swap3A_335, %swap3A_336, %swap3A_337] {strides = array<i32>} : memref<5x80x128xf32, #tpu.memory_space<vmem>>, vector<1x1x16xf32>,
        %swap3A_339 = vector.shape_cast %swap3A_338 : vector<1x1x16xf32> to vector<16xf32>
        %swap3A_340 = vector.shape_cast %add3A_333 : vector<16xf32> to vector<1x1x16xf32>
        tpu.vector_store %arg9[%swap3A_335, %swap3A_336, %swap3A_337], %swap3A_340 {strides = array<i32>} : memref<5x80x128xf32, #tpu.memory_space<vmem>>, vector<1x1x16xf32>,
        %get3A_341 = arith.constant 4 : i32
        %get3A_342 = arith.index_cast %get3A_341 : i32 to index
        %get3A_343 = arith.index_cast %scan3A_262 : i32 to index
        %get3A_344 = arith.constant 64 : index
        %get3A_345 = tpu.vector_load %arg9[%get3A_342, %get3A_343, %get3A_344] {strides = array<i32>} : memref<5x80x128xf32, #tpu.memory_space<vmem>>, vector<1x1x16xf32>,
        %get3A_346 = vector.shape_cast %get3A_345 : vector<1x1x16xf32> to vector<16xf32>
        %get3A_347 = arith.constant 4 : i32
        %get3A_348 = arith.index_cast %get3A_347 : i32 to index
        %get3A_349 = arith.index_cast %scan3A_262 : i32 to index
        %get3A_350 = arith.constant 64 : index
        %get3A_351 = tpu.vector_load %arg10[%get3A_348, %get3A_349, %get3A_350] {strides = array<i32>} : memref<5x80x128xf32, #tpu.memory_space<vmem>>, vector<1x1x16xf32>,
        %get3A_352 = vector.shape_cast %get3A_351 : vector<1x1x16xf32> to vector<16xf32>
        %add3A_353 = arith.addf %get3A_346, %get3A_352 : vector<16xf32>
        %swap3A_354 = arith.constant 4 : i32
        %swap3A_355 = arith.index_cast %swap3A_354 : i32 to index
        %swap3A_356 = arith.index_cast %scan3A_262 : i32 to index
        %swap3A_357 = arith.constant 64 : index
        %swap3A_358 = tpu.vector_load %arg9[%swap3A_355, %swap3A_356, %swap3A_357] {strides = array<i32>} : memref<5x80x128xf32, #tpu.memory_space<vmem>>, vector<1x1x16xf32>,
        %swap3A_359 = vector.shape_cast %swap3A_358 : vector<1x1x16xf32> to vector<16xf32>
        %swap3A_360 = vector.shape_cast %add3A_353 : vector<16xf32> to vector<1x1x16xf32>
        tpu.vector_store %arg9[%swap3A_355, %swap3A_356, %swap3A_357], %swap3A_360 {strides = array<i32>} : memref<5x80x128xf32, #tpu.memory_space<vmem>>, vector<1x1x16xf32>,
        %get3A_361 = arith.constant 4 : i32
        %get3A_362 = arith.index_cast %get3A_361 : i32 to index
        %get3A_363 = arith.index_cast %scan3A_262 : i32 to index
        %get3A_364 = arith.constant 80 : index
        %get3A_365 = tpu.vector_load %arg9[%get3A_362, %get3A_363, %get3A_364] {strides = array<i32>} : memref<5x80x128xf32, #tpu.memory_space<vmem>>, vector<1x1x16xf32>,
        %get3A_366 = vector.shape_cast %get3A_365 : vector<1x1x16xf32> to vector<16xf32>
        %get3A_367 = arith.constant 4 : i32
        %get3A_368 = arith.index_cast %get3A_367 : i32 to index
        %get3A_369 = arith.index_cast %scan3A_262 : i32 to index
        %get3A_370 = arith.constant 80 : index
        %get3A_371 = tpu.vector_load %arg10[%get3A_368, %get3A_369, %get3A_370] {strides = array<i32>} : memref<5x80x128xf32, #tpu.memory_space<vmem>>, vector<1x1x16xf32>,
        %get3A_372 = vector.shape_cast %get3A_371 : vector<1x1x16xf32> to vector<16xf32>
        %add3A_373 = arith.addf %get3A_366, %get3A_372 : vector<16xf32>
        %swap3A_374 = arith.constant 4 : i32
        %swap3A_375 = arith.index_cast %swap3A_374 : i32 to index
        %swap3A_376 = arith.index_cast %scan3A_262 : i32 to index
        %swap3A_377 = arith.constant 80 : index
        %swap3A_378 = tpu.vector_load %arg9[%swap3A_375, %swap3A_376, %swap3A_377] {strides = array<i32>} : memref<5x80x128xf32, #tpu.memory_space<vmem>>, vector<1x1x16xf32>,
        %swap3A_379 = vector.shape_cast %swap3A_378 : vector<1x1x16xf32> to vector<16xf32>
        %swap3A_380 = vector.shape_cast %add3A_373 : vector<16xf32> to vector<1x1x16xf32>
        tpu.vector_store %arg9[%swap3A_375, %swap3A_376, %swap3A_377], %swap3A_380 {strides = array<i32>} : memref<5x80x128xf32, #tpu.memory_space<vmem>>, vector<1x1x16xf32>,
        %get3A_381 = arith.constant 4 : i32
        %get3A_382 = arith.index_cast %get3A_381 : i32 to index
        %get3A_383 = arith.index_cast %scan3A_262 : i32 to index
        %get3A_384 = arith.constant 96 : index
        %get3A_385 = tpu.vector_load %arg9[%get3A_382, %get3A_383, %get3A_384] {strides = array<i32>} : memref<5x80x128xf32, #tpu.memory_space<vmem>>, vector<1x1x16xf32>,
        %get3A_386 = vector.shape_cast %get3A_385 : vector<1x1x16xf32> to vector<16xf32>
        %get3A_387 = arith.constant 4 : i32
        %get3A_388 = arith.index_cast %get3A_387 : i32 to index
        %get3A_389 = arith.index_cast %scan3A_262 : i32 to index
        %get3A_390 = arith.constant 96 : index
        %get3A_391 = tpu.vector_load %arg10[%get3A_388, %get3A_389, %get3A_390] {strides = array<i32>} : memref<5x80x128xf32, #tpu.memory_space<vmem>>, vector<1x1x16xf32>,
        %get3A_392 = vector.shape_cast %get3A_391 : vector<1x1x16xf32> to vector<16xf32>
        %add3A_393 = arith.addf %get3A_386, %get3A_392 : vector<16xf32>
        %swap3A_394 = arith.constant 4 : i32
        %swap3A_395 = arith.index_cast %swap3A_394 : i32 to index
        %swap3A_396 = arith.index_cast %scan3A_262 : i32 to index
        %swap3A_397 = arith.constant 96 : index
        %swap3A_398 = tpu.vector_load %arg9[%swap3A_395, %swap3A_396, %swap3A_397] {strides = array<i32>} : memref<5x80x128xf32, #tpu.memory_space<vmem>>, vector<1x1x16xf32>,
        %swap3A_399 = vector.shape_cast %swap3A_398 : vector<1x1x16xf32> to vector<16xf32>
        %swap3A_400 = vector.shape_cast %add3A_393 : vector<16xf32> to vector<1x1x16xf32>
        tpu.vector_store %arg9[%swap3A_395, %swap3A_396, %swap3A_397], %swap3A_400 {strides = array<i32>} : memref<5x80x128xf32, #tpu.memory_space<vmem>>, vector<1x1x16xf32>,
        %get3A_401 = arith.constant 4 : i32
        %get3A_402 = arith.index_cast %get3A_401 : i32 to index
        %get3A_403 = arith.index_cast %scan3A_262 : i32 to index
        %get3A_404 = arith.constant 112 : index
        %get3A_405 = tpu.vector_load %arg9[%get3A_402, %get3A_403, %get3A_404] {strides = array<i32>} : memref<5x80x128xf32, #tpu.memory_space<vmem>>, vector<1x1x16xf32>,
        %get3A_406 = vector.shape_cast %get3A_405 : vector<1x1x16xf32> to vector<16xf32>
        %get3A_407 = arith.constant 4 : i32
        %get3A_408 = arith.index_cast %get3A_407 : i32 to index
        %get3A_409 = arith.index_cast %scan3A_262 : i32 to index
        %get3A_410 = arith.constant 112 : index
        %get3A_411 = tpu.vector_load %arg10[%get3A_408, %get3A_409, %get3A_410] {strides = array<i32>} : memref<5x80x128xf32, #tpu.memory_space<vmem>>, vector<1x1x16xf32>,
        %get3A_412 = vector.shape_cast %get3A_411 : vector<1x1x16xf32> to vector<16xf32>
        %add3A_413 = arith.addf %get3A_406, %get3A_412 : vector<16xf32>
        %swap3A_414 = arith.constant 4 : i32
        %swap3A_415 = arith.index_cast %swap3A_414 : i32 to index
        %swap3A_416 = arith.index_cast %scan3A_262 : i32 to index
        %swap3A_417 = arith.constant 112 : index
        %swap3A_418 = tpu.vector_load %arg9[%swap3A_415, %swap3A_416, %swap3A_417] {strides = array<i32>} : memref<5x80x128xf32, #tpu.memory_space<vmem>>, vector<1x1x16xf32>,
        %swap3A_419 = vector.shape_cast %swap3A_418 : vector<1x1x16xf32> to vector<16xf32>
        %swap3A_420 = vector.shape_cast %add3A_413 : vector<16xf32> to vector<1x1x16xf32>
        tpu.vector_store %arg9[%swap3A_415, %swap3A_416, %swap3A_417], %swap3A_420 {strides = array<i32>} : memref<5x80x128xf32, #tpu.memory_space<vmem>>, vector<1x1x16xf32>,
      }
      %scan3A_249 = arith.constant 80 : i32
      %dma_start3A_250 = arith.constant 0 : i32
      %dma_start3A_251 = arith.constant 0 : i32
      %dma_start3A_252 = tpu.memref_slice %arg6[%add3A_11, %dma_start3A_250, %dma_start3A_251] : memref<4000x80x128xf32, #tpu.memory_space<hbm>> -> memref<5x80x128xf32, #tpu.memory_space<hbm>>
      %dma_start3A_253 = arith.constant 0 : i32
      %dma_start3A_254 = arith.constant 0 : i32
      %dma_start3A_255 = tpu.memref_slice %arg6[%add3A_11, %dma_start3A_253, %dma_start3A_254] : memref<4000x80x128xf32, #tpu.memory_space<hbm>> -> memref<5x80x128xf32, #tpu.memory_space<hbm>>
      tpu.enqueue_dma source(%arg9 : memref<5x80x128xf32, #tpu.memory_space<vmem>>) target(%dma_start3A_255 : memref<5x80x128xf32, #tpu.memory_space<hbm>>) target_semaphore(%arg12 : memref<!tpu.dma_semaphore, #tpu.memory_space<semaphore_mem>>)
      %dma_wait3A_256 = arith.constant 0 : i32
      %dma_wait3A_257 = arith.constant 0 : i32
      %dma_wait3A_258 = tpu.memref_slice %arg6[%add3A_11, %dma_wait3A_256, %dma_wait3A_257] : memref<4000x80x128xf32, #tpu.memory_space<hbm>> -> memref<5x80x128xf32, #tpu.memory_space<hbm>>
      %dma_wait3A_259 = arith.constant 0 : i32
      %dma_wait3A_260 = arith.constant 0 : i32
      %dma_wait3A_261 = tpu.memref_slice %arg6[%add3A_11, %dma_wait3A_259, %dma_wait3A_260] : memref<4000x80x128xf32, #tpu.memory_space<hbm>> -> memref<5x80x128xf32, #tpu.memory_space<hbm>>
      tpu.wait_dma2 semaphore(%arg12 : memref<!tpu.dma_semaphore, #tpu.memory_space<semaphore_mem>>) src(%arg9 : memref<5x80x128xf32, #tpu.memory_space<vmem>>) dst(%dma_wait3A_261 : memref<5x80x128xf32, #tpu.memory_space<hbm>>)
    }
    %scan3A_5 = arith.constant 25 : i32
    return
  }
}

#map = affine_map<(d0, d1) -> (0)>
#map1 = affine_map<(d0, d1) -> (0, 0)>
module attributes {stable_mosaic.version = 14 : i64} {
  func.func @body(%arg0: i32, %arg1: i32, %arg2: memref<320000xi32, #tpu.memory_space<hbm>>, %arg3: memref<320000xi32, #tpu.memory_space<hbm>>, %arg4: memref<320000x16xf32, #tpu.memory_space<hbm>>, %arg5: memref<10000x128xf32, #tpu.memory_space<hbm>>, %arg6: memref<10000x128xf32, #tpu.memory_space<hbm>>, %arg7: memref<20000x128xf32, #tpu.memory_space<hbm>>, %arg8: memref<20000x128xf32, #tpu.memory_space<hbm>>, %arg9: memref<200xi32, #tpu.memory_space<vmem>>, %arg10: memref<5x40xi32, #tpu.memory_space<vmem>>, %arg11: memref<2x40x16xf32, #tpu.memory_space<vmem>>, %arg12: memref<5x40x128xf32, #tpu.memory_space<vmem>>, %arg13: memref<10000x128xf32, #tpu.memory_space<vmem_shared>>, %arg14: memref<!tpu.dma_semaphore, #tpu.memory_space<semaphore_mem>>, %arg15: memref<!tpu.dma_semaphore, #tpu.memory_space<semaphore_mem>>, %arg16: memref<!tpu.dma_semaphore, #tpu.memory_space<semaphore_mem>>, %arg17: memref<!tpu.dma_semaphore, #tpu.memory_space<semaphore_mem>>, %arg18: memref<!tpu.dma_semaphore, #tpu.memory_space<semaphore_mem>>, %arg19: memref<!tpu.dma_semaphore, #tpu.memory_space<semaphore_mem>>, %arg20: memref<!tpu.dma_semaphore, #tpu.memory_space<semaphore_mem>>, %arg21: memref<!tpu.dma_semaphore, #tpu.memory_space<semaphore_mem>>, %arg22: memref<!tpu.dma_semaphore, #tpu.memory_space<semaphore_mem>>) attributes {dimension_semantics = [#tpu.dimension_semantics<core_parallel>, #tpu.dimension_semantics<subcore_parallel>], iteration_bounds = array<i64: 2, 16>, scalar_prefetch = 0 : i64, scratch_operands = 14 : i64, tpu.core_type = #tpu.core_type<sc_vector_subcore>, window_params = [{transform_indices = #map}, {transform_indices = #map}, {transform_indices = #map1}, {transform_indices = #map1}, {transform_indices = #map1}, {transform_indices = #map1}, {transform_indices = #map1}]} {
    %mul3A = arith.constant 2 : i32
    %mul3A_0 = arith.muli %arg1, %mul3A : i32
    %add3A = arith.addi %mul3A_0, %arg0 : i32
    %mul3A_1 = arith.constant 624 : i32
    %mul3A_2 = arith.muli %arg1, %mul3A_1 : i32
    %eq3A = arith.constant 0 : i32
    %eq3A_3 = arith.cmpi eq, %arg1, %eq3A : i32
    %jit3A = arith.constant 9984 : i32
    %select_n3A = arith.select %eq3A_3, %jit3A, %mul3A_2 : i32
    "tpu.region"() ({
      %run_scoped3A = tpu.sem_alloc : memref<!tpu.dma_semaphore, #tpu.memory_space<semaphore_mem>>
      %dma_start3A = arith.constant 0 : i32
      %dma_start3A_38 = tpu.memref_slice %arg13[%mul3A_2, %dma_start3A] : memref<10000x128xf32, #tpu.memory_space<vmem_shared>> -> memref<624x128xf32, #tpu.memory_space<vmem_shared>>
      %dma_start3A_39 = arith.constant 0 : i32
      %dma_start3A_40 = tpu.memref_slice %arg6[%mul3A_2, %dma_start3A_39] : memref<10000x128xf32, #tpu.memory_space<hbm>> -> memref<624x128xf32, #tpu.memory_space<hbm>>
      tpu.enqueue_dma source(%dma_start3A_40 : memref<624x128xf32, #tpu.memory_space<hbm>>) target(%dma_start3A_38 : memref<624x128xf32, #tpu.memory_space<vmem_shared>>) target_semaphore(%run_scoped3A : memref<!tpu.dma_semaphore, #tpu.memory_space<semaphore_mem>>)
      %dma_wait3A = arith.constant 0 : i32
      %dma_wait3A_41 = tpu.memref_slice %arg13[%mul3A_2, %dma_wait3A] : memref<10000x128xf32, #tpu.memory_space<vmem_shared>> -> memref<624x128xf32, #tpu.memory_space<vmem_shared>>
      %dma_wait3A_42 = arith.constant 0 : i32
      %dma_wait3A_43 = tpu.memref_slice %arg6[%mul3A_2, %dma_wait3A_42] : memref<10000x128xf32, #tpu.memory_space<hbm>> -> memref<624x128xf32, #tpu.memory_space<hbm>>
      tpu.wait_dma2 semaphore(%run_scoped3A : memref<!tpu.dma_semaphore, #tpu.memory_space<semaphore_mem>>) src(%dma_wait3A_43 : memref<624x128xf32, #tpu.memory_space<hbm>>) dst(%dma_wait3A_41 : memref<624x128xf32, #tpu.memory_space<vmem_shared>>)
      tpu.yield
    }) : () -> ()
    "tpu.region"() ({
      %run_scoped3A = tpu.sem_alloc : memref<!tpu.dma_semaphore, #tpu.memory_space<semaphore_mem>>
      %dma_start3A = arith.constant 0 : i32
      %dma_start3A_38 = tpu.memref_slice %arg13[%select_n3A, %dma_start3A] : memref<10000x128xf32, #tpu.memory_space<vmem_shared>> -> memref<16x128xf32, #tpu.memory_space<vmem_shared>>
      %dma_start3A_39 = arith.constant 0 : i32
      %dma_start3A_40 = tpu.memref_slice %arg6[%select_n3A, %dma_start3A_39] : memref<10000x128xf32, #tpu.memory_space<hbm>> -> memref<16x128xf32, #tpu.memory_space<hbm>>
      tpu.enqueue_dma source(%dma_start3A_40 : memref<16x128xf32, #tpu.memory_space<hbm>>) target(%dma_start3A_38 : memref<16x128xf32, #tpu.memory_space<vmem_shared>>) target_semaphore(%run_scoped3A : memref<!tpu.dma_semaphore, #tpu.memory_space<semaphore_mem>>)
      %dma_wait3A = arith.constant 0 : i32
      %dma_wait3A_41 = tpu.memref_slice %arg13[%select_n3A, %dma_wait3A] : memref<10000x128xf32, #tpu.memory_space<vmem_shared>> -> memref<16x128xf32, #tpu.memory_space<vmem_shared>>
      %dma_wait3A_42 = arith.constant 0 : i32
      %dma_wait3A_43 = tpu.memref_slice %arg6[%select_n3A, %dma_wait3A_42] : memref<10000x128xf32, #tpu.memory_space<hbm>> -> memref<16x128xf32, #tpu.memory_space<hbm>>
      tpu.wait_dma2 semaphore(%run_scoped3A : memref<!tpu.dma_semaphore, #tpu.memory_space<semaphore_mem>>) src(%dma_wait3A_43 : memref<16x128xf32, #tpu.memory_space<hbm>>) dst(%dma_wait3A_41 : memref<16x128xf32, #tpu.memory_space<vmem_shared>>)
      tpu.yield
    }) : () -> ()
    %barrier3A = arith.constant 0 : index
    tpu.barrier barrier_id(%barrier3A)
    %scan3A = arith.constant 0 : i32
    %scan3A_4 = arith.constant 0 : i32
    %scan3A_5 = arith.constant 50 : i32
    %scan3A_6 = arith.addi %scan3A_4, %scan3A_5 : i32
    %scan3A_7 = arith.constant 1 : i32
    scf.for %scan3A_38 = %scan3A_4 to %scan3A_6 step %scan3A_7  : i32 {
      %mul3A_39 = arith.constant 250 : i32
      %mul3A_40 = arith.muli %add3A, %mul3A_39 : i32
      %mul3A_41 = arith.constant 5 : i32
      %mul3A_42 = arith.muli %scan3A_38, %mul3A_41 : i32
      %add3A_43 = arith.addi %mul3A_40, %mul3A_42 : i32
      %mul3A_44 = arith.constant 40 : i32
      %mul3A_45 = arith.muli %add3A_43, %mul3A_44 : i32
      %dma_start3A = tpu.memref_slice %arg2[%mul3A_45] : memref<320000xi32, #tpu.memory_space<hbm>> -> memref<200xi32, #tpu.memory_space<hbm>>
      %dma_start3A_46 = tpu.memref_slice %arg2[%mul3A_45] : memref<320000xi32, #tpu.memory_space<hbm>> -> memref<200xi32, #tpu.memory_space<hbm>>
      tpu.enqueue_dma source(%dma_start3A_46 : memref<200xi32, #tpu.memory_space<hbm>>) target(%arg9 : memref<200xi32, #tpu.memory_space<vmem>>) target_semaphore(%arg14 : memref<!tpu.dma_semaphore, #tpu.memory_space<semaphore_mem>>)
      %add3A_47 = arith.constant 0 : i32
      %add3A_48 = arith.addi %mul3A_45, %add3A_47 : i32
      %dma_start3A_49 = arith.constant 0 : i32
      %dma_start3A_50 = arith.constant 0 : i32
      %dma_start3A_51 = tpu.memref_slice %arg10[%dma_start3A_49, %dma_start3A_50] : memref<5x40xi32, #tpu.memory_space<vmem>> -> memref<1x40xi32, #tpu.memory_space<vmem>>
      %dma_start3A_52 = tpu.memref_squeeze %dma_start3A_51 : memref<1x40xi32, #tpu.memory_space<vmem>> -> memref<40xi32, #tpu.memory_space<vmem>>
      %dma_start3A_53 = tpu.memref_slice %arg3[%add3A_48] : memref<320000xi32, #tpu.memory_space<hbm>> -> memref<40xi32, #tpu.memory_space<hbm>>
      %dma_start3A_54 = arith.constant 0 : i32
      %dma_start3A_55 = tpu.memref_slice %arg10[%dma_start3A_49, %dma_start3A_54] : memref<5x40xi32, #tpu.memory_space<vmem>> -> memref<1x40xi32, #tpu.memory_space<vmem>>
      %dma_start3A_56 = tpu.memref_squeeze %dma_start3A_55 : memref<1x40xi32, #tpu.memory_space<vmem>> -> memref<40xi32, #tpu.memory_space<vmem>>
      %dma_start3A_57 = tpu.memref_slice %arg3[%add3A_48] : memref<320000xi32, #tpu.memory_space<hbm>> -> memref<40xi32, #tpu.memory_space<hbm>>
      tpu.enqueue_dma source(%dma_start3A_57 : memref<40xi32, #tpu.memory_space<hbm>>) target(%dma_start3A_56 : memref<40xi32, #tpu.memory_space<vmem>>) target_semaphore(%arg14 : memref<!tpu.dma_semaphore, #tpu.memory_space<semaphore_mem>>)
      %add3A_58 = arith.constant 40 : i32
      %add3A_59 = arith.addi %mul3A_45, %add3A_58 : i32
      %dma_start3A_60 = arith.constant 1 : i32
      %dma_start3A_61 = arith.constant 0 : i32
      %dma_start3A_62 = tpu.memref_slice %arg10[%dma_start3A_60, %dma_start3A_61] : memref<5x40xi32, #tpu.memory_space<vmem>> -> memref<1x40xi32, #tpu.memory_space<vmem>>
      %dma_start3A_63 = tpu.memref_squeeze %dma_start3A_62 : memref<1x40xi32, #tpu.memory_space<vmem>> -> memref<40xi32, #tpu.memory_space<vmem>>
      %dma_start3A_64 = tpu.memref_slice %arg3[%add3A_59] : memref<320000xi32, #tpu.memory_space<hbm>> -> memref<40xi32, #tpu.memory_space<hbm>>
      %dma_start3A_65 = arith.constant 0 : i32
      %dma_start3A_66 = tpu.memref_slice %arg10[%dma_start3A_60, %dma_start3A_65] : memref<5x40xi32, #tpu.memory_space<vmem>> -> memref<1x40xi32, #tpu.memory_space<vmem>>
      %dma_start3A_67 = tpu.memref_squeeze %dma_start3A_66 : memref<1x40xi32, #tpu.memory_space<vmem>> -> memref<40xi32, #tpu.memory_space<vmem>>
      %dma_start3A_68 = tpu.memref_slice %arg3[%add3A_59] : memref<320000xi32, #tpu.memory_space<hbm>> -> memref<40xi32, #tpu.memory_space<hbm>>
      tpu.enqueue_dma source(%dma_start3A_68 : memref<40xi32, #tpu.memory_space<hbm>>) target(%dma_start3A_67 : memref<40xi32, #tpu.memory_space<vmem>>) target_semaphore(%arg14 : memref<!tpu.dma_semaphore, #tpu.memory_space<semaphore_mem>>)
      %add3A_69 = arith.constant 80 : i32
      %add3A_70 = arith.addi %mul3A_45, %add3A_69 : i32
      %dma_start3A_71 = arith.constant 2 : i32
      %dma_start3A_72 = arith.constant 0 : i32
      %dma_start3A_73 = tpu.memref_slice %arg10[%dma_start3A_71, %dma_start3A_72] : memref<5x40xi32, #tpu.memory_space<vmem>> -> memref<1x40xi32, #tpu.memory_space<vmem>>
      %dma_start3A_74 = tpu.memref_squeeze %dma_start3A_73 : memref<1x40xi32, #tpu.memory_space<vmem>> -> memref<40xi32, #tpu.memory_space<vmem>>
      %dma_start3A_75 = tpu.memref_slice %arg3[%add3A_70] : memref<320000xi32, #tpu.memory_space<hbm>> -> memref<40xi32, #tpu.memory_space<hbm>>
      %dma_start3A_76 = arith.constant 0 : i32
      %dma_start3A_77 = tpu.memref_slice %arg10[%dma_start3A_71, %dma_start3A_76] : memref<5x40xi32, #tpu.memory_space<vmem>> -> memref<1x40xi32, #tpu.memory_space<vmem>>
      %dma_start3A_78 = tpu.memref_squeeze %dma_start3A_77 : memref<1x40xi32, #tpu.memory_space<vmem>> -> memref<40xi32, #tpu.memory_space<vmem>>
      %dma_start3A_79 = tpu.memref_slice %arg3[%add3A_70] : memref<320000xi32, #tpu.memory_space<hbm>> -> memref<40xi32, #tpu.memory_space<hbm>>
      tpu.enqueue_dma source(%dma_start3A_79 : memref<40xi32, #tpu.memory_space<hbm>>) target(%dma_start3A_78 : memref<40xi32, #tpu.memory_space<vmem>>) target_semaphore(%arg14 : memref<!tpu.dma_semaphore, #tpu.memory_space<semaphore_mem>>)
      %add3A_80 = arith.constant 120 : i32
      %add3A_81 = arith.addi %mul3A_45, %add3A_80 : i32
      %dma_start3A_82 = arith.constant 3 : i32
      %dma_start3A_83 = arith.constant 0 : i32
      %dma_start3A_84 = tpu.memref_slice %arg10[%dma_start3A_82, %dma_start3A_83] : memref<5x40xi32, #tpu.memory_space<vmem>> -> memref<1x40xi32, #tpu.memory_space<vmem>>
      %dma_start3A_85 = tpu.memref_squeeze %dma_start3A_84 : memref<1x40xi32, #tpu.memory_space<vmem>> -> memref<40xi32, #tpu.memory_space<vmem>>
      %dma_start3A_86 = tpu.memref_slice %arg3[%add3A_81] : memref<320000xi32, #tpu.memory_space<hbm>> -> memref<40xi32, #tpu.memory_space<hbm>>
      %dma_start3A_87 = arith.constant 0 : i32
      %dma_start3A_88 = tpu.memref_slice %arg10[%dma_start3A_82, %dma_start3A_87] : memref<5x40xi32, #tpu.memory_space<vmem>> -> memref<1x40xi32, #tpu.memory_space<vmem>>
      %dma_start3A_89 = tpu.memref_squeeze %dma_start3A_88 : memref<1x40xi32, #tpu.memory_space<vmem>> -> memref<40xi32, #tpu.memory_space<vmem>>
      %dma_start3A_90 = tpu.memref_slice %arg3[%add3A_81] : memref<320000xi32, #tpu.memory_space<hbm>> -> memref<40xi32, #tpu.memory_space<hbm>>
      tpu.enqueue_dma source(%dma_start3A_90 : memref<40xi32, #tpu.memory_space<hbm>>) target(%dma_start3A_89 : memref<40xi32, #tpu.memory_space<vmem>>) target_semaphore(%arg14 : memref<!tpu.dma_semaphore, #tpu.memory_space<semaphore_mem>>)
      %add3A_91 = arith.constant 160 : i32
      %add3A_92 = arith.addi %mul3A_45, %add3A_91 : i32
      %dma_start3A_93 = arith.constant 4 : i32
      %dma_start3A_94 = arith.constant 0 : i32
      %dma_start3A_95 = tpu.memref_slice %arg10[%dma_start3A_93, %dma_start3A_94] : memref<5x40xi32, #tpu.memory_space<vmem>> -> memref<1x40xi32, #tpu.memory_space<vmem>>
      %dma_start3A_96 = tpu.memref_squeeze %dma_start3A_95 : memref<1x40xi32, #tpu.memory_space<vmem>> -> memref<40xi32, #tpu.memory_space<vmem>>
      %dma_start3A_97 = tpu.memref_slice %arg3[%add3A_92] : memref<320000xi32, #tpu.memory_space<hbm>> -> memref<40xi32, #tpu.memory_space<hbm>>
      %dma_start3A_98 = arith.constant 0 : i32
      %dma_start3A_99 = tpu.memref_slice %arg10[%dma_start3A_93, %dma_start3A_98] : memref<5x40xi32, #tpu.memory_space<vmem>> -> memref<1x40xi32, #tpu.memory_space<vmem>>
      %dma_start3A_100 = tpu.memref_squeeze %dma_start3A_99 : memref<1x40xi32, #tpu.memory_space<vmem>> -> memref<40xi32, #tpu.memory_space<vmem>>
      %dma_start3A_101 = tpu.memref_slice %arg3[%add3A_92] : memref<320000xi32, #tpu.memory_space<hbm>> -> memref<40xi32, #tpu.memory_space<hbm>>
      tpu.enqueue_dma source(%dma_start3A_101 : memref<40xi32, #tpu.memory_space<hbm>>) target(%dma_start3A_100 : memref<40xi32, #tpu.memory_space<vmem>>) target_semaphore(%arg14 : memref<!tpu.dma_semaphore, #tpu.memory_space<semaphore_mem>>)
      %add3A_102 = arith.constant 0 : i32
      %add3A_103 = arith.addi %mul3A_45, %add3A_102 : i32
      %dma_start3A_104 = arith.constant 0 : i32
      %dma_start3A_105 = arith.constant 0 : i32
      %dma_start3A_106 = arith.constant 0 : i32
      %dma_start3A_107 = tpu.memref_slice %arg11[%dma_start3A_104, %dma_start3A_105, %dma_start3A_106] : memref<2x40x16xf32, #tpu.memory_space<vmem>> -> memref<1x40x16xf32, #tpu.memory_space<vmem>>
      %dma_start3A_108 = tpu.memref_squeeze %dma_start3A_107 : memref<1x40x16xf32, #tpu.memory_space<vmem>> -> memref<40x16xf32, #tpu.memory_space<vmem>>
      %dma_start3A_109 = arith.constant 0 : i32
      %dma_start3A_110 = tpu.memref_slice %arg4[%add3A_103, %dma_start3A_109] : memref<320000x16xf32, #tpu.memory_space<hbm>> -> memref<40x16xf32, #tpu.memory_space<hbm>>
      %dma_start3A_111 = arith.constant 0 : i32
      %dma_start3A_112 = arith.constant 0 : i32
      %dma_start3A_113 = tpu.memref_slice %arg11[%dma_start3A_104, %dma_start3A_111, %dma_start3A_112] : memref<2x40x16xf32, #tpu.memory_space<vmem>> -> memref<1x40x16xf32, #tpu.memory_space<vmem>>
      %dma_start3A_114 = tpu.memref_squeeze %dma_start3A_113 : memref<1x40x16xf32, #tpu.memory_space<vmem>> -> memref<40x16xf32, #tpu.memory_space<vmem>>
      %dma_start3A_115 = arith.constant 0 : i32
      %dma_start3A_116 = tpu.memref_slice %arg4[%add3A_103, %dma_start3A_115] : memref<320000x16xf32, #tpu.memory_space<hbm>> -> memref<40x16xf32, #tpu.memory_space<hbm>>
      tpu.enqueue_dma source(%dma_start3A_116 : memref<40x16xf32, #tpu.memory_space<hbm>>) target(%dma_start3A_114 : memref<40x16xf32, #tpu.memory_space<vmem>>) target_semaphore(%arg15 : memref<!tpu.dma_semaphore, #tpu.memory_space<semaphore_mem>>)
      %dma_wait3A = tpu.memref_slice %arg2[%mul3A_45] : memref<320000xi32, #tpu.memory_space<hbm>> -> memref<200xi32, #tpu.memory_space<hbm>>
      %dma_wait3A_117 = tpu.memref_slice %arg2[%mul3A_45] : memref<320000xi32, #tpu.memory_space<hbm>> -> memref<200xi32, #tpu.memory_space<hbm>>
      tpu.wait_dma2 semaphore(%arg14 : memref<!tpu.dma_semaphore, #tpu.memory_space<semaphore_mem>>) src(%dma_wait3A_117 : memref<200xi32, #tpu.memory_space<hbm>>) dst(%arg9 : memref<200xi32, #tpu.memory_space<vmem>>)
      %dma_wait3A_118 = arith.constant 0 : i32
      %dma_wait3A_119 = arith.constant 0 : i32
      %dma_wait3A_120 = tpu.memref_slice %arg10[%dma_wait3A_118, %dma_wait3A_119] : memref<5x40xi32, #tpu.memory_space<vmem>> -> memref<1x40xi32, #tpu.memory_space<vmem>>
      %dma_wait3A_121 = tpu.memref_squeeze %dma_wait3A_120 : memref<1x40xi32, #tpu.memory_space<vmem>> -> memref<40xi32, #tpu.memory_space<vmem>>
      %dma_wait3A_122 = tpu.memref_slice %arg3[%add3A_48] : memref<320000xi32, #tpu.memory_space<hbm>> -> memref<40xi32, #tpu.memory_space<hbm>>
      %dma_wait3A_123 = arith.constant 0 : i32
      %dma_wait3A_124 = tpu.memref_slice %arg10[%dma_wait3A_118, %dma_wait3A_123] : memref<5x40xi32, #tpu.memory_space<vmem>> -> memref<1x40xi32, #tpu.memory_space<vmem>>
      %dma_wait3A_125 = tpu.memref_squeeze %dma_wait3A_124 : memref<1x40xi32, #tpu.memory_space<vmem>> -> memref<40xi32, #tpu.memory_space<vmem>>
      %dma_wait3A_126 = tpu.memref_slice %arg3[%add3A_48] : memref<320000xi32, #tpu.memory_space<hbm>> -> memref<40xi32, #tpu.memory_space<hbm>>
      tpu.wait_dma2 semaphore(%arg14 : memref<!tpu.dma_semaphore, #tpu.memory_space<semaphore_mem>>) src(%dma_wait3A_126 : memref<40xi32, #tpu.memory_space<hbm>>) dst(%dma_wait3A_125 : memref<40xi32, #tpu.memory_space<vmem>>)
      %dma_wait3A_127 = arith.constant 1 : i32
      %dma_wait3A_128 = arith.constant 0 : i32
      %dma_wait3A_129 = tpu.memref_slice %arg10[%dma_wait3A_127, %dma_wait3A_128] : memref<5x40xi32, #tpu.memory_space<vmem>> -> memref<1x40xi32, #tpu.memory_space<vmem>>
      %dma_wait3A_130 = tpu.memref_squeeze %dma_wait3A_129 : memref<1x40xi32, #tpu.memory_space<vmem>> -> memref<40xi32, #tpu.memory_space<vmem>>
      %dma_wait3A_131 = tpu.memref_slice %arg3[%add3A_59] : memref<320000xi32, #tpu.memory_space<hbm>> -> memref<40xi32, #tpu.memory_space<hbm>>
      %dma_wait3A_132 = arith.constant 0 : i32
      %dma_wait3A_133 = tpu.memref_slice %arg10[%dma_wait3A_127, %dma_wait3A_132] : memref<5x40xi32, #tpu.memory_space<vmem>> -> memref<1x40xi32, #tpu.memory_space<vmem>>
      %dma_wait3A_134 = tpu.memref_squeeze %dma_wait3A_133 : memref<1x40xi32, #tpu.memory_space<vmem>> -> memref<40xi32, #tpu.memory_space<vmem>>
      %dma_wait3A_135 = tpu.memref_slice %arg3[%add3A_59] : memref<320000xi32, #tpu.memory_space<hbm>> -> memref<40xi32, #tpu.memory_space<hbm>>
      tpu.wait_dma2 semaphore(%arg14 : memref<!tpu.dma_semaphore, #tpu.memory_space<semaphore_mem>>) src(%dma_wait3A_135 : memref<40xi32, #tpu.memory_space<hbm>>) dst(%dma_wait3A_134 : memref<40xi32, #tpu.memory_space<vmem>>)
      %dma_wait3A_136 = arith.constant 2 : i32
      %dma_wait3A_137 = arith.constant 0 : i32
      %dma_wait3A_138 = tpu.memref_slice %arg10[%dma_wait3A_136, %dma_wait3A_137] : memref<5x40xi32, #tpu.memory_space<vmem>> -> memref<1x40xi32, #tpu.memory_space<vmem>>
      %dma_wait3A_139 = tpu.memref_squeeze %dma_wait3A_138 : memref<1x40xi32, #tpu.memory_space<vmem>> -> memref<40xi32, #tpu.memory_space<vmem>>
      %dma_wait3A_140 = tpu.memref_slice %arg3[%add3A_70] : memref<320000xi32, #tpu.memory_space<hbm>> -> memref<40xi32, #tpu.memory_space<hbm>>
      %dma_wait3A_141 = arith.constant 0 : i32
      %dma_wait3A_142 = tpu.memref_slice %arg10[%dma_wait3A_136, %dma_wait3A_141] : memref<5x40xi32, #tpu.memory_space<vmem>> -> memref<1x40xi32, #tpu.memory_space<vmem>>
      %dma_wait3A_143 = tpu.memref_squeeze %dma_wait3A_142 : memref<1x40xi32, #tpu.memory_space<vmem>> -> memref<40xi32, #tpu.memory_space<vmem>>
      %dma_wait3A_144 = tpu.memref_slice %arg3[%add3A_70] : memref<320000xi32, #tpu.memory_space<hbm>> -> memref<40xi32, #tpu.memory_space<hbm>>
      tpu.wait_dma2 semaphore(%arg14 : memref<!tpu.dma_semaphore, #tpu.memory_space<semaphore_mem>>) src(%dma_wait3A_144 : memref<40xi32, #tpu.memory_space<hbm>>) dst(%dma_wait3A_143 : memref<40xi32, #tpu.memory_space<vmem>>)
      %dma_wait3A_145 = arith.constant 3 : i32
      %dma_wait3A_146 = arith.constant 0 : i32
      %dma_wait3A_147 = tpu.memref_slice %arg10[%dma_wait3A_145, %dma_wait3A_146] : memref<5x40xi32, #tpu.memory_space<vmem>> -> memref<1x40xi32, #tpu.memory_space<vmem>>
      %dma_wait3A_148 = tpu.memref_squeeze %dma_wait3A_147 : memref<1x40xi32, #tpu.memory_space<vmem>> -> memref<40xi32, #tpu.memory_space<vmem>>
      %dma_wait3A_149 = tpu.memref_slice %arg3[%add3A_81] : memref<320000xi32, #tpu.memory_space<hbm>> -> memref<40xi32, #tpu.memory_space<hbm>>
      %dma_wait3A_150 = arith.constant 0 : i32
      %dma_wait3A_151 = tpu.memref_slice %arg10[%dma_wait3A_145, %dma_wait3A_150] : memref<5x40xi32, #tpu.memory_space<vmem>> -> memref<1x40xi32, #tpu.memory_space<vmem>>
      %dma_wait3A_152 = tpu.memref_squeeze %dma_wait3A_151 : memref<1x40xi32, #tpu.memory_space<vmem>> -> memref<40xi32, #tpu.memory_space<vmem>>
      %dma_wait3A_153 = tpu.memref_slice %arg3[%add3A_81] : memref<320000xi32, #tpu.memory_space<hbm>> -> memref<40xi32, #tpu.memory_space<hbm>>
      tpu.wait_dma2 semaphore(%arg14 : memref<!tpu.dma_semaphore, #tpu.memory_space<semaphore_mem>>) src(%dma_wait3A_153 : memref<40xi32, #tpu.memory_space<hbm>>) dst(%dma_wait3A_152 : memref<40xi32, #tpu.memory_space<vmem>>)
      %dma_wait3A_154 = arith.constant 4 : i32
      %dma_wait3A_155 = arith.constant 0 : i32
      %dma_wait3A_156 = tpu.memref_slice %arg10[%dma_wait3A_154, %dma_wait3A_155] : memref<5x40xi32, #tpu.memory_space<vmem>> -> memref<1x40xi32, #tpu.memory_space<vmem>>
      %dma_wait3A_157 = tpu.memref_squeeze %dma_wait3A_156 : memref<1x40xi32, #tpu.memory_space<vmem>> -> memref<40xi32, #tpu.memory_space<vmem>>
      %dma_wait3A_158 = tpu.memref_slice %arg3[%add3A_92] : memref<320000xi32, #tpu.memory_space<hbm>> -> memref<40xi32, #tpu.memory_space<hbm>>
      %dma_wait3A_159 = arith.constant 0 : i32
      %dma_wait3A_160 = tpu.memref_slice %arg10[%dma_wait3A_154, %dma_wait3A_159] : memref<5x40xi32, #tpu.memory_space<vmem>> -> memref<1x40xi32, #tpu.memory_space<vmem>>
      %dma_wait3A_161 = tpu.memref_squeeze %dma_wait3A_160 : memref<1x40xi32, #tpu.memory_space<vmem>> -> memref<40xi32, #tpu.memory_space<vmem>>
      %dma_wait3A_162 = tpu.memref_slice %arg3[%add3A_92] : memref<320000xi32, #tpu.memory_space<hbm>> -> memref<40xi32, #tpu.memory_space<hbm>>
      tpu.wait_dma2 semaphore(%arg14 : memref<!tpu.dma_semaphore, #tpu.memory_space<semaphore_mem>>) src(%dma_wait3A_162 : memref<40xi32, #tpu.memory_space<hbm>>) dst(%dma_wait3A_161 : memref<40xi32, #tpu.memory_space<vmem>>)
      %dma_start3A_163 = arith.constant 0 : i32
      %dma_start3A_164 = arith.constant 0 : i32
      %dma_start3A_165 = arith.constant 0 : i32
      %dma_start3A_166 = tpu.memref_slice %arg12[%dma_start3A_163, %dma_start3A_164, %dma_start3A_165] : memref<5x40x128xf32, #tpu.memory_space<vmem>> -> memref<1x40x128xf32, #tpu.memory_space<vmem>>
      %dma_start3A_167 = tpu.memref_squeeze %dma_start3A_166 : memref<1x40x128xf32, #tpu.memory_space<vmem>> -> memref<40x128xf32, #tpu.memory_space<vmem>>
      %dma_start3A_168 = arith.constant 0 : i32
      %dma_start3A_169 = tpu.memref_slice %arg9[%dma_start3A_168] : memref<200xi32, #tpu.memory_space<vmem>> -> memref<40xi32, #tpu.memory_space<vmem>>
      %dma_start3A_170 = arith.constant 0 : i32
      %dma_start3A_171 = arith.constant 0 : i32
      %dma_start3A_172 = tpu.memref_slice %arg5[%dma_start3A_170, %dma_start3A_171] : memref<10000x128xf32, #tpu.memory_space<hbm>> -> memref<10000x128xf32, #tpu.memory_space<hbm>>
      tpu.enqueue_indirect_dma source(%dma_start3A_172 : memref<10000x128xf32, #tpu.memory_space<hbm>>) target(%dma_start3A_167 : memref<40x128xf32, #tpu.memory_space<vmem>>) offsets(%dma_start3A_169 : memref<40xi32, #tpu.memory_space<vmem>>) semaphore(%arg18 : memref<!tpu.dma_semaphore, #tpu.memory_space<semaphore_mem>>)
      %dma_start3A_173 = arith.constant 1 : i32
      %dma_start3A_174 = arith.constant 0 : i32
      %dma_start3A_175 = arith.constant 0 : i32
      %dma_start3A_176 = tpu.memref_slice %arg12[%dma_start3A_173, %dma_start3A_174, %dma_start3A_175] : memref<5x40x128xf32, #tpu.memory_space<vmem>> -> memref<1x40x128xf32, #tpu.memory_space<vmem>>
      %dma_start3A_177 = tpu.memref_squeeze %dma_start3A_176 : memref<1x40x128xf32, #tpu.memory_space<vmem>> -> memref<40x128xf32, #tpu.memory_space<vmem>>
      %dma_start3A_178 = arith.constant 40 : i32
      %dma_start3A_179 = tpu.memref_slice %arg9[%dma_start3A_178] : memref<200xi32, #tpu.memory_space<vmem>> -> memref<40xi32, #tpu.memory_space<vmem>>
      %dma_start3A_180 = arith.constant 0 : i32
      %dma_start3A_181 = arith.constant 0 : i32
      %dma_start3A_182 = tpu.memref_slice %arg5[%dma_start3A_180, %dma_start3A_181] : memref<10000x128xf32, #tpu.memory_space<hbm>> -> memref<10000x128xf32, #tpu.memory_space<hbm>>
      tpu.enqueue_indirect_dma source(%dma_start3A_182 : memref<10000x128xf32, #tpu.memory_space<hbm>>) target(%dma_start3A_177 : memref<40x128xf32, #tpu.memory_space<vmem>>) offsets(%dma_start3A_179 : memref<40xi32, #tpu.memory_space<vmem>>) semaphore(%arg19 : memref<!tpu.dma_semaphore, #tpu.memory_space<semaphore_mem>>)
      %dma_start3A_183 = arith.constant 2 : i32
      %dma_start3A_184 = arith.constant 0 : i32
      %dma_start3A_185 = arith.constant 0 : i32
      %dma_start3A_186 = tpu.memref_slice %arg12[%dma_start3A_183, %dma_start3A_184, %dma_start3A_185] : memref<5x40x128xf32, #tpu.memory_space<vmem>> -> memref<1x40x128xf32, #tpu.memory_space<vmem>>
      %dma_start3A_187 = tpu.memref_squeeze %dma_start3A_186 : memref<1x40x128xf32, #tpu.memory_space<vmem>> -> memref<40x128xf32, #tpu.memory_space<vmem>>
      %dma_start3A_188 = arith.constant 80 : i32
      %dma_start3A_189 = tpu.memref_slice %arg9[%dma_start3A_188] : memref<200xi32, #tpu.memory_space<vmem>> -> memref<40xi32, #tpu.memory_space<vmem>>
      %dma_start3A_190 = arith.constant 0 : i32
      %dma_start3A_191 = arith.constant 0 : i32
      %dma_start3A_192 = tpu.memref_slice %arg5[%dma_start3A_190, %dma_start3A_191] : memref<10000x128xf32, #tpu.memory_space<hbm>> -> memref<10000x128xf32, #tpu.memory_space<hbm>>
      tpu.enqueue_indirect_dma source(%dma_start3A_192 : memref<10000x128xf32, #tpu.memory_space<hbm>>) target(%dma_start3A_187 : memref<40x128xf32, #tpu.memory_space<vmem>>) offsets(%dma_start3A_189 : memref<40xi32, #tpu.memory_space<vmem>>) semaphore(%arg20 : memref<!tpu.dma_semaphore, #tpu.memory_space<semaphore_mem>>)
      %dma_start3A_193 = arith.constant 3 : i32
      %dma_start3A_194 = arith.constant 0 : i32
      %dma_start3A_195 = arith.constant 0 : i32
      %dma_start3A_196 = tpu.memref_slice %arg12[%dma_start3A_193, %dma_start3A_194, %dma_start3A_195] : memref<5x40x128xf32, #tpu.memory_space<vmem>> -> memref<1x40x128xf32, #tpu.memory_space<vmem>>
      %dma_start3A_197 = tpu.memref_squeeze %dma_start3A_196 : memref<1x40x128xf32, #tpu.memory_space<vmem>> -> memref<40x128xf32, #tpu.memory_space<vmem>>
      %dma_start3A_198 = arith.constant 120 : i32
      %dma_start3A_199 = tpu.memref_slice %arg9[%dma_start3A_198] : memref<200xi32, #tpu.memory_space<vmem>> -> memref<40xi32, #tpu.memory_space<vmem>>
      %dma_start3A_200 = arith.constant 0 : i32
      %dma_start3A_201 = arith.constant 0 : i32
      %dma_start3A_202 = tpu.memref_slice %arg5[%dma_start3A_200, %dma_start3A_201] : memref<10000x128xf32, #tpu.memory_space<hbm>> -> memref<10000x128xf32, #tpu.memory_space<hbm>>
      tpu.enqueue_indirect_dma source(%dma_start3A_202 : memref<10000x128xf32, #tpu.memory_space<hbm>>) target(%dma_start3A_197 : memref<40x128xf32, #tpu.memory_space<vmem>>) offsets(%dma_start3A_199 : memref<40xi32, #tpu.memory_space<vmem>>) semaphore(%arg21 : memref<!tpu.dma_semaphore, #tpu.memory_space<semaphore_mem>>)
      %dma_start3A_203 = arith.constant 4 : i32
      %dma_start3A_204 = arith.constant 0 : i32
      %dma_start3A_205 = arith.constant 0 : i32
      %dma_start3A_206 = tpu.memref_slice %arg12[%dma_start3A_203, %dma_start3A_204, %dma_start3A_205] : memref<5x40x128xf32, #tpu.memory_space<vmem>> -> memref<1x40x128xf32, #tpu.memory_space<vmem>>
      %dma_start3A_207 = tpu.memref_squeeze %dma_start3A_206 : memref<1x40x128xf32, #tpu.memory_space<vmem>> -> memref<40x128xf32, #tpu.memory_space<vmem>>
      %dma_start3A_208 = arith.constant 160 : i32
      %dma_start3A_209 = tpu.memref_slice %arg9[%dma_start3A_208] : memref<200xi32, #tpu.memory_space<vmem>> -> memref<40xi32, #tpu.memory_space<vmem>>
      %dma_start3A_210 = arith.constant 0 : i32
      %dma_start3A_211 = arith.constant 0 : i32
      %dma_start3A_212 = tpu.memref_slice %arg5[%dma_start3A_210, %dma_start3A_211] : memref<10000x128xf32, #tpu.memory_space<hbm>> -> memref<10000x128xf32, #tpu.memory_space<hbm>>
      tpu.enqueue_indirect_dma source(%dma_start3A_212 : memref<10000x128xf32, #tpu.memory_space<hbm>>) target(%dma_start3A_207 : memref<40x128xf32, #tpu.memory_space<vmem>>) offsets(%dma_start3A_209 : memref<40xi32, #tpu.memory_space<vmem>>) semaphore(%arg22 : memref<!tpu.dma_semaphore, #tpu.memory_space<semaphore_mem>>)
      %add3A_213 = arith.constant 40 : i32
      %add3A_214 = arith.addi %mul3A_45, %add3A_213 : i32
      %dma_start3A_215 = arith.constant 1 : i32
      %dma_start3A_216 = arith.constant 0 : i32
      %dma_start3A_217 = arith.constant 0 : i32
      %dma_start3A_218 = tpu.memref_slice %arg11[%dma_start3A_215, %dma_start3A_216, %dma_start3A_217] : memref<2x40x16xf32, #tpu.memory_space<vmem>> -> memref<1x40x16xf32, #tpu.memory_space<vmem>>
      %dma_start3A_219 = tpu.memref_squeeze %dma_start3A_218 : memref<1x40x16xf32, #tpu.memory_space<vmem>> -> memref<40x16xf32, #tpu.memory_space<vmem>>
      %dma_start3A_220 = arith.constant 0 : i32
      %dma_start3A_221 = tpu.memref_slice %arg4[%add3A_214, %dma_start3A_220] : memref<320000x16xf32, #tpu.memory_space<hbm>> -> memref<40x16xf32, #tpu.memory_space<hbm>>
      %dma_start3A_222 = arith.constant 0 : i32
      %dma_start3A_223 = arith.constant 0 : i32
      %dma_start3A_224 = tpu.memref_slice %arg11[%dma_start3A_215, %dma_start3A_222, %dma_start3A_223] : memref<2x40x16xf32, #tpu.memory_space<vmem>> -> memref<1x40x16xf32, #tpu.memory_space<vmem>>
      %dma_start3A_225 = tpu.memref_squeeze %dma_start3A_224 : memref<1x40x16xf32, #tpu.memory_space<vmem>> -> memref<40x16xf32, #tpu.memory_space<vmem>>
      %dma_start3A_226 = arith.constant 0 : i32
      %dma_start3A_227 = tpu.memref_slice %arg4[%add3A_214, %dma_start3A_226] : memref<320000x16xf32, #tpu.memory_space<hbm>> -> memref<40x16xf32, #tpu.memory_space<hbm>>
      tpu.enqueue_dma source(%dma_start3A_227 : memref<40x16xf32, #tpu.memory_space<hbm>>) target(%dma_start3A_225 : memref<40x16xf32, #tpu.memory_space<vmem>>) target_semaphore(%arg16 : memref<!tpu.dma_semaphore, #tpu.memory_space<semaphore_mem>>)
      %dma_wait3A_228 = arith.constant 0 : i32
      %dma_wait3A_229 = arith.constant 0 : i32
      %dma_wait3A_230 = arith.constant 0 : i32
      %dma_wait3A_231 = tpu.memref_slice %arg12[%dma_wait3A_228, %dma_wait3A_229, %dma_wait3A_230] : memref<5x40x128xf32, #tpu.memory_space<vmem>> -> memref<1x40x128xf32, #tpu.memory_space<vmem>>
      %dma_wait3A_232 = tpu.memref_squeeze %dma_wait3A_231 : memref<1x40x128xf32, #tpu.memory_space<vmem>> -> memref<40x128xf32, #tpu.memory_space<vmem>>
      %dma_wait3A_233 = arith.constant 0 : i32
      %dma_wait3A_234 = tpu.memref_slice %arg9[%dma_wait3A_233] : memref<200xi32, #tpu.memory_space<vmem>> -> memref<40xi32, #tpu.memory_space<vmem>>
      %dma_wait3A_235 = arith.constant 0 : i32
      %dma_wait3A_236 = arith.constant 0 : i32
      %dma_wait3A_237 = tpu.memref_slice %arg5[%dma_wait3A_235, %dma_wait3A_236] : memref<10000x128xf32, #tpu.memory_space<hbm>> -> memref<10000x128xf32, #tpu.memory_space<hbm>>
      tpu.wait_indirect_dma semaphore(%arg18 : memref<!tpu.dma_semaphore, #tpu.memory_space<semaphore_mem>>) src(%dma_wait3A_237 : memref<10000x128xf32, #tpu.memory_space<hbm>>) dst(%dma_wait3A_232 : memref<40x128xf32, #tpu.memory_space<vmem>>)
      %dma_wait3A_238 = arith.constant 0 : i32
      %dma_wait3A_239 = arith.constant 0 : i32
      %dma_wait3A_240 = arith.constant 0 : i32
      %dma_wait3A_241 = tpu.memref_slice %arg11[%dma_wait3A_238, %dma_wait3A_239, %dma_wait3A_240] : memref<2x40x16xf32, #tpu.memory_space<vmem>> -> memref<1x40x16xf32, #tpu.memory_space<vmem>>
      %dma_wait3A_242 = tpu.memref_squeeze %dma_wait3A_241 : memref<1x40x16xf32, #tpu.memory_space<vmem>> -> memref<40x16xf32, #tpu.memory_space<vmem>>
      %dma_wait3A_243 = arith.constant 0 : i32
      %dma_wait3A_244 = tpu.memref_slice %arg4[%add3A_103, %dma_wait3A_243] : memref<320000x16xf32, #tpu.memory_space<hbm>> -> memref<40x16xf32, #tpu.memory_space<hbm>>
      %dma_wait3A_245 = arith.constant 0 : i32
      %dma_wait3A_246 = arith.constant 0 : i32
      %dma_wait3A_247 = tpu.memref_slice %arg11[%dma_wait3A_238, %dma_wait3A_245, %dma_wait3A_246] : memref<2x40x16xf32, #tpu.memory_space<vmem>> -> memref<1x40x16xf32, #tpu.memory_space<vmem>>
      %dma_wait3A_248 = tpu.memref_squeeze %dma_wait3A_247 : memref<1x40x16xf32, #tpu.memory_space<vmem>> -> memref<40x16xf32, #tpu.memory_space<vmem>>
      %dma_wait3A_249 = arith.constant 0 : i32
      %dma_wait3A_250 = tpu.memref_slice %arg4[%add3A_103, %dma_wait3A_249] : memref<320000x16xf32, #tpu.memory_space<hbm>> -> memref<40x16xf32, #tpu.memory_space<hbm>>
      tpu.wait_dma2 semaphore(%arg15 : memref<!tpu.dma_semaphore, #tpu.memory_space<semaphore_mem>>) src(%dma_wait3A_250 : memref<40x16xf32, #tpu.memory_space<hbm>>) dst(%dma_wait3A_248 : memref<40x16xf32, #tpu.memory_space<vmem>>)
      %scan3A_251 = arith.constant 0 : i32
      %scan3A_252 = arith.constant 0 : i32
      %scan3A_253 = arith.constant 40 : i32
      %scan3A_254 = arith.addi %scan3A_252, %scan3A_253 : i32
      %scan3A_255 = arith.constant 1 : i32
      scf.for %scan3A_538 = %scan3A_252 to %scan3A_254 step %scan3A_255  : i32 {
        %get3A = arith.constant 0 : i32
        %get3A_539 = arith.index_cast %get3A : i32 to index
        %get3A_540 = arith.index_cast %scan3A_538 : i32 to index
        %get3A_541 = arith.constant 0 : index
        %get3A_542 = tpu.vector_load %arg11[%get3A_539, %get3A_540, %get3A_541] {strides = array<i32>} : memref<2x40x16xf32, #tpu.memory_space<vmem>>, vector<1x1x16xf32>,
        %get3A_543 = vector.shape_cast %get3A_542 : vector<1x1x16xf32> to vector<16xf32>
        %slice3A = vector.extract_strided_slice %get3A_543 {offsets = [0], sizes = [1], strides = [1]} : vector<16xf32> to vector<1xf32>
        %squeeze3A = vector.extract %slice3A[0] : f32 from vector<1xf32>
        %broadcast_in_dim3A_544 = vector.broadcast %squeeze3A : f32 to vector<16xf32>
        %slice3A_545 = vector.extract_strided_slice %get3A_543 {offsets = [1], sizes = [1], strides = [1]} : vector<16xf32> to vector<1xf32>
        %squeeze3A_546 = vector.extract %slice3A_545[0] : f32 from vector<1xf32>
        %broadcast_in_dim3A_547 = vector.broadcast %squeeze3A_546 : f32 to vector<16xf32>
        %get3A_548 = arith.constant 0 : i32
        %get3A_549 = arith.index_cast %get3A_548 : i32 to index
        %get3A_550 = arith.index_cast %scan3A_538 : i32 to index
        %get3A_551 = arith.constant 0 : index
        %get3A_552 = tpu.vector_load %arg12[%get3A_549, %get3A_550, %get3A_551] {strides = array<i32>} : memref<5x40x128xf32, #tpu.memory_space<vmem>>, vector<1x1x16xf32>,
        %get3A_553 = vector.shape_cast %get3A_552 : vector<1x1x16xf32> to vector<16xf32>
        %mul3A_554 = arith.mulf %get3A_553, %broadcast_in_dim3A_544 : vector<16xf32>
        %swap3A = arith.constant 0 : i32
        %swap3A_555 = arith.index_cast %swap3A : i32 to index
        %swap3A_556 = arith.index_cast %scan3A_538 : i32 to index
        %swap3A_557 = arith.constant 0 : index
        %swap3A_558 = tpu.vector_load %arg12[%swap3A_555, %swap3A_556, %swap3A_557] {strides = array<i32>} : memref<5x40x128xf32, #tpu.memory_space<vmem>>, vector<1x1x16xf32>,
        %swap3A_559 = vector.shape_cast %swap3A_558 : vector<1x1x16xf32> to vector<16xf32>
        %swap3A_560 = vector.shape_cast %mul3A_554 : vector<16xf32> to vector<1x1x16xf32>
        tpu.vector_store %arg12[%swap3A_555, %swap3A_556, %swap3A_557], %swap3A_560 {strides = array<i32>} : memref<5x40x128xf32, #tpu.memory_space<vmem>>, vector<1x1x16xf32>,
        %get3A_561 = arith.constant 0 : i32
        %get3A_562 = arith.index_cast %get3A_561 : i32 to index
        %get3A_563 = arith.index_cast %scan3A_538 : i32 to index
        %get3A_564 = arith.constant 16 : index
        %get3A_565 = tpu.vector_load %arg12[%get3A_562, %get3A_563, %get3A_564] {strides = array<i32>} : memref<5x40x128xf32, #tpu.memory_space<vmem>>, vector<1x1x16xf32>,
        %get3A_566 = vector.shape_cast %get3A_565 : vector<1x1x16xf32> to vector<16xf32>
        %mul3A_567 = arith.mulf %get3A_566, %broadcast_in_dim3A_544 : vector<16xf32>
        %swap3A_568 = arith.constant 0 : i32
        %swap3A_569 = arith.index_cast %swap3A_568 : i32 to index
        %swap3A_570 = arith.index_cast %scan3A_538 : i32 to index
        %swap3A_571 = arith.constant 16 : index
        %swap3A_572 = tpu.vector_load %arg12[%swap3A_569, %swap3A_570, %swap3A_571] {strides = array<i32>} : memref<5x40x128xf32, #tpu.memory_space<vmem>>, vector<1x1x16xf32>,
        %swap3A_573 = vector.shape_cast %swap3A_572 : vector<1x1x16xf32> to vector<16xf32>
        %swap3A_574 = vector.shape_cast %mul3A_567 : vector<16xf32> to vector<1x1x16xf32>
        tpu.vector_store %arg12[%swap3A_569, %swap3A_570, %swap3A_571], %swap3A_574 {strides = array<i32>} : memref<5x40x128xf32, #tpu.memory_space<vmem>>, vector<1x1x16xf32>,
        %get3A_575 = arith.constant 0 : i32
        %get3A_576 = arith.index_cast %get3A_575 : i32 to index
        %get3A_577 = arith.index_cast %scan3A_538 : i32 to index
        %get3A_578 = arith.constant 32 : index
        %get3A_579 = tpu.vector_load %arg12[%get3A_576, %get3A_577, %get3A_578] {strides = array<i32>} : memref<5x40x128xf32, #tpu.memory_space<vmem>>, vector<1x1x16xf32>,
        %get3A_580 = vector.shape_cast %get3A_579 : vector<1x1x16xf32> to vector<16xf32>
        %mul3A_581 = arith.mulf %get3A_580, %broadcast_in_dim3A_544 : vector<16xf32>
        %swap3A_582 = arith.constant 0 : i32
        %swap3A_583 = arith.index_cast %swap3A_582 : i32 to index
        %swap3A_584 = arith.index_cast %scan3A_538 : i32 to index
        %swap3A_585 = arith.constant 32 : index
        %swap3A_586 = tpu.vector_load %arg12[%swap3A_583, %swap3A_584, %swap3A_585] {strides = array<i32>} : memref<5x40x128xf32, #tpu.memory_space<vmem>>, vector<1x1x16xf32>,
        %swap3A_587 = vector.shape_cast %swap3A_586 : vector<1x1x16xf32> to vector<16xf32>
        %swap3A_588 = vector.shape_cast %mul3A_581 : vector<16xf32> to vector<1x1x16xf32>
        tpu.vector_store %arg12[%swap3A_583, %swap3A_584, %swap3A_585], %swap3A_588 {strides = array<i32>} : memref<5x40x128xf32, #tpu.memory_space<vmem>>, vector<1x1x16xf32>,
        %get3A_589 = arith.constant 0 : i32
        %get3A_590 = arith.index_cast %get3A_589 : i32 to index
        %get3A_591 = arith.index_cast %scan3A_538 : i32 to index
        %get3A_592 = arith.constant 48 : index
        %get3A_593 = tpu.vector_load %arg12[%get3A_590, %get3A_591, %get3A_592] {strides = array<i32>} : memref<5x40x128xf32, #tpu.memory_space<vmem>>, vector<1x1x16xf32>,
        %get3A_594 = vector.shape_cast %get3A_593 : vector<1x1x16xf32> to vector<16xf32>
        %mul3A_595 = arith.mulf %get3A_594, %broadcast_in_dim3A_544 : vector<16xf32>
        %swap3A_596 = arith.constant 0 : i32
        %swap3A_597 = arith.index_cast %swap3A_596 : i32 to index
        %swap3A_598 = arith.index_cast %scan3A_538 : i32 to index
        %swap3A_599 = arith.constant 48 : index
        %swap3A_600 = tpu.vector_load %arg12[%swap3A_597, %swap3A_598, %swap3A_599] {strides = array<i32>} : memref<5x40x128xf32, #tpu.memory_space<vmem>>, vector<1x1x16xf32>,
        %swap3A_601 = vector.shape_cast %swap3A_600 : vector<1x1x16xf32> to vector<16xf32>
        %swap3A_602 = vector.shape_cast %mul3A_595 : vector<16xf32> to vector<1x1x16xf32>
        tpu.vector_store %arg12[%swap3A_597, %swap3A_598, %swap3A_599], %swap3A_602 {strides = array<i32>} : memref<5x40x128xf32, #tpu.memory_space<vmem>>, vector<1x1x16xf32>,
        %get3A_603 = arith.constant 0 : i32
        %get3A_604 = arith.index_cast %get3A_603 : i32 to index
        %get3A_605 = arith.index_cast %scan3A_538 : i32 to index
        %get3A_606 = arith.constant 64 : index
        %get3A_607 = tpu.vector_load %arg12[%get3A_604, %get3A_605, %get3A_606] {strides = array<i32>} : memref<5x40x128xf32, #tpu.memory_space<vmem>>, vector<1x1x16xf32>,
        %get3A_608 = vector.shape_cast %get3A_607 : vector<1x1x16xf32> to vector<16xf32>
        %mul3A_609 = arith.mulf %get3A_608, %broadcast_in_dim3A_547 : vector<16xf32>
        %swap3A_610 = arith.constant 0 : i32
        %swap3A_611 = arith.index_cast %swap3A_610 : i32 to index
        %swap3A_612 = arith.index_cast %scan3A_538 : i32 to index
        %swap3A_613 = arith.constant 64 : index
        %swap3A_614 = tpu.vector_load %arg12[%swap3A_611, %swap3A_612, %swap3A_613] {strides = array<i32>} : memref<5x40x128xf32, #tpu.memory_space<vmem>>, vector<1x1x16xf32>,
        %swap3A_615 = vector.shape_cast %swap3A_614 : vector<1x1x16xf32> to vector<16xf32>
        %swap3A_616 = vector.shape_cast %mul3A_609 : vector<16xf32> to vector<1x1x16xf32>
        tpu.vector_store %arg12[%swap3A_611, %swap3A_612, %swap3A_613], %swap3A_616 {strides = array<i32>} : memref<5x40x128xf32, #tpu.memory_space<vmem>>, vector<1x1x16xf32>,
        %get3A_617 = arith.constant 0 : i32
        %get3A_618 = arith.index_cast %get3A_617 : i32 to index
        %get3A_619 = arith.index_cast %scan3A_538 : i32 to index
        %get3A_620 = arith.constant 80 : index
        %get3A_621 = tpu.vector_load %arg12[%get3A_618, %get3A_619, %get3A_620] {strides = array<i32>} : memref<5x40x128xf32, #tpu.memory_space<vmem>>, vector<1x1x16xf32>,
        %get3A_622 = vector.shape_cast %get3A_621 : vector<1x1x16xf32> to vector<16xf32>
        %mul3A_623 = arith.mulf %get3A_622, %broadcast_in_dim3A_547 : vector<16xf32>
        %swap3A_624 = arith.constant 0 : i32
        %swap3A_625 = arith.index_cast %swap3A_624 : i32 to index
        %swap3A_626 = arith.index_cast %scan3A_538 : i32 to index
        %swap3A_627 = arith.constant 80 : index
        %swap3A_628 = tpu.vector_load %arg12[%swap3A_625, %swap3A_626, %swap3A_627] {strides = array<i32>} : memref<5x40x128xf32, #tpu.memory_space<vmem>>, vector<1x1x16xf32>,
        %swap3A_629 = vector.shape_cast %swap3A_628 : vector<1x1x16xf32> to vector<16xf32>
        %swap3A_630 = vector.shape_cast %mul3A_623 : vector<16xf32> to vector<1x1x16xf32>
        tpu.vector_store %arg12[%swap3A_625, %swap3A_626, %swap3A_627], %swap3A_630 {strides = array<i32>} : memref<5x40x128xf32, #tpu.memory_space<vmem>>, vector<1x1x16xf32>,
        %get3A_631 = arith.constant 0 : i32
        %get3A_632 = arith.index_cast %get3A_631 : i32 to index
        %get3A_633 = arith.index_cast %scan3A_538 : i32 to index
        %get3A_634 = arith.constant 96 : index
        %get3A_635 = tpu.vector_load %arg12[%get3A_632, %get3A_633, %get3A_634] {strides = array<i32>} : memref<5x40x128xf32, #tpu.memory_space<vmem>>, vector<1x1x16xf32>,
        %get3A_636 = vector.shape_cast %get3A_635 : vector<1x1x16xf32> to vector<16xf32>
        %mul3A_637 = arith.mulf %get3A_636, %broadcast_in_dim3A_547 : vector<16xf32>
        %swap3A_638 = arith.constant 0 : i32
        %swap3A_639 = arith.index_cast %swap3A_638 : i32 to index
        %swap3A_640 = arith.index_cast %scan3A_538 : i32 to index
        %swap3A_641 = arith.constant 96 : index
        %swap3A_642 = tpu.vector_load %arg12[%swap3A_639, %swap3A_640, %swap3A_641] {strides = array<i32>} : memref<5x40x128xf32, #tpu.memory_space<vmem>>, vector<1x1x16xf32>,
        %swap3A_643 = vector.shape_cast %swap3A_642 : vector<1x1x16xf32> to vector<16xf32>
        %swap3A_644 = vector.shape_cast %mul3A_637 : vector<16xf32> to vector<1x1x16xf32>
        tpu.vector_store %arg12[%swap3A_639, %swap3A_640, %swap3A_641], %swap3A_644 {strides = array<i32>} : memref<5x40x128xf32, #tpu.memory_space<vmem>>, vector<1x1x16xf32>,
        %get3A_645 = arith.constant 0 : i32
        %get3A_646 = arith.index_cast %get3A_645 : i32 to index
        %get3A_647 = arith.index_cast %scan3A_538 : i32 to index
        %get3A_648 = arith.constant 112 : index
        %get3A_649 = tpu.vector_load %arg12[%get3A_646, %get3A_647, %get3A_648] {strides = array<i32>} : memref<5x40x128xf32, #tpu.memory_space<vmem>>, vector<1x1x16xf32>,
        %get3A_650 = vector.shape_cast %get3A_649 : vector<1x1x16xf32> to vector<16xf32>
        %mul3A_651 = arith.mulf %get3A_650, %broadcast_in_dim3A_547 : vector<16xf32>
        %swap3A_652 = arith.constant 0 : i32
        %swap3A_653 = arith.index_cast %swap3A_652 : i32 to index
        %swap3A_654 = arith.index_cast %scan3A_538 : i32 to index
        %swap3A_655 = arith.constant 112 : index
        %swap3A_656 = tpu.vector_load %arg12[%swap3A_653, %swap3A_654, %swap3A_655] {strides = array<i32>} : memref<5x40x128xf32, #tpu.memory_space<vmem>>, vector<1x1x16xf32>,
        %swap3A_657 = vector.shape_cast %swap3A_656 : vector<1x1x16xf32> to vector<16xf32>
        %swap3A_658 = vector.shape_cast %mul3A_651 : vector<16xf32> to vector<1x1x16xf32>
        tpu.vector_store %arg12[%swap3A_653, %swap3A_654, %swap3A_655], %swap3A_658 {strides = array<i32>} : memref<5x40x128xf32, #tpu.memory_space<vmem>>, vector<1x1x16xf32>,
      }
      %scan3A_256 = arith.constant 40 : i32
      %dma_start3A_257 = arith.constant 0 : i32
      %dma_start3A_258 = arith.constant 0 : i32
      %dma_start3A_259 = arith.constant 0 : i32
      %dma_start3A_260 = arith.constant 0 : i32
      %dma_start3A_261 = tpu.memref_slice %arg12[%dma_start3A_257, %dma_start3A_259, %dma_start3A_260] : memref<5x40x128xf32, #tpu.memory_space<vmem>> -> memref<1x40x128xf32, #tpu.memory_space<vmem>>
      %dma_start3A_262 = tpu.memref_squeeze %dma_start3A_261 : memref<1x40x128xf32, #tpu.memory_space<vmem>> -> memref<40x128xf32, #tpu.memory_space<vmem>>
      %dma_start3A_263 = arith.constant 0 : i32
      %dma_start3A_264 = tpu.memref_slice %arg10[%dma_start3A_258, %dma_start3A_263] : memref<5x40xi32, #tpu.memory_space<vmem>> -> memref<1x40xi32, #tpu.memory_space<vmem>>
      %dma_start3A_265 = tpu.memref_squeeze %dma_start3A_264 : memref<1x40xi32, #tpu.memory_space<vmem>> -> memref<40xi32, #tpu.memory_space<vmem>>
      %dma_start3A_266 = arith.constant 0 : i32
      %dma_start3A_267 = arith.constant 0 : i32
      %dma_start3A_268 = tpu.memref_slice %arg13[%dma_start3A_266, %dma_start3A_267] : memref<10000x128xf32, #tpu.memory_space<vmem_shared>> -> memref<10000x128xf32, #tpu.memory_space<vmem_shared>>
      tpu.enqueue_indirect_dma source(%dma_start3A_262 : memref<40x128xf32, #tpu.memory_space<vmem>>) target(%dma_start3A_268 : memref<10000x128xf32, #tpu.memory_space<vmem_shared>>) offsets(%dma_start3A_265 : memref<40xi32, #tpu.memory_space<vmem>>) semaphore(%arg17 : memref<!tpu.dma_semaphore, #tpu.memory_space<semaphore_mem>>) {add = true}
      %add3A_269 = arith.constant 80 : i32
      %add3A_270 = arith.addi %mul3A_45, %add3A_269 : i32
      %dma_start3A_271 = arith.constant 0 : i32
      %dma_start3A_272 = arith.constant 0 : i32
      %dma_start3A_273 = arith.constant 0 : i32
      %dma_start3A_274 = tpu.memref_slice %arg11[%dma_start3A_271, %dma_start3A_272, %dma_start3A_273] : memref<2x40x16xf32, #tpu.memory_space<vmem>> -> memref<1x40x16xf32, #tpu.memory_space<vmem>>
      %dma_start3A_275 = tpu.memref_squeeze %dma_start3A_274 : memref<1x40x16xf32, #tpu.memory_space<vmem>> -> memref<40x16xf32, #tpu.memory_space<vmem>>
      %dma_start3A_276 = arith.constant 0 : i32
      %dma_start3A_277 = tpu.memref_slice %arg4[%add3A_270, %dma_start3A_276] : memref<320000x16xf32, #tpu.memory_space<hbm>> -> memref<40x16xf32, #tpu.memory_space<hbm>>
      %dma_start3A_278 = arith.constant 0 : i32
      %dma_start3A_279 = arith.constant 0 : i32
      %dma_start3A_280 = tpu.memref_slice %arg11[%dma_start3A_271, %dma_start3A_278, %dma_start3A_279] : memref<2x40x16xf32, #tpu.memory_space<vmem>> -> memref<1x40x16xf32, #tpu.memory_space<vmem>>
      %dma_start3A_281 = tpu.memref_squeeze %dma_start3A_280 : memref<1x40x16xf32, #tpu.memory_space<vmem>> -> memref<40x16xf32, #tpu.memory_space<vmem>>
      %dma_start3A_282 = arith.constant 0 : i32
      %dma_start3A_283 = tpu.memref_slice %arg4[%add3A_270, %dma_start3A_282] : memref<320000x16xf32, #tpu.memory_space<hbm>> -> memref<40x16xf32, #tpu.memory_space<hbm>>
      tpu.enqueue_dma source(%dma_start3A_283 : memref<40x16xf32, #tpu.memory_space<hbm>>) target(%dma_start3A_281 : memref<40x16xf32, #tpu.memory_space<vmem>>) target_semaphore(%arg15 : memref<!tpu.dma_semaphore, #tpu.memory_space<semaphore_mem>>)
      %dma_wait3A_284 = arith.constant 1 : i32
      %dma_wait3A_285 = arith.constant 0 : i32
      %dma_wait3A_286 = arith.constant 0 : i32
      %dma_wait3A_287 = tpu.memref_slice %arg12[%dma_wait3A_284, %dma_wait3A_285, %dma_wait3A_286] : memref<5x40x128xf32, #tpu.memory_space<vmem>> -> memref<1x40x128xf32, #tpu.memory_space<vmem>>
      %dma_wait3A_288 = tpu.memref_squeeze %dma_wait3A_287 : memref<1x40x128xf32, #tpu.memory_space<vmem>> -> memref<40x128xf32, #tpu.memory_space<vmem>>
      %dma_wait3A_289 = arith.constant 40 : i32
      %dma_wait3A_290 = tpu.memref_slice %arg9[%dma_wait3A_289] : memref<200xi32, #tpu.memory_space<vmem>> -> memref<40xi32, #tpu.memory_space<vmem>>
      %dma_wait3A_291 = arith.constant 0 : i32
      %dma_wait3A_292 = arith.constant 0 : i32
      %dma_wait3A_293 = tpu.memref_slice %arg5[%dma_wait3A_291, %dma_wait3A_292] : memref<10000x128xf32, #tpu.memory_space<hbm>> -> memref<10000x128xf32, #tpu.memory_space<hbm>>
      tpu.wait_indirect_dma semaphore(%arg19 : memref<!tpu.dma_semaphore, #tpu.memory_space<semaphore_mem>>) src(%dma_wait3A_293 : memref<10000x128xf32, #tpu.memory_space<hbm>>) dst(%dma_wait3A_288 : memref<40x128xf32, #tpu.memory_space<vmem>>)
      %dma_wait3A_294 = arith.constant 1 : i32
      %dma_wait3A_295 = arith.constant 0 : i32
      %dma_wait3A_296 = arith.constant 0 : i32
      %dma_wait3A_297 = tpu.memref_slice %arg11[%dma_wait3A_294, %dma_wait3A_295, %dma_wait3A_296] : memref<2x40x16xf32, #tpu.memory_space<vmem>> -> memref<1x40x16xf32, #tpu.memory_space<vmem>>
      %dma_wait3A_298 = tpu.memref_squeeze %dma_wait3A_297 : memref<1x40x16xf32, #tpu.memory_space<vmem>> -> memref<40x16xf32, #tpu.memory_space<vmem>>
      %dma_wait3A_299 = arith.constant 0 : i32
      %dma_wait3A_300 = tpu.memref_slice %arg4[%add3A_214, %dma_wait3A_299] : memref<320000x16xf32, #tpu.memory_space<hbm>> -> memref<40x16xf32, #tpu.memory_space<hbm>>
      %dma_wait3A_301 = arith.constant 0 : i32
      %dma_wait3A_302 = arith.constant 0 : i32
      %dma_wait3A_303 = tpu.memref_slice %arg11[%dma_wait3A_294, %dma_wait3A_301, %dma_wait3A_302] : memref<2x40x16xf32, #tpu.memory_space<vmem>> -> memref<1x40x16xf32, #tpu.memory_space<vmem>>
      %dma_wait3A_304 = tpu.memref_squeeze %dma_wait3A_303 : memref<1x40x16xf32, #tpu.memory_space<vmem>> -> memref<40x16xf32, #tpu.memory_space<vmem>>
      %dma_wait3A_305 = arith.constant 0 : i32
      %dma_wait3A_306 = tpu.memref_slice %arg4[%add3A_214, %dma_wait3A_305] : memref<320000x16xf32, #tpu.memory_space<hbm>> -> memref<40x16xf32, #tpu.memory_space<hbm>>
      tpu.wait_dma2 semaphore(%arg16 : memref<!tpu.dma_semaphore, #tpu.memory_space<semaphore_mem>>) src(%dma_wait3A_306 : memref<40x16xf32, #tpu.memory_space<hbm>>) dst(%dma_wait3A_304 : memref<40x16xf32, #tpu.memory_space<vmem>>)
      %scan3A_307 = arith.constant 0 : i32
      %scan3A_308 = arith.constant 0 : i32
      %scan3A_309 = arith.constant 40 : i32
      %scan3A_310 = arith.addi %scan3A_308, %scan3A_309 : i32
      %scan3A_311 = arith.constant 1 : i32
      scf.for %scan3A_538 = %scan3A_308 to %scan3A_310 step %scan3A_311  : i32 {
        %get3A = arith.constant 1 : i32
        %get3A_539 = arith.index_cast %get3A : i32 to index
        %get3A_540 = arith.index_cast %scan3A_538 : i32 to index
        %get3A_541 = arith.constant 0 : index
        %get3A_542 = tpu.vector_load %arg11[%get3A_539, %get3A_540, %get3A_541] {strides = array<i32>} : memref<2x40x16xf32, #tpu.memory_space<vmem>>, vector<1x1x16xf32>,
        %get3A_543 = vector.shape_cast %get3A_542 : vector<1x1x16xf32> to vector<16xf32>
        %slice3A = vector.extract_strided_slice %get3A_543 {offsets = [0], sizes = [1], strides = [1]} : vector<16xf32> to vector<1xf32>
        %squeeze3A = vector.extract %slice3A[0] : f32 from vector<1xf32>
        %broadcast_in_dim3A_544 = vector.broadcast %squeeze3A : f32 to vector<16xf32>
        %slice3A_545 = vector.extract_strided_slice %get3A_543 {offsets = [1], sizes = [1], strides = [1]} : vector<16xf32> to vector<1xf32>
        %squeeze3A_546 = vector.extract %slice3A_545[0] : f32 from vector<1xf32>
        %broadcast_in_dim3A_547 = vector.broadcast %squeeze3A_546 : f32 to vector<16xf32>
        %get3A_548 = arith.constant 1 : i32
        %get3A_549 = arith.index_cast %get3A_548 : i32 to index
        %get3A_550 = arith.index_cast %scan3A_538 : i32 to index
        %get3A_551 = arith.constant 0 : index
        %get3A_552 = tpu.vector_load %arg12[%get3A_549, %get3A_550, %get3A_551] {strides = array<i32>} : memref<5x40x128xf32, #tpu.memory_space<vmem>>, vector<1x1x16xf32>,
        %get3A_553 = vector.shape_cast %get3A_552 : vector<1x1x16xf32> to vector<16xf32>
        %mul3A_554 = arith.mulf %get3A_553, %broadcast_in_dim3A_544 : vector<16xf32>
        %swap3A = arith.constant 1 : i32
        %swap3A_555 = arith.index_cast %swap3A : i32 to index
        %swap3A_556 = arith.index_cast %scan3A_538 : i32 to index
        %swap3A_557 = arith.constant 0 : index
        %swap3A_558 = tpu.vector_load %arg12[%swap3A_555, %swap3A_556, %swap3A_557] {strides = array<i32>} : memref<5x40x128xf32, #tpu.memory_space<vmem>>, vector<1x1x16xf32>,
        %swap3A_559 = vector.shape_cast %swap3A_558 : vector<1x1x16xf32> to vector<16xf32>
        %swap3A_560 = vector.shape_cast %mul3A_554 : vector<16xf32> to vector<1x1x16xf32>
        tpu.vector_store %arg12[%swap3A_555, %swap3A_556, %swap3A_557], %swap3A_560 {strides = array<i32>} : memref<5x40x128xf32, #tpu.memory_space<vmem>>, vector<1x1x16xf32>,
        %get3A_561 = arith.constant 1 : i32
        %get3A_562 = arith.index_cast %get3A_561 : i32 to index
        %get3A_563 = arith.index_cast %scan3A_538 : i32 to index
        %get3A_564 = arith.constant 16 : index
        %get3A_565 = tpu.vector_load %arg12[%get3A_562, %get3A_563, %get3A_564] {strides = array<i32>} : memref<5x40x128xf32, #tpu.memory_space<vmem>>, vector<1x1x16xf32>,
        %get3A_566 = vector.shape_cast %get3A_565 : vector<1x1x16xf32> to vector<16xf32>
        %mul3A_567 = arith.mulf %get3A_566, %broadcast_in_dim3A_544 : vector<16xf32>
        %swap3A_568 = arith.constant 1 : i32
        %swap3A_569 = arith.index_cast %swap3A_568 : i32 to index
        %swap3A_570 = arith.index_cast %scan3A_538 : i32 to index
        %swap3A_571 = arith.constant 16 : index
        %swap3A_572 = tpu.vector_load %arg12[%swap3A_569, %swap3A_570, %swap3A_571] {strides = array<i32>} : memref<5x40x128xf32, #tpu.memory_space<vmem>>, vector<1x1x16xf32>,
        %swap3A_573 = vector.shape_cast %swap3A_572 : vector<1x1x16xf32> to vector<16xf32>
        %swap3A_574 = vector.shape_cast %mul3A_567 : vector<16xf32> to vector<1x1x16xf32>
        tpu.vector_store %arg12[%swap3A_569, %swap3A_570, %swap3A_571], %swap3A_574 {strides = array<i32>} : memref<5x40x128xf32, #tpu.memory_space<vmem>>, vector<1x1x16xf32>,
        %get3A_575 = arith.constant 1 : i32
        %get3A_576 = arith.index_cast %get3A_575 : i32 to index
        %get3A_577 = arith.index_cast %scan3A_538 : i32 to index
        %get3A_578 = arith.constant 32 : index
        %get3A_579 = tpu.vector_load %arg12[%get3A_576, %get3A_577, %get3A_578] {strides = array<i32>} : memref<5x40x128xf32, #tpu.memory_space<vmem>>, vector<1x1x16xf32>,
        %get3A_580 = vector.shape_cast %get3A_579 : vector<1x1x16xf32> to vector<16xf32>
        %mul3A_581 = arith.mulf %get3A_580, %broadcast_in_dim3A_544 : vector<16xf32>
        %swap3A_582 = arith.constant 1 : i32
        %swap3A_583 = arith.index_cast %swap3A_582 : i32 to index
        %swap3A_584 = arith.index_cast %scan3A_538 : i32 to index
        %swap3A_585 = arith.constant 32 : index
        %swap3A_586 = tpu.vector_load %arg12[%swap3A_583, %swap3A_584, %swap3A_585] {strides = array<i32>} : memref<5x40x128xf32, #tpu.memory_space<vmem>>, vector<1x1x16xf32>,
        %swap3A_587 = vector.shape_cast %swap3A_586 : vector<1x1x16xf32> to vector<16xf32>
        %swap3A_588 = vector.shape_cast %mul3A_581 : vector<16xf32> to vector<1x1x16xf32>
        tpu.vector_store %arg12[%swap3A_583, %swap3A_584, %swap3A_585], %swap3A_588 {strides = array<i32>} : memref<5x40x128xf32, #tpu.memory_space<vmem>>, vector<1x1x16xf32>,
        %get3A_589 = arith.constant 1 : i32
        %get3A_590 = arith.index_cast %get3A_589 : i32 to index
        %get3A_591 = arith.index_cast %scan3A_538 : i32 to index
        %get3A_592 = arith.constant 48 : index
        %get3A_593 = tpu.vector_load %arg12[%get3A_590, %get3A_591, %get3A_592] {strides = array<i32>} : memref<5x40x128xf32, #tpu.memory_space<vmem>>, vector<1x1x16xf32>,
        %get3A_594 = vector.shape_cast %get3A_593 : vector<1x1x16xf32> to vector<16xf32>
        %mul3A_595 = arith.mulf %get3A_594, %broadcast_in_dim3A_544 : vector<16xf32>
        %swap3A_596 = arith.constant 1 : i32
        %swap3A_597 = arith.index_cast %swap3A_596 : i32 to index
        %swap3A_598 = arith.index_cast %scan3A_538 : i32 to index
        %swap3A_599 = arith.constant 48 : index
        %swap3A_600 = tpu.vector_load %arg12[%swap3A_597, %swap3A_598, %swap3A_599] {strides = array<i32>} : memref<5x40x128xf32, #tpu.memory_space<vmem>>, vector<1x1x16xf32>,
        %swap3A_601 = vector.shape_cast %swap3A_600 : vector<1x1x16xf32> to vector<16xf32>
        %swap3A_602 = vector.shape_cast %mul3A_595 : vector<16xf32> to vector<1x1x16xf32>
        tpu.vector_store %arg12[%swap3A_597, %swap3A_598, %swap3A_599], %swap3A_602 {strides = array<i32>} : memref<5x40x128xf32, #tpu.memory_space<vmem>>, vector<1x1x16xf32>,
        %get3A_603 = arith.constant 1 : i32
        %get3A_604 = arith.index_cast %get3A_603 : i32 to index
        %get3A_605 = arith.index_cast %scan3A_538 : i32 to index
        %get3A_606 = arith.constant 64 : index
        %get3A_607 = tpu.vector_load %arg12[%get3A_604, %get3A_605, %get3A_606] {strides = array<i32>} : memref<5x40x128xf32, #tpu.memory_space<vmem>>, vector<1x1x16xf32>,
        %get3A_608 = vector.shape_cast %get3A_607 : vector<1x1x16xf32> to vector<16xf32>
        %mul3A_609 = arith.mulf %get3A_608, %broadcast_in_dim3A_547 : vector<16xf32>
        %swap3A_610 = arith.constant 1 : i32
        %swap3A_611 = arith.index_cast %swap3A_610 : i32 to index
        %swap3A_612 = arith.index_cast %scan3A_538 : i32 to index
        %swap3A_613 = arith.constant 64 : index
        %swap3A_614 = tpu.vector_load %arg12[%swap3A_611, %swap3A_612, %swap3A_613] {strides = array<i32>} : memref<5x40x128xf32, #tpu.memory_space<vmem>>, vector<1x1x16xf32>,
        %swap3A_615 = vector.shape_cast %swap3A_614 : vector<1x1x16xf32> to vector<16xf32>
        %swap3A_616 = vector.shape_cast %mul3A_609 : vector<16xf32> to vector<1x1x16xf32>
        tpu.vector_store %arg12[%swap3A_611, %swap3A_612, %swap3A_613], %swap3A_616 {strides = array<i32>} : memref<5x40x128xf32, #tpu.memory_space<vmem>>, vector<1x1x16xf32>,
        %get3A_617 = arith.constant 1 : i32
        %get3A_618 = arith.index_cast %get3A_617 : i32 to index
        %get3A_619 = arith.index_cast %scan3A_538 : i32 to index
        %get3A_620 = arith.constant 80 : index
        %get3A_621 = tpu.vector_load %arg12[%get3A_618, %get3A_619, %get3A_620] {strides = array<i32>} : memref<5x40x128xf32, #tpu.memory_space<vmem>>, vector<1x1x16xf32>,
        %get3A_622 = vector.shape_cast %get3A_621 : vector<1x1x16xf32> to vector<16xf32>
        %mul3A_623 = arith.mulf %get3A_622, %broadcast_in_dim3A_547 : vector<16xf32>
        %swap3A_624 = arith.constant 1 : i32
        %swap3A_625 = arith.index_cast %swap3A_624 : i32 to index
        %swap3A_626 = arith.index_cast %scan3A_538 : i32 to index
        %swap3A_627 = arith.constant 80 : index
        %swap3A_628 = tpu.vector_load %arg12[%swap3A_625, %swap3A_626, %swap3A_627] {strides = array<i32>} : memref<5x40x128xf32, #tpu.memory_space<vmem>>, vector<1x1x16xf32>,
        %swap3A_629 = vector.shape_cast %swap3A_628 : vector<1x1x16xf32> to vector<16xf32>
        %swap3A_630 = vector.shape_cast %mul3A_623 : vector<16xf32> to vector<1x1x16xf32>
        tpu.vector_store %arg12[%swap3A_625, %swap3A_626, %swap3A_627], %swap3A_630 {strides = array<i32>} : memref<5x40x128xf32, #tpu.memory_space<vmem>>, vector<1x1x16xf32>,
        %get3A_631 = arith.constant 1 : i32
        %get3A_632 = arith.index_cast %get3A_631 : i32 to index
        %get3A_633 = arith.index_cast %scan3A_538 : i32 to index
        %get3A_634 = arith.constant 96 : index
        %get3A_635 = tpu.vector_load %arg12[%get3A_632, %get3A_633, %get3A_634] {strides = array<i32>} : memref<5x40x128xf32, #tpu.memory_space<vmem>>, vector<1x1x16xf32>,
        %get3A_636 = vector.shape_cast %get3A_635 : vector<1x1x16xf32> to vector<16xf32>
        %mul3A_637 = arith.mulf %get3A_636, %broadcast_in_dim3A_547 : vector<16xf32>
        %swap3A_638 = arith.constant 1 : i32
        %swap3A_639 = arith.index_cast %swap3A_638 : i32 to index
        %swap3A_640 = arith.index_cast %scan3A_538 : i32 to index
        %swap3A_641 = arith.constant 96 : index
        %swap3A_642 = tpu.vector_load %arg12[%swap3A_639, %swap3A_640, %swap3A_641] {strides = array<i32>} : memref<5x40x128xf32, #tpu.memory_space<vmem>>, vector<1x1x16xf32>,
        %swap3A_643 = vector.shape_cast %swap3A_642 : vector<1x1x16xf32> to vector<16xf32>
        %swap3A_644 = vector.shape_cast %mul3A_637 : vector<16xf32> to vector<1x1x16xf32>
        tpu.vector_store %arg12[%swap3A_639, %swap3A_640, %swap3A_641], %swap3A_644 {strides = array<i32>} : memref<5x40x128xf32, #tpu.memory_space<vmem>>, vector<1x1x16xf32>,
        %get3A_645 = arith.constant 1 : i32
        %get3A_646 = arith.index_cast %get3A_645 : i32 to index
        %get3A_647 = arith.index_cast %scan3A_538 : i32 to index
        %get3A_648 = arith.constant 112 : index
        %get3A_649 = tpu.vector_load %arg12[%get3A_646, %get3A_647, %get3A_648] {strides = array<i32>} : memref<5x40x128xf32, #tpu.memory_space<vmem>>, vector<1x1x16xf32>,
        %get3A_650 = vector.shape_cast %get3A_649 : vector<1x1x16xf32> to vector<16xf32>
        %mul3A_651 = arith.mulf %get3A_650, %broadcast_in_dim3A_547 : vector<16xf32>
        %swap3A_652 = arith.constant 1 : i32
        %swap3A_653 = arith.index_cast %swap3A_652 : i32 to index
        %swap3A_654 = arith.index_cast %scan3A_538 : i32 to index
        %swap3A_655 = arith.constant 112 : index
        %swap3A_656 = tpu.vector_load %arg12[%swap3A_653, %swap3A_654, %swap3A_655] {strides = array<i32>} : memref<5x40x128xf32, #tpu.memory_space<vmem>>, vector<1x1x16xf32>,
        %swap3A_657 = vector.shape_cast %swap3A_656 : vector<1x1x16xf32> to vector<16xf32>
        %swap3A_658 = vector.shape_cast %mul3A_651 : vector<16xf32> to vector<1x1x16xf32>
        tpu.vector_store %arg12[%swap3A_653, %swap3A_654, %swap3A_655], %swap3A_658 {strides = array<i32>} : memref<5x40x128xf32, #tpu.memory_space<vmem>>, vector<1x1x16xf32>,
      }
      %scan3A_312 = arith.constant 40 : i32
      %dma_start3A_313 = arith.constant 1 : i32
      %dma_start3A_314 = arith.constant 1 : i32
      %dma_start3A_315 = arith.constant 0 : i32
      %dma_start3A_316 = arith.constant 0 : i32
      %dma_start3A_317 = tpu.memref_slice %arg12[%dma_start3A_313, %dma_start3A_315, %dma_start3A_316] : memref<5x40x128xf32, #tpu.memory_space<vmem>> -> memref<1x40x128xf32, #tpu.memory_space<vmem>>
      %dma_start3A_318 = tpu.memref_squeeze %dma_start3A_317 : memref<1x40x128xf32, #tpu.memory_space<vmem>> -> memref<40x128xf32, #tpu.memory_space<vmem>>
      %dma_start3A_319 = arith.constant 0 : i32
      %dma_start3A_320 = tpu.memref_slice %arg10[%dma_start3A_314, %dma_start3A_319] : memref<5x40xi32, #tpu.memory_space<vmem>> -> memref<1x40xi32, #tpu.memory_space<vmem>>
      %dma_start3A_321 = tpu.memref_squeeze %dma_start3A_320 : memref<1x40xi32, #tpu.memory_space<vmem>> -> memref<40xi32, #tpu.memory_space<vmem>>
      %dma_start3A_322 = arith.constant 0 : i32
      %dma_start3A_323 = arith.constant 0 : i32
      %dma_start3A_324 = tpu.memref_slice %arg13[%dma_start3A_322, %dma_start3A_323] : memref<10000x128xf32, #tpu.memory_space<vmem_shared>> -> memref<10000x128xf32, #tpu.memory_space<vmem_shared>>
      tpu.enqueue_indirect_dma source(%dma_start3A_318 : memref<40x128xf32, #tpu.memory_space<vmem>>) target(%dma_start3A_324 : memref<10000x128xf32, #tpu.memory_space<vmem_shared>>) offsets(%dma_start3A_321 : memref<40xi32, #tpu.memory_space<vmem>>) semaphore(%arg17 : memref<!tpu.dma_semaphore, #tpu.memory_space<semaphore_mem>>) {add = true}
      %add3A_325 = arith.constant 120 : i32
      %add3A_326 = arith.addi %mul3A_45, %add3A_325 : i32
      %dma_start3A_327 = arith.constant 1 : i32
      %dma_start3A_328 = arith.constant 0 : i32
      %dma_start3A_329 = arith.constant 0 : i32
      %dma_start3A_330 = tpu.memref_slice %arg11[%dma_start3A_327, %dma_start3A_328, %dma_start3A_329] : memref<2x40x16xf32, #tpu.memory_space<vmem>> -> memref<1x40x16xf32, #tpu.memory_space<vmem>>
      %dma_start3A_331 = tpu.memref_squeeze %dma_start3A_330 : memref<1x40x16xf32, #tpu.memory_space<vmem>> -> memref<40x16xf32, #tpu.memory_space<vmem>>
      %dma_start3A_332 = arith.constant 0 : i32
      %dma_start3A_333 = tpu.memref_slice %arg4[%add3A_326, %dma_start3A_332] : memref<320000x16xf32, #tpu.memory_space<hbm>> -> memref<40x16xf32, #tpu.memory_space<hbm>>
      %dma_start3A_334 = arith.constant 0 : i32
      %dma_start3A_335 = arith.constant 0 : i32
      %dma_start3A_336 = tpu.memref_slice %arg11[%dma_start3A_327, %dma_start3A_334, %dma_start3A_335] : memref<2x40x16xf32, #tpu.memory_space<vmem>> -> memref<1x40x16xf32, #tpu.memory_space<vmem>>
      %dma_start3A_337 = tpu.memref_squeeze %dma_start3A_336 : memref<1x40x16xf32, #tpu.memory_space<vmem>> -> memref<40x16xf32, #tpu.memory_space<vmem>>
      %dma_start3A_338 = arith.constant 0 : i32
      %dma_start3A_339 = tpu.memref_slice %arg4[%add3A_326, %dma_start3A_338] : memref<320000x16xf32, #tpu.memory_space<hbm>> -> memref<40x16xf32, #tpu.memory_space<hbm>>
      tpu.enqueue_dma source(%dma_start3A_339 : memref<40x16xf32, #tpu.memory_space<hbm>>) target(%dma_start3A_337 : memref<40x16xf32, #tpu.memory_space<vmem>>) target_semaphore(%arg16 : memref<!tpu.dma_semaphore, #tpu.memory_space<semaphore_mem>>)
      %dma_wait3A_340 = arith.constant 2 : i32
      %dma_wait3A_341 = arith.constant 0 : i32
      %dma_wait3A_342 = arith.constant 0 : i32
      %dma_wait3A_343 = tpu.memref_slice %arg12[%dma_wait3A_340, %dma_wait3A_341, %dma_wait3A_342] : memref<5x40x128xf32, #tpu.memory_space<vmem>> -> memref<1x40x128xf32, #tpu.memory_space<vmem>>
      %dma_wait3A_344 = tpu.memref_squeeze %dma_wait3A_343 : memref<1x40x128xf32, #tpu.memory_space<vmem>> -> memref<40x128xf32, #tpu.memory_space<vmem>>
      %dma_wait3A_345 = arith.constant 80 : i32
      %dma_wait3A_346 = tpu.memref_slice %arg9[%dma_wait3A_345] : memref<200xi32, #tpu.memory_space<vmem>> -> memref<40xi32, #tpu.memory_space<vmem>>
      %dma_wait3A_347 = arith.constant 0 : i32
      %dma_wait3A_348 = arith.constant 0 : i32
      %dma_wait3A_349 = tpu.memref_slice %arg5[%dma_wait3A_347, %dma_wait3A_348] : memref<10000x128xf32, #tpu.memory_space<hbm>> -> memref<10000x128xf32, #tpu.memory_space<hbm>>
      tpu.wait_indirect_dma semaphore(%arg20 : memref<!tpu.dma_semaphore, #tpu.memory_space<semaphore_mem>>) src(%dma_wait3A_349 : memref<10000x128xf32, #tpu.memory_space<hbm>>) dst(%dma_wait3A_344 : memref<40x128xf32, #tpu.memory_space<vmem>>)
      %dma_wait3A_350 = arith.constant 0 : i32
      %dma_wait3A_351 = arith.constant 0 : i32
      %dma_wait3A_352 = arith.constant 0 : i32
      %dma_wait3A_353 = tpu.memref_slice %arg11[%dma_wait3A_350, %dma_wait3A_351, %dma_wait3A_352] : memref<2x40x16xf32, #tpu.memory_space<vmem>> -> memref<1x40x16xf32, #tpu.memory_space<vmem>>
      %dma_wait3A_354 = tpu.memref_squeeze %dma_wait3A_353 : memref<1x40x16xf32, #tpu.memory_space<vmem>> -> memref<40x16xf32, #tpu.memory_space<vmem>>
      %dma_wait3A_355 = arith.constant 0 : i32
      %dma_wait3A_356 = tpu.memref_slice %arg4[%add3A_270, %dma_wait3A_355] : memref<320000x16xf32, #tpu.memory_space<hbm>> -> memref<40x16xf32, #tpu.memory_space<hbm>>
      %dma_wait3A_357 = arith.constant 0 : i32
      %dma_wait3A_358 = arith.constant 0 : i32
      %dma_wait3A_359 = tpu.memref_slice %arg11[%dma_wait3A_350, %dma_wait3A_357, %dma_wait3A_358] : memref<2x40x16xf32, #tpu.memory_space<vmem>> -> memref<1x40x16xf32, #tpu.memory_space<vmem>>
      %dma_wait3A_360 = tpu.memref_squeeze %dma_wait3A_359 : memref<1x40x16xf32, #tpu.memory_space<vmem>> -> memref<40x16xf32, #tpu.memory_space<vmem>>
      %dma_wait3A_361 = arith.constant 0 : i32
      %dma_wait3A_362 = tpu.memref_slice %arg4[%add3A_270, %dma_wait3A_361] : memref<320000x16xf32, #tpu.memory_space<hbm>> -> memref<40x16xf32, #tpu.memory_space<hbm>>
      tpu.wait_dma2 semaphore(%arg15 : memref<!tpu.dma_semaphore, #tpu.memory_space<semaphore_mem>>) src(%dma_wait3A_362 : memref<40x16xf32, #tpu.memory_space<hbm>>) dst(%dma_wait3A_360 : memref<40x16xf32, #tpu.memory_space<vmem>>)
      %scan3A_363 = arith.constant 0 : i32
      %scan3A_364 = arith.constant 0 : i32
      %scan3A_365 = arith.constant 40 : i32
      %scan3A_366 = arith.addi %scan3A_364, %scan3A_365 : i32
      %scan3A_367 = arith.constant 1 : i32
      scf.for %scan3A_538 = %scan3A_364 to %scan3A_366 step %scan3A_367  : i32 {
        %get3A = arith.constant 0 : i32
        %get3A_539 = arith.index_cast %get3A : i32 to index
        %get3A_540 = arith.index_cast %scan3A_538 : i32 to index
        %get3A_541 = arith.constant 0 : index
        %get3A_542 = tpu.vector_load %arg11[%get3A_539, %get3A_540, %get3A_541] {strides = array<i32>} : memref<2x40x16xf32, #tpu.memory_space<vmem>>, vector<1x1x16xf32>,
        %get3A_543 = vector.shape_cast %get3A_542 : vector<1x1x16xf32> to vector<16xf32>
        %slice3A = vector.extract_strided_slice %get3A_543 {offsets = [0], sizes = [1], strides = [1]} : vector<16xf32> to vector<1xf32>
        %squeeze3A = vector.extract %slice3A[0] : f32 from vector<1xf32>
        %broadcast_in_dim3A_544 = vector.broadcast %squeeze3A : f32 to vector<16xf32>
        %slice3A_545 = vector.extract_strided_slice %get3A_543 {offsets = [1], sizes = [1], strides = [1]} : vector<16xf32> to vector<1xf32>
        %squeeze3A_546 = vector.extract %slice3A_545[0] : f32 from vector<1xf32>
        %broadcast_in_dim3A_547 = vector.broadcast %squeeze3A_546 : f32 to vector<16xf32>
        %get3A_548 = arith.constant 2 : i32
        %get3A_549 = arith.index_cast %get3A_548 : i32 to index
        %get3A_550 = arith.index_cast %scan3A_538 : i32 to index
        %get3A_551 = arith.constant 0 : index
        %get3A_552 = tpu.vector_load %arg12[%get3A_549, %get3A_550, %get3A_551] {strides = array<i32>} : memref<5x40x128xf32, #tpu.memory_space<vmem>>, vector<1x1x16xf32>,
        %get3A_553 = vector.shape_cast %get3A_552 : vector<1x1x16xf32> to vector<16xf32>
        %mul3A_554 = arith.mulf %get3A_553, %broadcast_in_dim3A_544 : vector<16xf32>
        %swap3A = arith.constant 2 : i32
        %swap3A_555 = arith.index_cast %swap3A : i32 to index
        %swap3A_556 = arith.index_cast %scan3A_538 : i32 to index
        %swap3A_557 = arith.constant 0 : index
        %swap3A_558 = tpu.vector_load %arg12[%swap3A_555, %swap3A_556, %swap3A_557] {strides = array<i32>} : memref<5x40x128xf32, #tpu.memory_space<vmem>>, vector<1x1x16xf32>,
        %swap3A_559 = vector.shape_cast %swap3A_558 : vector<1x1x16xf32> to vector<16xf32>
        %swap3A_560 = vector.shape_cast %mul3A_554 : vector<16xf32> to vector<1x1x16xf32>
        tpu.vector_store %arg12[%swap3A_555, %swap3A_556, %swap3A_557], %swap3A_560 {strides = array<i32>} : memref<5x40x128xf32, #tpu.memory_space<vmem>>, vector<1x1x16xf32>,
        %get3A_561 = arith.constant 2 : i32
        %get3A_562 = arith.index_cast %get3A_561 : i32 to index
        %get3A_563 = arith.index_cast %scan3A_538 : i32 to index
        %get3A_564 = arith.constant 16 : index
        %get3A_565 = tpu.vector_load %arg12[%get3A_562, %get3A_563, %get3A_564] {strides = array<i32>} : memref<5x40x128xf32, #tpu.memory_space<vmem>>, vector<1x1x16xf32>,
        %get3A_566 = vector.shape_cast %get3A_565 : vector<1x1x16xf32> to vector<16xf32>
        %mul3A_567 = arith.mulf %get3A_566, %broadcast_in_dim3A_544 : vector<16xf32>
        %swap3A_568 = arith.constant 2 : i32
        %swap3A_569 = arith.index_cast %swap3A_568 : i32 to index
        %swap3A_570 = arith.index_cast %scan3A_538 : i32 to index
        %swap3A_571 = arith.constant 16 : index
        %swap3A_572 = tpu.vector_load %arg12[%swap3A_569, %swap3A_570, %swap3A_571] {strides = array<i32>} : memref<5x40x128xf32, #tpu.memory_space<vmem>>, vector<1x1x16xf32>,
        %swap3A_573 = vector.shape_cast %swap3A_572 : vector<1x1x16xf32> to vector<16xf32>
        %swap3A_574 = vector.shape_cast %mul3A_567 : vector<16xf32> to vector<1x1x16xf32>
        tpu.vector_store %arg12[%swap3A_569, %swap3A_570, %swap3A_571], %swap3A_574 {strides = array<i32>} : memref<5x40x128xf32, #tpu.memory_space<vmem>>, vector<1x1x16xf32>,
        %get3A_575 = arith.constant 2 : i32
        %get3A_576 = arith.index_cast %get3A_575 : i32 to index
        %get3A_577 = arith.index_cast %scan3A_538 : i32 to index
        %get3A_578 = arith.constant 32 : index
        %get3A_579 = tpu.vector_load %arg12[%get3A_576, %get3A_577, %get3A_578] {strides = array<i32>} : memref<5x40x128xf32, #tpu.memory_space<vmem>>, vector<1x1x16xf32>,
        %get3A_580 = vector.shape_cast %get3A_579 : vector<1x1x16xf32> to vector<16xf32>
        %mul3A_581 = arith.mulf %get3A_580, %broadcast_in_dim3A_544 : vector<16xf32>
        %swap3A_582 = arith.constant 2 : i32
        %swap3A_583 = arith.index_cast %swap3A_582 : i32 to index
        %swap3A_584 = arith.index_cast %scan3A_538 : i32 to index
        %swap3A_585 = arith.constant 32 : index
        %swap3A_586 = tpu.vector_load %arg12[%swap3A_583, %swap3A_584, %swap3A_585] {strides = array<i32>} : memref<5x40x128xf32, #tpu.memory_space<vmem>>, vector<1x1x16xf32>,
        %swap3A_587 = vector.shape_cast %swap3A_586 : vector<1x1x16xf32> to vector<16xf32>
        %swap3A_588 = vector.shape_cast %mul3A_581 : vector<16xf32> to vector<1x1x16xf32>
        tpu.vector_store %arg12[%swap3A_583, %swap3A_584, %swap3A_585], %swap3A_588 {strides = array<i32>} : memref<5x40x128xf32, #tpu.memory_space<vmem>>, vector<1x1x16xf32>,
        %get3A_589 = arith.constant 2 : i32
        %get3A_590 = arith.index_cast %get3A_589 : i32 to index
        %get3A_591 = arith.index_cast %scan3A_538 : i32 to index
        %get3A_592 = arith.constant 48 : index
        %get3A_593 = tpu.vector_load %arg12[%get3A_590, %get3A_591, %get3A_592] {strides = array<i32>} : memref<5x40x128xf32, #tpu.memory_space<vmem>>, vector<1x1x16xf32>,
        %get3A_594 = vector.shape_cast %get3A_593 : vector<1x1x16xf32> to vector<16xf32>
        %mul3A_595 = arith.mulf %get3A_594, %broadcast_in_dim3A_544 : vector<16xf32>
        %swap3A_596 = arith.constant 2 : i32
        %swap3A_597 = arith.index_cast %swap3A_596 : i32 to index
        %swap3A_598 = arith.index_cast %scan3A_538 : i32 to index
        %swap3A_599 = arith.constant 48 : index
        %swap3A_600 = tpu.vector_load %arg12[%swap3A_597, %swap3A_598, %swap3A_599] {strides = array<i32>} : memref<5x40x128xf32, #tpu.memory_space<vmem>>, vector<1x1x16xf32>,
        %swap3A_601 = vector.shape_cast %swap3A_600 : vector<1x1x16xf32> to vector<16xf32>
        %swap3A_602 = vector.shape_cast %mul3A_595 : vector<16xf32> to vector<1x1x16xf32>
        tpu.vector_store %arg12[%swap3A_597, %swap3A_598, %swap3A_599], %swap3A_602 {strides = array<i32>} : memref<5x40x128xf32, #tpu.memory_space<vmem>>, vector<1x1x16xf32>,
        %get3A_603 = arith.constant 2 : i32
        %get3A_604 = arith.index_cast %get3A_603 : i32 to index
        %get3A_605 = arith.index_cast %scan3A_538 : i32 to index
        %get3A_606 = arith.constant 64 : index
        %get3A_607 = tpu.vector_load %arg12[%get3A_604, %get3A_605, %get3A_606] {strides = array<i32>} : memref<5x40x128xf32, #tpu.memory_space<vmem>>, vector<1x1x16xf32>,
        %get3A_608 = vector.shape_cast %get3A_607 : vector<1x1x16xf32> to vector<16xf32>
        %mul3A_609 = arith.mulf %get3A_608, %broadcast_in_dim3A_547 : vector<16xf32>
        %swap3A_610 = arith.constant 2 : i32
        %swap3A_611 = arith.index_cast %swap3A_610 : i32 to index
        %swap3A_612 = arith.index_cast %scan3A_538 : i32 to index
        %swap3A_613 = arith.constant 64 : index
        %swap3A_614 = tpu.vector_load %arg12[%swap3A_611, %swap3A_612, %swap3A_613] {strides = array<i32>} : memref<5x40x128xf32, #tpu.memory_space<vmem>>, vector<1x1x16xf32>,
        %swap3A_615 = vector.shape_cast %swap3A_614 : vector<1x1x16xf32> to vector<16xf32>
        %swap3A_616 = vector.shape_cast %mul3A_609 : vector<16xf32> to vector<1x1x16xf32>
        tpu.vector_store %arg12[%swap3A_611, %swap3A_612, %swap3A_613], %swap3A_616 {strides = array<i32>} : memref<5x40x128xf32, #tpu.memory_space<vmem>>, vector<1x1x16xf32>,
        %get3A_617 = arith.constant 2 : i32
        %get3A_618 = arith.index_cast %get3A_617 : i32 to index
        %get3A_619 = arith.index_cast %scan3A_538 : i32 to index
        %get3A_620 = arith.constant 80 : index
        %get3A_621 = tpu.vector_load %arg12[%get3A_618, %get3A_619, %get3A_620] {strides = array<i32>} : memref<5x40x128xf32, #tpu.memory_space<vmem>>, vector<1x1x16xf32>,
        %get3A_622 = vector.shape_cast %get3A_621 : vector<1x1x16xf32> to vector<16xf32>
        %mul3A_623 = arith.mulf %get3A_622, %broadcast_in_dim3A_547 : vector<16xf32>
        %swap3A_624 = arith.constant 2 : i32
        %swap3A_625 = arith.index_cast %swap3A_624 : i32 to index
        %swap3A_626 = arith.index_cast %scan3A_538 : i32 to index
        %swap3A_627 = arith.constant 80 : index
        %swap3A_628 = tpu.vector_load %arg12[%swap3A_625, %swap3A_626, %swap3A_627] {strides = array<i32>} : memref<5x40x128xf32, #tpu.memory_space<vmem>>, vector<1x1x16xf32>,
        %swap3A_629 = vector.shape_cast %swap3A_628 : vector<1x1x16xf32> to vector<16xf32>
        %swap3A_630 = vector.shape_cast %mul3A_623 : vector<16xf32> to vector<1x1x16xf32>
        tpu.vector_store %arg12[%swap3A_625, %swap3A_626, %swap3A_627], %swap3A_630 {strides = array<i32>} : memref<5x40x128xf32, #tpu.memory_space<vmem>>, vector<1x1x16xf32>,
        %get3A_631 = arith.constant 2 : i32
        %get3A_632 = arith.index_cast %get3A_631 : i32 to index
        %get3A_633 = arith.index_cast %scan3A_538 : i32 to index
        %get3A_634 = arith.constant 96 : index
        %get3A_635 = tpu.vector_load %arg12[%get3A_632, %get3A_633, %get3A_634] {strides = array<i32>} : memref<5x40x128xf32, #tpu.memory_space<vmem>>, vector<1x1x16xf32>,
        %get3A_636 = vector.shape_cast %get3A_635 : vector<1x1x16xf32> to vector<16xf32>
        %mul3A_637 = arith.mulf %get3A_636, %broadcast_in_dim3A_547 : vector<16xf32>
        %swap3A_638 = arith.constant 2 : i32
        %swap3A_639 = arith.index_cast %swap3A_638 : i32 to index
        %swap3A_640 = arith.index_cast %scan3A_538 : i32 to index
        %swap3A_641 = arith.constant 96 : index
        %swap3A_642 = tpu.vector_load %arg12[%swap3A_639, %swap3A_640, %swap3A_641] {strides = array<i32>} : memref<5x40x128xf32, #tpu.memory_space<vmem>>, vector<1x1x16xf32>,
        %swap3A_643 = vector.shape_cast %swap3A_642 : vector<1x1x16xf32> to vector<16xf32>
        %swap3A_644 = vector.shape_cast %mul3A_637 : vector<16xf32> to vector<1x1x16xf32>
        tpu.vector_store %arg12[%swap3A_639, %swap3A_640, %swap3A_641], %swap3A_644 {strides = array<i32>} : memref<5x40x128xf32, #tpu.memory_space<vmem>>, vector<1x1x16xf32>,
        %get3A_645 = arith.constant 2 : i32
        %get3A_646 = arith.index_cast %get3A_645 : i32 to index
        %get3A_647 = arith.index_cast %scan3A_538 : i32 to index
        %get3A_648 = arith.constant 112 : index
        %get3A_649 = tpu.vector_load %arg12[%get3A_646, %get3A_647, %get3A_648] {strides = array<i32>} : memref<5x40x128xf32, #tpu.memory_space<vmem>>, vector<1x1x16xf32>,
        %get3A_650 = vector.shape_cast %get3A_649 : vector<1x1x16xf32> to vector<16xf32>
        %mul3A_651 = arith.mulf %get3A_650, %broadcast_in_dim3A_547 : vector<16xf32>
        %swap3A_652 = arith.constant 2 : i32
        %swap3A_653 = arith.index_cast %swap3A_652 : i32 to index
        %swap3A_654 = arith.index_cast %scan3A_538 : i32 to index
        %swap3A_655 = arith.constant 112 : index
        %swap3A_656 = tpu.vector_load %arg12[%swap3A_653, %swap3A_654, %swap3A_655] {strides = array<i32>} : memref<5x40x128xf32, #tpu.memory_space<vmem>>, vector<1x1x16xf32>,
        %swap3A_657 = vector.shape_cast %swap3A_656 : vector<1x1x16xf32> to vector<16xf32>
        %swap3A_658 = vector.shape_cast %mul3A_651 : vector<16xf32> to vector<1x1x16xf32>
        tpu.vector_store %arg12[%swap3A_653, %swap3A_654, %swap3A_655], %swap3A_658 {strides = array<i32>} : memref<5x40x128xf32, #tpu.memory_space<vmem>>, vector<1x1x16xf32>,
      }
      %scan3A_368 = arith.constant 40 : i32
      %dma_start3A_369 = arith.constant 2 : i32
      %dma_start3A_370 = arith.constant 2 : i32
      %dma_start3A_371 = arith.constant 0 : i32
      %dma_start3A_372 = arith.constant 0 : i32
      %dma_start3A_373 = tpu.memref_slice %arg12[%dma_start3A_369, %dma_start3A_371, %dma_start3A_372] : memref<5x40x128xf32, #tpu.memory_space<vmem>> -> memref<1x40x128xf32, #tpu.memory_space<vmem>>
      %dma_start3A_374 = tpu.memref_squeeze %dma_start3A_373 : memref<1x40x128xf32, #tpu.memory_space<vmem>> -> memref<40x128xf32, #tpu.memory_space<vmem>>
      %dma_start3A_375 = arith.constant 0 : i32
      %dma_start3A_376 = tpu.memref_slice %arg10[%dma_start3A_370, %dma_start3A_375] : memref<5x40xi32, #tpu.memory_space<vmem>> -> memref<1x40xi32, #tpu.memory_space<vmem>>
      %dma_start3A_377 = tpu.memref_squeeze %dma_start3A_376 : memref<1x40xi32, #tpu.memory_space<vmem>> -> memref<40xi32, #tpu.memory_space<vmem>>
      %dma_start3A_378 = arith.constant 0 : i32
      %dma_start3A_379 = arith.constant 0 : i32
      %dma_start3A_380 = tpu.memref_slice %arg13[%dma_start3A_378, %dma_start3A_379] : memref<10000x128xf32, #tpu.memory_space<vmem_shared>> -> memref<10000x128xf32, #tpu.memory_space<vmem_shared>>
      tpu.enqueue_indirect_dma source(%dma_start3A_374 : memref<40x128xf32, #tpu.memory_space<vmem>>) target(%dma_start3A_380 : memref<10000x128xf32, #tpu.memory_space<vmem_shared>>) offsets(%dma_start3A_377 : memref<40xi32, #tpu.memory_space<vmem>>) semaphore(%arg17 : memref<!tpu.dma_semaphore, #tpu.memory_space<semaphore_mem>>) {add = true}
      %add3A_381 = arith.constant 160 : i32
      %add3A_382 = arith.addi %mul3A_45, %add3A_381 : i32
      %dma_start3A_383 = arith.constant 0 : i32
      %dma_start3A_384 = arith.constant 0 : i32
      %dma_start3A_385 = arith.constant 0 : i32
      %dma_start3A_386 = tpu.memref_slice %arg11[%dma_start3A_383, %dma_start3A_384, %dma_start3A_385] : memref<2x40x16xf32, #tpu.memory_space<vmem>> -> memref<1x40x16xf32, #tpu.memory_space<vmem>>
      %dma_start3A_387 = tpu.memref_squeeze %dma_start3A_386 : memref<1x40x16xf32, #tpu.memory_space<vmem>> -> memref<40x16xf32, #tpu.memory_space<vmem>>
      %dma_start3A_388 = arith.constant 0 : i32
      %dma_start3A_389 = tpu.memref_slice %arg4[%add3A_382, %dma_start3A_388] : memref<320000x16xf32, #tpu.memory_space<hbm>> -> memref<40x16xf32, #tpu.memory_space<hbm>>
      %dma_start3A_390 = arith.constant 0 : i32
      %dma_start3A_391 = arith.constant 0 : i32
      %dma_start3A_392 = tpu.memref_slice %arg11[%dma_start3A_383, %dma_start3A_390, %dma_start3A_391] : memref<2x40x16xf32, #tpu.memory_space<vmem>> -> memref<1x40x16xf32, #tpu.memory_space<vmem>>
      %dma_start3A_393 = tpu.memref_squeeze %dma_start3A_392 : memref<1x40x16xf32, #tpu.memory_space<vmem>> -> memref<40x16xf32, #tpu.memory_space<vmem>>
      %dma_start3A_394 = arith.constant 0 : i32
      %dma_start3A_395 = tpu.memref_slice %arg4[%add3A_382, %dma_start3A_394] : memref<320000x16xf32, #tpu.memory_space<hbm>> -> memref<40x16xf32, #tpu.memory_space<hbm>>
      tpu.enqueue_dma source(%dma_start3A_395 : memref<40x16xf32, #tpu.memory_space<hbm>>) target(%dma_start3A_393 : memref<40x16xf32, #tpu.memory_space<vmem>>) target_semaphore(%arg15 : memref<!tpu.dma_semaphore, #tpu.memory_space<semaphore_mem>>)
      %dma_wait3A_396 = arith.constant 3 : i32
      %dma_wait3A_397 = arith.constant 0 : i32
      %dma_wait3A_398 = arith.constant 0 : i32
      %dma_wait3A_399 = tpu.memref_slice %arg12[%dma_wait3A_396, %dma_wait3A_397, %dma_wait3A_398] : memref<5x40x128xf32, #tpu.memory_space<vmem>> -> memref<1x40x128xf32, #tpu.memory_space<vmem>>
      %dma_wait3A_400 = tpu.memref_squeeze %dma_wait3A_399 : memref<1x40x128xf32, #tpu.memory_space<vmem>> -> memref<40x128xf32, #tpu.memory_space<vmem>>
      %dma_wait3A_401 = arith.constant 120 : i32
      %dma_wait3A_402 = tpu.memref_slice %arg9[%dma_wait3A_401] : memref<200xi32, #tpu.memory_space<vmem>> -> memref<40xi32, #tpu.memory_space<vmem>>
      %dma_wait3A_403 = arith.constant 0 : i32
      %dma_wait3A_404 = arith.constant 0 : i32
      %dma_wait3A_405 = tpu.memref_slice %arg5[%dma_wait3A_403, %dma_wait3A_404] : memref<10000x128xf32, #tpu.memory_space<hbm>> -> memref<10000x128xf32, #tpu.memory_space<hbm>>
      tpu.wait_indirect_dma semaphore(%arg21 : memref<!tpu.dma_semaphore, #tpu.memory_space<semaphore_mem>>) src(%dma_wait3A_405 : memref<10000x128xf32, #tpu.memory_space<hbm>>) dst(%dma_wait3A_400 : memref<40x128xf32, #tpu.memory_space<vmem>>)
      %dma_wait3A_406 = arith.constant 1 : i32
      %dma_wait3A_407 = arith.constant 0 : i32
      %dma_wait3A_408 = arith.constant 0 : i32
      %dma_wait3A_409 = tpu.memref_slice %arg11[%dma_wait3A_406, %dma_wait3A_407, %dma_wait3A_408] : memref<2x40x16xf32, #tpu.memory_space<vmem>> -> memref<1x40x16xf32, #tpu.memory_space<vmem>>
      %dma_wait3A_410 = tpu.memref_squeeze %dma_wait3A_409 : memref<1x40x16xf32, #tpu.memory_space<vmem>> -> memref<40x16xf32, #tpu.memory_space<vmem>>
      %dma_wait3A_411 = arith.constant 0 : i32
      %dma_wait3A_412 = tpu.memref_slice %arg4[%add3A_326, %dma_wait3A_411] : memref<320000x16xf32, #tpu.memory_space<hbm>> -> memref<40x16xf32, #tpu.memory_space<hbm>>
      %dma_wait3A_413 = arith.constant 0 : i32
      %dma_wait3A_414 = arith.constant 0 : i32
      %dma_wait3A_415 = tpu.memref_slice %arg11[%dma_wait3A_406, %dma_wait3A_413, %dma_wait3A_414] : memref<2x40x16xf32, #tpu.memory_space<vmem>> -> memref<1x40x16xf32, #tpu.memory_space<vmem>>
      %dma_wait3A_416 = tpu.memref_squeeze %dma_wait3A_415 : memref<1x40x16xf32, #tpu.memory_space<vmem>> -> memref<40x16xf32, #tpu.memory_space<vmem>>
      %dma_wait3A_417 = arith.constant 0 : i32
      %dma_wait3A_418 = tpu.memref_slice %arg4[%add3A_326, %dma_wait3A_417] : memref<320000x16xf32, #tpu.memory_space<hbm>> -> memref<40x16xf32, #tpu.memory_space<hbm>>
      tpu.wait_dma2 semaphore(%arg16 : memref<!tpu.dma_semaphore, #tpu.memory_space<semaphore_mem>>) src(%dma_wait3A_418 : memref<40x16xf32, #tpu.memory_space<hbm>>) dst(%dma_wait3A_416 : memref<40x16xf32, #tpu.memory_space<vmem>>)
      %scan3A_419 = arith.constant 0 : i32
      %scan3A_420 = arith.constant 0 : i32
      %scan3A_421 = arith.constant 40 : i32
      %scan3A_422 = arith.addi %scan3A_420, %scan3A_421 : i32
      %scan3A_423 = arith.constant 1 : i32
      scf.for %scan3A_538 = %scan3A_420 to %scan3A_422 step %scan3A_423  : i32 {
        %get3A = arith.constant 1 : i32
        %get3A_539 = arith.index_cast %get3A : i32 to index
        %get3A_540 = arith.index_cast %scan3A_538 : i32 to index
        %get3A_541 = arith.constant 0 : index
        %get3A_542 = tpu.vector_load %arg11[%get3A_539, %get3A_540, %get3A_541] {strides = array<i32>} : memref<2x40x16xf32, #tpu.memory_space<vmem>>, vector<1x1x16xf32>,
        %get3A_543 = vector.shape_cast %get3A_542 : vector<1x1x16xf32> to vector<16xf32>
        %slice3A = vector.extract_strided_slice %get3A_543 {offsets = [0], sizes = [1], strides = [1]} : vector<16xf32> to vector<1xf32>
        %squeeze3A = vector.extract %slice3A[0] : f32 from vector<1xf32>
        %broadcast_in_dim3A_544 = vector.broadcast %squeeze3A : f32 to vector<16xf32>
        %slice3A_545 = vector.extract_strided_slice %get3A_543 {offsets = [1], sizes = [1], strides = [1]} : vector<16xf32> to vector<1xf32>
        %squeeze3A_546 = vector.extract %slice3A_545[0] : f32 from vector<1xf32>
        %broadcast_in_dim3A_547 = vector.broadcast %squeeze3A_546 : f32 to vector<16xf32>
        %get3A_548 = arith.constant 3 : i32
        %get3A_549 = arith.index_cast %get3A_548 : i32 to index
        %get3A_550 = arith.index_cast %scan3A_538 : i32 to index
        %get3A_551 = arith.constant 0 : index
        %get3A_552 = tpu.vector_load %arg12[%get3A_549, %get3A_550, %get3A_551] {strides = array<i32>} : memref<5x40x128xf32, #tpu.memory_space<vmem>>, vector<1x1x16xf32>,
        %get3A_553 = vector.shape_cast %get3A_552 : vector<1x1x16xf32> to vector<16xf32>
        %mul3A_554 = arith.mulf %get3A_553, %broadcast_in_dim3A_544 : vector<16xf32>
        %swap3A = arith.constant 3 : i32
        %swap3A_555 = arith.index_cast %swap3A : i32 to index
        %swap3A_556 = arith.index_cast %scan3A_538 : i32 to index
        %swap3A_557 = arith.constant 0 : index
        %swap3A_558 = tpu.vector_load %arg12[%swap3A_555, %swap3A_556, %swap3A_557] {strides = array<i32>} : memref<5x40x128xf32, #tpu.memory_space<vmem>>, vector<1x1x16xf32>,
        %swap3A_559 = vector.shape_cast %swap3A_558 : vector<1x1x16xf32> to vector<16xf32>
        %swap3A_560 = vector.shape_cast %mul3A_554 : vector<16xf32> to vector<1x1x16xf32>
        tpu.vector_store %arg12[%swap3A_555, %swap3A_556, %swap3A_557], %swap3A_560 {strides = array<i32>} : memref<5x40x128xf32, #tpu.memory_space<vmem>>, vector<1x1x16xf32>,
        %get3A_561 = arith.constant 3 : i32
        %get3A_562 = arith.index_cast %get3A_561 : i32 to index
        %get3A_563 = arith.index_cast %scan3A_538 : i32 to index
        %get3A_564 = arith.constant 16 : index
        %get3A_565 = tpu.vector_load %arg12[%get3A_562, %get3A_563, %get3A_564] {strides = array<i32>} : memref<5x40x128xf32, #tpu.memory_space<vmem>>, vector<1x1x16xf32>,
        %get3A_566 = vector.shape_cast %get3A_565 : vector<1x1x16xf32> to vector<16xf32>
        %mul3A_567 = arith.mulf %get3A_566, %broadcast_in_dim3A_544 : vector<16xf32>
        %swap3A_568 = arith.constant 3 : i32
        %swap3A_569 = arith.index_cast %swap3A_568 : i32 to index
        %swap3A_570 = arith.index_cast %scan3A_538 : i32 to index
        %swap3A_571 = arith.constant 16 : index
        %swap3A_572 = tpu.vector_load %arg12[%swap3A_569, %swap3A_570, %swap3A_571] {strides = array<i32>} : memref<5x40x128xf32, #tpu.memory_space<vmem>>, vector<1x1x16xf32>,
        %swap3A_573 = vector.shape_cast %swap3A_572 : vector<1x1x16xf32> to vector<16xf32>
        %swap3A_574 = vector.shape_cast %mul3A_567 : vector<16xf32> to vector<1x1x16xf32>
        tpu.vector_store %arg12[%swap3A_569, %swap3A_570, %swap3A_571], %swap3A_574 {strides = array<i32>} : memref<5x40x128xf32, #tpu.memory_space<vmem>>, vector<1x1x16xf32>,
        %get3A_575 = arith.constant 3 : i32
        %get3A_576 = arith.index_cast %get3A_575 : i32 to index
        %get3A_577 = arith.index_cast %scan3A_538 : i32 to index
        %get3A_578 = arith.constant 32 : index
        %get3A_579 = tpu.vector_load %arg12[%get3A_576, %get3A_577, %get3A_578] {strides = array<i32>} : memref<5x40x128xf32, #tpu.memory_space<vmem>>, vector<1x1x16xf32>,
        %get3A_580 = vector.shape_cast %get3A_579 : vector<1x1x16xf32> to vector<16xf32>
        %mul3A_581 = arith.mulf %get3A_580, %broadcast_in_dim3A_544 : vector<16xf32>
        %swap3A_582 = arith.constant 3 : i32
        %swap3A_583 = arith.index_cast %swap3A_582 : i32 to index
        %swap3A_584 = arith.index_cast %scan3A_538 : i32 to index
        %swap3A_585 = arith.constant 32 : index
        %swap3A_586 = tpu.vector_load %arg12[%swap3A_583, %swap3A_584, %swap3A_585] {strides = array<i32>} : memref<5x40x128xf32, #tpu.memory_space<vmem>>, vector<1x1x16xf32>,
        %swap3A_587 = vector.shape_cast %swap3A_586 : vector<1x1x16xf32> to vector<16xf32>
        %swap3A_588 = vector.shape_cast %mul3A_581 : vector<16xf32> to vector<1x1x16xf32>
        tpu.vector_store %arg12[%swap3A_583, %swap3A_584, %swap3A_585], %swap3A_588 {strides = array<i32>} : memref<5x40x128xf32, #tpu.memory_space<vmem>>, vector<1x1x16xf32>,
        %get3A_589 = arith.constant 3 : i32
        %get3A_590 = arith.index_cast %get3A_589 : i32 to index
        %get3A_591 = arith.index_cast %scan3A_538 : i32 to index
        %get3A_592 = arith.constant 48 : index
        %get3A_593 = tpu.vector_load %arg12[%get3A_590, %get3A_591, %get3A_592] {strides = array<i32>} : memref<5x40x128xf32, #tpu.memory_space<vmem>>, vector<1x1x16xf32>,
        %get3A_594 = vector.shape_cast %get3A_593 : vector<1x1x16xf32> to vector<16xf32>
        %mul3A_595 = arith.mulf %get3A_594, %broadcast_in_dim3A_544 : vector<16xf32>
        %swap3A_596 = arith.constant 3 : i32
        %swap3A_597 = arith.index_cast %swap3A_596 : i32 to index
        %swap3A_598 = arith.index_cast %scan3A_538 : i32 to index
        %swap3A_599 = arith.constant 48 : index
        %swap3A_600 = tpu.vector_load %arg12[%swap3A_597, %swap3A_598, %swap3A_599] {strides = array<i32>} : memref<5x40x128xf32, #tpu.memory_space<vmem>>, vector<1x1x16xf32>,
        %swap3A_601 = vector.shape_cast %swap3A_600 : vector<1x1x16xf32> to vector<16xf32>
        %swap3A_602 = vector.shape_cast %mul3A_595 : vector<16xf32> to vector<1x1x16xf32>
        tpu.vector_store %arg12[%swap3A_597, %swap3A_598, %swap3A_599], %swap3A_602 {strides = array<i32>} : memref<5x40x128xf32, #tpu.memory_space<vmem>>, vector<1x1x16xf32>,
        %get3A_603 = arith.constant 3 : i32
        %get3A_604 = arith.index_cast %get3A_603 : i32 to index
        %get3A_605 = arith.index_cast %scan3A_538 : i32 to index
        %get3A_606 = arith.constant 64 : index
        %get3A_607 = tpu.vector_load %arg12[%get3A_604, %get3A_605, %get3A_606] {strides = array<i32>} : memref<5x40x128xf32, #tpu.memory_space<vmem>>, vector<1x1x16xf32>,
        %get3A_608 = vector.shape_cast %get3A_607 : vector<1x1x16xf32> to vector<16xf32>
        %mul3A_609 = arith.mulf %get3A_608, %broadcast_in_dim3A_547 : vector<16xf32>
        %swap3A_610 = arith.constant 3 : i32
        %swap3A_611 = arith.index_cast %swap3A_610 : i32 to index
        %swap3A_612 = arith.index_cast %scan3A_538 : i32 to index
        %swap3A_613 = arith.constant 64 : index
        %swap3A_614 = tpu.vector_load %arg12[%swap3A_611, %swap3A_612, %swap3A_613] {strides = array<i32>} : memref<5x40x128xf32, #tpu.memory_space<vmem>>, vector<1x1x16xf32>,
        %swap3A_615 = vector.shape_cast %swap3A_614 : vector<1x1x16xf32> to vector<16xf32>
        %swap3A_616 = vector.shape_cast %mul3A_609 : vector<16xf32> to vector<1x1x16xf32>
        tpu.vector_store %arg12[%swap3A_611, %swap3A_612, %swap3A_613], %swap3A_616 {strides = array<i32>} : memref<5x40x128xf32, #tpu.memory_space<vmem>>, vector<1x1x16xf32>,
        %get3A_617 = arith.constant 3 : i32
        %get3A_618 = arith.index_cast %get3A_617 : i32 to index
        %get3A_619 = arith.index_cast %scan3A_538 : i32 to index
        %get3A_620 = arith.constant 80 : index
        %get3A_621 = tpu.vector_load %arg12[%get3A_618, %get3A_619, %get3A_620] {strides = array<i32>} : memref<5x40x128xf32, #tpu.memory_space<vmem>>, vector<1x1x16xf32>,
        %get3A_622 = vector.shape_cast %get3A_621 : vector<1x1x16xf32> to vector<16xf32>
        %mul3A_623 = arith.mulf %get3A_622, %broadcast_in_dim3A_547 : vector<16xf32>
        %swap3A_624 = arith.constant 3 : i32
        %swap3A_625 = arith.index_cast %swap3A_624 : i32 to index
        %swap3A_626 = arith.index_cast %scan3A_538 : i32 to index
        %swap3A_627 = arith.constant 80 : index
        %swap3A_628 = tpu.vector_load %arg12[%swap3A_625, %swap3A_626, %swap3A_627] {strides = array<i32>} : memref<5x40x128xf32, #tpu.memory_space<vmem>>, vector<1x1x16xf32>,
        %swap3A_629 = vector.shape_cast %swap3A_628 : vector<1x1x16xf32> to vector<16xf32>
        %swap3A_630 = vector.shape_cast %mul3A_623 : vector<16xf32> to vector<1x1x16xf32>
        tpu.vector_store %arg12[%swap3A_625, %swap3A_626, %swap3A_627], %swap3A_630 {strides = array<i32>} : memref<5x40x128xf32, #tpu.memory_space<vmem>>, vector<1x1x16xf32>,
        %get3A_631 = arith.constant 3 : i32
        %get3A_632 = arith.index_cast %get3A_631 : i32 to index
        %get3A_633 = arith.index_cast %scan3A_538 : i32 to index
        %get3A_634 = arith.constant 96 : index
        %get3A_635 = tpu.vector_load %arg12[%get3A_632, %get3A_633, %get3A_634] {strides = array<i32>} : memref<5x40x128xf32, #tpu.memory_space<vmem>>, vector<1x1x16xf32>,
        %get3A_636 = vector.shape_cast %get3A_635 : vector<1x1x16xf32> to vector<16xf32>
        %mul3A_637 = arith.mulf %get3A_636, %broadcast_in_dim3A_547 : vector<16xf32>
        %swap3A_638 = arith.constant 3 : i32
        %swap3A_639 = arith.index_cast %swap3A_638 : i32 to index
        %swap3A_640 = arith.index_cast %scan3A_538 : i32 to index
        %swap3A_641 = arith.constant 96 : index
        %swap3A_642 = tpu.vector_load %arg12[%swap3A_639, %swap3A_640, %swap3A_641] {strides = array<i32>} : memref<5x40x128xf32, #tpu.memory_space<vmem>>, vector<1x1x16xf32>,
        %swap3A_643 = vector.shape_cast %swap3A_642 : vector<1x1x16xf32> to vector<16xf32>
        %swap3A_644 = vector.shape_cast %mul3A_637 : vector<16xf32> to vector<1x1x16xf32>
        tpu.vector_store %arg12[%swap3A_639, %swap3A_640, %swap3A_641], %swap3A_644 {strides = array<i32>} : memref<5x40x128xf32, #tpu.memory_space<vmem>>, vector<1x1x16xf32>,
        %get3A_645 = arith.constant 3 : i32
        %get3A_646 = arith.index_cast %get3A_645 : i32 to index
        %get3A_647 = arith.index_cast %scan3A_538 : i32 to index
        %get3A_648 = arith.constant 112 : index
        %get3A_649 = tpu.vector_load %arg12[%get3A_646, %get3A_647, %get3A_648] {strides = array<i32>} : memref<5x40x128xf32, #tpu.memory_space<vmem>>, vector<1x1x16xf32>,
        %get3A_650 = vector.shape_cast %get3A_649 : vector<1x1x16xf32> to vector<16xf32>
        %mul3A_651 = arith.mulf %get3A_650, %broadcast_in_dim3A_547 : vector<16xf32>
        %swap3A_652 = arith.constant 3 : i32
        %swap3A_653 = arith.index_cast %swap3A_652 : i32 to index
        %swap3A_654 = arith.index_cast %scan3A_538 : i32 to index
        %swap3A_655 = arith.constant 112 : index
        %swap3A_656 = tpu.vector_load %arg12[%swap3A_653, %swap3A_654, %swap3A_655] {strides = array<i32>} : memref<5x40x128xf32, #tpu.memory_space<vmem>>, vector<1x1x16xf32>,
        %swap3A_657 = vector.shape_cast %swap3A_656 : vector<1x1x16xf32> to vector<16xf32>
        %swap3A_658 = vector.shape_cast %mul3A_651 : vector<16xf32> to vector<1x1x16xf32>
        tpu.vector_store %arg12[%swap3A_653, %swap3A_654, %swap3A_655], %swap3A_658 {strides = array<i32>} : memref<5x40x128xf32, #tpu.memory_space<vmem>>, vector<1x1x16xf32>,
      }
      %scan3A_424 = arith.constant 40 : i32
      %dma_start3A_425 = arith.constant 3 : i32
      %dma_start3A_426 = arith.constant 3 : i32
      %dma_start3A_427 = arith.constant 0 : i32
      %dma_start3A_428 = arith.constant 0 : i32
      %dma_start3A_429 = tpu.memref_slice %arg12[%dma_start3A_425, %dma_start3A_427, %dma_start3A_428] : memref<5x40x128xf32, #tpu.memory_space<vmem>> -> memref<1x40x128xf32, #tpu.memory_space<vmem>>
      %dma_start3A_430 = tpu.memref_squeeze %dma_start3A_429 : memref<1x40x128xf32, #tpu.memory_space<vmem>> -> memref<40x128xf32, #tpu.memory_space<vmem>>
      %dma_start3A_431 = arith.constant 0 : i32
      %dma_start3A_432 = tpu.memref_slice %arg10[%dma_start3A_426, %dma_start3A_431] : memref<5x40xi32, #tpu.memory_space<vmem>> -> memref<1x40xi32, #tpu.memory_space<vmem>>
      %dma_start3A_433 = tpu.memref_squeeze %dma_start3A_432 : memref<1x40xi32, #tpu.memory_space<vmem>> -> memref<40xi32, #tpu.memory_space<vmem>>
      %dma_start3A_434 = arith.constant 0 : i32
      %dma_start3A_435 = arith.constant 0 : i32
      %dma_start3A_436 = tpu.memref_slice %arg13[%dma_start3A_434, %dma_start3A_435] : memref<10000x128xf32, #tpu.memory_space<vmem_shared>> -> memref<10000x128xf32, #tpu.memory_space<vmem_shared>>
      tpu.enqueue_indirect_dma source(%dma_start3A_430 : memref<40x128xf32, #tpu.memory_space<vmem>>) target(%dma_start3A_436 : memref<10000x128xf32, #tpu.memory_space<vmem_shared>>) offsets(%dma_start3A_433 : memref<40xi32, #tpu.memory_space<vmem>>) semaphore(%arg17 : memref<!tpu.dma_semaphore, #tpu.memory_space<semaphore_mem>>) {add = true}
      %dma_wait3A_437 = arith.constant 4 : i32
      %dma_wait3A_438 = arith.constant 0 : i32
      %dma_wait3A_439 = arith.constant 0 : i32
      %dma_wait3A_440 = tpu.memref_slice %arg12[%dma_wait3A_437, %dma_wait3A_438, %dma_wait3A_439] : memref<5x40x128xf32, #tpu.memory_space<vmem>> -> memref<1x40x128xf32, #tpu.memory_space<vmem>>
      %dma_wait3A_441 = tpu.memref_squeeze %dma_wait3A_440 : memref<1x40x128xf32, #tpu.memory_space<vmem>> -> memref<40x128xf32, #tpu.memory_space<vmem>>
      %dma_wait3A_442 = arith.constant 160 : i32
      %dma_wait3A_443 = tpu.memref_slice %arg9[%dma_wait3A_442] : memref<200xi32, #tpu.memory_space<vmem>> -> memref<40xi32, #tpu.memory_space<vmem>>
      %dma_wait3A_444 = arith.constant 0 : i32
      %dma_wait3A_445 = arith.constant 0 : i32
      %dma_wait3A_446 = tpu.memref_slice %arg5[%dma_wait3A_444, %dma_wait3A_445] : memref<10000x128xf32, #tpu.memory_space<hbm>> -> memref<10000x128xf32, #tpu.memory_space<hbm>>
      tpu.wait_indirect_dma semaphore(%arg22 : memref<!tpu.dma_semaphore, #tpu.memory_space<semaphore_mem>>) src(%dma_wait3A_446 : memref<10000x128xf32, #tpu.memory_space<hbm>>) dst(%dma_wait3A_441 : memref<40x128xf32, #tpu.memory_space<vmem>>)
      %dma_wait3A_447 = arith.constant 0 : i32
      %dma_wait3A_448 = arith.constant 0 : i32
      %dma_wait3A_449 = arith.constant 0 : i32
      %dma_wait3A_450 = tpu.memref_slice %arg11[%dma_wait3A_447, %dma_wait3A_448, %dma_wait3A_449] : memref<2x40x16xf32, #tpu.memory_space<vmem>> -> memref<1x40x16xf32, #tpu.memory_space<vmem>>
      %dma_wait3A_451 = tpu.memref_squeeze %dma_wait3A_450 : memref<1x40x16xf32, #tpu.memory_space<vmem>> -> memref<40x16xf32, #tpu.memory_space<vmem>>
      %dma_wait3A_452 = arith.constant 0 : i32
      %dma_wait3A_453 = tpu.memref_slice %arg4[%add3A_382, %dma_wait3A_452] : memref<320000x16xf32, #tpu.memory_space<hbm>> -> memref<40x16xf32, #tpu.memory_space<hbm>>
      %dma_wait3A_454 = arith.constant 0 : i32
      %dma_wait3A_455 = arith.constant 0 : i32
      %dma_wait3A_456 = tpu.memref_slice %arg11[%dma_wait3A_447, %dma_wait3A_454, %dma_wait3A_455] : memref<2x40x16xf32, #tpu.memory_space<vmem>> -> memref<1x40x16xf32, #tpu.memory_space<vmem>>
      %dma_wait3A_457 = tpu.memref_squeeze %dma_wait3A_456 : memref<1x40x16xf32, #tpu.memory_space<vmem>> -> memref<40x16xf32, #tpu.memory_space<vmem>>
      %dma_wait3A_458 = arith.constant 0 : i32
      %dma_wait3A_459 = tpu.memref_slice %arg4[%add3A_382, %dma_wait3A_458] : memref<320000x16xf32, #tpu.memory_space<hbm>> -> memref<40x16xf32, #tpu.memory_space<hbm>>
      tpu.wait_dma2 semaphore(%arg15 : memref<!tpu.dma_semaphore, #tpu.memory_space<semaphore_mem>>) src(%dma_wait3A_459 : memref<40x16xf32, #tpu.memory_space<hbm>>) dst(%dma_wait3A_457 : memref<40x16xf32, #tpu.memory_space<vmem>>)
      %scan3A_460 = arith.constant 0 : i32
      %scan3A_461 = arith.constant 0 : i32
      %scan3A_462 = arith.constant 40 : i32
      %scan3A_463 = arith.addi %scan3A_461, %scan3A_462 : i32
      %scan3A_464 = arith.constant 1 : i32
      scf.for %scan3A_538 = %scan3A_461 to %scan3A_463 step %scan3A_464  : i32 {
        %get3A = arith.constant 0 : i32
        %get3A_539 = arith.index_cast %get3A : i32 to index
        %get3A_540 = arith.index_cast %scan3A_538 : i32 to index
        %get3A_541 = arith.constant 0 : index
        %get3A_542 = tpu.vector_load %arg11[%get3A_539, %get3A_540, %get3A_541] {strides = array<i32>} : memref<2x40x16xf32, #tpu.memory_space<vmem>>, vector<1x1x16xf32>,
        %get3A_543 = vector.shape_cast %get3A_542 : vector<1x1x16xf32> to vector<16xf32>
        %slice3A = vector.extract_strided_slice %get3A_543 {offsets = [0], sizes = [1], strides = [1]} : vector<16xf32> to vector<1xf32>
        %squeeze3A = vector.extract %slice3A[0] : f32 from vector<1xf32>
        %broadcast_in_dim3A_544 = vector.broadcast %squeeze3A : f32 to vector<16xf32>
        %slice3A_545 = vector.extract_strided_slice %get3A_543 {offsets = [1], sizes = [1], strides = [1]} : vector<16xf32> to vector<1xf32>
        %squeeze3A_546 = vector.extract %slice3A_545[0] : f32 from vector<1xf32>
        %broadcast_in_dim3A_547 = vector.broadcast %squeeze3A_546 : f32 to vector<16xf32>
        %get3A_548 = arith.constant 4 : i32
        %get3A_549 = arith.index_cast %get3A_548 : i32 to index
        %get3A_550 = arith.index_cast %scan3A_538 : i32 to index
        %get3A_551 = arith.constant 0 : index
        %get3A_552 = tpu.vector_load %arg12[%get3A_549, %get3A_550, %get3A_551] {strides = array<i32>} : memref<5x40x128xf32, #tpu.memory_space<vmem>>, vector<1x1x16xf32>,
        %get3A_553 = vector.shape_cast %get3A_552 : vector<1x1x16xf32> to vector<16xf32>
        %mul3A_554 = arith.mulf %get3A_553, %broadcast_in_dim3A_544 : vector<16xf32>
        %swap3A = arith.constant 4 : i32
        %swap3A_555 = arith.index_cast %swap3A : i32 to index
        %swap3A_556 = arith.index_cast %scan3A_538 : i32 to index
        %swap3A_557 = arith.constant 0 : index
        %swap3A_558 = tpu.vector_load %arg12[%swap3A_555, %swap3A_556, %swap3A_557] {strides = array<i32>} : memref<5x40x128xf32, #tpu.memory_space<vmem>>, vector<1x1x16xf32>,
        %swap3A_559 = vector.shape_cast %swap3A_558 : vector<1x1x16xf32> to vector<16xf32>
        %swap3A_560 = vector.shape_cast %mul3A_554 : vector<16xf32> to vector<1x1x16xf32>
        tpu.vector_store %arg12[%swap3A_555, %swap3A_556, %swap3A_557], %swap3A_560 {strides = array<i32>} : memref<5x40x128xf32, #tpu.memory_space<vmem>>, vector<1x1x16xf32>,
        %get3A_561 = arith.constant 4 : i32
        %get3A_562 = arith.index_cast %get3A_561 : i32 to index
        %get3A_563 = arith.index_cast %scan3A_538 : i32 to index
        %get3A_564 = arith.constant 16 : index
        %get3A_565 = tpu.vector_load %arg12[%get3A_562, %get3A_563, %get3A_564] {strides = array<i32>} : memref<5x40x128xf32, #tpu.memory_space<vmem>>, vector<1x1x16xf32>,
        %get3A_566 = vector.shape_cast %get3A_565 : vector<1x1x16xf32> to vector<16xf32>
        %mul3A_567 = arith.mulf %get3A_566, %broadcast_in_dim3A_544 : vector<16xf32>
        %swap3A_568 = arith.constant 4 : i32
        %swap3A_569 = arith.index_cast %swap3A_568 : i32 to index
        %swap3A_570 = arith.index_cast %scan3A_538 : i32 to index
        %swap3A_571 = arith.constant 16 : index
        %swap3A_572 = tpu.vector_load %arg12[%swap3A_569, %swap3A_570, %swap3A_571] {strides = array<i32>} : memref<5x40x128xf32, #tpu.memory_space<vmem>>, vector<1x1x16xf32>,
        %swap3A_573 = vector.shape_cast %swap3A_572 : vector<1x1x16xf32> to vector<16xf32>
        %swap3A_574 = vector.shape_cast %mul3A_567 : vector<16xf32> to vector<1x1x16xf32>
        tpu.vector_store %arg12[%swap3A_569, %swap3A_570, %swap3A_571], %swap3A_574 {strides = array<i32>} : memref<5x40x128xf32, #tpu.memory_space<vmem>>, vector<1x1x16xf32>,
        %get3A_575 = arith.constant 4 : i32
        %get3A_576 = arith.index_cast %get3A_575 : i32 to index
        %get3A_577 = arith.index_cast %scan3A_538 : i32 to index
        %get3A_578 = arith.constant 32 : index
        %get3A_579 = tpu.vector_load %arg12[%get3A_576, %get3A_577, %get3A_578] {strides = array<i32>} : memref<5x40x128xf32, #tpu.memory_space<vmem>>, vector<1x1x16xf32>,
        %get3A_580 = vector.shape_cast %get3A_579 : vector<1x1x16xf32> to vector<16xf32>
        %mul3A_581 = arith.mulf %get3A_580, %broadcast_in_dim3A_544 : vector<16xf32>
        %swap3A_582 = arith.constant 4 : i32
        %swap3A_583 = arith.index_cast %swap3A_582 : i32 to index
        %swap3A_584 = arith.index_cast %scan3A_538 : i32 to index
        %swap3A_585 = arith.constant 32 : index
        %swap3A_586 = tpu.vector_load %arg12[%swap3A_583, %swap3A_584, %swap3A_585] {strides = array<i32>} : memref<5x40x128xf32, #tpu.memory_space<vmem>>, vector<1x1x16xf32>,
        %swap3A_587 = vector.shape_cast %swap3A_586 : vector<1x1x16xf32> to vector<16xf32>
        %swap3A_588 = vector.shape_cast %mul3A_581 : vector<16xf32> to vector<1x1x16xf32>
        tpu.vector_store %arg12[%swap3A_583, %swap3A_584, %swap3A_585], %swap3A_588 {strides = array<i32>} : memref<5x40x128xf32, #tpu.memory_space<vmem>>, vector<1x1x16xf32>,
        %get3A_589 = arith.constant 4 : i32
        %get3A_590 = arith.index_cast %get3A_589 : i32 to index
        %get3A_591 = arith.index_cast %scan3A_538 : i32 to index
        %get3A_592 = arith.constant 48 : index
        %get3A_593 = tpu.vector_load %arg12[%get3A_590, %get3A_591, %get3A_592] {strides = array<i32>} : memref<5x40x128xf32, #tpu.memory_space<vmem>>, vector<1x1x16xf32>,
        %get3A_594 = vector.shape_cast %get3A_593 : vector<1x1x16xf32> to vector<16xf32>
        %mul3A_595 = arith.mulf %get3A_594, %broadcast_in_dim3A_544 : vector<16xf32>
        %swap3A_596 = arith.constant 4 : i32
        %swap3A_597 = arith.index_cast %swap3A_596 : i32 to index
        %swap3A_598 = arith.index_cast %scan3A_538 : i32 to index
        %swap3A_599 = arith.constant 48 : index
        %swap3A_600 = tpu.vector_load %arg12[%swap3A_597, %swap3A_598, %swap3A_599] {strides = array<i32>} : memref<5x40x128xf32, #tpu.memory_space<vmem>>, vector<1x1x16xf32>,
        %swap3A_601 = vector.shape_cast %swap3A_600 : vector<1x1x16xf32> to vector<16xf32>
        %swap3A_602 = vector.shape_cast %mul3A_595 : vector<16xf32> to vector<1x1x16xf32>
        tpu.vector_store %arg12[%swap3A_597, %swap3A_598, %swap3A_599], %swap3A_602 {strides = array<i32>} : memref<5x40x128xf32, #tpu.memory_space<vmem>>, vector<1x1x16xf32>,
        %get3A_603 = arith.constant 4 : i32
        %get3A_604 = arith.index_cast %get3A_603 : i32 to index
        %get3A_605 = arith.index_cast %scan3A_538 : i32 to index
        %get3A_606 = arith.constant 64 : index
        %get3A_607 = tpu.vector_load %arg12[%get3A_604, %get3A_605, %get3A_606] {strides = array<i32>} : memref<5x40x128xf32, #tpu.memory_space<vmem>>, vector<1x1x16xf32>,
        %get3A_608 = vector.shape_cast %get3A_607 : vector<1x1x16xf32> to vector<16xf32>
        %mul3A_609 = arith.mulf %get3A_608, %broadcast_in_dim3A_547 : vector<16xf32>
        %swap3A_610 = arith.constant 4 : i32
        %swap3A_611 = arith.index_cast %swap3A_610 : i32 to index
        %swap3A_612 = arith.index_cast %scan3A_538 : i32 to index
        %swap3A_613 = arith.constant 64 : index
        %swap3A_614 = tpu.vector_load %arg12[%swap3A_611, %swap3A_612, %swap3A_613] {strides = array<i32>} : memref<5x40x128xf32, #tpu.memory_space<vmem>>, vector<1x1x16xf32>,
        %swap3A_615 = vector.shape_cast %swap3A_614 : vector<1x1x16xf32> to vector<16xf32>
        %swap3A_616 = vector.shape_cast %mul3A_609 : vector<16xf32> to vector<1x1x16xf32>
        tpu.vector_store %arg12[%swap3A_611, %swap3A_612, %swap3A_613], %swap3A_616 {strides = array<i32>} : memref<5x40x128xf32, #tpu.memory_space<vmem>>, vector<1x1x16xf32>,
        %get3A_617 = arith.constant 4 : i32
        %get3A_618 = arith.index_cast %get3A_617 : i32 to index
        %get3A_619 = arith.index_cast %scan3A_538 : i32 to index
        %get3A_620 = arith.constant 80 : index
        %get3A_621 = tpu.vector_load %arg12[%get3A_618, %get3A_619, %get3A_620] {strides = array<i32>} : memref<5x40x128xf32, #tpu.memory_space<vmem>>, vector<1x1x16xf32>,
        %get3A_622 = vector.shape_cast %get3A_621 : vector<1x1x16xf32> to vector<16xf32>
        %mul3A_623 = arith.mulf %get3A_622, %broadcast_in_dim3A_547 : vector<16xf32>
        %swap3A_624 = arith.constant 4 : i32
        %swap3A_625 = arith.index_cast %swap3A_624 : i32 to index
        %swap3A_626 = arith.index_cast %scan3A_538 : i32 to index
        %swap3A_627 = arith.constant 80 : index
        %swap3A_628 = tpu.vector_load %arg12[%swap3A_625, %swap3A_626, %swap3A_627] {strides = array<i32>} : memref<5x40x128xf32, #tpu.memory_space<vmem>>, vector<1x1x16xf32>,
        %swap3A_629 = vector.shape_cast %swap3A_628 : vector<1x1x16xf32> to vector<16xf32>
        %swap3A_630 = vector.shape_cast %mul3A_623 : vector<16xf32> to vector<1x1x16xf32>
        tpu.vector_store %arg12[%swap3A_625, %swap3A_626, %swap3A_627], %swap3A_630 {strides = array<i32>} : memref<5x40x128xf32, #tpu.memory_space<vmem>>, vector<1x1x16xf32>,
        %get3A_631 = arith.constant 4 : i32
        %get3A_632 = arith.index_cast %get3A_631 : i32 to index
        %get3A_633 = arith.index_cast %scan3A_538 : i32 to index
        %get3A_634 = arith.constant 96 : index
        %get3A_635 = tpu.vector_load %arg12[%get3A_632, %get3A_633, %get3A_634] {strides = array<i32>} : memref<5x40x128xf32, #tpu.memory_space<vmem>>, vector<1x1x16xf32>,
        %get3A_636 = vector.shape_cast %get3A_635 : vector<1x1x16xf32> to vector<16xf32>
        %mul3A_637 = arith.mulf %get3A_636, %broadcast_in_dim3A_547 : vector<16xf32>
        %swap3A_638 = arith.constant 4 : i32
        %swap3A_639 = arith.index_cast %swap3A_638 : i32 to index
        %swap3A_640 = arith.index_cast %scan3A_538 : i32 to index
        %swap3A_641 = arith.constant 96 : index
        %swap3A_642 = tpu.vector_load %arg12[%swap3A_639, %swap3A_640, %swap3A_641] {strides = array<i32>} : memref<5x40x128xf32, #tpu.memory_space<vmem>>, vector<1x1x16xf32>,
        %swap3A_643 = vector.shape_cast %swap3A_642 : vector<1x1x16xf32> to vector<16xf32>
        %swap3A_644 = vector.shape_cast %mul3A_637 : vector<16xf32> to vector<1x1x16xf32>
        tpu.vector_store %arg12[%swap3A_639, %swap3A_640, %swap3A_641], %swap3A_644 {strides = array<i32>} : memref<5x40x128xf32, #tpu.memory_space<vmem>>, vector<1x1x16xf32>,
        %get3A_645 = arith.constant 4 : i32
        %get3A_646 = arith.index_cast %get3A_645 : i32 to index
        %get3A_647 = arith.index_cast %scan3A_538 : i32 to index
        %get3A_648 = arith.constant 112 : index
        %get3A_649 = tpu.vector_load %arg12[%get3A_646, %get3A_647, %get3A_648] {strides = array<i32>} : memref<5x40x128xf32, #tpu.memory_space<vmem>>, vector<1x1x16xf32>,
        %get3A_650 = vector.shape_cast %get3A_649 : vector<1x1x16xf32> to vector<16xf32>
        %mul3A_651 = arith.mulf %get3A_650, %broadcast_in_dim3A_547 : vector<16xf32>
        %swap3A_652 = arith.constant 4 : i32
        %swap3A_653 = arith.index_cast %swap3A_652 : i32 to index
        %swap3A_654 = arith.index_cast %scan3A_538 : i32 to index
        %swap3A_655 = arith.constant 112 : index
        %swap3A_656 = tpu.vector_load %arg12[%swap3A_653, %swap3A_654, %swap3A_655] {strides = array<i32>} : memref<5x40x128xf32, #tpu.memory_space<vmem>>, vector<1x1x16xf32>,
        %swap3A_657 = vector.shape_cast %swap3A_656 : vector<1x1x16xf32> to vector<16xf32>
        %swap3A_658 = vector.shape_cast %mul3A_651 : vector<16xf32> to vector<1x1x16xf32>
        tpu.vector_store %arg12[%swap3A_653, %swap3A_654, %swap3A_655], %swap3A_658 {strides = array<i32>} : memref<5x40x128xf32, #tpu.memory_space<vmem>>, vector<1x1x16xf32>,
      }
      %scan3A_465 = arith.constant 40 : i32
      %dma_start3A_466 = arith.constant 4 : i32
      %dma_start3A_467 = arith.constant 4 : i32
      %dma_start3A_468 = arith.constant 0 : i32
      %dma_start3A_469 = arith.constant 0 : i32
      %dma_start3A_470 = tpu.memref_slice %arg12[%dma_start3A_466, %dma_start3A_468, %dma_start3A_469] : memref<5x40x128xf32, #tpu.memory_space<vmem>> -> memref<1x40x128xf32, #tpu.memory_space<vmem>>
      %dma_start3A_471 = tpu.memref_squeeze %dma_start3A_470 : memref<1x40x128xf32, #tpu.memory_space<vmem>> -> memref<40x128xf32, #tpu.memory_space<vmem>>
      %dma_start3A_472 = arith.constant 0 : i32
      %dma_start3A_473 = tpu.memref_slice %arg10[%dma_start3A_467, %dma_start3A_472] : memref<5x40xi32, #tpu.memory_space<vmem>> -> memref<1x40xi32, #tpu.memory_space<vmem>>
      %dma_start3A_474 = tpu.memref_squeeze %dma_start3A_473 : memref<1x40xi32, #tpu.memory_space<vmem>> -> memref<40xi32, #tpu.memory_space<vmem>>
      %dma_start3A_475 = arith.constant 0 : i32
      %dma_start3A_476 = arith.constant 0 : i32
      %dma_start3A_477 = tpu.memref_slice %arg13[%dma_start3A_475, %dma_start3A_476] : memref<10000x128xf32, #tpu.memory_space<vmem_shared>> -> memref<10000x128xf32, #tpu.memory_space<vmem_shared>>
      tpu.enqueue_indirect_dma source(%dma_start3A_471 : memref<40x128xf32, #tpu.memory_space<vmem>>) target(%dma_start3A_477 : memref<10000x128xf32, #tpu.memory_space<vmem_shared>>) offsets(%dma_start3A_474 : memref<40xi32, #tpu.memory_space<vmem>>) semaphore(%arg17 : memref<!tpu.dma_semaphore, #tpu.memory_space<semaphore_mem>>) {add = true}
      %dma_wait3A_478 = arith.constant 0 : i32
      %dma_wait3A_479 = arith.constant 0 : i32
      %dma_wait3A_480 = arith.constant 0 : i32
      %dma_wait3A_481 = arith.constant 0 : i32
      %dma_wait3A_482 = tpu.memref_slice %arg12[%dma_wait3A_478, %dma_wait3A_480, %dma_wait3A_481] : memref<5x40x128xf32, #tpu.memory_space<vmem>> -> memref<1x40x128xf32, #tpu.memory_space<vmem>>
      %dma_wait3A_483 = tpu.memref_squeeze %dma_wait3A_482 : memref<1x40x128xf32, #tpu.memory_space<vmem>> -> memref<40x128xf32, #tpu.memory_space<vmem>>
      %dma_wait3A_484 = arith.constant 0 : i32
      %dma_wait3A_485 = tpu.memref_slice %arg10[%dma_wait3A_479, %dma_wait3A_484] : memref<5x40xi32, #tpu.memory_space<vmem>> -> memref<1x40xi32, #tpu.memory_space<vmem>>
      %dma_wait3A_486 = tpu.memref_squeeze %dma_wait3A_485 : memref<1x40xi32, #tpu.memory_space<vmem>> -> memref<40xi32, #tpu.memory_space<vmem>>
      %dma_wait3A_487 = arith.constant 0 : i32
      %dma_wait3A_488 = arith.constant 0 : i32
      %dma_wait3A_489 = tpu.memref_slice %arg13[%dma_wait3A_487, %dma_wait3A_488] : memref<10000x128xf32, #tpu.memory_space<vmem_shared>> -> memref<10000x128xf32, #tpu.memory_space<vmem_shared>>
      tpu.wait_indirect_dma semaphore(%arg17 : memref<!tpu.dma_semaphore, #tpu.memory_space<semaphore_mem>>) src(%dma_wait3A_483 : memref<40x128xf32, #tpu.memory_space<vmem>>) dst(%dma_wait3A_489 : memref<10000x128xf32, #tpu.memory_space<vmem_shared>>)
      %dma_wait3A_490 = arith.constant 1 : i32
      %dma_wait3A_491 = arith.constant 1 : i32
      %dma_wait3A_492 = arith.constant 0 : i32
      %dma_wait3A_493 = arith.constant 0 : i32
      %dma_wait3A_494 = tpu.memref_slice %arg12[%dma_wait3A_490, %dma_wait3A_492, %dma_wait3A_493] : memref<5x40x128xf32, #tpu.memory_space<vmem>> -> memref<1x40x128xf32, #tpu.memory_space<vmem>>
      %dma_wait3A_495 = tpu.memref_squeeze %dma_wait3A_494 : memref<1x40x128xf32, #tpu.memory_space<vmem>> -> memref<40x128xf32, #tpu.memory_space<vmem>>
      %dma_wait3A_496 = arith.constant 0 : i32
      %dma_wait3A_497 = tpu.memref_slice %arg10[%dma_wait3A_491, %dma_wait3A_496] : memref<5x40xi32, #tpu.memory_space<vmem>> -> memref<1x40xi32, #tpu.memory_space<vmem>>
      %dma_wait3A_498 = tpu.memref_squeeze %dma_wait3A_497 : memref<1x40xi32, #tpu.memory_space<vmem>> -> memref<40xi32, #tpu.memory_space<vmem>>
      %dma_wait3A_499 = arith.constant 0 : i32
      %dma_wait3A_500 = arith.constant 0 : i32
      %dma_wait3A_501 = tpu.memref_slice %arg13[%dma_wait3A_499, %dma_wait3A_500] : memref<10000x128xf32, #tpu.memory_space<vmem_shared>> -> memref<10000x128xf32, #tpu.memory_space<vmem_shared>>
      tpu.wait_indirect_dma semaphore(%arg17 : memref<!tpu.dma_semaphore, #tpu.memory_space<semaphore_mem>>) src(%dma_wait3A_495 : memref<40x128xf32, #tpu.memory_space<vmem>>) dst(%dma_wait3A_501 : memref<10000x128xf32, #tpu.memory_space<vmem_shared>>)
      %dma_wait3A_502 = arith.constant 2 : i32
      %dma_wait3A_503 = arith.constant 2 : i32
      %dma_wait3A_504 = arith.constant 0 : i32
      %dma_wait3A_505 = arith.constant 0 : i32
      %dma_wait3A_506 = tpu.memref_slice %arg12[%dma_wait3A_502, %dma_wait3A_504, %dma_wait3A_505] : memref<5x40x128xf32, #tpu.memory_space<vmem>> -> memref<1x40x128xf32, #tpu.memory_space<vmem>>
      %dma_wait3A_507 = tpu.memref_squeeze %dma_wait3A_506 : memref<1x40x128xf32, #tpu.memory_space<vmem>> -> memref<40x128xf32, #tpu.memory_space<vmem>>
      %dma_wait3A_508 = arith.constant 0 : i32
      %dma_wait3A_509 = tpu.memref_slice %arg10[%dma_wait3A_503, %dma_wait3A_508] : memref<5x40xi32, #tpu.memory_space<vmem>> -> memref<1x40xi32, #tpu.memory_space<vmem>>
      %dma_wait3A_510 = tpu.memref_squeeze %dma_wait3A_509 : memref<1x40xi32, #tpu.memory_space<vmem>> -> memref<40xi32, #tpu.memory_space<vmem>>
      %dma_wait3A_511 = arith.constant 0 : i32
      %dma_wait3A_512 = arith.constant 0 : i32
      %dma_wait3A_513 = tpu.memref_slice %arg13[%dma_wait3A_511, %dma_wait3A_512] : memref<10000x128xf32, #tpu.memory_space<vmem_shared>> -> memref<10000x128xf32, #tpu.memory_space<vmem_shared>>
      tpu.wait_indirect_dma semaphore(%arg17 : memref<!tpu.dma_semaphore, #tpu.memory_space<semaphore_mem>>) src(%dma_wait3A_507 : memref<40x128xf32, #tpu.memory_space<vmem>>) dst(%dma_wait3A_513 : memref<10000x128xf32, #tpu.memory_space<vmem_shared>>)
      %dma_wait3A_514 = arith.constant 3 : i32
      %dma_wait3A_515 = arith.constant 3 : i32
      %dma_wait3A_516 = arith.constant 0 : i32
      %dma_wait3A_517 = arith.constant 0 : i32
      %dma_wait3A_518 = tpu.memref_slice %arg12[%dma_wait3A_514, %dma_wait3A_516, %dma_wait3A_517] : memref<5x40x128xf32, #tpu.memory_space<vmem>> -> memref<1x40x128xf32, #tpu.memory_space<vmem>>
      %dma_wait3A_519 = tpu.memref_squeeze %dma_wait3A_518 : memref<1x40x128xf32, #tpu.memory_space<vmem>> -> memref<40x128xf32, #tpu.memory_space<vmem>>
      %dma_wait3A_520 = arith.constant 0 : i32
      %dma_wait3A_521 = tpu.memref_slice %arg10[%dma_wait3A_515, %dma_wait3A_520] : memref<5x40xi32, #tpu.memory_space<vmem>> -> memref<1x40xi32, #tpu.memory_space<vmem>>
      %dma_wait3A_522 = tpu.memref_squeeze %dma_wait3A_521 : memref<1x40xi32, #tpu.memory_space<vmem>> -> memref<40xi32, #tpu.memory_space<vmem>>
      %dma_wait3A_523 = arith.constant 0 : i32
      %dma_wait3A_524 = arith.constant 0 : i32
      %dma_wait3A_525 = tpu.memref_slice %arg13[%dma_wait3A_523, %dma_wait3A_524] : memref<10000x128xf32, #tpu.memory_space<vmem_shared>> -> memref<10000x128xf32, #tpu.memory_space<vmem_shared>>
      tpu.wait_indirect_dma semaphore(%arg17 : memref<!tpu.dma_semaphore, #tpu.memory_space<semaphore_mem>>) src(%dma_wait3A_519 : memref<40x128xf32, #tpu.memory_space<vmem>>) dst(%dma_wait3A_525 : memref<10000x128xf32, #tpu.memory_space<vmem_shared>>)
      %dma_wait3A_526 = arith.constant 4 : i32
      %dma_wait3A_527 = arith.constant 4 : i32
      %dma_wait3A_528 = arith.constant 0 : i32
      %dma_wait3A_529 = arith.constant 0 : i32
      %dma_wait3A_530 = tpu.memref_slice %arg12[%dma_wait3A_526, %dma_wait3A_528, %dma_wait3A_529] : memref<5x40x128xf32, #tpu.memory_space<vmem>> -> memref<1x40x128xf32, #tpu.memory_space<vmem>>
      %dma_wait3A_531 = tpu.memref_squeeze %dma_wait3A_530 : memref<1x40x128xf32, #tpu.memory_space<vmem>> -> memref<40x128xf32, #tpu.memory_space<vmem>>
      %dma_wait3A_532 = arith.constant 0 : i32
      %dma_wait3A_533 = tpu.memref_slice %arg10[%dma_wait3A_527, %dma_wait3A_532] : memref<5x40xi32, #tpu.memory_space<vmem>> -> memref<1x40xi32, #tpu.memory_space<vmem>>
      %dma_wait3A_534 = tpu.memref_squeeze %dma_wait3A_533 : memref<1x40xi32, #tpu.memory_space<vmem>> -> memref<40xi32, #tpu.memory_space<vmem>>
      %dma_wait3A_535 = arith.constant 0 : i32
      %dma_wait3A_536 = arith.constant 0 : i32
      %dma_wait3A_537 = tpu.memref_slice %arg13[%dma_wait3A_535, %dma_wait3A_536] : memref<10000x128xf32, #tpu.memory_space<vmem_shared>> -> memref<10000x128xf32, #tpu.memory_space<vmem_shared>>
      tpu.wait_indirect_dma semaphore(%arg17 : memref<!tpu.dma_semaphore, #tpu.memory_space<semaphore_mem>>) src(%dma_wait3A_531 : memref<40x128xf32, #tpu.memory_space<vmem>>) dst(%dma_wait3A_537 : memref<10000x128xf32, #tpu.memory_space<vmem_shared>>)
    }
    %scan3A_8 = arith.constant 50 : i32
    %barrier3A_9 = arith.constant 0 : index
    tpu.barrier barrier_id(%barrier3A_9)
    %mul3A_10 = arith.constant 10000 : i32
    %mul3A_11 = arith.muli %arg0, %mul3A_10 : i32
    %add3A_12 = arith.addi %mul3A_11, %mul3A_2 : i32
    "tpu.region"() ({
      %run_scoped3A = tpu.sem_alloc : memref<!tpu.dma_semaphore, #tpu.memory_space<semaphore_mem>>
      %dma_start3A = arith.constant 0 : i32
      %dma_start3A_38 = tpu.memref_slice %arg7[%add3A_12, %dma_start3A] : memref<20000x128xf32, #tpu.memory_space<hbm>> -> memref<624x128xf32, #tpu.memory_space<hbm>>
      %dma_start3A_39 = arith.constant 0 : i32
      %dma_start3A_40 = tpu.memref_slice %arg13[%mul3A_2, %dma_start3A_39] : memref<10000x128xf32, #tpu.memory_space<vmem_shared>> -> memref<624x128xf32, #tpu.memory_space<vmem_shared>>
      tpu.enqueue_dma source(%dma_start3A_40 : memref<624x128xf32, #tpu.memory_space<vmem_shared>>) target(%dma_start3A_38 : memref<624x128xf32, #tpu.memory_space<hbm>>) target_semaphore(%run_scoped3A : memref<!tpu.dma_semaphore, #tpu.memory_space<semaphore_mem>>)
      %dma_wait3A = arith.constant 0 : i32
      %dma_wait3A_41 = tpu.memref_slice %arg7[%add3A_12, %dma_wait3A] : memref<20000x128xf32, #tpu.memory_space<hbm>> -> memref<624x128xf32, #tpu.memory_space<hbm>>
      %dma_wait3A_42 = arith.constant 0 : i32
      %dma_wait3A_43 = tpu.memref_slice %arg13[%mul3A_2, %dma_wait3A_42] : memref<10000x128xf32, #tpu.memory_space<vmem_shared>> -> memref<624x128xf32, #tpu.memory_space<vmem_shared>>
      tpu.wait_dma2 semaphore(%run_scoped3A : memref<!tpu.dma_semaphore, #tpu.memory_space<semaphore_mem>>) src(%dma_wait3A_43 : memref<624x128xf32, #tpu.memory_space<vmem_shared>>) dst(%dma_wait3A_41 : memref<624x128xf32, #tpu.memory_space<hbm>>)
      tpu.yield
    }) : () -> ()
    %mul3A_13 = arith.constant 10000 : i32
    %mul3A_14 = arith.muli %arg0, %mul3A_13 : i32
    %add3A_15 = arith.addi %mul3A_14, %select_n3A : i32
    "tpu.region"() ({
      %run_scoped3A = tpu.sem_alloc : memref<!tpu.dma_semaphore, #tpu.memory_space<semaphore_mem>>
      %dma_start3A = arith.constant 0 : i32
      %dma_start3A_38 = tpu.memref_slice %arg7[%add3A_15, %dma_start3A] : memref<20000x128xf32, #tpu.memory_space<hbm>> -> memref<16x128xf32, #tpu.memory_space<hbm>>
      %dma_start3A_39 = arith.constant 0 : i32
      %dma_start3A_40 = tpu.memref_slice %arg13[%select_n3A, %dma_start3A_39] : memref<10000x128xf32, #tpu.memory_space<vmem_shared>> -> memref<16x128xf32, #tpu.memory_space<vmem_shared>>
      tpu.enqueue_dma source(%dma_start3A_40 : memref<16x128xf32, #tpu.memory_space<vmem_shared>>) target(%dma_start3A_38 : memref<16x128xf32, #tpu.memory_space<hbm>>) target_semaphore(%run_scoped3A : memref<!tpu.dma_semaphore, #tpu.memory_space<semaphore_mem>>)
      %dma_wait3A = arith.constant 0 : i32
      %dma_wait3A_41 = tpu.memref_slice %arg7[%add3A_15, %dma_wait3A] : memref<20000x128xf32, #tpu.memory_space<hbm>> -> memref<16x128xf32, #tpu.memory_space<hbm>>
      %dma_wait3A_42 = arith.constant 0 : i32
      %dma_wait3A_43 = tpu.memref_slice %arg13[%select_n3A, %dma_wait3A_42] : memref<10000x128xf32, #tpu.memory_space<vmem_shared>> -> memref<16x128xf32, #tpu.memory_space<vmem_shared>>
      tpu.wait_dma2 semaphore(%run_scoped3A : memref<!tpu.dma_semaphore, #tpu.memory_space<semaphore_mem>>) src(%dma_wait3A_43 : memref<16x128xf32, #tpu.memory_space<vmem_shared>>) dst(%dma_wait3A_41 : memref<16x128xf32, #tpu.memory_space<hbm>>)
      tpu.yield
    }) : () -> ()
    %barrier3A_16 = arith.constant 0 : index
    tpu.barrier barrier_id(%barrier3A_16)
    "tpu.region"() ({
      %run_scoped3A = tpu.sem_alloc : memref<!tpu.dma_semaphore, #tpu.memory_space<semaphore_mem>>
      %dma_start3A = arith.constant 0 : i32
      %dma_start3A_38 = tpu.memref_slice %arg13[%mul3A_2, %dma_start3A] : memref<10000x128xf32, #tpu.memory_space<vmem_shared>> -> memref<624x128xf32, #tpu.memory_space<vmem_shared>>
      %dma_start3A_39 = arith.constant 0 : i32
      %dma_start3A_40 = tpu.memref_slice %arg6[%mul3A_2, %dma_start3A_39] : memref<10000x128xf32, #tpu.memory_space<hbm>> -> memref<624x128xf32, #tpu.memory_space<hbm>>
      tpu.enqueue_dma source(%dma_start3A_40 : memref<624x128xf32, #tpu.memory_space<hbm>>) target(%dma_start3A_38 : memref<624x128xf32, #tpu.memory_space<vmem_shared>>) target_semaphore(%run_scoped3A : memref<!tpu.dma_semaphore, #tpu.memory_space<semaphore_mem>>)
      %dma_wait3A = arith.constant 0 : i32
      %dma_wait3A_41 = tpu.memref_slice %arg13[%mul3A_2, %dma_wait3A] : memref<10000x128xf32, #tpu.memory_space<vmem_shared>> -> memref<624x128xf32, #tpu.memory_space<vmem_shared>>
      %dma_wait3A_42 = arith.constant 0 : i32
      %dma_wait3A_43 = tpu.memref_slice %arg6[%mul3A_2, %dma_wait3A_42] : memref<10000x128xf32, #tpu.memory_space<hbm>> -> memref<624x128xf32, #tpu.memory_space<hbm>>
      tpu.wait_dma2 semaphore(%run_scoped3A : memref<!tpu.dma_semaphore, #tpu.memory_space<semaphore_mem>>) src(%dma_wait3A_43 : memref<624x128xf32, #tpu.memory_space<hbm>>) dst(%dma_wait3A_41 : memref<624x128xf32, #tpu.memory_space<vmem_shared>>)
      tpu.yield
    }) : () -> ()
    "tpu.region"() ({
      %run_scoped3A = tpu.sem_alloc : memref<!tpu.dma_semaphore, #tpu.memory_space<semaphore_mem>>
      %dma_start3A = arith.constant 0 : i32
      %dma_start3A_38 = tpu.memref_slice %arg13[%select_n3A, %dma_start3A] : memref<10000x128xf32, #tpu.memory_space<vmem_shared>> -> memref<16x128xf32, #tpu.memory_space<vmem_shared>>
      %dma_start3A_39 = arith.constant 0 : i32
      %dma_start3A_40 = tpu.memref_slice %arg6[%select_n3A, %dma_start3A_39] : memref<10000x128xf32, #tpu.memory_space<hbm>> -> memref<16x128xf32, #tpu.memory_space<hbm>>
      tpu.enqueue_dma source(%dma_start3A_40 : memref<16x128xf32, #tpu.memory_space<hbm>>) target(%dma_start3A_38 : memref<16x128xf32, #tpu.memory_space<vmem_shared>>) target_semaphore(%run_scoped3A : memref<!tpu.dma_semaphore, #tpu.memory_space<semaphore_mem>>)
      %dma_wait3A = arith.constant 0 : i32
      %dma_wait3A_41 = tpu.memref_slice %arg13[%select_n3A, %dma_wait3A] : memref<10000x128xf32, #tpu.memory_space<vmem_shared>> -> memref<16x128xf32, #tpu.memory_space<vmem_shared>>
      %dma_wait3A_42 = arith.constant 0 : i32
      %dma_wait3A_43 = tpu.memref_slice %arg6[%select_n3A, %dma_wait3A_42] : memref<10000x128xf32, #tpu.memory_space<hbm>> -> memref<16x128xf32, #tpu.memory_space<hbm>>
      tpu.wait_dma2 semaphore(%run_scoped3A : memref<!tpu.dma_semaphore, #tpu.memory_space<semaphore_mem>>) src(%dma_wait3A_43 : memref<16x128xf32, #tpu.memory_space<hbm>>) dst(%dma_wait3A_41 : memref<16x128xf32, #tpu.memory_space<vmem_shared>>)
      tpu.yield
    }) : () -> ()
    %broadcast_in_dim3A = arith.constant 0.000000e+00 : f32
    %broadcast_in_dim3A_17 = vector.broadcast %broadcast_in_dim3A : f32 to vector<16xf32>
    %scan3A_18 = arith.constant 0 : i32
    %scan3A_19 = arith.constant 0 : i32
    %scan3A_20 = arith.constant 40 : i32
    %scan3A_21 = arith.addi %scan3A_19, %scan3A_20 : i32
    %scan3A_22 = arith.constant 1 : i32
    scf.for %scan3A_38 = %scan3A_19 to %scan3A_21 step %scan3A_22  : i32 {
      %swap3A = arith.constant 0 : i32
      %swap3A_39 = arith.index_cast %swap3A : i32 to index
      %swap3A_40 = arith.index_cast %scan3A_38 : i32 to index
      %swap3A_41 = arith.constant 0 : index
      %swap3A_42 = tpu.vector_load %arg12[%swap3A_39, %swap3A_40, %swap3A_41] {strides = array<i32>} : memref<5x40x128xf32, #tpu.memory_space<vmem>>, vector<1x1x16xf32>,
      %swap3A_43 = vector.shape_cast %swap3A_42 : vector<1x1x16xf32> to vector<16xf32>
      %swap3A_44 = vector.shape_cast %broadcast_in_dim3A_17 : vector<16xf32> to vector<1x1x16xf32>
      tpu.vector_store %arg12[%swap3A_39, %swap3A_40, %swap3A_41], %swap3A_44 {strides = array<i32>} : memref<5x40x128xf32, #tpu.memory_space<vmem>>, vector<1x1x16xf32>,
      %swap3A_45 = arith.constant 0 : i32
      %swap3A_46 = arith.index_cast %swap3A_45 : i32 to index
      %swap3A_47 = arith.index_cast %scan3A_38 : i32 to index
      %swap3A_48 = arith.constant 16 : index
      %swap3A_49 = tpu.vector_load %arg12[%swap3A_46, %swap3A_47, %swap3A_48] {strides = array<i32>} : memref<5x40x128xf32, #tpu.memory_space<vmem>>, vector<1x1x16xf32>,
      %swap3A_50 = vector.shape_cast %swap3A_49 : vector<1x1x16xf32> to vector<16xf32>
      %swap3A_51 = vector.shape_cast %broadcast_in_dim3A_17 : vector<16xf32> to vector<1x1x16xf32>
      tpu.vector_store %arg12[%swap3A_46, %swap3A_47, %swap3A_48], %swap3A_51 {strides = array<i32>} : memref<5x40x128xf32, #tpu.memory_space<vmem>>, vector<1x1x16xf32>,
      %swap3A_52 = arith.constant 0 : i32
      %swap3A_53 = arith.index_cast %swap3A_52 : i32 to index
      %swap3A_54 = arith.index_cast %scan3A_38 : i32 to index
      %swap3A_55 = arith.constant 32 : index
      %swap3A_56 = tpu.vector_load %arg12[%swap3A_53, %swap3A_54, %swap3A_55] {strides = array<i32>} : memref<5x40x128xf32, #tpu.memory_space<vmem>>, vector<1x1x16xf32>,
      %swap3A_57 = vector.shape_cast %swap3A_56 : vector<1x1x16xf32> to vector<16xf32>
      %swap3A_58 = vector.shape_cast %broadcast_in_dim3A_17 : vector<16xf32> to vector<1x1x16xf32>
      tpu.vector_store %arg12[%swap3A_53, %swap3A_54, %swap3A_55], %swap3A_58 {strides = array<i32>} : memref<5x40x128xf32, #tpu.memory_space<vmem>>, vector<1x1x16xf32>,
      %swap3A_59 = arith.constant 0 : i32
      %swap3A_60 = arith.index_cast %swap3A_59 : i32 to index
      %swap3A_61 = arith.index_cast %scan3A_38 : i32 to index
      %swap3A_62 = arith.constant 48 : index
      %swap3A_63 = tpu.vector_load %arg12[%swap3A_60, %swap3A_61, %swap3A_62] {strides = array<i32>} : memref<5x40x128xf32, #tpu.memory_space<vmem>>, vector<1x1x16xf32>,
      %swap3A_64 = vector.shape_cast %swap3A_63 : vector<1x1x16xf32> to vector<16xf32>
      %swap3A_65 = vector.shape_cast %broadcast_in_dim3A_17 : vector<16xf32> to vector<1x1x16xf32>
      tpu.vector_store %arg12[%swap3A_60, %swap3A_61, %swap3A_62], %swap3A_65 {strides = array<i32>} : memref<5x40x128xf32, #tpu.memory_space<vmem>>, vector<1x1x16xf32>,
      %swap3A_66 = arith.constant 0 : i32
      %swap3A_67 = arith.index_cast %swap3A_66 : i32 to index
      %swap3A_68 = arith.index_cast %scan3A_38 : i32 to index
      %swap3A_69 = arith.constant 64 : index
      %swap3A_70 = tpu.vector_load %arg12[%swap3A_67, %swap3A_68, %swap3A_69] {strides = array<i32>} : memref<5x40x128xf32, #tpu.memory_space<vmem>>, vector<1x1x16xf32>,
      %swap3A_71 = vector.shape_cast %swap3A_70 : vector<1x1x16xf32> to vector<16xf32>
      %swap3A_72 = vector.shape_cast %broadcast_in_dim3A_17 : vector<16xf32> to vector<1x1x16xf32>
      tpu.vector_store %arg12[%swap3A_67, %swap3A_68, %swap3A_69], %swap3A_72 {strides = array<i32>} : memref<5x40x128xf32, #tpu.memory_space<vmem>>, vector<1x1x16xf32>,
      %swap3A_73 = arith.constant 0 : i32
      %swap3A_74 = arith.index_cast %swap3A_73 : i32 to index
      %swap3A_75 = arith.index_cast %scan3A_38 : i32 to index
      %swap3A_76 = arith.constant 80 : index
      %swap3A_77 = tpu.vector_load %arg12[%swap3A_74, %swap3A_75, %swap3A_76] {strides = array<i32>} : memref<5x40x128xf32, #tpu.memory_space<vmem>>, vector<1x1x16xf32>,
      %swap3A_78 = vector.shape_cast %swap3A_77 : vector<1x1x16xf32> to vector<16xf32>
      %swap3A_79 = vector.shape_cast %broadcast_in_dim3A_17 : vector<16xf32> to vector<1x1x16xf32>
      tpu.vector_store %arg12[%swap3A_74, %swap3A_75, %swap3A_76], %swap3A_79 {strides = array<i32>} : memref<5x40x128xf32, #tpu.memory_space<vmem>>, vector<1x1x16xf32>,
      %swap3A_80 = arith.constant 0 : i32
      %swap3A_81 = arith.index_cast %swap3A_80 : i32 to index
      %swap3A_82 = arith.index_cast %scan3A_38 : i32 to index
      %swap3A_83 = arith.constant 96 : index
      %swap3A_84 = tpu.vector_load %arg12[%swap3A_81, %swap3A_82, %swap3A_83] {strides = array<i32>} : memref<5x40x128xf32, #tpu.memory_space<vmem>>, vector<1x1x16xf32>,
      %swap3A_85 = vector.shape_cast %swap3A_84 : vector<1x1x16xf32> to vector<16xf32>
      %swap3A_86 = vector.shape_cast %broadcast_in_dim3A_17 : vector<16xf32> to vector<1x1x16xf32>
      tpu.vector_store %arg12[%swap3A_81, %swap3A_82, %swap3A_83], %swap3A_86 {strides = array<i32>} : memref<5x40x128xf32, #tpu.memory_space<vmem>>, vector<1x1x16xf32>,
      %swap3A_87 = arith.constant 0 : i32
      %swap3A_88 = arith.index_cast %swap3A_87 : i32 to index
      %swap3A_89 = arith.index_cast %scan3A_38 : i32 to index
      %swap3A_90 = arith.constant 112 : index
      %swap3A_91 = tpu.vector_load %arg12[%swap3A_88, %swap3A_89, %swap3A_90] {strides = array<i32>} : memref<5x40x128xf32, #tpu.memory_space<vmem>>, vector<1x1x16xf32>,
      %swap3A_92 = vector.shape_cast %swap3A_91 : vector<1x1x16xf32> to vector<16xf32>
      %swap3A_93 = vector.shape_cast %broadcast_in_dim3A_17 : vector<16xf32> to vector<1x1x16xf32>
      tpu.vector_store %arg12[%swap3A_88, %swap3A_89, %swap3A_90], %swap3A_93 {strides = array<i32>} : memref<5x40x128xf32, #tpu.memory_space<vmem>>, vector<1x1x16xf32>,
      %swap3A_94 = arith.constant 1 : i32
      %swap3A_95 = arith.index_cast %swap3A_94 : i32 to index
      %swap3A_96 = arith.index_cast %scan3A_38 : i32 to index
      %swap3A_97 = arith.constant 0 : index
      %swap3A_98 = tpu.vector_load %arg12[%swap3A_95, %swap3A_96, %swap3A_97] {strides = array<i32>} : memref<5x40x128xf32, #tpu.memory_space<vmem>>, vector<1x1x16xf32>,
      %swap3A_99 = vector.shape_cast %swap3A_98 : vector<1x1x16xf32> to vector<16xf32>
      %swap3A_100 = vector.shape_cast %broadcast_in_dim3A_17 : vector<16xf32> to vector<1x1x16xf32>
      tpu.vector_store %arg12[%swap3A_95, %swap3A_96, %swap3A_97], %swap3A_100 {strides = array<i32>} : memref<5x40x128xf32, #tpu.memory_space<vmem>>, vector<1x1x16xf32>,
      %swap3A_101 = arith.constant 1 : i32
      %swap3A_102 = arith.index_cast %swap3A_101 : i32 to index
      %swap3A_103 = arith.index_cast %scan3A_38 : i32 to index
      %swap3A_104 = arith.constant 16 : index
      %swap3A_105 = tpu.vector_load %arg12[%swap3A_102, %swap3A_103, %swap3A_104] {strides = array<i32>} : memref<5x40x128xf32, #tpu.memory_space<vmem>>, vector<1x1x16xf32>,
      %swap3A_106 = vector.shape_cast %swap3A_105 : vector<1x1x16xf32> to vector<16xf32>
      %swap3A_107 = vector.shape_cast %broadcast_in_dim3A_17 : vector<16xf32> to vector<1x1x16xf32>
      tpu.vector_store %arg12[%swap3A_102, %swap3A_103, %swap3A_104], %swap3A_107 {strides = array<i32>} : memref<5x40x128xf32, #tpu.memory_space<vmem>>, vector<1x1x16xf32>,
      %swap3A_108 = arith.constant 1 : i32
      %swap3A_109 = arith.index_cast %swap3A_108 : i32 to index
      %swap3A_110 = arith.index_cast %scan3A_38 : i32 to index
      %swap3A_111 = arith.constant 32 : index
      %swap3A_112 = tpu.vector_load %arg12[%swap3A_109, %swap3A_110, %swap3A_111] {strides = array<i32>} : memref<5x40x128xf32, #tpu.memory_space<vmem>>, vector<1x1x16xf32>,
      %swap3A_113 = vector.shape_cast %swap3A_112 : vector<1x1x16xf32> to vector<16xf32>
      %swap3A_114 = vector.shape_cast %broadcast_in_dim3A_17 : vector<16xf32> to vector<1x1x16xf32>
      tpu.vector_store %arg12[%swap3A_109, %swap3A_110, %swap3A_111], %swap3A_114 {strides = array<i32>} : memref<5x40x128xf32, #tpu.memory_space<vmem>>, vector<1x1x16xf32>,
      %swap3A_115 = arith.constant 1 : i32
      %swap3A_116 = arith.index_cast %swap3A_115 : i32 to index
      %swap3A_117 = arith.index_cast %scan3A_38 : i32 to index
      %swap3A_118 = arith.constant 48 : index
      %swap3A_119 = tpu.vector_load %arg12[%swap3A_116, %swap3A_117, %swap3A_118] {strides = array<i32>} : memref<5x40x128xf32, #tpu.memory_space<vmem>>, vector<1x1x16xf32>,
      %swap3A_120 = vector.shape_cast %swap3A_119 : vector<1x1x16xf32> to vector<16xf32>
      %swap3A_121 = vector.shape_cast %broadcast_in_dim3A_17 : vector<16xf32> to vector<1x1x16xf32>
      tpu.vector_store %arg12[%swap3A_116, %swap3A_117, %swap3A_118], %swap3A_121 {strides = array<i32>} : memref<5x40x128xf32, #tpu.memory_space<vmem>>, vector<1x1x16xf32>,
      %swap3A_122 = arith.constant 1 : i32
      %swap3A_123 = arith.index_cast %swap3A_122 : i32 to index
      %swap3A_124 = arith.index_cast %scan3A_38 : i32 to index
      %swap3A_125 = arith.constant 64 : index
      %swap3A_126 = tpu.vector_load %arg12[%swap3A_123, %swap3A_124, %swap3A_125] {strides = array<i32>} : memref<5x40x128xf32, #tpu.memory_space<vmem>>, vector<1x1x16xf32>,
      %swap3A_127 = vector.shape_cast %swap3A_126 : vector<1x1x16xf32> to vector<16xf32>
      %swap3A_128 = vector.shape_cast %broadcast_in_dim3A_17 : vector<16xf32> to vector<1x1x16xf32>
      tpu.vector_store %arg12[%swap3A_123, %swap3A_124, %swap3A_125], %swap3A_128 {strides = array<i32>} : memref<5x40x128xf32, #tpu.memory_space<vmem>>, vector<1x1x16xf32>,
      %swap3A_129 = arith.constant 1 : i32
      %swap3A_130 = arith.index_cast %swap3A_129 : i32 to index
      %swap3A_131 = arith.index_cast %scan3A_38 : i32 to index
      %swap3A_132 = arith.constant 80 : index
      %swap3A_133 = tpu.vector_load %arg12[%swap3A_130, %swap3A_131, %swap3A_132] {strides = array<i32>} : memref<5x40x128xf32, #tpu.memory_space<vmem>>, vector<1x1x16xf32>,
      %swap3A_134 = vector.shape_cast %swap3A_133 : vector<1x1x16xf32> to vector<16xf32>
      %swap3A_135 = vector.shape_cast %broadcast_in_dim3A_17 : vector<16xf32> to vector<1x1x16xf32>
      tpu.vector_store %arg12[%swap3A_130, %swap3A_131, %swap3A_132], %swap3A_135 {strides = array<i32>} : memref<5x40x128xf32, #tpu.memory_space<vmem>>, vector<1x1x16xf32>,
      %swap3A_136 = arith.constant 1 : i32
      %swap3A_137 = arith.index_cast %swap3A_136 : i32 to index
      %swap3A_138 = arith.index_cast %scan3A_38 : i32 to index
      %swap3A_139 = arith.constant 96 : index
      %swap3A_140 = tpu.vector_load %arg12[%swap3A_137, %swap3A_138, %swap3A_139] {strides = array<i32>} : memref<5x40x128xf32, #tpu.memory_space<vmem>>, vector<1x1x16xf32>,
      %swap3A_141 = vector.shape_cast %swap3A_140 : vector<1x1x16xf32> to vector<16xf32>
      %swap3A_142 = vector.shape_cast %broadcast_in_dim3A_17 : vector<16xf32> to vector<1x1x16xf32>
      tpu.vector_store %arg12[%swap3A_137, %swap3A_138, %swap3A_139], %swap3A_142 {strides = array<i32>} : memref<5x40x128xf32, #tpu.memory_space<vmem>>, vector<1x1x16xf32>,
      %swap3A_143 = arith.constant 1 : i32
      %swap3A_144 = arith.index_cast %swap3A_143 : i32 to index
      %swap3A_145 = arith.index_cast %scan3A_38 : i32 to index
      %swap3A_146 = arith.constant 112 : index
      %swap3A_147 = tpu.vector_load %arg12[%swap3A_144, %swap3A_145, %swap3A_146] {strides = array<i32>} : memref<5x40x128xf32, #tpu.memory_space<vmem>>, vector<1x1x16xf32>,
      %swap3A_148 = vector.shape_cast %swap3A_147 : vector<1x1x16xf32> to vector<16xf32>
      %swap3A_149 = vector.shape_cast %broadcast_in_dim3A_17 : vector<16xf32> to vector<1x1x16xf32>
      tpu.vector_store %arg12[%swap3A_144, %swap3A_145, %swap3A_146], %swap3A_149 {strides = array<i32>} : memref<5x40x128xf32, #tpu.memory_space<vmem>>, vector<1x1x16xf32>,
      %swap3A_150 = arith.constant 2 : i32
      %swap3A_151 = arith.index_cast %swap3A_150 : i32 to index
      %swap3A_152 = arith.index_cast %scan3A_38 : i32 to index
      %swap3A_153 = arith.constant 0 : index
      %swap3A_154 = tpu.vector_load %arg12[%swap3A_151, %swap3A_152, %swap3A_153] {strides = array<i32>} : memref<5x40x128xf32, #tpu.memory_space<vmem>>, vector<1x1x16xf32>,
      %swap3A_155 = vector.shape_cast %swap3A_154 : vector<1x1x16xf32> to vector<16xf32>
      %swap3A_156 = vector.shape_cast %broadcast_in_dim3A_17 : vector<16xf32> to vector<1x1x16xf32>
      tpu.vector_store %arg12[%swap3A_151, %swap3A_152, %swap3A_153], %swap3A_156 {strides = array<i32>} : memref<5x40x128xf32, #tpu.memory_space<vmem>>, vector<1x1x16xf32>,
      %swap3A_157 = arith.constant 2 : i32
      %swap3A_158 = arith.index_cast %swap3A_157 : i32 to index
      %swap3A_159 = arith.index_cast %scan3A_38 : i32 to index
      %swap3A_160 = arith.constant 16 : index
      %swap3A_161 = tpu.vector_load %arg12[%swap3A_158, %swap3A_159, %swap3A_160] {strides = array<i32>} : memref<5x40x128xf32, #tpu.memory_space<vmem>>, vector<1x1x16xf32>,
      %swap3A_162 = vector.shape_cast %swap3A_161 : vector<1x1x16xf32> to vector<16xf32>
      %swap3A_163 = vector.shape_cast %broadcast_in_dim3A_17 : vector<16xf32> to vector<1x1x16xf32>
      tpu.vector_store %arg12[%swap3A_158, %swap3A_159, %swap3A_160], %swap3A_163 {strides = array<i32>} : memref<5x40x128xf32, #tpu.memory_space<vmem>>, vector<1x1x16xf32>,
      %swap3A_164 = arith.constant 2 : i32
      %swap3A_165 = arith.index_cast %swap3A_164 : i32 to index
      %swap3A_166 = arith.index_cast %scan3A_38 : i32 to index
      %swap3A_167 = arith.constant 32 : index
      %swap3A_168 = tpu.vector_load %arg12[%swap3A_165, %swap3A_166, %swap3A_167] {strides = array<i32>} : memref<5x40x128xf32, #tpu.memory_space<vmem>>, vector<1x1x16xf32>,
      %swap3A_169 = vector.shape_cast %swap3A_168 : vector<1x1x16xf32> to vector<16xf32>
      %swap3A_170 = vector.shape_cast %broadcast_in_dim3A_17 : vector<16xf32> to vector<1x1x16xf32>
      tpu.vector_store %arg12[%swap3A_165, %swap3A_166, %swap3A_167], %swap3A_170 {strides = array<i32>} : memref<5x40x128xf32, #tpu.memory_space<vmem>>, vector<1x1x16xf32>,
      %swap3A_171 = arith.constant 2 : i32
      %swap3A_172 = arith.index_cast %swap3A_171 : i32 to index
      %swap3A_173 = arith.index_cast %scan3A_38 : i32 to index
      %swap3A_174 = arith.constant 48 : index
      %swap3A_175 = tpu.vector_load %arg12[%swap3A_172, %swap3A_173, %swap3A_174] {strides = array<i32>} : memref<5x40x128xf32, #tpu.memory_space<vmem>>, vector<1x1x16xf32>,
      %swap3A_176 = vector.shape_cast %swap3A_175 : vector<1x1x16xf32> to vector<16xf32>
      %swap3A_177 = vector.shape_cast %broadcast_in_dim3A_17 : vector<16xf32> to vector<1x1x16xf32>
      tpu.vector_store %arg12[%swap3A_172, %swap3A_173, %swap3A_174], %swap3A_177 {strides = array<i32>} : memref<5x40x128xf32, #tpu.memory_space<vmem>>, vector<1x1x16xf32>,
      %swap3A_178 = arith.constant 2 : i32
      %swap3A_179 = arith.index_cast %swap3A_178 : i32 to index
      %swap3A_180 = arith.index_cast %scan3A_38 : i32 to index
      %swap3A_181 = arith.constant 64 : index
      %swap3A_182 = tpu.vector_load %arg12[%swap3A_179, %swap3A_180, %swap3A_181] {strides = array<i32>} : memref<5x40x128xf32, #tpu.memory_space<vmem>>, vector<1x1x16xf32>,
      %swap3A_183 = vector.shape_cast %swap3A_182 : vector<1x1x16xf32> to vector<16xf32>
      %swap3A_184 = vector.shape_cast %broadcast_in_dim3A_17 : vector<16xf32> to vector<1x1x16xf32>
      tpu.vector_store %arg12[%swap3A_179, %swap3A_180, %swap3A_181], %swap3A_184 {strides = array<i32>} : memref<5x40x128xf32, #tpu.memory_space<vmem>>, vector<1x1x16xf32>,
      %swap3A_185 = arith.constant 2 : i32
      %swap3A_186 = arith.index_cast %swap3A_185 : i32 to index
      %swap3A_187 = arith.index_cast %scan3A_38 : i32 to index
      %swap3A_188 = arith.constant 80 : index
      %swap3A_189 = tpu.vector_load %arg12[%swap3A_186, %swap3A_187, %swap3A_188] {strides = array<i32>} : memref<5x40x128xf32, #tpu.memory_space<vmem>>, vector<1x1x16xf32>,
      %swap3A_190 = vector.shape_cast %swap3A_189 : vector<1x1x16xf32> to vector<16xf32>
      %swap3A_191 = vector.shape_cast %broadcast_in_dim3A_17 : vector<16xf32> to vector<1x1x16xf32>
      tpu.vector_store %arg12[%swap3A_186, %swap3A_187, %swap3A_188], %swap3A_191 {strides = array<i32>} : memref<5x40x128xf32, #tpu.memory_space<vmem>>, vector<1x1x16xf32>,
      %swap3A_192 = arith.constant 2 : i32
      %swap3A_193 = arith.index_cast %swap3A_192 : i32 to index
      %swap3A_194 = arith.index_cast %scan3A_38 : i32 to index
      %swap3A_195 = arith.constant 96 : index
      %swap3A_196 = tpu.vector_load %arg12[%swap3A_193, %swap3A_194, %swap3A_195] {strides = array<i32>} : memref<5x40x128xf32, #tpu.memory_space<vmem>>, vector<1x1x16xf32>,
      %swap3A_197 = vector.shape_cast %swap3A_196 : vector<1x1x16xf32> to vector<16xf32>
      %swap3A_198 = vector.shape_cast %broadcast_in_dim3A_17 : vector<16xf32> to vector<1x1x16xf32>
      tpu.vector_store %arg12[%swap3A_193, %swap3A_194, %swap3A_195], %swap3A_198 {strides = array<i32>} : memref<5x40x128xf32, #tpu.memory_space<vmem>>, vector<1x1x16xf32>,
      %swap3A_199 = arith.constant 2 : i32
      %swap3A_200 = arith.index_cast %swap3A_199 : i32 to index
      %swap3A_201 = arith.index_cast %scan3A_38 : i32 to index
      %swap3A_202 = arith.constant 112 : index
      %swap3A_203 = tpu.vector_load %arg12[%swap3A_200, %swap3A_201, %swap3A_202] {strides = array<i32>} : memref<5x40x128xf32, #tpu.memory_space<vmem>>, vector<1x1x16xf32>,
      %swap3A_204 = vector.shape_cast %swap3A_203 : vector<1x1x16xf32> to vector<16xf32>
      %swap3A_205 = vector.shape_cast %broadcast_in_dim3A_17 : vector<16xf32> to vector<1x1x16xf32>
      tpu.vector_store %arg12[%swap3A_200, %swap3A_201, %swap3A_202], %swap3A_205 {strides = array<i32>} : memref<5x40x128xf32, #tpu.memory_space<vmem>>, vector<1x1x16xf32>,
      %swap3A_206 = arith.constant 3 : i32
      %swap3A_207 = arith.index_cast %swap3A_206 : i32 to index
      %swap3A_208 = arith.index_cast %scan3A_38 : i32 to index
      %swap3A_209 = arith.constant 0 : index
      %swap3A_210 = tpu.vector_load %arg12[%swap3A_207, %swap3A_208, %swap3A_209] {strides = array<i32>} : memref<5x40x128xf32, #tpu.memory_space<vmem>>, vector<1x1x16xf32>,
      %swap3A_211 = vector.shape_cast %swap3A_210 : vector<1x1x16xf32> to vector<16xf32>
      %swap3A_212 = vector.shape_cast %broadcast_in_dim3A_17 : vector<16xf32> to vector<1x1x16xf32>
      tpu.vector_store %arg12[%swap3A_207, %swap3A_208, %swap3A_209], %swap3A_212 {strides = array<i32>} : memref<5x40x128xf32, #tpu.memory_space<vmem>>, vector<1x1x16xf32>,
      %swap3A_213 = arith.constant 3 : i32
      %swap3A_214 = arith.index_cast %swap3A_213 : i32 to index
      %swap3A_215 = arith.index_cast %scan3A_38 : i32 to index
      %swap3A_216 = arith.constant 16 : index
      %swap3A_217 = tpu.vector_load %arg12[%swap3A_214, %swap3A_215, %swap3A_216] {strides = array<i32>} : memref<5x40x128xf32, #tpu.memory_space<vmem>>, vector<1x1x16xf32>,
      %swap3A_218 = vector.shape_cast %swap3A_217 : vector<1x1x16xf32> to vector<16xf32>
      %swap3A_219 = vector.shape_cast %broadcast_in_dim3A_17 : vector<16xf32> to vector<1x1x16xf32>
      tpu.vector_store %arg12[%swap3A_214, %swap3A_215, %swap3A_216], %swap3A_219 {strides = array<i32>} : memref<5x40x128xf32, #tpu.memory_space<vmem>>, vector<1x1x16xf32>,
      %swap3A_220 = arith.constant 3 : i32
      %swap3A_221 = arith.index_cast %swap3A_220 : i32 to index
      %swap3A_222 = arith.index_cast %scan3A_38 : i32 to index
      %swap3A_223 = arith.constant 32 : index
      %swap3A_224 = tpu.vector_load %arg12[%swap3A_221, %swap3A_222, %swap3A_223] {strides = array<i32>} : memref<5x40x128xf32, #tpu.memory_space<vmem>>, vector<1x1x16xf32>,
      %swap3A_225 = vector.shape_cast %swap3A_224 : vector<1x1x16xf32> to vector<16xf32>
      %swap3A_226 = vector.shape_cast %broadcast_in_dim3A_17 : vector<16xf32> to vector<1x1x16xf32>
      tpu.vector_store %arg12[%swap3A_221, %swap3A_222, %swap3A_223], %swap3A_226 {strides = array<i32>} : memref<5x40x128xf32, #tpu.memory_space<vmem>>, vector<1x1x16xf32>,
      %swap3A_227 = arith.constant 3 : i32
      %swap3A_228 = arith.index_cast %swap3A_227 : i32 to index
      %swap3A_229 = arith.index_cast %scan3A_38 : i32 to index
      %swap3A_230 = arith.constant 48 : index
      %swap3A_231 = tpu.vector_load %arg12[%swap3A_228, %swap3A_229, %swap3A_230] {strides = array<i32>} : memref<5x40x128xf32, #tpu.memory_space<vmem>>, vector<1x1x16xf32>,
      %swap3A_232 = vector.shape_cast %swap3A_231 : vector<1x1x16xf32> to vector<16xf32>
      %swap3A_233 = vector.shape_cast %broadcast_in_dim3A_17 : vector<16xf32> to vector<1x1x16xf32>
      tpu.vector_store %arg12[%swap3A_228, %swap3A_229, %swap3A_230], %swap3A_233 {strides = array<i32>} : memref<5x40x128xf32, #tpu.memory_space<vmem>>, vector<1x1x16xf32>,
      %swap3A_234 = arith.constant 3 : i32
      %swap3A_235 = arith.index_cast %swap3A_234 : i32 to index
      %swap3A_236 = arith.index_cast %scan3A_38 : i32 to index
      %swap3A_237 = arith.constant 64 : index
      %swap3A_238 = tpu.vector_load %arg12[%swap3A_235, %swap3A_236, %swap3A_237] {strides = array<i32>} : memref<5x40x128xf32, #tpu.memory_space<vmem>>, vector<1x1x16xf32>,
      %swap3A_239 = vector.shape_cast %swap3A_238 : vector<1x1x16xf32> to vector<16xf32>
      %swap3A_240 = vector.shape_cast %broadcast_in_dim3A_17 : vector<16xf32> to vector<1x1x16xf32>
      tpu.vector_store %arg12[%swap3A_235, %swap3A_236, %swap3A_237], %swap3A_240 {strides = array<i32>} : memref<5x40x128xf32, #tpu.memory_space<vmem>>, vector<1x1x16xf32>,
      %swap3A_241 = arith.constant 3 : i32
      %swap3A_242 = arith.index_cast %swap3A_241 : i32 to index
      %swap3A_243 = arith.index_cast %scan3A_38 : i32 to index
      %swap3A_244 = arith.constant 80 : index
      %swap3A_245 = tpu.vector_load %arg12[%swap3A_242, %swap3A_243, %swap3A_244] {strides = array<i32>} : memref<5x40x128xf32, #tpu.memory_space<vmem>>, vector<1x1x16xf32>,
      %swap3A_246 = vector.shape_cast %swap3A_245 : vector<1x1x16xf32> to vector<16xf32>
      %swap3A_247 = vector.shape_cast %broadcast_in_dim3A_17 : vector<16xf32> to vector<1x1x16xf32>
      tpu.vector_store %arg12[%swap3A_242, %swap3A_243, %swap3A_244], %swap3A_247 {strides = array<i32>} : memref<5x40x128xf32, #tpu.memory_space<vmem>>, vector<1x1x16xf32>,
      %swap3A_248 = arith.constant 3 : i32
      %swap3A_249 = arith.index_cast %swap3A_248 : i32 to index
      %swap3A_250 = arith.index_cast %scan3A_38 : i32 to index
      %swap3A_251 = arith.constant 96 : index
      %swap3A_252 = tpu.vector_load %arg12[%swap3A_249, %swap3A_250, %swap3A_251] {strides = array<i32>} : memref<5x40x128xf32, #tpu.memory_space<vmem>>, vector<1x1x16xf32>,
      %swap3A_253 = vector.shape_cast %swap3A_252 : vector<1x1x16xf32> to vector<16xf32>
      %swap3A_254 = vector.shape_cast %broadcast_in_dim3A_17 : vector<16xf32> to vector<1x1x16xf32>
      tpu.vector_store %arg12[%swap3A_249, %swap3A_250, %swap3A_251], %swap3A_254 {strides = array<i32>} : memref<5x40x128xf32, #tpu.memory_space<vmem>>, vector<1x1x16xf32>,
      %swap3A_255 = arith.constant 3 : i32
      %swap3A_256 = arith.index_cast %swap3A_255 : i32 to index
      %swap3A_257 = arith.index_cast %scan3A_38 : i32 to index
      %swap3A_258 = arith.constant 112 : index
      %swap3A_259 = tpu.vector_load %arg12[%swap3A_256, %swap3A_257, %swap3A_258] {strides = array<i32>} : memref<5x40x128xf32, #tpu.memory_space<vmem>>, vector<1x1x16xf32>,
      %swap3A_260 = vector.shape_cast %swap3A_259 : vector<1x1x16xf32> to vector<16xf32>
      %swap3A_261 = vector.shape_cast %broadcast_in_dim3A_17 : vector<16xf32> to vector<1x1x16xf32>
      tpu.vector_store %arg12[%swap3A_256, %swap3A_257, %swap3A_258], %swap3A_261 {strides = array<i32>} : memref<5x40x128xf32, #tpu.memory_space<vmem>>, vector<1x1x16xf32>,
      %swap3A_262 = arith.constant 4 : i32
      %swap3A_263 = arith.index_cast %swap3A_262 : i32 to index
      %swap3A_264 = arith.index_cast %scan3A_38 : i32 to index
      %swap3A_265 = arith.constant 0 : index
      %swap3A_266 = tpu.vector_load %arg12[%swap3A_263, %swap3A_264, %swap3A_265] {strides = array<i32>} : memref<5x40x128xf32, #tpu.memory_space<vmem>>, vector<1x1x16xf32>,
      %swap3A_267 = vector.shape_cast %swap3A_266 : vector<1x1x16xf32> to vector<16xf32>
      %swap3A_268 = vector.shape_cast %broadcast_in_dim3A_17 : vector<16xf32> to vector<1x1x16xf32>
      tpu.vector_store %arg12[%swap3A_263, %swap3A_264, %swap3A_265], %swap3A_268 {strides = array<i32>} : memref<5x40x128xf32, #tpu.memory_space<vmem>>, vector<1x1x16xf32>,
      %swap3A_269 = arith.constant 4 : i32
      %swap3A_270 = arith.index_cast %swap3A_269 : i32 to index
      %swap3A_271 = arith.index_cast %scan3A_38 : i32 to index
      %swap3A_272 = arith.constant 16 : index
      %swap3A_273 = tpu.vector_load %arg12[%swap3A_270, %swap3A_271, %swap3A_272] {strides = array<i32>} : memref<5x40x128xf32, #tpu.memory_space<vmem>>, vector<1x1x16xf32>,
      %swap3A_274 = vector.shape_cast %swap3A_273 : vector<1x1x16xf32> to vector<16xf32>
      %swap3A_275 = vector.shape_cast %broadcast_in_dim3A_17 : vector<16xf32> to vector<1x1x16xf32>
      tpu.vector_store %arg12[%swap3A_270, %swap3A_271, %swap3A_272], %swap3A_275 {strides = array<i32>} : memref<5x40x128xf32, #tpu.memory_space<vmem>>, vector<1x1x16xf32>,
      %swap3A_276 = arith.constant 4 : i32
      %swap3A_277 = arith.index_cast %swap3A_276 : i32 to index
      %swap3A_278 = arith.index_cast %scan3A_38 : i32 to index
      %swap3A_279 = arith.constant 32 : index
      %swap3A_280 = tpu.vector_load %arg12[%swap3A_277, %swap3A_278, %swap3A_279] {strides = array<i32>} : memref<5x40x128xf32, #tpu.memory_space<vmem>>, vector<1x1x16xf32>,
      %swap3A_281 = vector.shape_cast %swap3A_280 : vector<1x1x16xf32> to vector<16xf32>
      %swap3A_282 = vector.shape_cast %broadcast_in_dim3A_17 : vector<16xf32> to vector<1x1x16xf32>
      tpu.vector_store %arg12[%swap3A_277, %swap3A_278, %swap3A_279], %swap3A_282 {strides = array<i32>} : memref<5x40x128xf32, #tpu.memory_space<vmem>>, vector<1x1x16xf32>,
      %swap3A_283 = arith.constant 4 : i32
      %swap3A_284 = arith.index_cast %swap3A_283 : i32 to index
      %swap3A_285 = arith.index_cast %scan3A_38 : i32 to index
      %swap3A_286 = arith.constant 48 : index
      %swap3A_287 = tpu.vector_load %arg12[%swap3A_284, %swap3A_285, %swap3A_286] {strides = array<i32>} : memref<5x40x128xf32, #tpu.memory_space<vmem>>, vector<1x1x16xf32>,
      %swap3A_288 = vector.shape_cast %swap3A_287 : vector<1x1x16xf32> to vector<16xf32>
      %swap3A_289 = vector.shape_cast %broadcast_in_dim3A_17 : vector<16xf32> to vector<1x1x16xf32>
      tpu.vector_store %arg12[%swap3A_284, %swap3A_285, %swap3A_286], %swap3A_289 {strides = array<i32>} : memref<5x40x128xf32, #tpu.memory_space<vmem>>, vector<1x1x16xf32>,
      %swap3A_290 = arith.constant 4 : i32
      %swap3A_291 = arith.index_cast %swap3A_290 : i32 to index
      %swap3A_292 = arith.index_cast %scan3A_38 : i32 to index
      %swap3A_293 = arith.constant 64 : index
      %swap3A_294 = tpu.vector_load %arg12[%swap3A_291, %swap3A_292, %swap3A_293] {strides = array<i32>} : memref<5x40x128xf32, #tpu.memory_space<vmem>>, vector<1x1x16xf32>,
      %swap3A_295 = vector.shape_cast %swap3A_294 : vector<1x1x16xf32> to vector<16xf32>
      %swap3A_296 = vector.shape_cast %broadcast_in_dim3A_17 : vector<16xf32> to vector<1x1x16xf32>
      tpu.vector_store %arg12[%swap3A_291, %swap3A_292, %swap3A_293], %swap3A_296 {strides = array<i32>} : memref<5x40x128xf32, #tpu.memory_space<vmem>>, vector<1x1x16xf32>,
      %swap3A_297 = arith.constant 4 : i32
      %swap3A_298 = arith.index_cast %swap3A_297 : i32 to index
      %swap3A_299 = arith.index_cast %scan3A_38 : i32 to index
      %swap3A_300 = arith.constant 80 : index
      %swap3A_301 = tpu.vector_load %arg12[%swap3A_298, %swap3A_299, %swap3A_300] {strides = array<i32>} : memref<5x40x128xf32, #tpu.memory_space<vmem>>, vector<1x1x16xf32>,
      %swap3A_302 = vector.shape_cast %swap3A_301 : vector<1x1x16xf32> to vector<16xf32>
      %swap3A_303 = vector.shape_cast %broadcast_in_dim3A_17 : vector<16xf32> to vector<1x1x16xf32>
      tpu.vector_store %arg12[%swap3A_298, %swap3A_299, %swap3A_300], %swap3A_303 {strides = array<i32>} : memref<5x40x128xf32, #tpu.memory_space<vmem>>, vector<1x1x16xf32>,
      %swap3A_304 = arith.constant 4 : i32
      %swap3A_305 = arith.index_cast %swap3A_304 : i32 to index
      %swap3A_306 = arith.index_cast %scan3A_38 : i32 to index
      %swap3A_307 = arith.constant 96 : index
      %swap3A_308 = tpu.vector_load %arg12[%swap3A_305, %swap3A_306, %swap3A_307] {strides = array<i32>} : memref<5x40x128xf32, #tpu.memory_space<vmem>>, vector<1x1x16xf32>,
      %swap3A_309 = vector.shape_cast %swap3A_308 : vector<1x1x16xf32> to vector<16xf32>
      %swap3A_310 = vector.shape_cast %broadcast_in_dim3A_17 : vector<16xf32> to vector<1x1x16xf32>
      tpu.vector_store %arg12[%swap3A_305, %swap3A_306, %swap3A_307], %swap3A_310 {strides = array<i32>} : memref<5x40x128xf32, #tpu.memory_space<vmem>>, vector<1x1x16xf32>,
      %swap3A_311 = arith.constant 4 : i32
      %swap3A_312 = arith.index_cast %swap3A_311 : i32 to index
      %swap3A_313 = arith.index_cast %scan3A_38 : i32 to index
      %swap3A_314 = arith.constant 112 : index
      %swap3A_315 = tpu.vector_load %arg12[%swap3A_312, %swap3A_313, %swap3A_314] {strides = array<i32>} : memref<5x40x128xf32, #tpu.memory_space<vmem>>, vector<1x1x16xf32>,
      %swap3A_316 = vector.shape_cast %swap3A_315 : vector<1x1x16xf32> to vector<16xf32>
      %swap3A_317 = vector.shape_cast %broadcast_in_dim3A_17 : vector<16xf32> to vector<1x1x16xf32>
      tpu.vector_store %arg12[%swap3A_312, %swap3A_313, %swap3A_314], %swap3A_317 {strides = array<i32>} : memref<5x40x128xf32, #tpu.memory_space<vmem>>, vector<1x1x16xf32>,
    }
    %scan3A_23 = arith.constant 40 : i32
    %barrier3A_24 = arith.constant 0 : index
    tpu.barrier barrier_id(%barrier3A_24)
    %scan3A_25 = arith.constant 0 : i32
    %scan3A_26 = arith.constant 0 : i32
    %scan3A_27 = arith.constant 50 : i32
    %scan3A_28 = arith.addi %scan3A_26, %scan3A_27 : i32
    %scan3A_29 = arith.constant 1 : i32
    scf.for %scan3A_38 = %scan3A_26 to %scan3A_28 step %scan3A_29  : i32 {
      %mul3A_39 = arith.constant 250 : i32
      %mul3A_40 = arith.muli %add3A, %mul3A_39 : i32
      %mul3A_41 = arith.constant 5 : i32
      %mul3A_42 = arith.muli %scan3A_38, %mul3A_41 : i32
      %add3A_43 = arith.addi %mul3A_40, %mul3A_42 : i32
      %mul3A_44 = arith.constant 40 : i32
      %mul3A_45 = arith.muli %add3A_43, %mul3A_44 : i32
      %add3A_46 = arith.constant 0 : i32
      %add3A_47 = arith.addi %mul3A_45, %add3A_46 : i32
      %dma_start3A = arith.constant 0 : i32
      %dma_start3A_48 = arith.constant 0 : i32
      %dma_start3A_49 = tpu.memref_slice %arg10[%dma_start3A, %dma_start3A_48] : memref<5x40xi32, #tpu.memory_space<vmem>> -> memref<1x40xi32, #tpu.memory_space<vmem>>
      %dma_start3A_50 = tpu.memref_squeeze %dma_start3A_49 : memref<1x40xi32, #tpu.memory_space<vmem>> -> memref<40xi32, #tpu.memory_space<vmem>>
      %dma_start3A_51 = tpu.memref_slice %arg3[%add3A_47] : memref<320000xi32, #tpu.memory_space<hbm>> -> memref<40xi32, #tpu.memory_space<hbm>>
      %dma_start3A_52 = arith.constant 0 : i32
      %dma_start3A_53 = tpu.memref_slice %arg10[%dma_start3A, %dma_start3A_52] : memref<5x40xi32, #tpu.memory_space<vmem>> -> memref<1x40xi32, #tpu.memory_space<vmem>>
      %dma_start3A_54 = tpu.memref_squeeze %dma_start3A_53 : memref<1x40xi32, #tpu.memory_space<vmem>> -> memref<40xi32, #tpu.memory_space<vmem>>
      %dma_start3A_55 = tpu.memref_slice %arg3[%add3A_47] : memref<320000xi32, #tpu.memory_space<hbm>> -> memref<40xi32, #tpu.memory_space<hbm>>
      tpu.enqueue_dma source(%dma_start3A_55 : memref<40xi32, #tpu.memory_space<hbm>>) target(%dma_start3A_54 : memref<40xi32, #tpu.memory_space<vmem>>) target_semaphore(%arg14 : memref<!tpu.dma_semaphore, #tpu.memory_space<semaphore_mem>>)
      %add3A_56 = arith.constant 40 : i32
      %add3A_57 = arith.addi %mul3A_45, %add3A_56 : i32
      %dma_start3A_58 = arith.constant 1 : i32
      %dma_start3A_59 = arith.constant 0 : i32
      %dma_start3A_60 = tpu.memref_slice %arg10[%dma_start3A_58, %dma_start3A_59] : memref<5x40xi32, #tpu.memory_space<vmem>> -> memref<1x40xi32, #tpu.memory_space<vmem>>
      %dma_start3A_61 = tpu.memref_squeeze %dma_start3A_60 : memref<1x40xi32, #tpu.memory_space<vmem>> -> memref<40xi32, #tpu.memory_space<vmem>>
      %dma_start3A_62 = tpu.memref_slice %arg3[%add3A_57] : memref<320000xi32, #tpu.memory_space<hbm>> -> memref<40xi32, #tpu.memory_space<hbm>>
      %dma_start3A_63 = arith.constant 0 : i32
      %dma_start3A_64 = tpu.memref_slice %arg10[%dma_start3A_58, %dma_start3A_63] : memref<5x40xi32, #tpu.memory_space<vmem>> -> memref<1x40xi32, #tpu.memory_space<vmem>>
      %dma_start3A_65 = tpu.memref_squeeze %dma_start3A_64 : memref<1x40xi32, #tpu.memory_space<vmem>> -> memref<40xi32, #tpu.memory_space<vmem>>
      %dma_start3A_66 = tpu.memref_slice %arg3[%add3A_57] : memref<320000xi32, #tpu.memory_space<hbm>> -> memref<40xi32, #tpu.memory_space<hbm>>
      tpu.enqueue_dma source(%dma_start3A_66 : memref<40xi32, #tpu.memory_space<hbm>>) target(%dma_start3A_65 : memref<40xi32, #tpu.memory_space<vmem>>) target_semaphore(%arg14 : memref<!tpu.dma_semaphore, #tpu.memory_space<semaphore_mem>>)
      %add3A_67 = arith.constant 80 : i32
      %add3A_68 = arith.addi %mul3A_45, %add3A_67 : i32
      %dma_start3A_69 = arith.constant 2 : i32
      %dma_start3A_70 = arith.constant 0 : i32
      %dma_start3A_71 = tpu.memref_slice %arg10[%dma_start3A_69, %dma_start3A_70] : memref<5x40xi32, #tpu.memory_space<vmem>> -> memref<1x40xi32, #tpu.memory_space<vmem>>
      %dma_start3A_72 = tpu.memref_squeeze %dma_start3A_71 : memref<1x40xi32, #tpu.memory_space<vmem>> -> memref<40xi32, #tpu.memory_space<vmem>>
      %dma_start3A_73 = tpu.memref_slice %arg3[%add3A_68] : memref<320000xi32, #tpu.memory_space<hbm>> -> memref<40xi32, #tpu.memory_space<hbm>>
      %dma_start3A_74 = arith.constant 0 : i32
      %dma_start3A_75 = tpu.memref_slice %arg10[%dma_start3A_69, %dma_start3A_74] : memref<5x40xi32, #tpu.memory_space<vmem>> -> memref<1x40xi32, #tpu.memory_space<vmem>>
      %dma_start3A_76 = tpu.memref_squeeze %dma_start3A_75 : memref<1x40xi32, #tpu.memory_space<vmem>> -> memref<40xi32, #tpu.memory_space<vmem>>
      %dma_start3A_77 = tpu.memref_slice %arg3[%add3A_68] : memref<320000xi32, #tpu.memory_space<hbm>> -> memref<40xi32, #tpu.memory_space<hbm>>
      tpu.enqueue_dma source(%dma_start3A_77 : memref<40xi32, #tpu.memory_space<hbm>>) target(%dma_start3A_76 : memref<40xi32, #tpu.memory_space<vmem>>) target_semaphore(%arg14 : memref<!tpu.dma_semaphore, #tpu.memory_space<semaphore_mem>>)
      %add3A_78 = arith.constant 120 : i32
      %add3A_79 = arith.addi %mul3A_45, %add3A_78 : i32
      %dma_start3A_80 = arith.constant 3 : i32
      %dma_start3A_81 = arith.constant 0 : i32
      %dma_start3A_82 = tpu.memref_slice %arg10[%dma_start3A_80, %dma_start3A_81] : memref<5x40xi32, #tpu.memory_space<vmem>> -> memref<1x40xi32, #tpu.memory_space<vmem>>
      %dma_start3A_83 = tpu.memref_squeeze %dma_start3A_82 : memref<1x40xi32, #tpu.memory_space<vmem>> -> memref<40xi32, #tpu.memory_space<vmem>>
      %dma_start3A_84 = tpu.memref_slice %arg3[%add3A_79] : memref<320000xi32, #tpu.memory_space<hbm>> -> memref<40xi32, #tpu.memory_space<hbm>>
      %dma_start3A_85 = arith.constant 0 : i32
      %dma_start3A_86 = tpu.memref_slice %arg10[%dma_start3A_80, %dma_start3A_85] : memref<5x40xi32, #tpu.memory_space<vmem>> -> memref<1x40xi32, #tpu.memory_space<vmem>>
      %dma_start3A_87 = tpu.memref_squeeze %dma_start3A_86 : memref<1x40xi32, #tpu.memory_space<vmem>> -> memref<40xi32, #tpu.memory_space<vmem>>
      %dma_start3A_88 = tpu.memref_slice %arg3[%add3A_79] : memref<320000xi32, #tpu.memory_space<hbm>> -> memref<40xi32, #tpu.memory_space<hbm>>
      tpu.enqueue_dma source(%dma_start3A_88 : memref<40xi32, #tpu.memory_space<hbm>>) target(%dma_start3A_87 : memref<40xi32, #tpu.memory_space<vmem>>) target_semaphore(%arg14 : memref<!tpu.dma_semaphore, #tpu.memory_space<semaphore_mem>>)
      %add3A_89 = arith.constant 160 : i32
      %add3A_90 = arith.addi %mul3A_45, %add3A_89 : i32
      %dma_start3A_91 = arith.constant 4 : i32
      %dma_start3A_92 = arith.constant 0 : i32
      %dma_start3A_93 = tpu.memref_slice %arg10[%dma_start3A_91, %dma_start3A_92] : memref<5x40xi32, #tpu.memory_space<vmem>> -> memref<1x40xi32, #tpu.memory_space<vmem>>
      %dma_start3A_94 = tpu.memref_squeeze %dma_start3A_93 : memref<1x40xi32, #tpu.memory_space<vmem>> -> memref<40xi32, #tpu.memory_space<vmem>>
      %dma_start3A_95 = tpu.memref_slice %arg3[%add3A_90] : memref<320000xi32, #tpu.memory_space<hbm>> -> memref<40xi32, #tpu.memory_space<hbm>>
      %dma_start3A_96 = arith.constant 0 : i32
      %dma_start3A_97 = tpu.memref_slice %arg10[%dma_start3A_91, %dma_start3A_96] : memref<5x40xi32, #tpu.memory_space<vmem>> -> memref<1x40xi32, #tpu.memory_space<vmem>>
      %dma_start3A_98 = tpu.memref_squeeze %dma_start3A_97 : memref<1x40xi32, #tpu.memory_space<vmem>> -> memref<40xi32, #tpu.memory_space<vmem>>
      %dma_start3A_99 = tpu.memref_slice %arg3[%add3A_90] : memref<320000xi32, #tpu.memory_space<hbm>> -> memref<40xi32, #tpu.memory_space<hbm>>
      tpu.enqueue_dma source(%dma_start3A_99 : memref<40xi32, #tpu.memory_space<hbm>>) target(%dma_start3A_98 : memref<40xi32, #tpu.memory_space<vmem>>) target_semaphore(%arg14 : memref<!tpu.dma_semaphore, #tpu.memory_space<semaphore_mem>>)
      %add3A_100 = arith.constant 0 : i32
      %add3A_101 = arith.addi %mul3A_45, %add3A_100 : i32
      %dma_start3A_102 = arith.constant 0 : i32
      %dma_start3A_103 = arith.constant 0 : i32
      %dma_start3A_104 = arith.constant 0 : i32
      %dma_start3A_105 = tpu.memref_slice %arg11[%dma_start3A_102, %dma_start3A_103, %dma_start3A_104] : memref<2x40x16xf32, #tpu.memory_space<vmem>> -> memref<1x40x16xf32, #tpu.memory_space<vmem>>
      %dma_start3A_106 = tpu.memref_squeeze %dma_start3A_105 : memref<1x40x16xf32, #tpu.memory_space<vmem>> -> memref<40x16xf32, #tpu.memory_space<vmem>>
      %dma_start3A_107 = arith.constant 0 : i32
      %dma_start3A_108 = tpu.memref_slice %arg4[%add3A_101, %dma_start3A_107] : memref<320000x16xf32, #tpu.memory_space<hbm>> -> memref<40x16xf32, #tpu.memory_space<hbm>>
      %dma_start3A_109 = arith.constant 0 : i32
      %dma_start3A_110 = arith.constant 0 : i32
      %dma_start3A_111 = tpu.memref_slice %arg11[%dma_start3A_102, %dma_start3A_109, %dma_start3A_110] : memref<2x40x16xf32, #tpu.memory_space<vmem>> -> memref<1x40x16xf32, #tpu.memory_space<vmem>>
      %dma_start3A_112 = tpu.memref_squeeze %dma_start3A_111 : memref<1x40x16xf32, #tpu.memory_space<vmem>> -> memref<40x16xf32, #tpu.memory_space<vmem>>
      %dma_start3A_113 = arith.constant 0 : i32
      %dma_start3A_114 = tpu.memref_slice %arg4[%add3A_101, %dma_start3A_113] : memref<320000x16xf32, #tpu.memory_space<hbm>> -> memref<40x16xf32, #tpu.memory_space<hbm>>
      tpu.enqueue_dma source(%dma_start3A_114 : memref<40x16xf32, #tpu.memory_space<hbm>>) target(%dma_start3A_112 : memref<40x16xf32, #tpu.memory_space<vmem>>) target_semaphore(%arg15 : memref<!tpu.dma_semaphore, #tpu.memory_space<semaphore_mem>>)
      %dma_wait3A = arith.constant 0 : i32
      %dma_wait3A_115 = arith.constant 0 : i32
      %dma_wait3A_116 = tpu.memref_slice %arg10[%dma_wait3A, %dma_wait3A_115] : memref<5x40xi32, #tpu.memory_space<vmem>> -> memref<1x40xi32, #tpu.memory_space<vmem>>
      %dma_wait3A_117 = tpu.memref_squeeze %dma_wait3A_116 : memref<1x40xi32, #tpu.memory_space<vmem>> -> memref<40xi32, #tpu.memory_space<vmem>>
      %dma_wait3A_118 = tpu.memref_slice %arg3[%add3A_47] : memref<320000xi32, #tpu.memory_space<hbm>> -> memref<40xi32, #tpu.memory_space<hbm>>
      %dma_wait3A_119 = arith.constant 0 : i32
      %dma_wait3A_120 = tpu.memref_slice %arg10[%dma_wait3A, %dma_wait3A_119] : memref<5x40xi32, #tpu.memory_space<vmem>> -> memref<1x40xi32, #tpu.memory_space<vmem>>
      %dma_wait3A_121 = tpu.memref_squeeze %dma_wait3A_120 : memref<1x40xi32, #tpu.memory_space<vmem>> -> memref<40xi32, #tpu.memory_space<vmem>>
      %dma_wait3A_122 = tpu.memref_slice %arg3[%add3A_47] : memref<320000xi32, #tpu.memory_space<hbm>> -> memref<40xi32, #tpu.memory_space<hbm>>
      tpu.wait_dma2 semaphore(%arg14 : memref<!tpu.dma_semaphore, #tpu.memory_space<semaphore_mem>>) src(%dma_wait3A_122 : memref<40xi32, #tpu.memory_space<hbm>>) dst(%dma_wait3A_121 : memref<40xi32, #tpu.memory_space<vmem>>)
      %dma_wait3A_123 = arith.constant 1 : i32
      %dma_wait3A_124 = arith.constant 0 : i32
      %dma_wait3A_125 = tpu.memref_slice %arg10[%dma_wait3A_123, %dma_wait3A_124] : memref<5x40xi32, #tpu.memory_space<vmem>> -> memref<1x40xi32, #tpu.memory_space<vmem>>
      %dma_wait3A_126 = tpu.memref_squeeze %dma_wait3A_125 : memref<1x40xi32, #tpu.memory_space<vmem>> -> memref<40xi32, #tpu.memory_space<vmem>>
      %dma_wait3A_127 = tpu.memref_slice %arg3[%add3A_57] : memref<320000xi32, #tpu.memory_space<hbm>> -> memref<40xi32, #tpu.memory_space<hbm>>
      %dma_wait3A_128 = arith.constant 0 : i32
      %dma_wait3A_129 = tpu.memref_slice %arg10[%dma_wait3A_123, %dma_wait3A_128] : memref<5x40xi32, #tpu.memory_space<vmem>> -> memref<1x40xi32, #tpu.memory_space<vmem>>
      %dma_wait3A_130 = tpu.memref_squeeze %dma_wait3A_129 : memref<1x40xi32, #tpu.memory_space<vmem>> -> memref<40xi32, #tpu.memory_space<vmem>>
      %dma_wait3A_131 = tpu.memref_slice %arg3[%add3A_57] : memref<320000xi32, #tpu.memory_space<hbm>> -> memref<40xi32, #tpu.memory_space<hbm>>
      tpu.wait_dma2 semaphore(%arg14 : memref<!tpu.dma_semaphore, #tpu.memory_space<semaphore_mem>>) src(%dma_wait3A_131 : memref<40xi32, #tpu.memory_space<hbm>>) dst(%dma_wait3A_130 : memref<40xi32, #tpu.memory_space<vmem>>)
      %dma_wait3A_132 = arith.constant 2 : i32
      %dma_wait3A_133 = arith.constant 0 : i32
      %dma_wait3A_134 = tpu.memref_slice %arg10[%dma_wait3A_132, %dma_wait3A_133] : memref<5x40xi32, #tpu.memory_space<vmem>> -> memref<1x40xi32, #tpu.memory_space<vmem>>
      %dma_wait3A_135 = tpu.memref_squeeze %dma_wait3A_134 : memref<1x40xi32, #tpu.memory_space<vmem>> -> memref<40xi32, #tpu.memory_space<vmem>>
      %dma_wait3A_136 = tpu.memref_slice %arg3[%add3A_68] : memref<320000xi32, #tpu.memory_space<hbm>> -> memref<40xi32, #tpu.memory_space<hbm>>
      %dma_wait3A_137 = arith.constant 0 : i32
      %dma_wait3A_138 = tpu.memref_slice %arg10[%dma_wait3A_132, %dma_wait3A_137] : memref<5x40xi32, #tpu.memory_space<vmem>> -> memref<1x40xi32, #tpu.memory_space<vmem>>
      %dma_wait3A_139 = tpu.memref_squeeze %dma_wait3A_138 : memref<1x40xi32, #tpu.memory_space<vmem>> -> memref<40xi32, #tpu.memory_space<vmem>>
      %dma_wait3A_140 = tpu.memref_slice %arg3[%add3A_68] : memref<320000xi32, #tpu.memory_space<hbm>> -> memref<40xi32, #tpu.memory_space<hbm>>
      tpu.wait_dma2 semaphore(%arg14 : memref<!tpu.dma_semaphore, #tpu.memory_space<semaphore_mem>>) src(%dma_wait3A_140 : memref<40xi32, #tpu.memory_space<hbm>>) dst(%dma_wait3A_139 : memref<40xi32, #tpu.memory_space<vmem>>)
      %dma_wait3A_141 = arith.constant 3 : i32
      %dma_wait3A_142 = arith.constant 0 : i32
      %dma_wait3A_143 = tpu.memref_slice %arg10[%dma_wait3A_141, %dma_wait3A_142] : memref<5x40xi32, #tpu.memory_space<vmem>> -> memref<1x40xi32, #tpu.memory_space<vmem>>
      %dma_wait3A_144 = tpu.memref_squeeze %dma_wait3A_143 : memref<1x40xi32, #tpu.memory_space<vmem>> -> memref<40xi32, #tpu.memory_space<vmem>>
      %dma_wait3A_145 = tpu.memref_slice %arg3[%add3A_79] : memref<320000xi32, #tpu.memory_space<hbm>> -> memref<40xi32, #tpu.memory_space<hbm>>
      %dma_wait3A_146 = arith.constant 0 : i32
      %dma_wait3A_147 = tpu.memref_slice %arg10[%dma_wait3A_141, %dma_wait3A_146] : memref<5x40xi32, #tpu.memory_space<vmem>> -> memref<1x40xi32, #tpu.memory_space<vmem>>
      %dma_wait3A_148 = tpu.memref_squeeze %dma_wait3A_147 : memref<1x40xi32, #tpu.memory_space<vmem>> -> memref<40xi32, #tpu.memory_space<vmem>>
      %dma_wait3A_149 = tpu.memref_slice %arg3[%add3A_79] : memref<320000xi32, #tpu.memory_space<hbm>> -> memref<40xi32, #tpu.memory_space<hbm>>
      tpu.wait_dma2 semaphore(%arg14 : memref<!tpu.dma_semaphore, #tpu.memory_space<semaphore_mem>>) src(%dma_wait3A_149 : memref<40xi32, #tpu.memory_space<hbm>>) dst(%dma_wait3A_148 : memref<40xi32, #tpu.memory_space<vmem>>)
      %dma_wait3A_150 = arith.constant 4 : i32
      %dma_wait3A_151 = arith.constant 0 : i32
      %dma_wait3A_152 = tpu.memref_slice %arg10[%dma_wait3A_150, %dma_wait3A_151] : memref<5x40xi32, #tpu.memory_space<vmem>> -> memref<1x40xi32, #tpu.memory_space<vmem>>
      %dma_wait3A_153 = tpu.memref_squeeze %dma_wait3A_152 : memref<1x40xi32, #tpu.memory_space<vmem>> -> memref<40xi32, #tpu.memory_space<vmem>>
      %dma_wait3A_154 = tpu.memref_slice %arg3[%add3A_90] : memref<320000xi32, #tpu.memory_space<hbm>> -> memref<40xi32, #tpu.memory_space<hbm>>
      %dma_wait3A_155 = arith.constant 0 : i32
      %dma_wait3A_156 = tpu.memref_slice %arg10[%dma_wait3A_150, %dma_wait3A_155] : memref<5x40xi32, #tpu.memory_space<vmem>> -> memref<1x40xi32, #tpu.memory_space<vmem>>
      %dma_wait3A_157 = tpu.memref_squeeze %dma_wait3A_156 : memref<1x40xi32, #tpu.memory_space<vmem>> -> memref<40xi32, #tpu.memory_space<vmem>>
      %dma_wait3A_158 = tpu.memref_slice %arg3[%add3A_90] : memref<320000xi32, #tpu.memory_space<hbm>> -> memref<40xi32, #tpu.memory_space<hbm>>
      tpu.wait_dma2 semaphore(%arg14 : memref<!tpu.dma_semaphore, #tpu.memory_space<semaphore_mem>>) src(%dma_wait3A_158 : memref<40xi32, #tpu.memory_space<hbm>>) dst(%dma_wait3A_157 : memref<40xi32, #tpu.memory_space<vmem>>)
      %add3A_159 = arith.constant 40 : i32
      %add3A_160 = arith.addi %mul3A_45, %add3A_159 : i32
      %dma_start3A_161 = arith.constant 1 : i32
      %dma_start3A_162 = arith.constant 0 : i32
      %dma_start3A_163 = arith.constant 0 : i32
      %dma_start3A_164 = tpu.memref_slice %arg11[%dma_start3A_161, %dma_start3A_162, %dma_start3A_163] : memref<2x40x16xf32, #tpu.memory_space<vmem>> -> memref<1x40x16xf32, #tpu.memory_space<vmem>>
      %dma_start3A_165 = tpu.memref_squeeze %dma_start3A_164 : memref<1x40x16xf32, #tpu.memory_space<vmem>> -> memref<40x16xf32, #tpu.memory_space<vmem>>
      %dma_start3A_166 = arith.constant 0 : i32
      %dma_start3A_167 = tpu.memref_slice %arg4[%add3A_160, %dma_start3A_166] : memref<320000x16xf32, #tpu.memory_space<hbm>> -> memref<40x16xf32, #tpu.memory_space<hbm>>
      %dma_start3A_168 = arith.constant 0 : i32
      %dma_start3A_169 = arith.constant 0 : i32
      %dma_start3A_170 = tpu.memref_slice %arg11[%dma_start3A_161, %dma_start3A_168, %dma_start3A_169] : memref<2x40x16xf32, #tpu.memory_space<vmem>> -> memref<1x40x16xf32, #tpu.memory_space<vmem>>
      %dma_start3A_171 = tpu.memref_squeeze %dma_start3A_170 : memref<1x40x16xf32, #tpu.memory_space<vmem>> -> memref<40x16xf32, #tpu.memory_space<vmem>>
      %dma_start3A_172 = arith.constant 0 : i32
      %dma_start3A_173 = tpu.memref_slice %arg4[%add3A_160, %dma_start3A_172] : memref<320000x16xf32, #tpu.memory_space<hbm>> -> memref<40x16xf32, #tpu.memory_space<hbm>>
      tpu.enqueue_dma source(%dma_start3A_173 : memref<40x16xf32, #tpu.memory_space<hbm>>) target(%dma_start3A_171 : memref<40x16xf32, #tpu.memory_space<vmem>>) target_semaphore(%arg16 : memref<!tpu.dma_semaphore, #tpu.memory_space<semaphore_mem>>)
      %dma_wait3A_174 = arith.constant 0 : i32
      %dma_wait3A_175 = arith.constant 0 : i32
      %dma_wait3A_176 = arith.constant 0 : i32
      %dma_wait3A_177 = tpu.memref_slice %arg11[%dma_wait3A_174, %dma_wait3A_175, %dma_wait3A_176] : memref<2x40x16xf32, #tpu.memory_space<vmem>> -> memref<1x40x16xf32, #tpu.memory_space<vmem>>
      %dma_wait3A_178 = tpu.memref_squeeze %dma_wait3A_177 : memref<1x40x16xf32, #tpu.memory_space<vmem>> -> memref<40x16xf32, #tpu.memory_space<vmem>>
      %dma_wait3A_179 = arith.constant 0 : i32
      %dma_wait3A_180 = tpu.memref_slice %arg4[%add3A_101, %dma_wait3A_179] : memref<320000x16xf32, #tpu.memory_space<hbm>> -> memref<40x16xf32, #tpu.memory_space<hbm>>
      %dma_wait3A_181 = arith.constant 0 : i32
      %dma_wait3A_182 = arith.constant 0 : i32
      %dma_wait3A_183 = tpu.memref_slice %arg11[%dma_wait3A_174, %dma_wait3A_181, %dma_wait3A_182] : memref<2x40x16xf32, #tpu.memory_space<vmem>> -> memref<1x40x16xf32, #tpu.memory_space<vmem>>
      %dma_wait3A_184 = tpu.memref_squeeze %dma_wait3A_183 : memref<1x40x16xf32, #tpu.memory_space<vmem>> -> memref<40x16xf32, #tpu.memory_space<vmem>>
      %dma_wait3A_185 = arith.constant 0 : i32
      %dma_wait3A_186 = tpu.memref_slice %arg4[%add3A_101, %dma_wait3A_185] : memref<320000x16xf32, #tpu.memory_space<hbm>> -> memref<40x16xf32, #tpu.memory_space<hbm>>
      tpu.wait_dma2 semaphore(%arg15 : memref<!tpu.dma_semaphore, #tpu.memory_space<semaphore_mem>>) src(%dma_wait3A_186 : memref<40x16xf32, #tpu.memory_space<hbm>>) dst(%dma_wait3A_184 : memref<40x16xf32, #tpu.memory_space<vmem>>)
      %scan3A_187 = arith.constant 0 : i32
      %scan3A_188 = arith.constant 0 : i32
      %scan3A_189 = arith.constant 40 : i32
      %scan3A_190 = arith.addi %scan3A_188, %scan3A_189 : i32
      %scan3A_191 = arith.constant 1 : i32
      scf.for %scan3A_434 = %scan3A_188 to %scan3A_190 step %scan3A_191  : i32 {
        %get3A = arith.constant 0 : i32
        %get3A_435 = arith.index_cast %get3A : i32 to index
        %get3A_436 = arith.index_cast %scan3A_434 : i32 to index
        %get3A_437 = arith.constant 0 : index
        %get3A_438 = tpu.vector_load %arg11[%get3A_435, %get3A_436, %get3A_437] {strides = array<i32>} : memref<2x40x16xf32, #tpu.memory_space<vmem>>, vector<1x1x16xf32>,
        %get3A_439 = vector.shape_cast %get3A_438 : vector<1x1x16xf32> to vector<16xf32>
        %swap3A = arith.constant 0 : i32
        %swap3A_440 = arith.index_cast %swap3A : i32 to index
        %swap3A_441 = arith.index_cast %scan3A_434 : i32 to index
        %swap3A_442 = arith.constant 0 : index
        %swap3A_443 = tpu.vector_load %arg12[%swap3A_440, %swap3A_441, %swap3A_442] {strides = array<i32>} : memref<5x40x128xf32, #tpu.memory_space<vmem>>, vector<1x1x16xf32>,
        %swap3A_444 = vector.shape_cast %swap3A_443 : vector<1x1x16xf32> to vector<16xf32>
        %swap3A_445 = vector.shape_cast %get3A_439 : vector<16xf32> to vector<1x1x16xf32>
        tpu.vector_store %arg12[%swap3A_440, %swap3A_441, %swap3A_442], %swap3A_445 {strides = array<i32>} : memref<5x40x128xf32, #tpu.memory_space<vmem>>, vector<1x1x16xf32>,
      }
      %scan3A_192 = arith.constant 40 : i32
      %dma_start3A_193 = arith.constant 0 : i32
      %dma_start3A_194 = arith.constant 0 : i32
      %dma_start3A_195 = arith.constant 0 : i32
      %dma_start3A_196 = arith.constant 0 : i32
      %dma_start3A_197 = tpu.memref_slice %arg12[%dma_start3A_193, %dma_start3A_195, %dma_start3A_196] : memref<5x40x128xf32, #tpu.memory_space<vmem>> -> memref<1x40x128xf32, #tpu.memory_space<vmem>>
      %dma_start3A_198 = tpu.memref_squeeze %dma_start3A_197 : memref<1x40x128xf32, #tpu.memory_space<vmem>> -> memref<40x128xf32, #tpu.memory_space<vmem>>
      %dma_start3A_199 = arith.constant 0 : i32
      %dma_start3A_200 = tpu.memref_slice %arg10[%dma_start3A_194, %dma_start3A_199] : memref<5x40xi32, #tpu.memory_space<vmem>> -> memref<1x40xi32, #tpu.memory_space<vmem>>
      %dma_start3A_201 = tpu.memref_squeeze %dma_start3A_200 : memref<1x40xi32, #tpu.memory_space<vmem>> -> memref<40xi32, #tpu.memory_space<vmem>>
      %dma_start3A_202 = arith.constant 0 : i32
      %dma_start3A_203 = arith.constant 0 : i32
      %dma_start3A_204 = tpu.memref_slice %arg13[%dma_start3A_202, %dma_start3A_203] : memref<10000x128xf32, #tpu.memory_space<vmem_shared>> -> memref<10000x128xf32, #tpu.memory_space<vmem_shared>>
      tpu.enqueue_indirect_dma source(%dma_start3A_198 : memref<40x128xf32, #tpu.memory_space<vmem>>) target(%dma_start3A_204 : memref<10000x128xf32, #tpu.memory_space<vmem_shared>>) offsets(%dma_start3A_201 : memref<40xi32, #tpu.memory_space<vmem>>) semaphore(%arg17 : memref<!tpu.dma_semaphore, #tpu.memory_space<semaphore_mem>>) {add = true}
      %add3A_205 = arith.constant 80 : i32
      %add3A_206 = arith.addi %mul3A_45, %add3A_205 : i32
      %dma_start3A_207 = arith.constant 0 : i32
      %dma_start3A_208 = arith.constant 0 : i32
      %dma_start3A_209 = arith.constant 0 : i32
      %dma_start3A_210 = tpu.memref_slice %arg11[%dma_start3A_207, %dma_start3A_208, %dma_start3A_209] : memref<2x40x16xf32, #tpu.memory_space<vmem>> -> memref<1x40x16xf32, #tpu.memory_space<vmem>>
      %dma_start3A_211 = tpu.memref_squeeze %dma_start3A_210 : memref<1x40x16xf32, #tpu.memory_space<vmem>> -> memref<40x16xf32, #tpu.memory_space<vmem>>
      %dma_start3A_212 = arith.constant 0 : i32
      %dma_start3A_213 = tpu.memref_slice %arg4[%add3A_206, %dma_start3A_212] : memref<320000x16xf32, #tpu.memory_space<hbm>> -> memref<40x16xf32, #tpu.memory_space<hbm>>
      %dma_start3A_214 = arith.constant 0 : i32
      %dma_start3A_215 = arith.constant 0 : i32
      %dma_start3A_216 = tpu.memref_slice %arg11[%dma_start3A_207, %dma_start3A_214, %dma_start3A_215] : memref<2x40x16xf32, #tpu.memory_space<vmem>> -> memref<1x40x16xf32, #tpu.memory_space<vmem>>
      %dma_start3A_217 = tpu.memref_squeeze %dma_start3A_216 : memref<1x40x16xf32, #tpu.memory_space<vmem>> -> memref<40x16xf32, #tpu.memory_space<vmem>>
      %dma_start3A_218 = arith.constant 0 : i32
      %dma_start3A_219 = tpu.memref_slice %arg4[%add3A_206, %dma_start3A_218] : memref<320000x16xf32, #tpu.memory_space<hbm>> -> memref<40x16xf32, #tpu.memory_space<hbm>>
      tpu.enqueue_dma source(%dma_start3A_219 : memref<40x16xf32, #tpu.memory_space<hbm>>) target(%dma_start3A_217 : memref<40x16xf32, #tpu.memory_space<vmem>>) target_semaphore(%arg15 : memref<!tpu.dma_semaphore, #tpu.memory_space<semaphore_mem>>)
      %dma_wait3A_220 = arith.constant 1 : i32
      %dma_wait3A_221 = arith.constant 0 : i32
      %dma_wait3A_222 = arith.constant 0 : i32
      %dma_wait3A_223 = tpu.memref_slice %arg11[%dma_wait3A_220, %dma_wait3A_221, %dma_wait3A_222] : memref<2x40x16xf32, #tpu.memory_space<vmem>> -> memref<1x40x16xf32, #tpu.memory_space<vmem>>
      %dma_wait3A_224 = tpu.memref_squeeze %dma_wait3A_223 : memref<1x40x16xf32, #tpu.memory_space<vmem>> -> memref<40x16xf32, #tpu.memory_space<vmem>>
      %dma_wait3A_225 = arith.constant 0 : i32
      %dma_wait3A_226 = tpu.memref_slice %arg4[%add3A_160, %dma_wait3A_225] : memref<320000x16xf32, #tpu.memory_space<hbm>> -> memref<40x16xf32, #tpu.memory_space<hbm>>
      %dma_wait3A_227 = arith.constant 0 : i32
      %dma_wait3A_228 = arith.constant 0 : i32
      %dma_wait3A_229 = tpu.memref_slice %arg11[%dma_wait3A_220, %dma_wait3A_227, %dma_wait3A_228] : memref<2x40x16xf32, #tpu.memory_space<vmem>> -> memref<1x40x16xf32, #tpu.memory_space<vmem>>
      %dma_wait3A_230 = tpu.memref_squeeze %dma_wait3A_229 : memref<1x40x16xf32, #tpu.memory_space<vmem>> -> memref<40x16xf32, #tpu.memory_space<vmem>>
      %dma_wait3A_231 = arith.constant 0 : i32
      %dma_wait3A_232 = tpu.memref_slice %arg4[%add3A_160, %dma_wait3A_231] : memref<320000x16xf32, #tpu.memory_space<hbm>> -> memref<40x16xf32, #tpu.memory_space<hbm>>
      tpu.wait_dma2 semaphore(%arg16 : memref<!tpu.dma_semaphore, #tpu.memory_space<semaphore_mem>>) src(%dma_wait3A_232 : memref<40x16xf32, #tpu.memory_space<hbm>>) dst(%dma_wait3A_230 : memref<40x16xf32, #tpu.memory_space<vmem>>)
      %scan3A_233 = arith.constant 0 : i32
      %scan3A_234 = arith.constant 0 : i32
      %scan3A_235 = arith.constant 40 : i32
      %scan3A_236 = arith.addi %scan3A_234, %scan3A_235 : i32
      %scan3A_237 = arith.constant 1 : i32
      scf.for %scan3A_434 = %scan3A_234 to %scan3A_236 step %scan3A_237  : i32 {
        %get3A = arith.constant 1 : i32
        %get3A_435 = arith.index_cast %get3A : i32 to index
        %get3A_436 = arith.index_cast %scan3A_434 : i32 to index
        %get3A_437 = arith.constant 0 : index
        %get3A_438 = tpu.vector_load %arg11[%get3A_435, %get3A_436, %get3A_437] {strides = array<i32>} : memref<2x40x16xf32, #tpu.memory_space<vmem>>, vector<1x1x16xf32>,
        %get3A_439 = vector.shape_cast %get3A_438 : vector<1x1x16xf32> to vector<16xf32>
        %swap3A = arith.constant 1 : i32
        %swap3A_440 = arith.index_cast %swap3A : i32 to index
        %swap3A_441 = arith.index_cast %scan3A_434 : i32 to index
        %swap3A_442 = arith.constant 0 : index
        %swap3A_443 = tpu.vector_load %arg12[%swap3A_440, %swap3A_441, %swap3A_442] {strides = array<i32>} : memref<5x40x128xf32, #tpu.memory_space<vmem>>, vector<1x1x16xf32>,
        %swap3A_444 = vector.shape_cast %swap3A_443 : vector<1x1x16xf32> to vector<16xf32>
        %swap3A_445 = vector.shape_cast %get3A_439 : vector<16xf32> to vector<1x1x16xf32>
        tpu.vector_store %arg12[%swap3A_440, %swap3A_441, %swap3A_442], %swap3A_445 {strides = array<i32>} : memref<5x40x128xf32, #tpu.memory_space<vmem>>, vector<1x1x16xf32>,
      }
      %scan3A_238 = arith.constant 40 : i32
      %dma_start3A_239 = arith.constant 1 : i32
      %dma_start3A_240 = arith.constant 1 : i32
      %dma_start3A_241 = arith.constant 0 : i32
      %dma_start3A_242 = arith.constant 0 : i32
      %dma_start3A_243 = tpu.memref_slice %arg12[%dma_start3A_239, %dma_start3A_241, %dma_start3A_242] : memref<5x40x128xf32, #tpu.memory_space<vmem>> -> memref<1x40x128xf32, #tpu.memory_space<vmem>>
      %dma_start3A_244 = tpu.memref_squeeze %dma_start3A_243 : memref<1x40x128xf32, #tpu.memory_space<vmem>> -> memref<40x128xf32, #tpu.memory_space<vmem>>
      %dma_start3A_245 = arith.constant 0 : i32
      %dma_start3A_246 = tpu.memref_slice %arg10[%dma_start3A_240, %dma_start3A_245] : memref<5x40xi32, #tpu.memory_space<vmem>> -> memref<1x40xi32, #tpu.memory_space<vmem>>
      %dma_start3A_247 = tpu.memref_squeeze %dma_start3A_246 : memref<1x40xi32, #tpu.memory_space<vmem>> -> memref<40xi32, #tpu.memory_space<vmem>>
      %dma_start3A_248 = arith.constant 0 : i32
      %dma_start3A_249 = arith.constant 0 : i32
      %dma_start3A_250 = tpu.memref_slice %arg13[%dma_start3A_248, %dma_start3A_249] : memref<10000x128xf32, #tpu.memory_space<vmem_shared>> -> memref<10000x128xf32, #tpu.memory_space<vmem_shared>>
      tpu.enqueue_indirect_dma source(%dma_start3A_244 : memref<40x128xf32, #tpu.memory_space<vmem>>) target(%dma_start3A_250 : memref<10000x128xf32, #tpu.memory_space<vmem_shared>>) offsets(%dma_start3A_247 : memref<40xi32, #tpu.memory_space<vmem>>) semaphore(%arg17 : memref<!tpu.dma_semaphore, #tpu.memory_space<semaphore_mem>>) {add = true}
      %add3A_251 = arith.constant 120 : i32
      %add3A_252 = arith.addi %mul3A_45, %add3A_251 : i32
      %dma_start3A_253 = arith.constant 1 : i32
      %dma_start3A_254 = arith.constant 0 : i32
      %dma_start3A_255 = arith.constant 0 : i32
      %dma_start3A_256 = tpu.memref_slice %arg11[%dma_start3A_253, %dma_start3A_254, %dma_start3A_255] : memref<2x40x16xf32, #tpu.memory_space<vmem>> -> memref<1x40x16xf32, #tpu.memory_space<vmem>>
      %dma_start3A_257 = tpu.memref_squeeze %dma_start3A_256 : memref<1x40x16xf32, #tpu.memory_space<vmem>> -> memref<40x16xf32, #tpu.memory_space<vmem>>
      %dma_start3A_258 = arith.constant 0 : i32
      %dma_start3A_259 = tpu.memref_slice %arg4[%add3A_252, %dma_start3A_258] : memref<320000x16xf32, #tpu.memory_space<hbm>> -> memref<40x16xf32, #tpu.memory_space<hbm>>
      %dma_start3A_260 = arith.constant 0 : i32
      %dma_start3A_261 = arith.constant 0 : i32
      %dma_start3A_262 = tpu.memref_slice %arg11[%dma_start3A_253, %dma_start3A_260, %dma_start3A_261] : memref<2x40x16xf32, #tpu.memory_space<vmem>> -> memref<1x40x16xf32, #tpu.memory_space<vmem>>
      %dma_start3A_263 = tpu.memref_squeeze %dma_start3A_262 : memref<1x40x16xf32, #tpu.memory_space<vmem>> -> memref<40x16xf32, #tpu.memory_space<vmem>>
      %dma_start3A_264 = arith.constant 0 : i32
      %dma_start3A_265 = tpu.memref_slice %arg4[%add3A_252, %dma_start3A_264] : memref<320000x16xf32, #tpu.memory_space<hbm>> -> memref<40x16xf32, #tpu.memory_space<hbm>>
      tpu.enqueue_dma source(%dma_start3A_265 : memref<40x16xf32, #tpu.memory_space<hbm>>) target(%dma_start3A_263 : memref<40x16xf32, #tpu.memory_space<vmem>>) target_semaphore(%arg16 : memref<!tpu.dma_semaphore, #tpu.memory_space<semaphore_mem>>)
      %dma_wait3A_266 = arith.constant 0 : i32
      %dma_wait3A_267 = arith.constant 0 : i32
      %dma_wait3A_268 = arith.constant 0 : i32
      %dma_wait3A_269 = tpu.memref_slice %arg11[%dma_wait3A_266, %dma_wait3A_267, %dma_wait3A_268] : memref<2x40x16xf32, #tpu.memory_space<vmem>> -> memref<1x40x16xf32, #tpu.memory_space<vmem>>
      %dma_wait3A_270 = tpu.memref_squeeze %dma_wait3A_269 : memref<1x40x16xf32, #tpu.memory_space<vmem>> -> memref<40x16xf32, #tpu.memory_space<vmem>>
      %dma_wait3A_271 = arith.constant 0 : i32
      %dma_wait3A_272 = tpu.memref_slice %arg4[%add3A_206, %dma_wait3A_271] : memref<320000x16xf32, #tpu.memory_space<hbm>> -> memref<40x16xf32, #tpu.memory_space<hbm>>
      %dma_wait3A_273 = arith.constant 0 : i32
      %dma_wait3A_274 = arith.constant 0 : i32
      %dma_wait3A_275 = tpu.memref_slice %arg11[%dma_wait3A_266, %dma_wait3A_273, %dma_wait3A_274] : memref<2x40x16xf32, #tpu.memory_space<vmem>> -> memref<1x40x16xf32, #tpu.memory_space<vmem>>
      %dma_wait3A_276 = tpu.memref_squeeze %dma_wait3A_275 : memref<1x40x16xf32, #tpu.memory_space<vmem>> -> memref<40x16xf32, #tpu.memory_space<vmem>>
      %dma_wait3A_277 = arith.constant 0 : i32
      %dma_wait3A_278 = tpu.memref_slice %arg4[%add3A_206, %dma_wait3A_277] : memref<320000x16xf32, #tpu.memory_space<hbm>> -> memref<40x16xf32, #tpu.memory_space<hbm>>
      tpu.wait_dma2 semaphore(%arg15 : memref<!tpu.dma_semaphore, #tpu.memory_space<semaphore_mem>>) src(%dma_wait3A_278 : memref<40x16xf32, #tpu.memory_space<hbm>>) dst(%dma_wait3A_276 : memref<40x16xf32, #tpu.memory_space<vmem>>)
      %scan3A_279 = arith.constant 0 : i32
      %scan3A_280 = arith.constant 0 : i32
      %scan3A_281 = arith.constant 40 : i32
      %scan3A_282 = arith.addi %scan3A_280, %scan3A_281 : i32
      %scan3A_283 = arith.constant 1 : i32
      scf.for %scan3A_434 = %scan3A_280 to %scan3A_282 step %scan3A_283  : i32 {
        %get3A = arith.constant 0 : i32
        %get3A_435 = arith.index_cast %get3A : i32 to index
        %get3A_436 = arith.index_cast %scan3A_434 : i32 to index
        %get3A_437 = arith.constant 0 : index
        %get3A_438 = tpu.vector_load %arg11[%get3A_435, %get3A_436, %get3A_437] {strides = array<i32>} : memref<2x40x16xf32, #tpu.memory_space<vmem>>, vector<1x1x16xf32>,
        %get3A_439 = vector.shape_cast %get3A_438 : vector<1x1x16xf32> to vector<16xf32>
        %swap3A = arith.constant 2 : i32
        %swap3A_440 = arith.index_cast %swap3A : i32 to index
        %swap3A_441 = arith.index_cast %scan3A_434 : i32 to index
        %swap3A_442 = arith.constant 0 : index
        %swap3A_443 = tpu.vector_load %arg12[%swap3A_440, %swap3A_441, %swap3A_442] {strides = array<i32>} : memref<5x40x128xf32, #tpu.memory_space<vmem>>, vector<1x1x16xf32>,
        %swap3A_444 = vector.shape_cast %swap3A_443 : vector<1x1x16xf32> to vector<16xf32>
        %swap3A_445 = vector.shape_cast %get3A_439 : vector<16xf32> to vector<1x1x16xf32>
        tpu.vector_store %arg12[%swap3A_440, %swap3A_441, %swap3A_442], %swap3A_445 {strides = array<i32>} : memref<5x40x128xf32, #tpu.memory_space<vmem>>, vector<1x1x16xf32>,
      }
      %scan3A_284 = arith.constant 40 : i32
      %dma_start3A_285 = arith.constant 2 : i32
      %dma_start3A_286 = arith.constant 2 : i32
      %dma_start3A_287 = arith.constant 0 : i32
      %dma_start3A_288 = arith.constant 0 : i32
      %dma_start3A_289 = tpu.memref_slice %arg12[%dma_start3A_285, %dma_start3A_287, %dma_start3A_288] : memref<5x40x128xf32, #tpu.memory_space<vmem>> -> memref<1x40x128xf32, #tpu.memory_space<vmem>>
      %dma_start3A_290 = tpu.memref_squeeze %dma_start3A_289 : memref<1x40x128xf32, #tpu.memory_space<vmem>> -> memref<40x128xf32, #tpu.memory_space<vmem>>
      %dma_start3A_291 = arith.constant 0 : i32
      %dma_start3A_292 = tpu.memref_slice %arg10[%dma_start3A_286, %dma_start3A_291] : memref<5x40xi32, #tpu.memory_space<vmem>> -> memref<1x40xi32, #tpu.memory_space<vmem>>
      %dma_start3A_293 = tpu.memref_squeeze %dma_start3A_292 : memref<1x40xi32, #tpu.memory_space<vmem>> -> memref<40xi32, #tpu.memory_space<vmem>>
      %dma_start3A_294 = arith.constant 0 : i32
      %dma_start3A_295 = arith.constant 0 : i32
      %dma_start3A_296 = tpu.memref_slice %arg13[%dma_start3A_294, %dma_start3A_295] : memref<10000x128xf32, #tpu.memory_space<vmem_shared>> -> memref<10000x128xf32, #tpu.memory_space<vmem_shared>>
      tpu.enqueue_indirect_dma source(%dma_start3A_290 : memref<40x128xf32, #tpu.memory_space<vmem>>) target(%dma_start3A_296 : memref<10000x128xf32, #tpu.memory_space<vmem_shared>>) offsets(%dma_start3A_293 : memref<40xi32, #tpu.memory_space<vmem>>) semaphore(%arg17 : memref<!tpu.dma_semaphore, #tpu.memory_space<semaphore_mem>>) {add = true}
      %add3A_297 = arith.constant 160 : i32
      %add3A_298 = arith.addi %mul3A_45, %add3A_297 : i32
      %dma_start3A_299 = arith.constant 0 : i32
      %dma_start3A_300 = arith.constant 0 : i32
      %dma_start3A_301 = arith.constant 0 : i32
      %dma_start3A_302 = tpu.memref_slice %arg11[%dma_start3A_299, %dma_start3A_300, %dma_start3A_301] : memref<2x40x16xf32, #tpu.memory_space<vmem>> -> memref<1x40x16xf32, #tpu.memory_space<vmem>>
      %dma_start3A_303 = tpu.memref_squeeze %dma_start3A_302 : memref<1x40x16xf32, #tpu.memory_space<vmem>> -> memref<40x16xf32, #tpu.memory_space<vmem>>
      %dma_start3A_304 = arith.constant 0 : i32
      %dma_start3A_305 = tpu.memref_slice %arg4[%add3A_298, %dma_start3A_304] : memref<320000x16xf32, #tpu.memory_space<hbm>> -> memref<40x16xf32, #tpu.memory_space<hbm>>
      %dma_start3A_306 = arith.constant 0 : i32
      %dma_start3A_307 = arith.constant 0 : i32
      %dma_start3A_308 = tpu.memref_slice %arg11[%dma_start3A_299, %dma_start3A_306, %dma_start3A_307] : memref<2x40x16xf32, #tpu.memory_space<vmem>> -> memref<1x40x16xf32, #tpu.memory_space<vmem>>
      %dma_start3A_309 = tpu.memref_squeeze %dma_start3A_308 : memref<1x40x16xf32, #tpu.memory_space<vmem>> -> memref<40x16xf32, #tpu.memory_space<vmem>>
      %dma_start3A_310 = arith.constant 0 : i32
      %dma_start3A_311 = tpu.memref_slice %arg4[%add3A_298, %dma_start3A_310] : memref<320000x16xf32, #tpu.memory_space<hbm>> -> memref<40x16xf32, #tpu.memory_space<hbm>>
      tpu.enqueue_dma source(%dma_start3A_311 : memref<40x16xf32, #tpu.memory_space<hbm>>) target(%dma_start3A_309 : memref<40x16xf32, #tpu.memory_space<vmem>>) target_semaphore(%arg15 : memref<!tpu.dma_semaphore, #tpu.memory_space<semaphore_mem>>)
      %dma_wait3A_312 = arith.constant 1 : i32
      %dma_wait3A_313 = arith.constant 0 : i32
      %dma_wait3A_314 = arith.constant 0 : i32
      %dma_wait3A_315 = tpu.memref_slice %arg11[%dma_wait3A_312, %dma_wait3A_313, %dma_wait3A_314] : memref<2x40x16xf32, #tpu.memory_space<vmem>> -> memref<1x40x16xf32, #tpu.memory_space<vmem>>
      %dma_wait3A_316 = tpu.memref_squeeze %dma_wait3A_315 : memref<1x40x16xf32, #tpu.memory_space<vmem>> -> memref<40x16xf32, #tpu.memory_space<vmem>>
      %dma_wait3A_317 = arith.constant 0 : i32
      %dma_wait3A_318 = tpu.memref_slice %arg4[%add3A_252, %dma_wait3A_317] : memref<320000x16xf32, #tpu.memory_space<hbm>> -> memref<40x16xf32, #tpu.memory_space<hbm>>
      %dma_wait3A_319 = arith.constant 0 : i32
      %dma_wait3A_320 = arith.constant 0 : i32
      %dma_wait3A_321 = tpu.memref_slice %arg11[%dma_wait3A_312, %dma_wait3A_319, %dma_wait3A_320] : memref<2x40x16xf32, #tpu.memory_space<vmem>> -> memref<1x40x16xf32, #tpu.memory_space<vmem>>
      %dma_wait3A_322 = tpu.memref_squeeze %dma_wait3A_321 : memref<1x40x16xf32, #tpu.memory_space<vmem>> -> memref<40x16xf32, #tpu.memory_space<vmem>>
      %dma_wait3A_323 = arith.constant 0 : i32
      %dma_wait3A_324 = tpu.memref_slice %arg4[%add3A_252, %dma_wait3A_323] : memref<320000x16xf32, #tpu.memory_space<hbm>> -> memref<40x16xf32, #tpu.memory_space<hbm>>
      tpu.wait_dma2 semaphore(%arg16 : memref<!tpu.dma_semaphore, #tpu.memory_space<semaphore_mem>>) src(%dma_wait3A_324 : memref<40x16xf32, #tpu.memory_space<hbm>>) dst(%dma_wait3A_322 : memref<40x16xf32, #tpu.memory_space<vmem>>)
      %scan3A_325 = arith.constant 0 : i32
      %scan3A_326 = arith.constant 0 : i32
      %scan3A_327 = arith.constant 40 : i32
      %scan3A_328 = arith.addi %scan3A_326, %scan3A_327 : i32
      %scan3A_329 = arith.constant 1 : i32
      scf.for %scan3A_434 = %scan3A_326 to %scan3A_328 step %scan3A_329  : i32 {
        %get3A = arith.constant 1 : i32
        %get3A_435 = arith.index_cast %get3A : i32 to index
        %get3A_436 = arith.index_cast %scan3A_434 : i32 to index
        %get3A_437 = arith.constant 0 : index
        %get3A_438 = tpu.vector_load %arg11[%get3A_435, %get3A_436, %get3A_437] {strides = array<i32>} : memref<2x40x16xf32, #tpu.memory_space<vmem>>, vector<1x1x16xf32>,
        %get3A_439 = vector.shape_cast %get3A_438 : vector<1x1x16xf32> to vector<16xf32>
        %swap3A = arith.constant 3 : i32
        %swap3A_440 = arith.index_cast %swap3A : i32 to index
        %swap3A_441 = arith.index_cast %scan3A_434 : i32 to index
        %swap3A_442 = arith.constant 0 : index
        %swap3A_443 = tpu.vector_load %arg12[%swap3A_440, %swap3A_441, %swap3A_442] {strides = array<i32>} : memref<5x40x128xf32, #tpu.memory_space<vmem>>, vector<1x1x16xf32>,
        %swap3A_444 = vector.shape_cast %swap3A_443 : vector<1x1x16xf32> to vector<16xf32>
        %swap3A_445 = vector.shape_cast %get3A_439 : vector<16xf32> to vector<1x1x16xf32>
        tpu.vector_store %arg12[%swap3A_440, %swap3A_441, %swap3A_442], %swap3A_445 {strides = array<i32>} : memref<5x40x128xf32, #tpu.memory_space<vmem>>, vector<1x1x16xf32>,
      }
      %scan3A_330 = arith.constant 40 : i32
      %dma_start3A_331 = arith.constant 3 : i32
      %dma_start3A_332 = arith.constant 3 : i32
      %dma_start3A_333 = arith.constant 0 : i32
      %dma_start3A_334 = arith.constant 0 : i32
      %dma_start3A_335 = tpu.memref_slice %arg12[%dma_start3A_331, %dma_start3A_333, %dma_start3A_334] : memref<5x40x128xf32, #tpu.memory_space<vmem>> -> memref<1x40x128xf32, #tpu.memory_space<vmem>>
      %dma_start3A_336 = tpu.memref_squeeze %dma_start3A_335 : memref<1x40x128xf32, #tpu.memory_space<vmem>> -> memref<40x128xf32, #tpu.memory_space<vmem>>
      %dma_start3A_337 = arith.constant 0 : i32
      %dma_start3A_338 = tpu.memref_slice %arg10[%dma_start3A_332, %dma_start3A_337] : memref<5x40xi32, #tpu.memory_space<vmem>> -> memref<1x40xi32, #tpu.memory_space<vmem>>
      %dma_start3A_339 = tpu.memref_squeeze %dma_start3A_338 : memref<1x40xi32, #tpu.memory_space<vmem>> -> memref<40xi32, #tpu.memory_space<vmem>>
      %dma_start3A_340 = arith.constant 0 : i32
      %dma_start3A_341 = arith.constant 0 : i32
      %dma_start3A_342 = tpu.memref_slice %arg13[%dma_start3A_340, %dma_start3A_341] : memref<10000x128xf32, #tpu.memory_space<vmem_shared>> -> memref<10000x128xf32, #tpu.memory_space<vmem_shared>>
      tpu.enqueue_indirect_dma source(%dma_start3A_336 : memref<40x128xf32, #tpu.memory_space<vmem>>) target(%dma_start3A_342 : memref<10000x128xf32, #tpu.memory_space<vmem_shared>>) offsets(%dma_start3A_339 : memref<40xi32, #tpu.memory_space<vmem>>) semaphore(%arg17 : memref<!tpu.dma_semaphore, #tpu.memory_space<semaphore_mem>>) {add = true}
      %dma_wait3A_343 = arith.constant 0 : i32
      %dma_wait3A_344 = arith.constant 0 : i32
      %dma_wait3A_345 = arith.constant 0 : i32
      %dma_wait3A_346 = tpu.memref_slice %arg11[%dma_wait3A_343, %dma_wait3A_344, %dma_wait3A_345] : memref<2x40x16xf32, #tpu.memory_space<vmem>> -> memref<1x40x16xf32, #tpu.memory_space<vmem>>
      %dma_wait3A_347 = tpu.memref_squeeze %dma_wait3A_346 : memref<1x40x16xf32, #tpu.memory_space<vmem>> -> memref<40x16xf32, #tpu.memory_space<vmem>>
      %dma_wait3A_348 = arith.constant 0 : i32
      %dma_wait3A_349 = tpu.memref_slice %arg4[%add3A_298, %dma_wait3A_348] : memref<320000x16xf32, #tpu.memory_space<hbm>> -> memref<40x16xf32, #tpu.memory_space<hbm>>
      %dma_wait3A_350 = arith.constant 0 : i32
      %dma_wait3A_351 = arith.constant 0 : i32
      %dma_wait3A_352 = tpu.memref_slice %arg11[%dma_wait3A_343, %dma_wait3A_350, %dma_wait3A_351] : memref<2x40x16xf32, #tpu.memory_space<vmem>> -> memref<1x40x16xf32, #tpu.memory_space<vmem>>
      %dma_wait3A_353 = tpu.memref_squeeze %dma_wait3A_352 : memref<1x40x16xf32, #tpu.memory_space<vmem>> -> memref<40x16xf32, #tpu.memory_space<vmem>>
      %dma_wait3A_354 = arith.constant 0 : i32
      %dma_wait3A_355 = tpu.memref_slice %arg4[%add3A_298, %dma_wait3A_354] : memref<320000x16xf32, #tpu.memory_space<hbm>> -> memref<40x16xf32, #tpu.memory_space<hbm>>
      tpu.wait_dma2 semaphore(%arg15 : memref<!tpu.dma_semaphore, #tpu.memory_space<semaphore_mem>>) src(%dma_wait3A_355 : memref<40x16xf32, #tpu.memory_space<hbm>>) dst(%dma_wait3A_353 : memref<40x16xf32, #tpu.memory_space<vmem>>)
      %scan3A_356 = arith.constant 0 : i32
      %scan3A_357 = arith.constant 0 : i32
      %scan3A_358 = arith.constant 40 : i32
      %scan3A_359 = arith.addi %scan3A_357, %scan3A_358 : i32
      %scan3A_360 = arith.constant 1 : i32
      scf.for %scan3A_434 = %scan3A_357 to %scan3A_359 step %scan3A_360  : i32 {
        %get3A = arith.constant 0 : i32
        %get3A_435 = arith.index_cast %get3A : i32 to index
        %get3A_436 = arith.index_cast %scan3A_434 : i32 to index
        %get3A_437 = arith.constant 0 : index
        %get3A_438 = tpu.vector_load %arg11[%get3A_435, %get3A_436, %get3A_437] {strides = array<i32>} : memref<2x40x16xf32, #tpu.memory_space<vmem>>, vector<1x1x16xf32>,
        %get3A_439 = vector.shape_cast %get3A_438 : vector<1x1x16xf32> to vector<16xf32>
        %swap3A = arith.constant 4 : i32
        %swap3A_440 = arith.index_cast %swap3A : i32 to index
        %swap3A_441 = arith.index_cast %scan3A_434 : i32 to index
        %swap3A_442 = arith.constant 0 : index
        %swap3A_443 = tpu.vector_load %arg12[%swap3A_440, %swap3A_441, %swap3A_442] {strides = array<i32>} : memref<5x40x128xf32, #tpu.memory_space<vmem>>, vector<1x1x16xf32>,
        %swap3A_444 = vector.shape_cast %swap3A_443 : vector<1x1x16xf32> to vector<16xf32>
        %swap3A_445 = vector.shape_cast %get3A_439 : vector<16xf32> to vector<1x1x16xf32>
        tpu.vector_store %arg12[%swap3A_440, %swap3A_441, %swap3A_442], %swap3A_445 {strides = array<i32>} : memref<5x40x128xf32, #tpu.memory_space<vmem>>, vector<1x1x16xf32>,
      }
      %scan3A_361 = arith.constant 40 : i32
      %dma_start3A_362 = arith.constant 4 : i32
      %dma_start3A_363 = arith.constant 4 : i32
      %dma_start3A_364 = arith.constant 0 : i32
      %dma_start3A_365 = arith.constant 0 : i32
      %dma_start3A_366 = tpu.memref_slice %arg12[%dma_start3A_362, %dma_start3A_364, %dma_start3A_365] : memref<5x40x128xf32, #tpu.memory_space<vmem>> -> memref<1x40x128xf32, #tpu.memory_space<vmem>>
      %dma_start3A_367 = tpu.memref_squeeze %dma_start3A_366 : memref<1x40x128xf32, #tpu.memory_space<vmem>> -> memref<40x128xf32, #tpu.memory_space<vmem>>
      %dma_start3A_368 = arith.constant 0 : i32
      %dma_start3A_369 = tpu.memref_slice %arg10[%dma_start3A_363, %dma_start3A_368] : memref<5x40xi32, #tpu.memory_space<vmem>> -> memref<1x40xi32, #tpu.memory_space<vmem>>
      %dma_start3A_370 = tpu.memref_squeeze %dma_start3A_369 : memref<1x40xi32, #tpu.memory_space<vmem>> -> memref<40xi32, #tpu.memory_space<vmem>>
      %dma_start3A_371 = arith.constant 0 : i32
      %dma_start3A_372 = arith.constant 0 : i32
      %dma_start3A_373 = tpu.memref_slice %arg13[%dma_start3A_371, %dma_start3A_372] : memref<10000x128xf32, #tpu.memory_space<vmem_shared>> -> memref<10000x128xf32, #tpu.memory_space<vmem_shared>>
      tpu.enqueue_indirect_dma source(%dma_start3A_367 : memref<40x128xf32, #tpu.memory_space<vmem>>) target(%dma_start3A_373 : memref<10000x128xf32, #tpu.memory_space<vmem_shared>>) offsets(%dma_start3A_370 : memref<40xi32, #tpu.memory_space<vmem>>) semaphore(%arg17 : memref<!tpu.dma_semaphore, #tpu.memory_space<semaphore_mem>>) {add = true}
      %dma_wait3A_374 = arith.constant 0 : i32
      %dma_wait3A_375 = arith.constant 0 : i32
      %dma_wait3A_376 = arith.constant 0 : i32
      %dma_wait3A_377 = arith.constant 0 : i32
      %dma_wait3A_378 = tpu.memref_slice %arg12[%dma_wait3A_374, %dma_wait3A_376, %dma_wait3A_377] : memref<5x40x128xf32, #tpu.memory_space<vmem>> -> memref<1x40x128xf32, #tpu.memory_space<vmem>>
      %dma_wait3A_379 = tpu.memref_squeeze %dma_wait3A_378 : memref<1x40x128xf32, #tpu.memory_space<vmem>> -> memref<40x128xf32, #tpu.memory_space<vmem>>
      %dma_wait3A_380 = arith.constant 0 : i32
      %dma_wait3A_381 = tpu.memref_slice %arg10[%dma_wait3A_375, %dma_wait3A_380] : memref<5x40xi32, #tpu.memory_space<vmem>> -> memref<1x40xi32, #tpu.memory_space<vmem>>
      %dma_wait3A_382 = tpu.memref_squeeze %dma_wait3A_381 : memref<1x40xi32, #tpu.memory_space<vmem>> -> memref<40xi32, #tpu.memory_space<vmem>>
      %dma_wait3A_383 = arith.constant 0 : i32
      %dma_wait3A_384 = arith.constant 0 : i32
      %dma_wait3A_385 = tpu.memref_slice %arg13[%dma_wait3A_383, %dma_wait3A_384] : memref<10000x128xf32, #tpu.memory_space<vmem_shared>> -> memref<10000x128xf32, #tpu.memory_space<vmem_shared>>
      tpu.wait_indirect_dma semaphore(%arg17 : memref<!tpu.dma_semaphore, #tpu.memory_space<semaphore_mem>>) src(%dma_wait3A_379 : memref<40x128xf32, #tpu.memory_space<vmem>>) dst(%dma_wait3A_385 : memref<10000x128xf32, #tpu.memory_space<vmem_shared>>)
      %dma_wait3A_386 = arith.constant 1 : i32
      %dma_wait3A_387 = arith.constant 1 : i32
      %dma_wait3A_388 = arith.constant 0 : i32
      %dma_wait3A_389 = arith.constant 0 : i32
      %dma_wait3A_390 = tpu.memref_slice %arg12[%dma_wait3A_386, %dma_wait3A_388, %dma_wait3A_389] : memref<5x40x128xf32, #tpu.memory_space<vmem>> -> memref<1x40x128xf32, #tpu.memory_space<vmem>>
      %dma_wait3A_391 = tpu.memref_squeeze %dma_wait3A_390 : memref<1x40x128xf32, #tpu.memory_space<vmem>> -> memref<40x128xf32, #tpu.memory_space<vmem>>
      %dma_wait3A_392 = arith.constant 0 : i32
      %dma_wait3A_393 = tpu.memref_slice %arg10[%dma_wait3A_387, %dma_wait3A_392] : memref<5x40xi32, #tpu.memory_space<vmem>> -> memref<1x40xi32, #tpu.memory_space<vmem>>
      %dma_wait3A_394 = tpu.memref_squeeze %dma_wait3A_393 : memref<1x40xi32, #tpu.memory_space<vmem>> -> memref<40xi32, #tpu.memory_space<vmem>>
      %dma_wait3A_395 = arith.constant 0 : i32
      %dma_wait3A_396 = arith.constant 0 : i32
      %dma_wait3A_397 = tpu.memref_slice %arg13[%dma_wait3A_395, %dma_wait3A_396] : memref<10000x128xf32, #tpu.memory_space<vmem_shared>> -> memref<10000x128xf32, #tpu.memory_space<vmem_shared>>
      tpu.wait_indirect_dma semaphore(%arg17 : memref<!tpu.dma_semaphore, #tpu.memory_space<semaphore_mem>>) src(%dma_wait3A_391 : memref<40x128xf32, #tpu.memory_space<vmem>>) dst(%dma_wait3A_397 : memref<10000x128xf32, #tpu.memory_space<vmem_shared>>)
      %dma_wait3A_398 = arith.constant 2 : i32
      %dma_wait3A_399 = arith.constant 2 : i32
      %dma_wait3A_400 = arith.constant 0 : i32
      %dma_wait3A_401 = arith.constant 0 : i32
      %dma_wait3A_402 = tpu.memref_slice %arg12[%dma_wait3A_398, %dma_wait3A_400, %dma_wait3A_401] : memref<5x40x128xf32, #tpu.memory_space<vmem>> -> memref<1x40x128xf32, #tpu.memory_space<vmem>>
      %dma_wait3A_403 = tpu.memref_squeeze %dma_wait3A_402 : memref<1x40x128xf32, #tpu.memory_space<vmem>> -> memref<40x128xf32, #tpu.memory_space<vmem>>
      %dma_wait3A_404 = arith.constant 0 : i32
      %dma_wait3A_405 = tpu.memref_slice %arg10[%dma_wait3A_399, %dma_wait3A_404] : memref<5x40xi32, #tpu.memory_space<vmem>> -> memref<1x40xi32, #tpu.memory_space<vmem>>
      %dma_wait3A_406 = tpu.memref_squeeze %dma_wait3A_405 : memref<1x40xi32, #tpu.memory_space<vmem>> -> memref<40xi32, #tpu.memory_space<vmem>>
      %dma_wait3A_407 = arith.constant 0 : i32
      %dma_wait3A_408 = arith.constant 0 : i32
      %dma_wait3A_409 = tpu.memref_slice %arg13[%dma_wait3A_407, %dma_wait3A_408] : memref<10000x128xf32, #tpu.memory_space<vmem_shared>> -> memref<10000x128xf32, #tpu.memory_space<vmem_shared>>
      tpu.wait_indirect_dma semaphore(%arg17 : memref<!tpu.dma_semaphore, #tpu.memory_space<semaphore_mem>>) src(%dma_wait3A_403 : memref<40x128xf32, #tpu.memory_space<vmem>>) dst(%dma_wait3A_409 : memref<10000x128xf32, #tpu.memory_space<vmem_shared>>)
      %dma_wait3A_410 = arith.constant 3 : i32
      %dma_wait3A_411 = arith.constant 3 : i32
      %dma_wait3A_412 = arith.constant 0 : i32
      %dma_wait3A_413 = arith.constant 0 : i32
      %dma_wait3A_414 = tpu.memref_slice %arg12[%dma_wait3A_410, %dma_wait3A_412, %dma_wait3A_413] : memref<5x40x128xf32, #tpu.memory_space<vmem>> -> memref<1x40x128xf32, #tpu.memory_space<vmem>>
      %dma_wait3A_415 = tpu.memref_squeeze %dma_wait3A_414 : memref<1x40x128xf32, #tpu.memory_space<vmem>> -> memref<40x128xf32, #tpu.memory_space<vmem>>
      %dma_wait3A_416 = arith.constant 0 : i32
      %dma_wait3A_417 = tpu.memref_slice %arg10[%dma_wait3A_411, %dma_wait3A_416] : memref<5x40xi32, #tpu.memory_space<vmem>> -> memref<1x40xi32, #tpu.memory_space<vmem>>
      %dma_wait3A_418 = tpu.memref_squeeze %dma_wait3A_417 : memref<1x40xi32, #tpu.memory_space<vmem>> -> memref<40xi32, #tpu.memory_space<vmem>>
      %dma_wait3A_419 = arith.constant 0 : i32
      %dma_wait3A_420 = arith.constant 0 : i32
      %dma_wait3A_421 = tpu.memref_slice %arg13[%dma_wait3A_419, %dma_wait3A_420] : memref<10000x128xf32, #tpu.memory_space<vmem_shared>> -> memref<10000x128xf32, #tpu.memory_space<vmem_shared>>
      tpu.wait_indirect_dma semaphore(%arg17 : memref<!tpu.dma_semaphore, #tpu.memory_space<semaphore_mem>>) src(%dma_wait3A_415 : memref<40x128xf32, #tpu.memory_space<vmem>>) dst(%dma_wait3A_421 : memref<10000x128xf32, #tpu.memory_space<vmem_shared>>)
      %dma_wait3A_422 = arith.constant 4 : i32
      %dma_wait3A_423 = arith.constant 4 : i32
      %dma_wait3A_424 = arith.constant 0 : i32
      %dma_wait3A_425 = arith.constant 0 : i32
      %dma_wait3A_426 = tpu.memref_slice %arg12[%dma_wait3A_422, %dma_wait3A_424, %dma_wait3A_425] : memref<5x40x128xf32, #tpu.memory_space<vmem>> -> memref<1x40x128xf32, #tpu.memory_space<vmem>>
      %dma_wait3A_427 = tpu.memref_squeeze %dma_wait3A_426 : memref<1x40x128xf32, #tpu.memory_space<vmem>> -> memref<40x128xf32, #tpu.memory_space<vmem>>
      %dma_wait3A_428 = arith.constant 0 : i32
      %dma_wait3A_429 = tpu.memref_slice %arg10[%dma_wait3A_423, %dma_wait3A_428] : memref<5x40xi32, #tpu.memory_space<vmem>> -> memref<1x40xi32, #tpu.memory_space<vmem>>
      %dma_wait3A_430 = tpu.memref_squeeze %dma_wait3A_429 : memref<1x40xi32, #tpu.memory_space<vmem>> -> memref<40xi32, #tpu.memory_space<vmem>>
      %dma_wait3A_431 = arith.constant 0 : i32
      %dma_wait3A_432 = arith.constant 0 : i32
      %dma_wait3A_433 = tpu.memref_slice %arg13[%dma_wait3A_431, %dma_wait3A_432] : memref<10000x128xf32, #tpu.memory_space<vmem_shared>> -> memref<10000x128xf32, #tpu.memory_space<vmem_shared>>
      tpu.wait_indirect_dma semaphore(%arg17 : memref<!tpu.dma_semaphore, #tpu.memory_space<semaphore_mem>>) src(%dma_wait3A_427 : memref<40x128xf32, #tpu.memory_space<vmem>>) dst(%dma_wait3A_433 : memref<10000x128xf32, #tpu.memory_space<vmem_shared>>)
    }
    %scan3A_30 = arith.constant 50 : i32
    %barrier3A_31 = arith.constant 0 : index
    tpu.barrier barrier_id(%barrier3A_31)
    %mul3A_32 = arith.constant 10000 : i32
    %mul3A_33 = arith.muli %arg0, %mul3A_32 : i32
    %add3A_34 = arith.addi %mul3A_33, %mul3A_2 : i32
    "tpu.region"() ({
      %run_scoped3A = tpu.sem_alloc : memref<!tpu.dma_semaphore, #tpu.memory_space<semaphore_mem>>
      %dma_start3A = arith.constant 0 : i32
      %dma_start3A_38 = tpu.memref_slice %arg8[%add3A_34, %dma_start3A] : memref<20000x128xf32, #tpu.memory_space<hbm>> -> memref<624x128xf32, #tpu.memory_space<hbm>>
      %dma_start3A_39 = arith.constant 0 : i32
      %dma_start3A_40 = tpu.memref_slice %arg13[%mul3A_2, %dma_start3A_39] : memref<10000x128xf32, #tpu.memory_space<vmem_shared>> -> memref<624x128xf32, #tpu.memory_space<vmem_shared>>
      tpu.enqueue_dma source(%dma_start3A_40 : memref<624x128xf32, #tpu.memory_space<vmem_shared>>) target(%dma_start3A_38 : memref<624x128xf32, #tpu.memory_space<hbm>>) target_semaphore(%run_scoped3A : memref<!tpu.dma_semaphore, #tpu.memory_space<semaphore_mem>>)
      %dma_wait3A = arith.constant 0 : i32
      %dma_wait3A_41 = tpu.memref_slice %arg8[%add3A_34, %dma_wait3A] : memref<20000x128xf32, #tpu.memory_space<hbm>> -> memref<624x128xf32, #tpu.memory_space<hbm>>
      %dma_wait3A_42 = arith.constant 0 : i32
      %dma_wait3A_43 = tpu.memref_slice %arg13[%mul3A_2, %dma_wait3A_42] : memref<10000x128xf32, #tpu.memory_space<vmem_shared>> -> memref<624x128xf32, #tpu.memory_space<vmem_shared>>
      tpu.wait_dma2 semaphore(%run_scoped3A : memref<!tpu.dma_semaphore, #tpu.memory_space<semaphore_mem>>) src(%dma_wait3A_43 : memref<624x128xf32, #tpu.memory_space<vmem_shared>>) dst(%dma_wait3A_41 : memref<624x128xf32, #tpu.memory_space<hbm>>)
      tpu.yield
    }) : () -> ()
    %mul3A_35 = arith.constant 10000 : i32
    %mul3A_36 = arith.muli %arg0, %mul3A_35 : i32
    %add3A_37 = arith.addi %mul3A_36, %select_n3A : i32
    "tpu.region"() ({
      %run_scoped3A = tpu.sem_alloc : memref<!tpu.dma_semaphore, #tpu.memory_space<semaphore_mem>>
      %dma_start3A = arith.constant 0 : i32
      %dma_start3A_38 = tpu.memref_slice %arg8[%add3A_37, %dma_start3A] : memref<20000x128xf32, #tpu.memory_space<hbm>> -> memref<16x128xf32, #tpu.memory_space<hbm>>
      %dma_start3A_39 = arith.constant 0 : i32
      %dma_start3A_40 = tpu.memref_slice %arg13[%select_n3A, %dma_start3A_39] : memref<10000x128xf32, #tpu.memory_space<vmem_shared>> -> memref<16x128xf32, #tpu.memory_space<vmem_shared>>
      tpu.enqueue_dma source(%dma_start3A_40 : memref<16x128xf32, #tpu.memory_space<vmem_shared>>) target(%dma_start3A_38 : memref<16x128xf32, #tpu.memory_space<hbm>>) target_semaphore(%run_scoped3A : memref<!tpu.dma_semaphore, #tpu.memory_space<semaphore_mem>>)
      %dma_wait3A = arith.constant 0 : i32
      %dma_wait3A_41 = tpu.memref_slice %arg8[%add3A_37, %dma_wait3A] : memref<20000x128xf32, #tpu.memory_space<hbm>> -> memref<16x128xf32, #tpu.memory_space<hbm>>
      %dma_wait3A_42 = arith.constant 0 : i32
      %dma_wait3A_43 = tpu.memref_slice %arg13[%select_n3A, %dma_wait3A_42] : memref<10000x128xf32, #tpu.memory_space<vmem_shared>> -> memref<16x128xf32, #tpu.memory_space<vmem_shared>>
      tpu.wait_dma2 semaphore(%run_scoped3A : memref<!tpu.dma_semaphore, #tpu.memory_space<semaphore_mem>>) src(%dma_wait3A_43 : memref<16x128xf32, #tpu.memory_space<vmem_shared>>) dst(%dma_wait3A_41 : memref<16x128xf32, #tpu.memory_space<hbm>>)
      tpu.yield
    }) : () -> ()
    return
  }
}

module attributes {stable_mosaic.version = 14 : i64} {
  func.func @_stage1_body(%arg0: i32, %arg1: memref<1000x128xf32, #tpu.memory_space<vmem>>, %arg2: memref<384x128xf32, #tpu.memory_space<vmem>>, %arg3: memref<1x384xf32, #tpu.memory_space<vmem>>, %arg4: memref<64x64xf32, #tpu.memory_space<vmem>>, %arg5: memref<64x64xf32, #tpu.memory_space<vmem>>, %arg6: memref<1000x128xf32, #tpu.memory_space<vmem>>, %arg7: memref<1000x128xf32, #tpu.memory_space<vmem>>, %arg8: memref<1000x128xf32, #tpu.memory_space<vmem>>) attributes {dimension_semantics = [#tpu.dimension_semantics<arbitrary>], iteration_bounds = array<i64: 10>, scalar_prefetch = 0 : i64, scratch_operands = 0 : i64, tpu.core_type = #tpu.core_type<tc>, window_params = [{transform_indices = @transform_0, window_bounds = array<i64: 1000, 128>}, {pipeline_mode = #tpu.pipeline_mode<synchronous>, transform_indices = @transform_1, window_bounds = array<i64: 384, 128>}, {pipeline_mode = #tpu.pipeline_mode<synchronous>, transform_indices = @transform_2, window_bounds = array<i64: 1, 384>}, {pipeline_mode = #tpu.pipeline_mode<synchronous>, transform_indices = @transform_3, window_bounds = array<i64: 64, 64>}, {pipeline_mode = #tpu.pipeline_mode<synchronous>, transform_indices = @transform_4, window_bounds = array<i64: 64, 64>}, {transform_indices = @transform_5, window_bounds = array<i64: 1000, 128>}, {transform_indices = @transform_6, window_bounds = array<i64: 1000, 128>}, {transform_indices = @transform_7, window_bounds = array<i64: 1000, 128>}]} {
    %get3A = arith.constant 0 : index
    %get3A_0 = arith.constant 0 : index
    %get3A_1 = vector.load %arg1[%get3A, %get3A_0] : memref<1000x128xf32, #tpu.memory_space<vmem>>, vector<1000x128xf32>
    %get3A_2 = arith.constant 0 : index
    %get3A_3 = arith.constant 0 : index
    %get3A_4 = vector.load %arg2[%get3A_2, %get3A_3] : memref<384x128xf32, #tpu.memory_space<vmem>>, vector<384x128xf32>
    %dot_general3A = arith.constant dense<0.000000e+00> : vector<1000x384xf32>
    %dot_general3A_5 = tpu.matmul %get3A_1, %get3A_4, %dot_general3A {dimension_numbers = #tpu.dot_dimension_numbers<[1], [1], [0], [0], [0, 0, 1, 0], [], []>, transpose_lhs_hint = false} : vector<1000x128xf32>, vector<384x128xf32>, vector<1000x384xf32> -> vector<1000x384xf32>
    %get3A_6 = arith.constant 0 : index
    %get3A_7 = arith.constant 0 : index
    %get3A_8 = vector.load %arg3[%get3A_6, %get3A_7] : memref<1x384xf32, #tpu.memory_space<vmem>>, vector<1x384xf32>
    %add3A = vector.broadcast %get3A_8 : vector<1x384xf32> to vector<1000x384xf32>
    %add3A_9 = arith.addf %dot_general3A_5, %add3A : vector<1000x384xf32>
    %slice3A = vector.extract_strided_slice %add3A_9 {offsets = [0, 0], sizes = [1000, 128], strides = [1, 1]} : vector<1000x384xf32> to vector<1000x128xf32>
    %slice3A_10 = vector.extract_strided_slice %add3A_9 {offsets = [0, 128], sizes = [1000, 128], strides = [1, 1]} : vector<1000x384xf32> to vector<1000x128xf32>
    %mul3A = arith.constant 1.250000e-01 : f32
    %mul3A_11 = vector.broadcast %mul3A : f32 to vector<1000x128xf32>
    %mul3A_12 = arith.mulf %slice3A_10, %mul3A_11 : vector<1000x128xf32>
    %slice3A_13 = vector.extract_strided_slice %add3A_9 {offsets = [0, 256], sizes = [1000, 128], strides = [1, 1]} : vector<1000x384xf32> to vector<1000x128xf32>
    %swap3A = arith.constant 0 : index
    %swap3A_14 = arith.constant 0 : index
    %swap3A_15 = vector.load %arg8[%swap3A, %swap3A_14] : memref<1000x128xf32, #tpu.memory_space<vmem>>, vector<1000x128xf32>
    tpu.vector_store %arg8[%swap3A, %swap3A_14], %slice3A_13 {strides = array<i32>} : memref<1000x128xf32, #tpu.memory_space<vmem>>, vector<1000x128xf32>,
    %slice3A_16 = vector.extract_strided_slice %mul3A_12 {offsets = [0, 0], sizes = [1000, 64], strides = [1, 1]} : vector<1000x128xf32> to vector<1000x64xf32>
    %get3A_17 = arith.constant 0 : index
    %get3A_18 = arith.constant 0 : index
    %get3A_19 = vector.load %arg4[%get3A_17, %get3A_18] : memref<64x64xf32, #tpu.memory_space<vmem>>, vector<64x64xf32>
    %dot_general3A_20 = arith.constant dense<0.000000e+00> : vector<1000x64xf32>
    %dot_general3A_21 = tpu.matmul %slice3A_16, %get3A_19, %dot_general3A_20 {dimension_numbers = #tpu.dot_dimension_numbers<[1], [1], [0], [0], [0, 0, 1, 0], [], []>, transpose_lhs_hint = false} : vector<1000x64xf32>, vector<64x64xf32>, vector<1000x64xf32> -> vector<1000x64xf32>
    %slice3A_22 = vector.extract_strided_slice %mul3A_12 {offsets = [0, 64], sizes = [1000, 64], strides = [1, 1]} : vector<1000x128xf32> to vector<1000x64xf32>
    %get3A_23 = arith.constant 0 : index
    %get3A_24 = arith.constant 0 : index
    %get3A_25 = vector.load %arg4[%get3A_23, %get3A_24] : memref<64x64xf32, #tpu.memory_space<vmem>>, vector<64x64xf32>
    %dot_general3A_26 = arith.constant dense<0.000000e+00> : vector<1000x64xf32>
    %dot_general3A_27 = tpu.matmul %slice3A_22, %get3A_25, %dot_general3A_26 {dimension_numbers = #tpu.dot_dimension_numbers<[1], [1], [0], [0], [0, 0, 1, 0], [], []>, transpose_lhs_hint = false} : vector<1000x64xf32>, vector<64x64xf32>, vector<1000x64xf32> -> vector<1000x64xf32>
    %concatenate3A = tpu.concatenate %dot_general3A_21, %dot_general3A_27 in 1 : vector<1000x64xf32>, vector<1000x64xf32> -> vector<1000x128xf32>
    %swap3A_28 = arith.constant 0 : index
    %swap3A_29 = arith.constant 0 : index
    %swap3A_30 = vector.load %arg6[%swap3A_28, %swap3A_29] : memref<1000x128xf32, #tpu.memory_space<vmem>>, vector<1000x128xf32>
    tpu.vector_store %arg6[%swap3A_28, %swap3A_29], %concatenate3A {strides = array<i32>} : memref<1000x128xf32, #tpu.memory_space<vmem>>, vector<1000x128xf32>,
    %slice3A_31 = vector.extract_strided_slice %slice3A {offsets = [0, 0], sizes = [1000, 64], strides = [1, 1]} : vector<1000x128xf32> to vector<1000x64xf32>
    %get3A_32 = arith.constant 0 : index
    %get3A_33 = arith.constant 0 : index
    %get3A_34 = vector.load %arg5[%get3A_32, %get3A_33] : memref<64x64xf32, #tpu.memory_space<vmem>>, vector<64x64xf32>
    %dot_general3A_35 = arith.constant dense<0.000000e+00> : vector<1000x64xf32>
    %dot_general3A_36 = tpu.matmul %slice3A_31, %get3A_34, %dot_general3A_35 {dimension_numbers = #tpu.dot_dimension_numbers<[1], [1], [0], [0], [0, 0, 1, 0], [], []>, transpose_lhs_hint = false} : vector<1000x64xf32>, vector<64x64xf32>, vector<1000x64xf32> -> vector<1000x64xf32>
    %slice3A_37 = vector.extract_strided_slice %slice3A {offsets = [0, 64], sizes = [1000, 64], strides = [1, 1]} : vector<1000x128xf32> to vector<1000x64xf32>
    %get3A_38 = arith.constant 0 : index
    %get3A_39 = arith.constant 0 : index
    %get3A_40 = vector.load %arg5[%get3A_38, %get3A_39] : memref<64x64xf32, #tpu.memory_space<vmem>>, vector<64x64xf32>
    %dot_general3A_41 = arith.constant dense<0.000000e+00> : vector<1000x64xf32>
    %dot_general3A_42 = tpu.matmul %slice3A_37, %get3A_40, %dot_general3A_41 {dimension_numbers = #tpu.dot_dimension_numbers<[1], [1], [0], [0], [0, 0, 1, 0], [], []>, transpose_lhs_hint = false} : vector<1000x64xf32>, vector<64x64xf32>, vector<1000x64xf32> -> vector<1000x64xf32>
    %concatenate3A_43 = tpu.concatenate %dot_general3A_36, %dot_general3A_42 in 1 : vector<1000x64xf32>, vector<1000x64xf32> -> vector<1000x128xf32>
    %swap3A_44 = arith.constant 0 : index
    %swap3A_45 = arith.constant 0 : index
    %swap3A_46 = vector.load %arg7[%swap3A_44, %swap3A_45] : memref<1000x128xf32, #tpu.memory_space<vmem>>, vector<1000x128xf32>
    tpu.vector_store %arg7[%swap3A_44, %swap3A_45], %concatenate3A_43 {strides = array<i32>} : memref<1000x128xf32, #tpu.memory_space<vmem>>, vector<1000x128xf32>,
    return
  }
  func.func @transform_0(%arg0: i32) -> (i32, i32) {
    %c0_i32 = arith.constant 0 : i32
    %c0_i32_0 = arith.constant 0 : i32
    return %arg0, %c0_i32 : i32, i32
  }
  func.func @transform_1(%arg0: i32) -> (i32, i32) {
    %c0_i32 = arith.constant 0 : i32
    %c0_i32_0 = arith.constant 0 : i32
    %c0_i32_1 = arith.constant 0 : i32
    return %c0_i32, %c0_i32_0 : i32, i32
  }
  func.func @transform_2(%arg0: i32) -> (i32, i32) {
    %c0_i32 = arith.constant 0 : i32
    %c0_i32_0 = arith.constant 0 : i32
    %c0_i32_1 = arith.constant 0 : i32
    return %c0_i32, %c0_i32_0 : i32, i32
  }
  func.func @transform_3(%arg0: i32) -> (i32, i32) {
    %c0_i32 = arith.constant 0 : i32
    %c0_i32_0 = arith.constant 0 : i32
    %c0_i32_1 = arith.constant 0 : i32
    return %c0_i32, %c0_i32_0 : i32, i32
  }
  func.func @transform_4(%arg0: i32) -> (i32, i32) {
    %c0_i32 = arith.constant 0 : i32
    %c0_i32_0 = arith.constant 0 : i32
    %c0_i32_1 = arith.constant 0 : i32
    return %c0_i32, %c0_i32_0 : i32, i32
  }
  func.func @transform_5(%arg0: i32) -> (i32, i32) {
    %c0_i32 = arith.constant 0 : i32
    %c0_i32_0 = arith.constant 0 : i32
    return %arg0, %c0_i32 : i32, i32
  }
  func.func @transform_6(%arg0: i32) -> (i32, i32) {
    %c0_i32 = arith.constant 0 : i32
    %c0_i32_0 = arith.constant 0 : i32
    return %arg0, %c0_i32 : i32, i32
  }
  func.func @transform_7(%arg0: i32) -> (i32, i32) {
    %c0_i32 = arith.constant 0 : i32
    %c0_i32_0 = arith.constant 0 : i32
    return %arg0, %c0_i32 : i32, i32
  }
}

module attributes {stable_mosaic.version = 14 : i64} {
  func.func @_stage2_body(%arg0: i32, %arg1: memref<4000x128xf32, #tpu.memory_space<vmem>>, %arg2: memref<4000x2xf32, #tpu.memory_space<vmem>>, %arg3: memref<128x2xf32, #tpu.memory_space<vmem>>, %arg4: memref<1x128xf32, #tpu.memory_space<vmem>>, %arg5: memref<64x64xf32, #tpu.memory_space<vmem>>, %arg6: memref<1x64xf32, #tpu.memory_space<vmem>>, %arg7: memref<1x64xf32, #tpu.memory_space<vmem>>, %arg8: memref<1x1xf32, #tpu.memory_space<vmem>>, %arg9: memref<4000x16xf32, #tpu.memory_space<vmem>>) attributes {dimension_semantics = [#tpu.dimension_semantics<arbitrary>], iteration_bounds = array<i64: 80>, scalar_prefetch = 0 : i64, scratch_operands = 0 : i64, tpu.core_type = #tpu.core_type<tc>, window_params = [{transform_indices = @transform_0, window_bounds = array<i64: 4000, 128>}, {transform_indices = @transform_1, window_bounds = array<i64: 4000, 2>}, {pipeline_mode = #tpu.pipeline_mode<synchronous>, transform_indices = @transform_2, window_bounds = array<i64: 128, 2>}, {pipeline_mode = #tpu.pipeline_mode<synchronous>, transform_indices = @transform_3, window_bounds = array<i64: 1, 128>}, {pipeline_mode = #tpu.pipeline_mode<synchronous>, transform_indices = @transform_4, window_bounds = array<i64: 64, 64>}, {pipeline_mode = #tpu.pipeline_mode<synchronous>, transform_indices = @transform_5, window_bounds = array<i64: 1, 64>}, {pipeline_mode = #tpu.pipeline_mode<synchronous>, transform_indices = @transform_6, window_bounds = array<i64: 1, 64>}, {pipeline_mode = #tpu.pipeline_mode<synchronous>, transform_indices = @transform_7, window_bounds = array<i64: 1, 1>}, {transform_indices = @transform_8, window_bounds = array<i64: 4000, 16>}]} {
    %get3A = arith.constant 0 : index
    %get3A_0 = arith.constant 0 : index
    %get3A_1 = vector.load %arg2[%get3A, %get3A_0] : memref<4000x2xf32, #tpu.memory_space<vmem>>, vector<4000x2xf32>
    %get3A_2 = arith.constant 0 : index
    %get3A_3 = arith.constant 0 : index
    %get3A_4 = vector.load %arg3[%get3A_2, %get3A_3] : memref<128x2xf32, #tpu.memory_space<vmem>>, vector<128x2xf32>
    %dot_general3A = arith.constant dense<0.000000e+00> : vector<4000x128xf32>
    %dot_general3A_5 = tpu.matmul %get3A_1, %get3A_4, %dot_general3A {dimension_numbers = #tpu.dot_dimension_numbers<[1], [1], [0], [0], [0, 0, 1, 0], [], []>, transpose_lhs_hint = false} : vector<4000x2xf32>, vector<128x2xf32>, vector<4000x128xf32> -> vector<4000x128xf32>
    %get3A_6 = arith.constant 0 : index
    %get3A_7 = arith.constant 0 : index
    %get3A_8 = vector.load %arg4[%get3A_6, %get3A_7] : memref<1x128xf32, #tpu.memory_space<vmem>>, vector<1x128xf32>
    %add3A = vector.broadcast %get3A_8 : vector<1x128xf32> to vector<4000x128xf32>
    %add3A_9 = arith.addf %dot_general3A_5, %add3A : vector<4000x128xf32>
    %max3A = arith.constant 0.000000e+00 : f32
    %max3A_10 = vector.broadcast %max3A : f32 to vector<4000x128xf32>
    %max3A_11 = arith.maximumf %add3A_9, %max3A_10 : vector<4000x128xf32>
    %get3A_12 = arith.constant 0 : index
    %get3A_13 = arith.constant 0 : index
    %get3A_14 = vector.load %arg1[%get3A_12, %get3A_13] : memref<4000x128xf32, #tpu.memory_space<vmem>>, vector<4000x128xf32>
    %slice3A = vector.extract_strided_slice %get3A_14 {offsets = [0, 0], sizes = [4000, 64], strides = [1, 1]} : vector<4000x128xf32> to vector<4000x64xf32>
    %slice3A_15 = vector.extract_strided_slice %max3A_11 {offsets = [0, 0], sizes = [4000, 64], strides = [1, 1]} : vector<4000x128xf32> to vector<4000x64xf32>
    %get3A_16 = arith.constant 0 : index
    %get3A_17 = arith.constant 0 : index
    %get3A_18 = vector.load %arg5[%get3A_16, %get3A_17] : memref<64x64xf32, #tpu.memory_space<vmem>>, vector<64x64xf32>
    %dot_general3A_19 = arith.constant dense<0.000000e+00> : vector<4000x64xf32>
    %dot_general3A_20 = tpu.matmul %slice3A_15, %get3A_18, %dot_general3A_19 {dimension_numbers = #tpu.dot_dimension_numbers<[1], [1], [0], [0], [0, 0, 1, 0], [], []>, transpose_lhs_hint = false} : vector<4000x64xf32>, vector<64x64xf32>, vector<4000x64xf32> -> vector<4000x64xf32>
    %add3A_21 = arith.addf %slice3A, %dot_general3A_20 : vector<4000x64xf32>
    %get3A_22 = arith.constant 0 : index
    %get3A_23 = arith.constant 0 : index
    %get3A_24 = vector.load %arg6[%get3A_22, %get3A_23] : memref<1x64xf32, #tpu.memory_space<vmem>>, vector<1x64xf32>
    %add3A_25 = vector.broadcast %get3A_24 : vector<1x64xf32> to vector<4000x64xf32>
    %add3A_26 = arith.addf %add3A_21, %add3A_25 : vector<4000x64xf32>
    %max3A_27 = arith.constant 0.000000e+00 : f32
    %max3A_28 = vector.broadcast %max3A_27 : f32 to vector<4000x64xf32>
    %max3A_29 = arith.maximumf %add3A_26, %max3A_28 : vector<4000x64xf32>
    %get3A_30 = arith.constant 0 : index
    %get3A_31 = arith.constant 0 : index
    %get3A_32 = vector.load %arg7[%get3A_30, %get3A_31] : memref<1x64xf32, #tpu.memory_space<vmem>>, vector<1x64xf32>
    %mul3A = vector.broadcast %get3A_32 : vector<1x64xf32> to vector<4000x64xf32>
    %mul3A_33 = arith.mulf %max3A_29, %mul3A : vector<4000x64xf32>
    %reduce_sum3A = arith.constant dense<0.000000e+00> : vector<4000xf32>
    %reduce_sum3A_34 = vector.multi_reduction <add>, %mul3A_33, %reduce_sum3A [1] : vector<4000x64xf32> to vector<4000xf32>
    %broadcast_in_dim3A = vector.shape_cast %reduce_sum3A_34 : vector<4000xf32> to vector<4000x1xf32>
    %get3A_35 = arith.constant 0 : index
    %get3A_36 = arith.constant 0 : index
    %get3A_37 = vector.load %arg8[%get3A_35, %get3A_36] : memref<1x1xf32, #tpu.memory_space<vmem>>, vector<1x1xf32>
    %add3A_38 = vector.broadcast %get3A_37 : vector<1x1xf32> to vector<4000x1xf32>
    %add3A_39 = arith.addf %broadcast_in_dim3A, %add3A_38 : vector<4000x1xf32>
    %exp3A = math.exp %add3A_39 : vector<4000x1xf32>
    %slice3A_40 = vector.extract_strided_slice %get3A_14 {offsets = [0, 64], sizes = [4000, 64], strides = [1, 1]} : vector<4000x128xf32> to vector<4000x64xf32>
    %slice3A_41 = vector.extract_strided_slice %max3A_11 {offsets = [0, 64], sizes = [4000, 64], strides = [1, 1]} : vector<4000x128xf32> to vector<4000x64xf32>
    %get3A_42 = arith.constant 0 : index
    %get3A_43 = arith.constant 0 : index
    %get3A_44 = vector.load %arg5[%get3A_42, %get3A_43] : memref<64x64xf32, #tpu.memory_space<vmem>>, vector<64x64xf32>
    %dot_general3A_45 = arith.constant dense<0.000000e+00> : vector<4000x64xf32>
    %dot_general3A_46 = tpu.matmul %slice3A_41, %get3A_44, %dot_general3A_45 {dimension_numbers = #tpu.dot_dimension_numbers<[1], [1], [0], [0], [0, 0, 1, 0], [], []>, transpose_lhs_hint = false} : vector<4000x64xf32>, vector<64x64xf32>, vector<4000x64xf32> -> vector<4000x64xf32>
    %add3A_47 = arith.addf %slice3A_40, %dot_general3A_46 : vector<4000x64xf32>
    %get3A_48 = arith.constant 0 : index
    %get3A_49 = arith.constant 0 : index
    %get3A_50 = vector.load %arg6[%get3A_48, %get3A_49] : memref<1x64xf32, #tpu.memory_space<vmem>>, vector<1x64xf32>
    %add3A_51 = vector.broadcast %get3A_50 : vector<1x64xf32> to vector<4000x64xf32>
    %add3A_52 = arith.addf %add3A_47, %add3A_51 : vector<4000x64xf32>
    %max3A_53 = arith.constant 0.000000e+00 : f32
    %max3A_54 = vector.broadcast %max3A_53 : f32 to vector<4000x64xf32>
    %max3A_55 = arith.maximumf %add3A_52, %max3A_54 : vector<4000x64xf32>
    %get3A_56 = arith.constant 0 : index
    %get3A_57 = arith.constant 0 : index
    %get3A_58 = vector.load %arg7[%get3A_56, %get3A_57] : memref<1x64xf32, #tpu.memory_space<vmem>>, vector<1x64xf32>
    %mul3A_59 = vector.broadcast %get3A_58 : vector<1x64xf32> to vector<4000x64xf32>
    %mul3A_60 = arith.mulf %max3A_55, %mul3A_59 : vector<4000x64xf32>
    %reduce_sum3A_61 = arith.constant dense<0.000000e+00> : vector<4000xf32>
    %reduce_sum3A_62 = vector.multi_reduction <add>, %mul3A_60, %reduce_sum3A_61 [1] : vector<4000x64xf32> to vector<4000xf32>
    %broadcast_in_dim3A_63 = vector.shape_cast %reduce_sum3A_62 : vector<4000xf32> to vector<4000x1xf32>
    %get3A_64 = arith.constant 0 : index
    %get3A_65 = arith.constant 0 : index
    %get3A_66 = vector.load %arg8[%get3A_64, %get3A_65] : memref<1x1xf32, #tpu.memory_space<vmem>>, vector<1x1xf32>
    %add3A_67 = vector.broadcast %get3A_66 : vector<1x1xf32> to vector<4000x1xf32>
    %add3A_68 = arith.addf %broadcast_in_dim3A_63, %add3A_67 : vector<4000x1xf32>
    %exp3A_69 = math.exp %add3A_68 : vector<4000x1xf32>
    %broadcast_in_dim3A_70 = arith.constant 1.000000e+00 : f32
    %broadcast_in_dim3A_71 = vector.broadcast %broadcast_in_dim3A_70 : f32 to vector<4000x1xf32>
    %broadcast_in_dim3A_72 = arith.constant 0.000000e+00 : f32
    %broadcast_in_dim3A_73 = vector.broadcast %broadcast_in_dim3A_72 : f32 to vector<4000x13xf32>
    %concatenate3A = tpu.concatenate %exp3A, %exp3A_69, %broadcast_in_dim3A_71, %broadcast_in_dim3A_73 in 1 : vector<4000x1xf32>, vector<4000x1xf32>, vector<4000x1xf32>, vector<4000x13xf32> -> vector<4000x16xf32>
    %swap3A = arith.constant 0 : index
    %swap3A_74 = arith.constant 0 : index
    %swap3A_75 = vector.load %arg9[%swap3A, %swap3A_74] : memref<4000x16xf32, #tpu.memory_space<vmem>>, vector<4000x16xf32>
    tpu.vector_store %arg9[%swap3A, %swap3A_74], %concatenate3A {strides = array<i32>} : memref<4000x16xf32, #tpu.memory_space<vmem>>, vector<4000x16xf32>,
    return
  }
  func.func @transform_0(%arg0: i32) -> (i32, i32) {
    %c0_i32 = arith.constant 0 : i32
    %c0_i32_0 = arith.constant 0 : i32
    return %arg0, %c0_i32 : i32, i32
  }
  func.func @transform_1(%arg0: i32) -> (i32, i32) {
    %c0_i32 = arith.constant 0 : i32
    %c0_i32_0 = arith.constant 0 : i32
    return %arg0, %c0_i32 : i32, i32
  }
  func.func @transform_2(%arg0: i32) -> (i32, i32) {
    %c0_i32 = arith.constant 0 : i32
    %c0_i32_0 = arith.constant 0 : i32
    %c0_i32_1 = arith.constant 0 : i32
    return %c0_i32, %c0_i32_0 : i32, i32
  }
  func.func @transform_3(%arg0: i32) -> (i32, i32) {
    %c0_i32 = arith.constant 0 : i32
    %c0_i32_0 = arith.constant 0 : i32
    %c0_i32_1 = arith.constant 0 : i32
    return %c0_i32, %c0_i32_0 : i32, i32
  }
  func.func @transform_4(%arg0: i32) -> (i32, i32) {
    %c0_i32 = arith.constant 0 : i32
    %c0_i32_0 = arith.constant 0 : i32
    %c0_i32_1 = arith.constant 0 : i32
    return %c0_i32, %c0_i32_0 : i32, i32
  }
  func.func @transform_5(%arg0: i32) -> (i32, i32) {
    %c0_i32 = arith.constant 0 : i32
    %c0_i32_0 = arith.constant 0 : i32
    %c0_i32_1 = arith.constant 0 : i32
    return %c0_i32, %c0_i32_0 : i32, i32
  }
  func.func @transform_6(%arg0: i32) -> (i32, i32) {
    %c0_i32 = arith.constant 0 : i32
    %c0_i32_0 = arith.constant 0 : i32
    %c0_i32_1 = arith.constant 0 : i32
    return %c0_i32, %c0_i32_0 : i32, i32
  }
  func.func @transform_7(%arg0: i32) -> (i32, i32) {
    %c0_i32 = arith.constant 0 : i32
    %c0_i32_0 = arith.constant 0 : i32
    %c0_i32_1 = arith.constant 0 : i32
    return %c0_i32, %c0_i32_0 : i32, i32
  }
  func.func @transform_8(%arg0: i32) -> (i32, i32) {
    %c0_i32 = arith.constant 0 : i32
    %c0_i32_0 = arith.constant 0 : i32
    return %arg0, %c0_i32 : i32, i32
  }
}

module attributes {stable_mosaic.version = 14 : i64} {
  func.func @_stage3_body(%arg0: i32, %arg1: memref<1000x128xf32, #tpu.memory_space<vmem>>, %arg2: memref<1000x128xf32, #tpu.memory_space<vmem>>, %arg3: memref<1000x16xf32, #tpu.memory_space<vmem>>, %arg4: memref<1000x16xf32, #tpu.memory_space<vmem>>, %arg5: memref<1000x128xf32, #tpu.memory_space<vmem>>, %arg6: memref<128x128xf32, #tpu.memory_space<vmem>>, %arg7: memref<1x128xf32, #tpu.memory_space<vmem>>, %arg8: memref<1x128xf32, #tpu.memory_space<vmem>>, %arg9: memref<1x128xf32, #tpu.memory_space<vmem>>, %arg10: memref<1x128xf32, #tpu.memory_space<vmem>>, %arg11: memref<1x128xf32, #tpu.memory_space<vmem>>, %arg12: memref<1000x128xf32, #tpu.memory_space<vmem>>) attributes {dimension_semantics = [#tpu.dimension_semantics<arbitrary>], iteration_bounds = array<i64: 10>, scalar_prefetch = 0 : i64, scratch_operands = 0 : i64, tpu.core_type = #tpu.core_type<tc>, window_params = [{transform_indices = @transform_0, window_bounds = array<i64: 1000, 128>}, {transform_indices = @transform_1, window_bounds = array<i64: 1000, 128>}, {transform_indices = @transform_2, window_bounds = array<i64: 1000, 16>}, {transform_indices = @transform_3, window_bounds = array<i64: 1000, 16>}, {transform_indices = @transform_4, window_bounds = array<i64: 1000, 128>}, {pipeline_mode = #tpu.pipeline_mode<synchronous>, transform_indices = @transform_5, window_bounds = array<i64: 128, 128>}, {pipeline_mode = #tpu.pipeline_mode<synchronous>, transform_indices = @transform_6, window_bounds = array<i64: 1, 128>}, {pipeline_mode = #tpu.pipeline_mode<synchronous>, transform_indices = @transform_7, window_bounds = array<i64: 1, 128>}, {pipeline_mode = #tpu.pipeline_mode<synchronous>, transform_indices = @transform_8, window_bounds = array<i64: 1, 128>}, {pipeline_mode = #tpu.pipeline_mode<synchronous>, transform_indices = @transform_9, window_bounds = array<i64: 1, 128>}, {pipeline_mode = #tpu.pipeline_mode<synchronous>, transform_indices = @transform_10, window_bounds = array<i64: 1, 128>}, {transform_indices = @transform_11, window_bounds = array<i64: 1000, 128>}]} {
    %get3A = arith.constant 0 : index
    %get3A_0 = arith.constant 0 : index
    %get3A_1 = vector.load %arg1[%get3A, %get3A_0] : memref<1000x128xf32, #tpu.memory_space<vmem>>, vector<1000x128xf32>
    %get3A_2 = arith.constant 0 : index
    %get3A_3 = arith.constant 0 : index
    %get3A_4 = vector.load %arg2[%get3A_2, %get3A_3] : memref<1000x128xf32, #tpu.memory_space<vmem>>, vector<1000x128xf32>
    %add3A = arith.addf %get3A_1, %get3A_4 : vector<1000x128xf32>
    %get3A_5 = arith.constant 0 : index
    %get3A_6 = arith.constant 0 : index
    %get3A_7 = vector.load %arg3[%get3A_5, %get3A_6] : memref<1000x16xf32, #tpu.memory_space<vmem>>, vector<1000x16xf32>
    %get3A_8 = arith.constant 0 : index
    %get3A_9 = arith.constant 0 : index
    %get3A_10 = vector.load %arg4[%get3A_8, %get3A_9] : memref<1000x16xf32, #tpu.memory_space<vmem>>, vector<1000x16xf32>
    %add3A_11 = arith.addf %get3A_7, %get3A_10 : vector<1000x16xf32>
    %slice3A = vector.extract_strided_slice %add3A_11 {offsets = [0, 0], sizes = [1000, 1], strides = [1, 1]} : vector<1000x16xf32> to vector<1000x1xf32>
    %add3A_12 = arith.constant 1.000000e-16 : f32
    %add3A_13 = vector.broadcast %add3A_12 : f32 to vector<1000x1xf32>
    %add3A_14 = arith.addf %slice3A, %add3A_13 : vector<1000x1xf32>
    %slice3A_15 = vector.extract_strided_slice %add3A_11 {offsets = [0, 1], sizes = [1000, 1], strides = [1, 1]} : vector<1000x16xf32> to vector<1000x1xf32>
    %add3A_16 = arith.constant 1.000000e-16 : f32
    %add3A_17 = vector.broadcast %add3A_16 : f32 to vector<1000x1xf32>
    %add3A_18 = arith.addf %slice3A_15, %add3A_17 : vector<1000x1xf32>
    %slice3A_19 = vector.extract_strided_slice %add3A_11 {offsets = [0, 2], sizes = [1000, 1], strides = [1, 1]} : vector<1000x16xf32> to vector<1000x1xf32>
    %slice3A_20 = vector.extract_strided_slice %add3A {offsets = [0, 0], sizes = [1000, 64], strides = [1, 1]} : vector<1000x128xf32> to vector<1000x64xf32>
    %div3A = vector.broadcast %add3A_14 : vector<1000x1xf32> to vector<1000x64xf32>
    %div3A_21 = arith.divf %slice3A_20, %div3A : vector<1000x64xf32>
    %slice3A_22 = vector.extract_strided_slice %add3A {offsets = [0, 64], sizes = [1000, 64], strides = [1, 1]} : vector<1000x128xf32> to vector<1000x64xf32>
    %div3A_23 = vector.broadcast %add3A_18 : vector<1000x1xf32> to vector<1000x64xf32>
    %div3A_24 = arith.divf %slice3A_22, %div3A_23 : vector<1000x64xf32>
    %concatenate3A = tpu.concatenate %div3A_21, %div3A_24 in 1 : vector<1000x64xf32>, vector<1000x64xf32> -> vector<1000x128xf32>
    %get3A_25 = arith.constant 0 : index
    %get3A_26 = arith.constant 0 : index
    %get3A_27 = vector.load %arg6[%get3A_25, %get3A_26] : memref<128x128xf32, #tpu.memory_space<vmem>>, vector<128x128xf32>
    %dot_general3A = arith.constant dense<0.000000e+00> : vector<1000x128xf32>
    %dot_general3A_28 = tpu.matmul %concatenate3A, %get3A_27, %dot_general3A {dimension_numbers = #tpu.dot_dimension_numbers<[1], [1], [0], [0], [0, 0, 1, 0], [], []>, transpose_lhs_hint = false} : vector<1000x128xf32>, vector<128x128xf32>, vector<1000x128xf32> -> vector<1000x128xf32>
    %get3A_29 = arith.constant 0 : index
    %get3A_30 = arith.constant 0 : index
    %get3A_31 = vector.load %arg7[%get3A_29, %get3A_30] : memref<1x128xf32, #tpu.memory_space<vmem>>, vector<1x128xf32>
    %mul3A = vector.broadcast %slice3A_19 : vector<1000x1xf32> to vector<1000x128xf32>
    %mul3A_32 = vector.broadcast %get3A_31 : vector<1x128xf32> to vector<1000x128xf32>
    %mul3A_33 = arith.mulf %mul3A, %mul3A_32 : vector<1000x128xf32>
    %add3A_34 = arith.addf %dot_general3A_28, %mul3A_33 : vector<1000x128xf32>
    %get3A_35 = arith.constant 0 : index
    %get3A_36 = arith.constant 0 : index
    %get3A_37 = vector.load %arg5[%get3A_35, %get3A_36] : memref<1000x128xf32, #tpu.memory_space<vmem>>, vector<1000x128xf32>
    %add3A_38 = arith.addf %add3A_34, %get3A_37 : vector<1000x128xf32>
    %get3A_39 = arith.constant 0 : index
    %get3A_40 = arith.constant 0 : index
    %get3A_41 = vector.load %arg10[%get3A_39, %get3A_40] : memref<1x128xf32, #tpu.memory_space<vmem>>, vector<1x128xf32>
    %sub3A = vector.broadcast %get3A_41 : vector<1x128xf32> to vector<1000x128xf32>
    %sub3A_42 = arith.subf %add3A_38, %sub3A : vector<1000x128xf32>
    %get3A_43 = arith.constant 0 : index
    %get3A_44 = arith.constant 0 : index
    %get3A_45 = vector.load %arg11[%get3A_43, %get3A_44] : memref<1x128xf32, #tpu.memory_space<vmem>>, vector<1x128xf32>
    %add3A_46 = arith.constant 9.99999974E-6 : f32
    %add3A_47 = vector.broadcast %add3A_46 : f32 to vector<1x128xf32>
    %add3A_48 = arith.addf %get3A_45, %add3A_47 : vector<1x128xf32>
    %rsqrt3A = math.rsqrt %add3A_48 : vector<1x128xf32>
    %mul3A_49 = vector.broadcast %rsqrt3A : vector<1x128xf32> to vector<1000x128xf32>
    %mul3A_50 = arith.mulf %sub3A_42, %mul3A_49 : vector<1000x128xf32>
    %get3A_51 = arith.constant 0 : index
    %get3A_52 = arith.constant 0 : index
    %get3A_53 = vector.load %arg8[%get3A_51, %get3A_52] : memref<1x128xf32, #tpu.memory_space<vmem>>, vector<1x128xf32>
    %mul3A_54 = vector.broadcast %get3A_53 : vector<1x128xf32> to vector<1000x128xf32>
    %mul3A_55 = arith.mulf %mul3A_50, %mul3A_54 : vector<1000x128xf32>
    %get3A_56 = arith.constant 0 : index
    %get3A_57 = arith.constant 0 : index
    %get3A_58 = vector.load %arg9[%get3A_56, %get3A_57] : memref<1x128xf32, #tpu.memory_space<vmem>>, vector<1x128xf32>
    %add3A_59 = vector.broadcast %get3A_58 : vector<1x128xf32> to vector<1000x128xf32>
    %add3A_60 = arith.addf %mul3A_55, %add3A_59 : vector<1000x128xf32>
    %swap3A = arith.constant 0 : index
    %swap3A_61 = arith.constant 0 : index
    %swap3A_62 = vector.load %arg12[%swap3A, %swap3A_61] : memref<1000x128xf32, #tpu.memory_space<vmem>>, vector<1000x128xf32>
    tpu.vector_store %arg12[%swap3A, %swap3A_61], %add3A_60 {strides = array<i32>} : memref<1000x128xf32, #tpu.memory_space<vmem>>, vector<1000x128xf32>,
    return
  }
  func.func @transform_0(%arg0: i32) -> (i32, i32) {
    %c0_i32 = arith.constant 0 : i32
    %c0_i32_0 = arith.constant 0 : i32
    return %arg0, %c0_i32 : i32, i32
  }
  func.func @transform_1(%arg0: i32) -> (i32, i32) {
    %c0_i32 = arith.constant 0 : i32
    %c0_i32_0 = arith.constant 0 : i32
    return %arg0, %c0_i32 : i32, i32
  }
  func.func @transform_2(%arg0: i32) -> (i32, i32) {
    %c0_i32 = arith.constant 0 : i32
    %c0_i32_0 = arith.constant 0 : i32
    return %arg0, %c0_i32 : i32, i32
  }
  func.func @transform_3(%arg0: i32) -> (i32, i32) {
    %c0_i32 = arith.constant 0 : i32
    %c0_i32_0 = arith.constant 0 : i32
    return %arg0, %c0_i32 : i32, i32
  }
  func.func @transform_4(%arg0: i32) -> (i32, i32) {
    %c0_i32 = arith.constant 0 : i32
    %c0_i32_0 = arith.constant 0 : i32
    return %arg0, %c0_i32 : i32, i32
  }
  func.func @transform_5(%arg0: i32) -> (i32, i32) {
    %c0_i32 = arith.constant 0 : i32
    %c0_i32_0 = arith.constant 0 : i32
    %c0_i32_1 = arith.constant 0 : i32
    return %c0_i32, %c0_i32_0 : i32, i32
  }
  func.func @transform_6(%arg0: i32) -> (i32, i32) {
    %c0_i32 = arith.constant 0 : i32
    %c0_i32_0 = arith.constant 0 : i32
    %c0_i32_1 = arith.constant 0 : i32
    return %c0_i32, %c0_i32_0 : i32, i32
  }
  func.func @transform_7(%arg0: i32) -> (i32, i32) {
    %c0_i32 = arith.constant 0 : i32
    %c0_i32_0 = arith.constant 0 : i32
    %c0_i32_1 = arith.constant 0 : i32
    return %c0_i32, %c0_i32_0 : i32, i32
  }
  func.func @transform_8(%arg0: i32) -> (i32, i32) {
    %c0_i32 = arith.constant 0 : i32
    %c0_i32_0 = arith.constant 0 : i32
    %c0_i32_1 = arith.constant 0 : i32
    return %c0_i32, %c0_i32_0 : i32, i32
  }
  func.func @transform_9(%arg0: i32) -> (i32, i32) {
    %c0_i32 = arith.constant 0 : i32
    %c0_i32_0 = arith.constant 0 : i32
    %c0_i32_1 = arith.constant 0 : i32
    return %c0_i32, %c0_i32_0 : i32, i32
  }
  func.func @transform_10(%arg0: i32) -> (i32, i32) {
    %c0_i32 = arith.constant 0 : i32
    %c0_i32_0 = arith.constant 0 : i32
    %c0_i32_1 = arith.constant 0 : i32
    return %c0_i32, %c0_i32_0 : i32, i32
  }
  func.func @transform_11(%arg0: i32) -> (i32, i32) {
    %c0_i32 = arith.constant 0 : i32
    %c0_i32_0 = arith.constant 0 : i32
    return %arg0, %c0_i32 : i32, i32
  }
}

</mosaic_0001>

<sc_bundles>
// kernel: kernel.10.cloned.1.call-start
scs
__scs_entry_jumppad:
0x0: {  	(pc) =	sbr.rel $0x88, $3  }
0x1: {  	(tag) =	ssettag $0x0;
	lr =	simm.s32 $0x1  }
0x2: {  	[smem:$0x3F90] =	sst lr;
	_ =	strace $0xD0000000  }
0x3: {  	_ = 	snop  }
0x4: {  	_ = 	snop  }
0x5: {  	_ = 	snop  }
0x6: {  	_ = 	snop  }
0x7: {  	_ = 	snop  }
__scs_overlays_trampoline_lowered:
0x8: {  	[smem:$0x3F9F] =	sst s0  }
0x9: {  	[smem:$0x3FA0] =	sst s1  }
0xa: {  	[smem:$0x3FA1] =	sst s2  }
0xb: {  	[smem:$0x3FA2] =	sst s3  }
0xc: {  	[smem:$0x3FA3] =	sst s4  }
0xd: {  	[smem:$0x3FA4] =	sst s5  }
0xe: {  	[smem:$0x3FA5] =	sst s6  }
0xf: {  	[smem:$0x3FA6] =	sst s7  }
0x10: {  	[smem:$0x3FA7] =	sst s8  }
0x11: {  	[smem:$0x3FA8] =	sst s9;
	s0 =	simm.s32 @!p0 $0x0  }
0x12: {  	s1 =	sld [smem:$0x3F8E];
	s0 =	simm.s32 @p0 $0x1  }
0x13: {  	[smem:$0x3FA9] =	sst s0;
	s0 =	simm.s32 @!p1 $0x0  }
0x14: {  	s2 =	sld [smem:$0x3F8D];
	s0 =	simm.s32 @p1 $0x1  }
0x15: {  	[smem:$0x3FAA] =	sst s0;
	s0 =	simm.s32 @!p2 $0x0  }
0x16: {  	s3 =	sld [smem:$0x3FDB];
	s0 =	simm.s32 @p2 $0x1  }
0x17: {  	s4 =	simm.s32 $0x1BF5;
	[smem:$0x3FAC] =	sst s0  }
0x18: {  	s0 =	sld [smem:$0x3F8F];
	_ =	swait.ge [sflag:s4], $0x0  }
0x19: {  	s7 =	sld [smem:$0x3F90]  }
0x1a: {  	s8 =	sadd.s32 $0xFFFFE003, lr  }
0x1b: {  	s9 =	sadd.s32 $0xFFFFFEF7, lr;
	s5 =	simm.s32 $0xFFFFFFFF;
	p2 =	slt.u32 s8, $0xFFFFF086  }
0x1c: {  	p1 =	slt.u32 s9, $0xF7A;
	s5 =	simm.s32 @!p2 $0x0  }
0x1d: {  	s5 =	simm.s32 @p1 $0x1;
	p0 =	seq.s32 s7, s2  }
0x1e: {  	s7 =	smul.u32 @!p0 $0xF7A, s2;
	p2 =	seq.s32 @!p0 s5, $0x0  }
0x1f: {  	s9 =	smul.u32 $0xF7A, s1;
	s8 =	simm.s32 @!p0 $0x1BF5;
	p2 =	por !p2, p0  }
0x20: {  	[sflag:s8] =	ssyncset.s32 @!p0 $0xFFFFF086;
	s6 =	sadd.s32 @!p0 s3, s7;
	s7 =	simm.s32 @!p0 $0x108  }
0x21: {  	s3 =	sadd.s32 s3, s9;
	s6 =	sadd.s32 @!p0 $0x88, s6;
	s7 =	simm.s32 @p2 $0x1082  }
0x22: {  	[simem:s7], [sflag:s8] =	dma.local @!p0 [hbm:s6], $0xF7A  }
0x23: {  	s9 =	sor.u32 $0xD0000000, s2;
	s6 =	simm.s32 $0x108;
	_ =	swait.ge @!p0 [sflag:s8], $0x0  }
0x24: {  	s3 =	sadd.s32 $0x88, s3;
	s6 =	simm.s32 @!p1 $0x1082;
	[sflag:s4] =	ssyncset.s32 $0xFFFFF086  }
0x25: {  	[simem:s6], [sflag:s4] =	dma.local [hbm:s3], $0xF7A  }
0x26: {  	[smem:$0x3F90] =	sst s1;
	(tag) =	ssettag s2;
	_ =	strace s9  }
0x27: {  	s1 =	sld [smem:$0x3FA0]  }
0x28: {  	s2 =	sld [smem:$0x3FA1]  }
0x29: {  	s4 =	sld [smem:$0x3FA3]  }
0x2a: {  	p0 =	seq.s32 s5, $0x0;
	s5 =	sld [smem:$0x3FA4]  }
0x2b: {  	s6 =	sld [smem:$0x3FA5]  }
0x2c: {  	s7 =	sld [smem:$0x3FA6]  }
0x2d: {  	s3 =	simm.s32 $0x108;
	s8 =	sld [smem:$0x3FA7]  }
0x2e: {  	s3 =	simm.s32 @!p0 $0x1082;
	s9 =	sld [smem:$0x3FA8]  }
0x2f: {  	lr =	sadd.s32 s0, s3;
	s0 =	sld [smem:$0x3F9F]  }
0x30: {  	s3 =	sld [smem:$0x3FA2]  }
0x31: {  	[smem:$0x3FAB] =	sst s10  }
0x32: {  	s10 =	sld [smem:$0x3FA9];
	_ =	sdelay $0x3  }
0x33: {  	p0 =	seq.s32 s10, $0x1;
	s10 =	sld [smem:$0x3FAB];
	_ =	sdelay $0x3  }
0x34: {  	[smem:$0x3FAB] =	sst s10  }
0x35: {  	s10 =	sld [smem:$0x3FAA];
	_ =	sdelay $0x3  }
0x36: {  	p1 =	seq.s32 s10, $0x1;
	s10 =	sld [smem:$0x3FAB];
	_ =	sdelay $0x3  }
0x37: {  	[smem:$0x3FAB] =	sst s10  }
0x38: {  	s10 =	sld [smem:$0x3FAC]  }
0x39: {  	_ = 	snop;
	(pc) =	sbr.ind lr, $3  }
0x3a: {  	_ = 	snop  }
0x3b: {  	_ = 	snop  }
0x3c: {  	p2 =	seq.s32 s10, $0x1;
	s10 =	sld [smem:$0x3FAB]  }
0x3d: {  	_ =	shalt  }
0x3e: {  	_ =	shalt  }
0x3f: {  	_ =	shalt  }
0x40: {  	_ =	shalt  }
0x41: {  	_ =	shalt  }
0x42: {  	_ =	shalt  }
0x43: {  	_ =	shalt  }
0x44: {  	_ =	shalt  }
0x45: {  	_ =	shalt  }
0x46: {  	_ =	shalt  }
0x47: {  	_ =	shalt  }
0x48: {  	_ =	shalt  }
0x49: {  	_ =	shalt  }
0x4a: {  	_ =	shalt  }
0x4b: {  	_ =	shalt  }
0x4c: {  	_ =	shalt  }
0x4d: {  	_ =	shalt  }
0x4e: {  	_ =	shalt  }
0x4f: {  	_ =	shalt  }
0x50: {  	_ =	shalt  }
0x51: {  	_ =	shalt  }
0x52: {  	_ =	shalt  }
0x53: {  	_ =	shalt  }
0x54: {  	_ =	shalt  }
0x55: {  	_ =	shalt  }
0x56: {  	_ =	shalt  }
0x57: {  	_ =	shalt  }
0x58: {  	_ =	shalt  }
0x59: {  	_ =	shalt  }
0x5a: {  	_ =	shalt  }
0x5b: {  	_ =	shalt  }
0x5c: {  	_ =	shalt  }
0x5d: {  	_ =	shalt  }
0x5e: {  	_ =	shalt  }
0x5f: {  	_ =	shalt  }
0x60: {  	_ =	shalt  }
0x61: {  	_ =	shalt  }
0x62: {  	_ =	shalt  }
0x63: {  	_ =	shalt  }
0x64: {  	_ =	shalt  }
0x65: {  	_ =	shalt  }
0x66: {  	_ =	shalt  }
0x67: {  	_ =	shalt  }
0x68: {  	_ =	shalt  }
0x69: {  	_ =	shalt  }
0x6a: {  	_ =	shalt  }
0x6b: {  	_ =	shalt  }
0x6c: {  	_ =	shalt  }
0x6d: {  	_ =	shalt  }
0x6e: {  	_ =	shalt  }
0x6f: {  	_ =	shalt  }
0x70: {  	_ =	shalt  }
0x71: {  	_ =	shalt  }
0x72: {  	_ =	shalt  }
0x73: {  	_ =	shalt  }
0x74: {  	_ =	shalt  }
0x75: {  	_ =	shalt  }
0x76: {  	_ =	shalt  }
0x77: {  	_ =	shalt  }
0x78: {  	_ =	shalt  }
0x79: {  	_ =	shalt  }
0x7a: {  	_ =	shalt  }
0x7b: {  	_ =	shalt  }
0x7c: {  	_ =	shalt  }
0x7d: {  	_ =	shalt  }
0x7e: {  	_ =	shalt  }
0x7f: {  	_ =	shalt  }
0x80: {  	_ =	shalt  }
0x81: {  	_ =	shalt  }
0x82: {  	_ =	shalt  }
0x83: {  	_ =	shalt  }
0x84: {  	_ =	shalt  }
0x85: {  	_ =	shalt  }
0x86: {  	_ =	shalt  }
0x87: {  	_ =	shalt  }
.Lfunc_end0:
.L_simem_size_0:
called_computation.1_lowered:
.L_overlay_start_0:
0x88: {  	s2 =	sld [smem:$0x3FD9]  }
0x89: {  	s3 =	sld [smem:$0x3FFE];
	_ =	sdelay $0x1  }
0x8a: {  	s1 =	srdreg.scid  }
0x8b: {  	s0 =	sand.u32 $0x1, s1  }
0x8c: {  	s17 =	sshll.u32 s0, $0xA;
	s2 =	sadd.s32 s3, s2  }
0x8d: {  	s2 =	sadd.s32 s2, s17  }
0x8e: {  	[smem:$0x3FB7] =	sst s2  }
0x8f: {  	_ = 	snop  }
0x90: {  	s2 =	sld [smem:$0x3FD0];
	(tm) =	ssettm $0x1  }
0x91: {  	s18 =	sld [smem:$0x3FFB];
	_ =	sdelay $0x3  }
0x92: {  	_ =	strace s18  }
0x93: {  	s3 =	sld [smem:$0x3FFC];
	_ =	sdelay $0x3  }
0x94: {  	_ =	strace s3  }
0x95: {  	s3 =	sld [smem:$0x3FFD];
	_ =	sdelay $0x3  }
0x96: {  	_ =	strace s3  }
0x97: {  	_ =	strace $0x8FFFFFFF  }
0x98: {  	s19 =	sld [smem:$0x3FDB];
	_ =	sdelay $0x1  }
0x99: {  	s4 =	simm.s32 $_scs_section_size  }
0x9a: {  	s5 =	simm.s32 $_size__tile_overlayer_lowered;
	s6 =	simm.s32 $_tile_overlayer_lowered  }
0x9b: {  	s22 =	simm.s32 $0x1BFF;
	s21 =	sshll.u32 s6, $0x1;
	s3 =	sadd.s32 s4, s19  }
0x9c: {  	s7 =	simm.s32 $0x0;
	s20 =	sshll.u32 s5, $0x1;
	s5 =	sadd.s32 s21, s3  }
0x9d: {  	[timem:s7], [sflag:s22] =	dma.local [hbm:s5], s20  }
0x9e: {  	_ =	swait.ge [sflag:s22], s20  }
0x9f: {  	s4 =	ssub.s32 $0x0, s20;
	[sflag:s22] =	ssyncset.done $0x0  }
0xa0: {  	[sflag:s22] =	ssyncadd.s32 s4;
	_ =	sdelay $0x1  }
0xa1: {  	s23 =	simm.s32 $0x1B8B  }
0xa2: {  	_ =	swait.ge [sflag:s23], $0x1  }
0xa3: {  	[sflag:s23] =	ssyncset.done $0x0  }
0xa4: {  	s25 =	simm.s32 $0x1B8E;
	s24 =	sld [smem:$0x3FFE];
	[sflag:s23] =	ssyncadd.s32 $0xFFFFFFFF  }
0xa5: {  	s26 =	simm.s32 $execute0_lowered;
	[smem:$0x3FD2] =	sst s25  }
0xa6: {  	s5 =	sshll.u32 s26, $0x1;
	_ =	strace $0x80000049;
	[dreg:$0x1] =	wrdreg $0xFFFFFFFF  }
0xa7: {  	s28 =	simm.s32 $_size_execute0_lowered;
	s3 =	sadd.s32 s3, s5;
	[dreg:$0x0] =	wrdreg $0x0  }
0xa8: {  	s5 =	sshll.u32 s28, $0x1;
	[dreg:$0x2] =	wrdreg s3  }
0xa9: {  	[dreg:$0x3] =	wrdreg s5  }
0xaa: {  	[dreg:$0x4] =	wrdreg $0xC0  }
0xab: {  	_ =	task [dreg:s7], $0x5FFFF  }
0xac: {  	[dreg:$0x1] =	wrdreg $0xFFFFFFFF  }
0xad: {  	[dreg:$0x0] =	wrdreg $0x60  }
0xae: {  	[dreg:$0x2] =	wrdreg s24  }
0xaf: {  	[dreg:$0x3] =	wrdreg s2  }
0xb0: {  	[dreg:$0x4] =	wrdreg $0x91000  }
0xb1: {  	[dreg:$0x5] =	wrdreg $0x9  }
0xb2: {  	_ =	task.clear_ibuf [dreg:s7], $0x6FFFF;
	_ =	strace $0x90000049  }
0xb3: {  	s29 =	simm.s32 $0x9;
	_ =	strace $0x8000004B  }
0xb4: {  	_ =	swait.ge [sflag:s29], $0x1  }
0xb5: {  	[sflag:s29] =	ssyncadd.s32 $0xFFFFFFFF  }
0xb6: {  	_ =	strace $0x9000004B  }
0xb7: {  	_ =	sfence  }
0xb8: {  	s30 =	sld [smem:$0x0];
	_ =	sdelay $0x2  }
0xb9: {  	s31 =	sshll.u32 s1, $0xD;
	s1 =	sshrl.u32 s1, $0x2  }
0xba: {  	s3 =	sand.u32 $0x4000, s31;
	s1 =	sadd.s32 s1, s30  }
0xbb: {  	s0 =	sor.u32 s3, s0;
	s1 =	sshll.u32 s1, $0x11  }
0xbc: {  	s0 =	sor.u32 s1, s0  }
0xbd: {  	s0 =	sadd.s32 $0x8F2B, s0  }
0xbe: {  	[sflag:s0] =	ssyncadd.remote.s32 $0x1  }
0xbf: {  	_ =	sfence.sel $0xFFFF  }
0xc0: {  	[dreg:$0x0] =	wrdreg $0xFFFFFFFF;
	(pc) =	sbr.abs _section_cstart, $3  }
0xc1: {  	[dreg:$0x1] =	wrdreg $0xFFFFFFFF  }
0xc2: {  	_ =	task.clear_ibuf [dreg:s7], $0x2FFFF;
	_ =	strace $0x9FFFFFFF  }
0xc3: {  	(tm) =	ssettm $0x7FFFFFFF  }
tec
execute0_lowered:
.L_overlay_start_1:
0x0: {  	(tag) =	ssettag $0x1  }
0x1: {  	s0 =	rddreg [dreg:$0x0]  }
0x2: {  	s2 =	rddreg [dreg:$0x1]  }
0x3: {  	s1 =	rddreg [dreg:$0x2];
	s4 =	simm.s32 $0x0  }
0x4: {  	s3 =	simm.s32 $0x0;
	s22 =	srdreg.scid;
	s14 =	stileid.u32  }
0x5: {  	s20 =	simm.s32 $0x100;
	s28 =	simm.s32 $0x28;
	s16 =	simm.s32 $0x5  }
0x6: {  	s17 =	simm.s32 $0x2;
	s18 =	simm.s32 $0x7;
	[dreg:$0x4] =	wrdreg s3  }
0x7: {  	s19 =	simm.s32 $0x4;
	[smem:$0x7FF] =	sst s4;
	s21 =	sadd.s32 $0xD200, s0  }
0x8: {  	s5 =	sadd.s32 $0x3400, s0;
	s6 =	sadd.s32 $0xA29600, s0;
	s3 =	sand.u32 $0x1, s22  }
0x9: {  	s7 =	sadd.s32 $0x3E200, s0;
	s8 =	smul.u32 $0x270, s14;
	s9 =	sadd.s32 $0xB3600, s0  }
0xa: {  	s11 =	smul.u32 $0x4E000, s14;
	s0 =	sadd.s32 $0x65400, s0;
	s24 =	sshll.u32 s14, $0x1  }
0xb: {  	p0 =	seq.s32 s14, $0x0;
	s13 =	smul.u32 $0x2700, s14;
	s14 =	sshll.u32 s14, $0x6  }
0xc: {  	s22 =	simm.s32 $0x200;
	_ =	strace $0x8000004A;
	[dreg:$0x5] =	wrdreg s21  }
0xd: {  	s23 =	ssub.s32 $0x2, s3;
	s14 =	sor.u32 $0x1C0A, s14;
	s21 =	simm.s32 $0x180  }
0xe: {  	s10 =	sshrl.u32 s23, $0x1;
	s12 =	smov.u32 s8;
	s11 =	sshrl.u32 s11, $0x2  }
0xf: {  	s13 =	sadd.s32 s2, s13;
	s4 =	ssub.s32 s23, s10;
	s10 =	sor.u32 s3, s24  }
0x10: {  	s12 =	simm.s32 @p0 $0x2700;
	s11 =	sadd.s32 s11, s1;
	s3 =	smul.u32 $0x2710, s3  }
0x11: {  	[dreg:$0x6] =	wrdreg s13;
	s23 =	simm.s32 $0x280;
	s24 =	simm.s32 $0x300  }
0x12: {  	s15 =	sshll.u32 s12, $0x7;
	s26 =	sshll.u32 s12, $0x4;
	s31 =	smax.u32 s4, $0x1  }
0x13: {  	s4 =	sshrl.u32 s11, $0x3;
	s11 =	simm.s32 $0x3;
	s25 =	sadd.s32 s15, s1  }
0x14: {  	s8 =	sadd.s32 s8, s3;
	s3 =	sadd.s32 s3, s12;
	[dreg:$0xe] =	wrdreg s31  }
0x15: {  	s2 =	sadd.s32 s2, s26;
	s12 =	smul.u32 $0xFA, s10;
	[dreg:$0xf] =	wrdreg s4  }
0x16: {  	s26 =	simm.s32 $0x1;
	[dreg:$0x8] =	wrdreg s25;
	s29 =	sshll.u32 s8, $0x4  }
0x17: {  	[dreg:$0x9] =	wrdreg s2;
	s3 =	sshll.u32 s3, $0x4;
	s8 =	sadd.s32 s9, s29  }
0x18: {  	s15 =	simm.s32 $0x1900;
	s30 =	sadd.s32 s9, s3;
	[dreg:$0xa] =	wrdreg s8  }
0x19: {  	s25 =	simm.s32 $0x500;
	s2 =	sadd.s32 s0, s29;
	[dreg:$0xb] =	wrdreg s30  }
0x1a: {  	s0 =	sadd.s32 s0, s3;
	s3 =	smov.u32 s14;
	[dreg:$0xc] =	wrdreg s2  }
0x1b: {  	s14 =	simm.s32 $0x7D00;
	s9 =	simm.s32 $0x9;
	[dreg:$0xd] =	wrdreg s0  }
0x1c: {  	v0 =	vimm.f32 $0.0e+00;
	s8 =	simm.s32 $0x6;
	s2 =	simm.s32 $0x8;
	[dreg:$0x7] =	wrdreg s3  }
.LBB2_1:
0x1d: {  	s10 =	simm.s32 $0xA;
	s0 =	rddreg [dreg:$0x6]  }
0x1e: {  	[spmem:s4], [sflag:s3] =	dma.local [hbm:s0], $0x2700  }
0x1f: {  	_ =	swait.ge [sflag:s10], $0x2700  }
0x20: {  	s13 =	rddreg [dreg:$0x8]  }
0x21: {  	[sflag:s10] =	ssyncset.done $0x0;
	s30 =	rddreg [dreg:$0x9];
	s29 =	sshrl.u32 s13, $0x3  }
0x22: {  	[sflag:s10] =	ssyncadd.s32 $0xFFFFD900;
	[dreg:$0x10] =	wrdreg s29  }
0x23: {  	[spmem:s29], [sflag:s3] =	dma.local [hbm:s30], $0x100  }
0x24: {  	_ =	swait.ge [sflag:s10], $0x100  }
0x25: {  	[sflag:s10] =	ssyncset.done $0x0  }
0x26: {  	[sflag:s10] =	ssyncadd.s32 $0xFFFFFF00  }
0x27: {  	s31 =	simm.s32 $0x0;
	[bflag:$0x0] =	sbarrier.arrive $0xFFFF  }
.LBB2_2:
0x28: {  	s0 =	smul.u32 $0x5, s31;
	_ =	sdelay $0x1  }
0x29: {  	s0 =	sadd.s32 s12, s0  }
0x2a: {  	s4 =	smul.u32 $0x28, s0;
	_ =	sdelay $0x1  }
0x2b: {  	s10 =	rddreg [dreg:$0x5];
	s3 =	sshrl.u32 s4, $0x3  }
0x2c: {  	s29 =	simm.s32 $0x0;
	s30 =	sadd.s32 $0x28, s4;
	s13 =	sadd.s32 s10, s3  }
0x2d: {  	[tilespmem:s29], [sflag:$0x1] =	stream.linear.gather [hbm4b:s13+s29], $0xC8, $0x38;
	[tilespmem:$0x1C980] =	vst v63  }
0x2e: {  	s3 =	sadd.s32 s5, s3;
	s13 =	sshrl.u32 s30, $0x3  }
0x2f: {  	[tilespmem:s20], [sflag:$0x1] =	stream.linear.gather [hbm4b:s3+s29], $0x28, $0x38;
	[tilespmem:$0x1C980] =	vst v63  }
0x30: {  	s3 =	sadd.s32 s5, s13  }
0x31: {  	[tilespmem:s21], [sflag:$0x1] =	stream.linear.gather [hbm4b:s3+s29], $0x28, $0x38;
	[tilespmem:$0x1C980] =	vst v63  }
0x32: {  	s3 =	sadd.s32 $0x50, s4  }
0x33: {  	s10 =	sshrl.u32 s3, $0x3  }
0x34: {  	s13 =	sadd.s32 s5, s10  }
0x35: {  	[tilespmem:s22], [sflag:$0x1] =	stream.linear.gather [hbm4b:s13+s29], $0x28, $0x38;
	[tilespmem:$0x1C980] =	vst v63  }
0x36: {  	s13 =	sadd.s32 $0x78, s4  }
0x37: {  	s10 =	sshrl.u32 s13, $0x3  }
0x38: {  	s4 =	sadd.s32 $0xA0, s4;
	s10 =	sadd.s32 s5, s10  }
0x39: {  	[tilespmem:s23], [sflag:$0x1] =	stream.linear.gather [hbm4b:s10+s29], $0x28, $0x38;
	[tilespmem:$0x1C980] =	vst v63  }
0x3a: {  	s10 =	sshrl.u32 s4, $0x3  }
0x3b: {  	s0 =	smul.u32 $0x280, s0;
	s10 =	sadd.s32 s5, s10  }
0x3c: {  	[tilespmem:s24], [sflag:$0x1] =	stream.linear.gather [hbm4b:s10+s29], $0x28, $0x38;
	[tilespmem:$0x1C980] =	vst v63  }
0x3d: {  	s0 =	sadd.s32 s6, s0  }
0x3e: {  	[tilespmem:s25], [sflag:$0x2] =	stream.linear.gather [hbm4b:s0+s29], $0x1400, $0x38;
	[tilespmem:$0x1C980] =	vst v63  }
0x3f: {  	_ =	swait.ge [sflag:s26], $0xC8  }
0x40: {  	[sflag:s26] =	ssyncset.done $0x0  }
0x41: {  	[sflag:s26] =	ssyncadd.s32 $0xFFFFFF38  }
0x42: {  	_ =	swait.ge [sflag:s26], $0x28  }
0x43: {  	[sflag:s26] =	ssyncset.done $0x0  }
0x44: {  	[sflag:s26] =	ssyncadd.s32 $0xFFFFFFD8  }
0x45: {  	_ =	swait.ge [sflag:s26], $0x28  }
0x46: {  	[sflag:s26] =	ssyncset.done $0x0  }
0x47: {  	[sflag:s26] =	ssyncadd.s32 $0xFFFFFFD8  }
0x48: {  	_ =	swait.ge [sflag:s26], $0x28  }
0x49: {  	[sflag:s26] =	ssyncset.done $0x0  }
0x4a: {  	[sflag:s26] =	ssyncadd.s32 $0xFFFFFFD8  }
0x4b: {  	_ =	swait.ge [sflag:s26], $0x28  }
0x4c: {  	[sflag:s26] =	ssyncset.done $0x0  }
0x4d: {  	[sflag:s26] =	ssyncadd.s32 $0xFFFFFFD8  }
0x4e: {  	_ =	swait.ge [sflag:s26], $0x28  }
0x4f: {  	[sflag:s26] =	ssyncset.done $0x0  }
0x50: {  	s10 =	simm.s32 $0x2D00;
	[sflag:s26] =	ssyncadd.s32 $0xFFFFFFD8  }
0x51: {  	[tilespmem:s10], [sflag:$0x5] =	stream.indirect.gather [hbm4b:s7+s28], $0x80, s29, s28, $0xb8;
	[tilespmem:$0x1C980] =	vst v63  }
0x52: {  	s10 =	simm.s32 $0x4100  }
0x53: {  	[tilespmem:s10], [sflag:$0x6] =	stream.indirect.gather [hbm4b:s7+s28], $0x80, s28, s28, $0xb8;
	[tilespmem:$0x1C980] =	vst v63  }
0x54: {  	s0 =	simm.s32 $0x50;
	s10 =	simm.s32 $0x5500  }
0x55: {  	[tilespmem:s10], [sflag:$0x7] =	stream.indirect.gather [hbm4b:s7+s28], $0x80, s0, s28, $0xb8;
	[tilespmem:$0x1C980] =	vst v63  }
0x56: {  	s0 =	simm.s32 $0x78;
	s10 =	simm.s32 $0x6900  }
0x57: {  	[tilespmem:s10], [sflag:$0x8] =	stream.indirect.gather [hbm4b:s7+s28], $0x80, s0, s28, $0xb8;
	[tilespmem:$0x1C980] =	vst v63  }
0x58: {  	s10 =	simm.s32 $0xA0  }
0x59: {  	[tilespmem:s14], [sflag:$0x9] =	stream.indirect.gather [hbm4b:s7+s28], $0x80, s10, s28, $0xb8;
	[tilespmem:$0x1C980] =	vst v63  }
0x5a: {  	s10 =	sshll.u32 s30, $0x4  }
0x5b: {  	s0 =	sadd.s32 s6, s10  }
0x5c: {  	[tilespmem:s15], [sflag:$0x3] =	stream.linear.gather [hbm4b:s0+s29], $0x1400, $0x38;
	[tilespmem:$0x1C980] =	vst v63  }
0x5d: {  	_ =	swait.ge [sflag:s16], $0x1400  }
0x5e: {  	[sflag:s16] =	ssyncset.done $0x0  }
0x5f: {  	[sflag:s16] =	ssyncadd.s32 $0xFFFFEC00  }
0x60: {  	_ =	swait.ge [sflag:s17], $0x1400  }
0x61: {  	[sflag:s17] =	ssyncset.done $0x0  }
0x62: {  	s29 =	simm.s32 $0x0;
	[sflag:s17] =	ssyncadd.s32 $0xFFFFEC00  }
0x63: {  	v1 =	vld [tilespmem:s29+$0x500]  }
0x64: {  	v6 =	vld [tilespmem:s29+$0x2D00]  }
0x65: {  	v8 =	vld [tilespmem:s29+$0x2D10]  }
0x66: {  	v4 =	vld [tilespmem:s29+$0x2D20]  }
0x67: {  	v2 =	vld [tilespmem:s29+$0x2D30]  }
0x68: {  	v5 =	vld [tilespmem:s29+$0x2D40];
	v7 =	vbroadcast v1, $0x0  }
0x69: {  	v3 =	vld [tilespmem:s29+$0x2D50];
	v1 =	vbroadcast v1, $0x1  }
0x6a: {  	s30 =	simm.s32 $0x200;
	v9 =	vmul.f32 v7, v6;
	v8 =	vmul.f32 v8, v7;
	v6 =	vld [tilespmem:s29+$0x2D60]  }
.LBB2_3:
0x6b: {  	s0 =	sshra.s32 s30, $0x2;
	p0 =	sne.s32 s30, $0x4E00;
	s30 =	sadd.s32 $0x200, s30;
	v4 =	vmul.f32 v4, v7;
	v10 =	vld [tilespmem:s29+$0x2D70]  }
0x6c: {  	v11 =	vld [tilespmem:s0+$0x500];
	[tilespmem:s29+$0x2D00] =	vst v9;
	v2 =	vmul.f32 v2, v7  }
0x6d: {  	v9 =	vld [tilespmem:s0+$0x2D00];
	[tilespmem:s29+$0x2D10] =	vst v8;
	v5 =	vmul.f32 v5, v1  }
0x6e: {  	v8 =	vld [tilespmem:s0+$0x2D10];
	[tilespmem:s29+$0x2D20] =	vst v4;
	v3 =	vmul.f32 v3, v1  }
.Ltmp0:
0x6f: {  	v4 =	vld [tilespmem:s0+$0x2D20];
	[tilespmem:s29+$0x2D30] =	vst v2;
	v6 =	vmul.f32 v6, v1;
	(pc) =	sbr.rel @p0 .LBB2_3-.Ltmp0, $4  }
0x70: {  	v2 =	vld [tilespmem:s0+$0x2D30];
	[tilespmem:s29+$0x2D40] =	vst v5;
	v10 =	vmul.f32 v10, v1  }
0x71: {  	v7 =	vbroadcast v11, $0x0;
	v1 =	vbroadcast v11, $0x1;
	v5 =	vld [tilespmem:s0+$0x2D40];
	[tilespmem:s29+$0x2D50] =	vst v3  }
0x72: {  	v3 =	vld [tilespmem:s0+$0x2D50];
	[tilespmem:s29+$0x2D60] =	vst v6  }
0x73: {  	v9 =	vmul.f32 v7, v9;
	v8 =	vmul.f32 v8, v7;
	v6 =	vld [tilespmem:s0+$0x2D60];
	[tilespmem:s29+$0x2D70] =	vst v10;
	s29 =	smov.u32 s0  }
0x74: {  	_ = 	snop  }
0x75: {  	v10 =	vld [tilespmem:s29+$0x2D70];
	v4 =	vmul.f32 v4, v7;
	[tilespmem:s29+$0x2D00] =	vst v9  }
0x76: {  	v2 =	vmul.f32 v2, v7;
	[tilespmem:s29+$0x2D10] =	vst v8  }
0x77: {  	v5 =	vmul.f32 v5, v1;
	[tilespmem:s29+$0x2D20] =	vst v4  }
0x78: {  	v3 =	vmul.f32 v3, v1;
	[tilespmem:s29+$0x2D30] =	vst v2  }
0x79: {  	v2 =	vmul.f32 v6, v1;
	[tilespmem:s29+$0x2D40] =	vst v5  }
0x7a: {  	v1 =	vmul.f32 v10, v1;
	[tilespmem:s29+$0x2D50] =	vst v3  }
0x7b: {  	[tilespmem:s29+$0x2D60] =	vst v2  }
0x7c: {  	s0 =	simm.s32 $0x2D00;
	s10 =	sshll.u32 s3, $0x4;
	[tilespmem:s29+$0x2D70] =	vst v1  }
0x7d: {  	[spmem:s1] =	stream.indirect.scatter.add.f32 [tilespmem:s0], [sflag:$0x4], $0x80, s20, s28, $0xb8;
	[tilespmem:$0x1C980] =	vst v63  }
0x7e: {  	s30 =	simm.s32 $0x0;
	s0 =	sadd.s32 s6, s10  }
0x7f: {  	[tilespmem:s25], [sflag:$0x2] =	stream.linear.gather [hbm4b:s0+s30], $0x1400, $0x38;
	[tilespmem:$0x1C980] =	vst v63  }
0x80: {  	_ =	swait.ge [sflag:s8], $0x1400  }
0x81: {  	[sflag:s8] =	ssyncset.done $0x0  }
0x82: {  	[sflag:s8] =	ssyncadd.s32 $0xFFFFEC00  }
0x83: {  	_ =	swait.ge [sflag:s11], $0x1400  }
0x84: {  	[sflag:s11] =	ssyncset.done $0x0  }
0x85: {  	s3 =	simm.s32 $0x0;
	[sflag:s11] =	ssyncadd.s32 $0xFFFFEC00  }
0x86: {  	v1 =	vld [tilespmem:s3+$0x1900]  }
0x87: {  	v6 =	vld [tilespmem:s3+$0x4100]  }
0x88: {  	v8 =	vld [tilespmem:s3+$0x4110]  }
0x89: {  	v4 =	vld [tilespmem:s3+$0x4120]  }
0x8a: {  	v2 =	vld [tilespmem:s3+$0x4130]  }
0x8b: {  	v5 =	vld [tilespmem:s3+$0x4140];
	v7 =	vbroadcast v1, $0x0  }
0x8c: {  	v3 =	vld [tilespmem:s3+$0x4150];
	v1 =	vbroadcast v1, $0x1  }
0x8d: {  	s29 =	simm.s32 $0x200;
	v9 =	vmul.f32 v7, v6;
	v8 =	vmul.f32 v8, v7;
	v6 =	vld [tilespmem:s3+$0x4160]  }
.LBB2_5:
0x8e: {  	s0 =	sshra.s32 s29, $0x2;
	p0 =	sne.s32 s29, $0x4E00;
	s29 =	sadd.s32 $0x200, s29;
	v4 =	vmul.f32 v4, v7;
	v10 =	vld [tilespmem:s3+$0x4170]  }
0x8f: {  	v11 =	vld [tilespmem:s0+$0x1900];
	[tilespmem:s3+$0x4100] =	vst v9;
	v2 =	vmul.f32 v2, v7  }
0x90: {  	v9 =	vld [tilespmem:s0+$0x4100];
	[tilespmem:s3+$0x4110] =	vst v8;
	v5 =	vmul.f32 v5, v1  }
0x91: {  	v8 =	vld [tilespmem:s0+$0x4110];
	[tilespmem:s3+$0x4120] =	vst v4;
	v3 =	vmul.f32 v3, v1  }
.Ltmp1:
0x92: {  	v4 =	vld [tilespmem:s0+$0x4120];
	[tilespmem:s3+$0x4130] =	vst v2;
	v6 =	vmul.f32 v6, v1;
	(pc) =	sbr.rel @p0 .LBB2_5-.Ltmp1, $4  }
0x93: {  	v2 =	vld [tilespmem:s0+$0x4130];
	[tilespmem:s3+$0x4140] =	vst v5;
	v10 =	vmul.f32 v10, v1  }
0x94: {  	v7 =	vbroadcast v11, $0x0;
	v1 =	vbroadcast v11, $0x1;
	v5 =	vld [tilespmem:s0+$0x4140];
	[tilespmem:s3+$0x4150] =	vst v3  }
0x95: {  	v3 =	vld [tilespmem:s0+$0x4150];
	[tilespmem:s3+$0x4160] =	vst v6  }
0x96: {  	v9 =	vmul.f32 v7, v9;
	v8 =	vmul.f32 v8, v7;
	v6 =	vld [tilespmem:s0+$0x4160];
	[tilespmem:s3+$0x4170] =	vst v10;
	s3 =	smov.u32 s0  }
0x97: {  	_ = 	snop  }
0x98: {  	v10 =	vld [tilespmem:s3+$0x4170];
	v4 =	vmul.f32 v4, v7;
	[tilespmem:s3+$0x4100] =	vst v9  }
0x99: {  	v2 =	vmul.f32 v2, v7;
	[tilespmem:s3+$0x4110] =	vst v8  }
0x9a: {  	v5 =	vmul.f32 v5, v1;
	[tilespmem:s3+$0x4120] =	vst v4  }
0x9b: {  	v3 =	vmul.f32 v3, v1;
	[tilespmem:s3+$0x4130] =	vst v2  }
0x9c: {  	v2 =	vmul.f32 v6, v1;
	[tilespmem:s3+$0x4140] =	vst v5  }
0x9d: {  	v1 =	vmul.f32 v10, v1;
	[tilespmem:s3+$0x4150] =	vst v3  }
0x9e: {  	[tilespmem:s3+$0x4160] =	vst v2  }
0x9f: {  	s0 =	simm.s32 $0x4100;
	s29 =	sshll.u32 s13, $0x4;
	[tilespmem:s3+$0x4170] =	vst v1  }
0xa0: {  	[spmem:s1] =	stream.indirect.scatter.add.f32 [tilespmem:s0], [sflag:$0x4], $0x80, s21, s28, $0xb8;
	[tilespmem:$0x1C980] =	vst v63  }
0xa1: {  	s30 =	simm.s32 $0x0;
	s0 =	sadd.s32 s6, s29  }
0xa2: {  	[tilespmem:s15], [sflag:$0x3] =	stream.linear.gather [hbm4b:s0+s30], $0x1400, $0x38;
	[tilespmem:$0x1C980] =	vst v63  }
0xa3: {  	_ =	swait.ge [sflag:s18], $0x1400  }
0xa4: {  	[sflag:s18] =	ssyncset.done $0x0  }
0xa5: {  	[sflag:s18] =	ssyncadd.s32 $0xFFFFEC00  }
0xa6: {  	_ =	swait.ge [sflag:s17], $0x1400  }
0xa7: {  	[sflag:s17] =	ssyncset.done $0x0  }
0xa8: {  	s3 =	simm.s32 $0x0;
	[sflag:s17] =	ssyncadd.s32 $0xFFFFEC00  }
0xa9: {  	v1 =	vld [tilespmem:s3+$0x500]  }
0xaa: {  	v6 =	vld [tilespmem:s3+$0x5500]  }
0xab: {  	v8 =	vld [tilespmem:s3+$0x5510]  }
0xac: {  	v4 =	vld [tilespmem:s3+$0x5520]  }
0xad: {  	v2 =	vld [tilespmem:s3+$0x5530]  }
0xae: {  	v5 =	vld [tilespmem:s3+$0x5540];
	v7 =	vbroadcast v1, $0x0  }
0xaf: {  	v3 =	vld [tilespmem:s3+$0x5550];
	v1 =	vbroadcast v1, $0x1  }
0xb0: {  	s13 =	simm.s32 $0x200;
	v9 =	vmul.f32 v7, v6;
	v8 =	vmul.f32 v8, v7;
	v6 =	vld [tilespmem:s3+$0x5560]  }
.LBB2_7:
0xb1: {  	s0 =	sshra.s32 s13, $0x2;
	p0 =	sne.s32 s13, $0x4E00;
	s13 =	sadd.s32 $0x200, s13;
	v4 =	vmul.f32 v4, v7;
	v10 =	vld [tilespmem:s3+$0x5570]  }
0xb2: {  	v11 =	vld [tilespmem:s0+$0x500];
	[tilespmem:s3+$0x5500] =	vst v9;
	v2 =	vmul.f32 v2, v7  }
0xb3: {  	v9 =	vld [tilespmem:s0+$0x5500];
	[tilespmem:s3+$0x5510] =	vst v8;
	v5 =	vmul.f32 v5, v1  }
0xb4: {  	v8 =	vld [tilespmem:s0+$0x5510];
	[tilespmem:s3+$0x5520] =	vst v4;
	v3 =	vmul.f32 v3, v1  }
.Ltmp2:
0xb5: {  	v4 =	vld [tilespmem:s0+$0x5520];
	[tilespmem:s3+$0x5530] =	vst v2;
	v6 =	vmul.f32 v6, v1;
	(pc) =	sbr.rel @p0 .LBB2_7-.Ltmp2, $4  }
0xb6: {  	v2 =	vld [tilespmem:s0+$0x5530];
	[tilespmem:s3+$0x5540] =	vst v5;
	v10 =	vmul.f32 v10, v1  }
0xb7: {  	v7 =	vbroadcast v11, $0x0;
	v1 =	vbroadcast v11, $0x1;
	v5 =	vld [tilespmem:s0+$0x5540];
	[tilespmem:s3+$0x5550] =	vst v3  }
0xb8: {  	v3 =	vld [tilespmem:s0+$0x5550];
	[tilespmem:s3+$0x5560] =	vst v6  }
0xb9: {  	v9 =	vmul.f32 v7, v9;
	v8 =	vmul.f32 v8, v7;
	v6 =	vld [tilespmem:s0+$0x5560];
	[tilespmem:s3+$0x5570] =	vst v10;
	s3 =	smov.u32 s0  }
0xba: {  	_ = 	snop  }
0xbb: {  	v10 =	vld [tilespmem:s3+$0x5570];
	v4 =	vmul.f32 v4, v7;
	[tilespmem:s3+$0x5500] =	vst v9  }
0xbc: {  	v2 =	vmul.f32 v2, v7;
	[tilespmem:s3+$0x5510] =	vst v8  }
0xbd: {  	v5 =	vmul.f32 v5, v1;
	[tilespmem:s3+$0x5520] =	vst v4  }
0xbe: {  	v3 =	vmul.f32 v3, v1;
	[tilespmem:s3+$0x5530] =	vst v2  }
0xbf: {  	v2 =	vmul.f32 v6, v1;
	[tilespmem:s3+$0x5540] =	vst v5  }
0xc0: {  	v1 =	vmul.f32 v10, v1;
	[tilespmem:s3+$0x5550] =	vst v3  }
0xc1: {  	[tilespmem:s3+$0x5560] =	vst v2  }
0xc2: {  	s0 =	simm.s32 $0x5500;
	s29 =	sshll.u32 s4, $0x4;
	[tilespmem:s3+$0x5570] =	vst v1  }
0xc3: {  	[spmem:s1] =	stream.indirect.scatter.add.f32 [tilespmem:s0], [sflag:$0x4], $0x80, s22, s28, $0xb8;
	[tilespmem:$0x1C980] =	vst v63  }
0xc4: {  	s30 =	simm.s32 $0x0;
	s0 =	sadd.s32 s6, s29  }
0xc5: {  	[tilespmem:s25], [sflag:$0x2] =	stream.linear.gather [hbm4b:s0+s30], $0x1400, $0x38;
	[tilespmem:$0x1C980] =	vst v63  }
0xc6: {  	_ =	swait.ge [sflag:s2], $0x1400  }
0xc7: {  	[sflag:s2] =	ssyncset.done $0x0  }
0xc8: {  	[sflag:s2] =	ssyncadd.s32 $0xFFFFEC00  }
0xc9: {  	_ =	swait.ge [sflag:s11], $0x1400  }
0xca: {  	[sflag:s11] =	ssyncset.done $0x0  }
0xcb: {  	s3 =	simm.s32 $0x0;
	[sflag:s11] =	ssyncadd.s32 $0xFFFFEC00  }
0xcc: {  	v1 =	vld [tilespmem:s3+$0x1900]  }
0xcd: {  	v6 =	vld [tilespmem:s3+$0x6900]  }
0xce: {  	v8 =	vld [tilespmem:s3+$0x6910]  }
0xcf: {  	v4 =	vld [tilespmem:s3+$0x6920]  }
0xd0: {  	v2 =	vld [tilespmem:s3+$0x6930]  }
0xd1: {  	v5 =	vld [tilespmem:s3+$0x6940];
	v7 =	vbroadcast v1, $0x0  }
0xd2: {  	v3 =	vld [tilespmem:s3+$0x6950];
	v1 =	vbroadcast v1, $0x1  }
0xd3: {  	s4 =	simm.s32 $0x200;
	v9 =	vmul.f32 v7, v6;
	v8 =	vmul.f32 v8, v7;
	v6 =	vld [tilespmem:s3+$0x6960]  }
.LBB2_9:
0xd4: {  	s0 =	sshra.s32 s4, $0x2;
	p0 =	sne.s32 s4, $0x4E00;
	s4 =	sadd.s32 $0x200, s4;
	v4 =	vmul.f32 v4, v7;
	v10 =	vld [tilespmem:s3+$0x6970]  }
0xd5: {  	v11 =	vld [tilespmem:s0+$0x1900];
	[tilespmem:s3+$0x6900] =	vst v9;
	v2 =	vmul.f32 v2, v7  }
0xd6: {  	v9 =	vld [tilespmem:s0+$0x6900];
	[tilespmem:s3+$0x6910] =	vst v8;
	v5 =	vmul.f32 v5, v1  }
0xd7: {  	v8 =	vld [tilespmem:s0+$0x6910];
	[tilespmem:s3+$0x6920] =	vst v4;
	v3 =	vmul.f32 v3, v1  }
.Ltmp3:
0xd8: {  	v4 =	vld [tilespmem:s0+$0x6920];
	[tilespmem:s3+$0x6930] =	vst v2;
	v6 =	vmul.f32 v6, v1;
	(pc) =	sbr.rel @p0 .LBB2_9-.Ltmp3, $4  }
0xd9: {  	v2 =	vld [tilespmem:s0+$0x6930];
	[tilespmem:s3+$0x6940] =	vst v5;
	v10 =	vmul.f32 v10, v1  }
0xda: {  	v7 =	vbroadcast v11, $0x0;
	v1 =	vbroadcast v11, $0x1;
	v5 =	vld [tilespmem:s0+$0x6940];
	[tilespmem:s3+$0x6950] =	vst v3  }
0xdb: {  	v3 =	vld [tilespmem:s0+$0x6950];
	[tilespmem:s3+$0x6960] =	vst v6  }
0xdc: {  	v9 =	vmul.f32 v7, v9;
	v8 =	vmul.f32 v8, v7;
	v6 =	vld [tilespmem:s0+$0x6960];
	[tilespmem:s3+$0x6970] =	vst v10;
	s3 =	smov.u32 s0  }
0xdd: {  	_ = 	snop  }
0xde: {  	v10 =	vld [tilespmem:s3+$0x6970];
	v4 =	vmul.f32 v4, v7;
	[tilespmem:s3+$0x6900] =	vst v9  }
0xdf: {  	v2 =	vmul.f32 v2, v7;
	[tilespmem:s3+$0x6910] =	vst v8  }
0xe0: {  	v5 =	vmul.f32 v5, v1;
	[tilespmem:s3+$0x6920] =	vst v4  }
0xe1: {  	v3 =	vmul.f32 v3, v1;
	[tilespmem:s3+$0x6930] =	vst v2  }
0xe2: {  	v2 =	vmul.f32 v6, v1;
	[tilespmem:s3+$0x6940] =	vst v5  }
0xe3: {  	v1 =	vmul.f32 v10, v1;
	[tilespmem:s3+$0x6950] =	vst v3  }
0xe4: {  	[tilespmem:s3+$0x6960] =	vst v2  }
0xe5: {  	s0 =	simm.s32 $0x6900;
	[tilespmem:s3+$0x6970] =	vst v1  }
0xe6: {  	[spmem:s1] =	stream.indirect.scatter.add.f32 [tilespmem:s0], [sflag:$0x4], $0x80, s23, s28, $0xb8;
	[tilespmem:$0x1C980] =	vst v63  }
0xe7: {  	_ =	swait.ge [sflag:s9], $0x1400  }
0xe8: {  	[sflag:s9] =	ssyncset.done $0x0  }
0xe9: {  	[sflag:s9] =	ssyncadd.s32 $0xFFFFEC00  }
0xea: {  	_ =	swait.ge [sflag:s17], $0x1400  }
0xeb: {  	[sflag:s17] =	ssyncset.done $0x0  }
0xec: {  	s3 =	simm.s32 $0x0;
	[sflag:s17] =	ssyncadd.s32 $0xFFFFEC00  }
0xed: {  	v1 =	vld [tilespmem:s3+$0x500]  }
0xee: {  	v6 =	vld [tilespmem:s3+$0x7D00]  }
0xef: {  	v8 =	vld [tilespmem:s3+$0x7D10]  }
0xf0: {  	v4 =	vld [tilespmem:s3+$0x7D20]  }
0xf1: {  	v2 =	vld [tilespmem:s3+$0x7D30]  }
0xf2: {  	v5 =	vld [tilespmem:s3+$0x7D40];
	v7 =	vbroadcast v1, $0x0  }
0xf3: {  	v3 =	vld [tilespmem:s3+$0x7D50];
	v1 =	vbroadcast v1, $0x1  }
0xf4: {  	s4 =	simm.s32 $0x200;
	v9 =	vmul.f32 v7, v6;
	v8 =	vmul.f32 v8, v7;
	v6 =	vld [tilespmem:s3+$0x7D60]  }
.LBB2_11:
0xf5: {  	s0 =	sshra.s32 s4, $0x2;
	p0 =	sne.s32 s4, $0x4E00;
	s4 =	sadd.s32 $0x200, s4;
	v4 =	vmul.f32 v4, v7;
	v10 =	vld [tilespmem:s3+$0x7D70]  }
0xf6: {  	v11 =	vld [tilespmem:s0+$0x500];
	[tilespmem:s3+$0x7D00] =	vst v9;
	v2 =	vmul.f32 v2, v7  }
0xf7: {  	v9 =	vld [tilespmem:s0+$0x7D00];
	[tilespmem:s3+$0x7D10] =	vst v8;
	v5 =	vmul.f32 v5, v1  }
0xf8: {  	v8 =	vld [tilespmem:s0+$0x7D10];
	[tilespmem:s3+$0x7D20] =	vst v4;
	v3 =	vmul.f32 v3, v1  }
.Ltmp4:
0xf9: {  	v4 =	vld [tilespmem:s0+$0x7D20];
	[tilespmem:s3+$0x7D30] =	vst v2;
	v6 =	vmul.f32 v6, v1;
	(pc) =	sbr.rel @p0 .LBB2_11-.Ltmp4, $4  }
0xfa: {  	v2 =	vld [tilespmem:s0+$0x7D30];
	[tilespmem:s3+$0x7D40] =	vst v5;
	v10 =	vmul.f32 v10, v1  }
0xfb: {  	v7 =	vbroadcast v11, $0x0;
	v1 =	vbroadcast v11, $0x1;
	v5 =	vld [tilespmem:s0+$0x7D40];
	[tilespmem:s3+$0x7D50] =	vst v3  }
0xfc: {  	v3 =	vld [tilespmem:s0+$0x7D50];
	[tilespmem:s3+$0x7D60] =	vst v6  }
0xfd: {  	v9 =	vmul.f32 v7, v9;
	v8 =	vmul.f32 v8, v7;
	v6 =	vld [tilespmem:s0+$0x7D60];
	[tilespmem:s3+$0x7D70] =	vst v10;
	s3 =	smov.u32 s0  }
0xfe: {  	_ = 	snop  }
0xff: {  	v10 =	vld [tilespmem:s3+$0x7D70];
	v4 =	vmul.f32 v4, v7;
	[tilespmem:s3+$0x7D00] =	vst v9  }
0x100: {  	v2 =	vmul.f32 v2, v7;
	[tilespmem:s3+$0x7D10] =	vst v8  }
0x101: {  	v5 =	vmul.f32 v5, v1;
	[tilespmem:s3+$0x7D20] =	vst v4  }
0x102: {  	v3 =	vmul.f32 v3, v1;
	[tilespmem:s3+$0x7D30] =	vst v2  }
0x103: {  	v2 =	vmul.f32 v6, v1;
	[tilespmem:s3+$0x7D40] =	vst v5  }
0x104: {  	v1 =	vmul.f32 v10, v1;
	[tilespmem:s3+$0x7D50] =	vst v3  }
0x105: {  	[tilespmem:s3+$0x7D60] =	vst v2  }
0x106: {  	[tilespmem:s3+$0x7D70] =	vst v1  }
0x107: {  	[spmem:s1] =	stream.indirect.scatter.add.f32 [tilespmem:s14], [sflag:$0x4], $0x80, s24, s28, $0xb8;
	[tilespmem:$0x1C980] =	vst v63  }
0x108: {  	_ =	swait.ge [sflag:s19], $0x1400  }
0x109: {  	[sflag:s19] =	ssyncset.done $0x0  }
0x10a: {  	[sflag:s19] =	ssyncadd.s32 $0xFFFFEC00  }
0x10b: {  	_ =	swait.ge [sflag:s19], $0x1400  }
0x10c: {  	[sflag:s19] =	ssyncset.done $0x0  }
0x10d: {  	[sflag:s19] =	ssyncadd.s32 $0xFFFFEC00  }
0x10e: {  	_ =	swait.ge [sflag:s19], $0x1400  }
0x10f: {  	[sflag:s19] =	ssyncset.done $0x0  }
0x110: {  	s31 =	sadd.s32 $0x1, s31;
	[sflag:s19] =	ssyncadd.s32 $0xFFFFEC00  }
0x111: {  	p0 =	sne.s32 s31, $0x32;
	_ =	swait.ge [sflag:s19], $0x1400  }
.Ltmp5:
0x112: {  	[sflag:s19] =	ssyncset.done $0x0;
	(pc) =	sbr.rel @p0 .LBB2_2-.Ltmp5, $4  }
0x113: {  	[sflag:s19] =	ssyncadd.s32 $0xFFFFEC00  }
0x114: {  	_ =	swait.ge [sflag:s19], $0x1400  }
0x115: {  	[sflag:s19] =	ssyncset.done $0x0  }
0x116: {  	[sflag:s19] =	ssyncadd.s32 $0xFFFFEC00  }
0x117: {  	[bflag:$0x0] =	sbarrier.arrive $0xFFFF  }
0x118: {  	s3 =	rddreg [dreg:$0x7]  }
0x119: {  	s0 =	rddreg [dreg:$0xa]  }
0x11a: {  	s10 =	simm.s32 $0xA;
	s4 =	rddreg [dreg:$0xf]  }
0x11b: {  	[hbm:s0], [sflag:s3] =	dma.local [spmem:s4], $0x2700  }
0x11c: {  	_ =	swait.ge [sflag:s10], $0x2700  }
0x11d: {  	[sflag:s10] =	ssyncset.done $0x0;
	s31 =	rddreg [dreg:$0xb]  }
0x11e: {  	s13 =	rddreg [dreg:$0x10];
	[sflag:s10] =	ssyncadd.s32 $0xFFFFD900  }
0x11f: {  	[hbm:s31], [sflag:s3] =	dma.local [spmem:s13], $0x100  }
0x120: {  	_ =	swait.ge [sflag:s10], $0x100  }
0x121: {  	[sflag:s10] =	ssyncset.done $0x0  }
0x122: {  	[sflag:s10] =	ssyncadd.s32 $0xFFFFFF00  }
0x123: {  	[bflag:$0x0] =	sbarrier.arrive $0xFFFF  }
0x124: {  	s29 =	rddreg [dreg:$0x6]  }
0x125: {  	[spmem:s4], [sflag:s3] =	dma.local [hbm:s29], $0x2700  }
0x126: {  	_ =	swait.ge [sflag:s10], $0x2700  }
0x127: {  	[sflag:s10] =	ssyncset.done $0x0  }
0x128: {  	s31 =	simm.s32 $0xA;
	s30 =	rddreg [dreg:$0x9];
	[sflag:s10] =	ssyncadd.s32 $0xFFFFD900  }
0x129: {  	[spmem:s13], [sflag:s3] =	dma.local [hbm:s30], $0x100  }
0x12a: {  	_ =	swait.ge [sflag:s31], $0x100  }
0x12b: {  	[sflag:s31] =	ssyncset.done $0x0  }
0x12c: {  	s4 =	simm.s32 $0x0;
	s3 =	simm.s32 $0x200;
	[sflag:s31] =	ssyncadd.s32 $0xFFFFFF00  }
.LBB2_14:
0x12d: {  	p0 =	sne.s32 s3, $0x4E00;
	[tilespmem:s4+$0x7D70] =	vst v0  }
0x12e: {  	[tilespmem:s4+$0x2D00] =	vst v0  }
0x12f: {  	[tilespmem:s4+$0x2D10] =	vst v0  }
0x130: {  	[tilespmem:s4+$0x2D20] =	vst v0  }
0x131: {  	[tilespmem:s4+$0x2D30] =	vst v0  }
0x132: {  	[tilespmem:s4+$0x2D40] =	vst v0  }
0x133: {  	[tilespmem:s4+$0x2D50] =	vst v0  }
0x134: {  	[tilespmem:s4+$0x2D60] =	vst v0  }
0x135: {  	[tilespmem:s4+$0x2D70] =	vst v0  }
0x136: {  	[tilespmem:s4+$0x4100] =	vst v0  }
0x137: {  	[tilespmem:s4+$0x4110] =	vst v0  }
0x138: {  	[tilespmem:s4+$0x4120] =	vst v0  }
0x139: {  	[tilespmem:s4+$0x4130] =	vst v0  }
0x13a: {  	[tilespmem:s4+$0x4140] =	vst v0  }
0x13b: {  	[tilespmem:s4+$0x4150] =	vst v0  }
0x13c: {  	[tilespmem:s4+$0x4160] =	vst v0  }
0x13d: {  	[tilespmem:s4+$0x4170] =	vst v0  }
0x13e: {  	[tilespmem:s4+$0x5500] =	vst v0  }
0x13f: {  	[tilespmem:s4+$0x5510] =	vst v0  }
0x140: {  	[tilespmem:s4+$0x5520] =	vst v0  }
0x141: {  	[tilespmem:s4+$0x5530] =	vst v0  }
0x142: {  	[tilespmem:s4+$0x5540] =	vst v0  }
0x143: {  	[tilespmem:s4+$0x5550] =	vst v0  }
0x144: {  	[tilespmem:s4+$0x5560] =	vst v0  }
0x145: {  	[tilespmem:s4+$0x5570] =	vst v0  }
0x146: {  	[tilespmem:s4+$0x6900] =	vst v0  }
0x147: {  	[tilespmem:s4+$0x6910] =	vst v0  }
0x148: {  	[tilespmem:s4+$0x6920] =	vst v0  }
0x149: {  	[tilespmem:s4+$0x6930] =	vst v0  }
0x14a: {  	[tilespmem:s4+$0x6940] =	vst v0  }
0x14b: {  	[tilespmem:s4+$0x6950] =	vst v0  }
0x14c: {  	[tilespmem:s4+$0x6960] =	vst v0  }
0x14d: {  	[tilespmem:s4+$0x6970] =	vst v0  }
0x14e: {  	[tilespmem:s4+$0x7D00] =	vst v0  }
0x14f: {  	[tilespmem:s4+$0x7D10] =	vst v0  }
.Ltmp6:
0x150: {  	[tilespmem:s4+$0x7D20] =	vst v0;
	(pc) =	sbr.rel @p0 .LBB2_14-.Ltmp6, $4  }
0x151: {  	[tilespmem:s4+$0x7D30] =	vst v0  }
0x152: {  	[tilespmem:s4+$0x7D40] =	vst v0  }
0x153: {  	[tilespmem:s4+$0x7D50] =	vst v0  }
0x154: {  	[tilespmem:s4+$0x7D60] =	vst v0;
	s4 =	sshra.s32 s3, $0x2;
	s3 =	sadd.s32 $0x200, s3  }
0x155: {  	[tilespmem:s4+$0x7D70] =	vst v0  }
0x156: {  	[tilespmem:s4+$0x2D00] =	vst v0  }
0x157: {  	[tilespmem:s4+$0x2D10] =	vst v0  }
0x158: {  	[tilespmem:s4+$0x2D20] =	vst v0  }
0x159: {  	[tilespmem:s4+$0x2D30] =	vst v0  }
0x15a: {  	[tilespmem:s4+$0x2D40] =	vst v0  }
0x15b: {  	[tilespmem:s4+$0x2D50] =	vst v0  }
0x15c: {  	[tilespmem:s4+$0x2D60] =	vst v0  }
0x15d: {  	[tilespmem:s4+$0x2D70] =	vst v0  }
0x15e: {  	[tilespmem:s4+$0x4100] =	vst v0  }
0x15f: {  	[tilespmem:s4+$0x4110] =	vst v0  }
0x160: {  	[tilespmem:s4+$0x4120] =	vst v0  }
0x161: {  	[tilespmem:s4+$0x4130] =	vst v0  }
0x162: {  	[tilespmem:s4+$0x4140] =	vst v0  }
0x163: {  	[tilespmem:s4+$0x4150] =	vst v0  }
0x164: {  	[tilespmem:s4+$0x4160] =	vst v0  }
0x165: {  	[tilespmem:s4+$0x4170] =	vst v0  }
0x166: {  	[tilespmem:s4+$0x5500] =	vst v0  }
0x167: {  	[tilespmem:s4+$0x5510] =	vst v0  }
0x168: {  	[tilespmem:s4+$0x5520] =	vst v0  }
0x169: {  	[tilespmem:s4+$0x5530] =	vst v0  }
0x16a: {  	[tilespmem:s4+$0x5540] =	vst v0  }
0x16b: {  	[tilespmem:s4+$0x5550] =	vst v0  }
0x16c: {  	[tilespmem:s4+$0x5560] =	vst v0  }
0x16d: {  	[tilespmem:s4+$0x5570] =	vst v0  }
0x16e: {  	[tilespmem:s4+$0x6900] =	vst v0  }
0x16f: {  	[tilespmem:s4+$0x6910] =	vst v0  }
0x170: {  	[tilespmem:s4+$0x6920] =	vst v0  }
0x171: {  	[tilespmem:s4+$0x6930] =	vst v0  }
0x172: {  	[tilespmem:s4+$0x6940] =	vst v0  }
0x173: {  	[tilespmem:s4+$0x6950] =	vst v0  }
0x174: {  	[tilespmem:s4+$0x6960] =	vst v0  }
0x175: {  	[tilespmem:s4+$0x6970] =	vst v0  }
0x176: {  	[tilespmem:s4+$0x7D00] =	vst v0  }
0x177: {  	[tilespmem:s4+$0x7D10] =	vst v0  }
0x178: {  	[tilespmem:s4+$0x7D20] =	vst v0  }
0x179: {  	[tilespmem:s4+$0x7D30] =	vst v0  }
0x17a: {  	[tilespmem:s4+$0x7D40] =	vst v0  }
0x17b: {  	[tilespmem:s4+$0x7D50] =	vst v0  }
0x17c: {  	[tilespmem:s4+$0x7D60] =	vst v0  }
0x17d: {  	s4 =	simm.s32 $0x0;
	s13 =	simm.s32 $0x0;
	[bflag:$0x0] =	sbarrier.arrive $0xFFFF  }
.LBB2_16:
0x17e: {  	s0 =	smul.u32 $0x5, s13;
	_ =	sdelay $0x1  }
0x17f: {  	s0 =	sadd.s32 s12, s0  }
0x180: {  	s3 =	smul.u32 $0x28, s0;
	_ =	sdelay $0x1  }
0x181: {  	s10 =	sshrl.u32 s3, $0x3  }
0x182: {  	s10 =	sadd.s32 s5, s10  }
0x183: {  	[tilespmem:s20], [sflag:$0x1] =	stream.linear.gather [hbm4b:s10+s4], $0x28, $0x38;
	[tilespmem:$0x1C980] =	vst v63  }
0x184: {  	s10 =	sadd.s32 $0x28, s3  }
0x185: {  	s29 =	sshrl.u32 s10, $0x3  }
0x186: {  	s31 =	sadd.s32 $0x50, s3;
	s29 =	sadd.s32 s5, s29  }
0x187: {  	[tilespmem:s21], [sflag:$0x1] =	stream.linear.gather [hbm4b:s29+s4], $0x28, $0x38;
	[tilespmem:$0x1C980] =	vst v63  }
0x188: {  	s29 =	sshrl.u32 s31, $0x3  }
0x189: {  	s29 =	sadd.s32 s5, s29  }
0x18a: {  	[tilespmem:s22], [sflag:$0x1] =	stream.linear.gather [hbm4b:s29+s4], $0x28, $0x38;
	[tilespmem:$0x1C980] =	vst v63  }
0x18b: {  	s29 =	sadd.s32 $0x78, s3  }
0x18c: {  	s30 =	sshrl.u32 s29, $0x3  }
0x18d: {  	s3 =	sadd.s32 $0xA0, s3;
	s30 =	sadd.s32 s5, s30  }
0x18e: {  	[tilespmem:s23], [sflag:$0x1] =	stream.linear.gather [hbm4b:s30+s4], $0x28, $0x38;
	[tilespmem:$0x1C980] =	vst v63  }
0x18f: {  	s30 =	sshrl.u32 s3, $0x3  }
0x190: {  	s0 =	smul.u32 $0x280, s0;
	s30 =	sadd.s32 s5, s30  }
0x191: {  	[tilespmem:s24], [sflag:$0x1] =	stream.linear.gather [hbm4b:s30+s4], $0x28, $0x38;
	[tilespmem:$0x1C980] =	vst v63  }
0x192: {  	s0 =	sadd.s32 s6, s0  }
0x193: {  	[tilespmem:s25], [sflag:$0x2] =	stream.linear.gather [hbm4b:s0+s4], $0x1400, $0x38;
	[tilespmem:$0x1C980] =	vst v63  }
0x194: {  	_ =	swait.ge [sflag:s26], $0x28  }
0x195: {  	[sflag:s26] =	ssyncset.done $0x0  }
0x196: {  	[sflag:s26] =	ssyncadd.s32 $0xFFFFFFD8  }
0x197: {  	_ =	swait.ge [sflag:s26], $0x28  }
0x198: {  	[sflag:s26] =	ssyncset.done $0x0  }
0x199: {  	[sflag:s26] =	ssyncadd.s32 $0xFFFFFFD8  }
0x19a: {  	_ =	swait.ge [sflag:s26], $0x28  }
0x19b: {  	[sflag:s26] =	ssyncset.done $0x0  }
0x19c: {  	[sflag:s26] =	ssyncadd.s32 $0xFFFFFFD8  }
0x19d: {  	_ =	swait.ge [sflag:s26], $0x28  }
0x19e: {  	[sflag:s26] =	ssyncset.done $0x0  }
0x19f: {  	[sflag:s26] =	ssyncadd.s32 $0xFFFFFFD8  }
0x1a0: {  	_ =	swait.ge [sflag:s26], $0x28  }
0x1a1: {  	s10 =	sshll.u32 s10, $0x4;
	[sflag:s26] =	ssyncset.done $0x0  }
0x1a2: {  	s0 =	sadd.s32 s6, s10;
	[sflag:s26] =	ssyncadd.s32 $0xFFFFFFD8  }
0x1a3: {  	[tilespmem:s15], [sflag:$0x3] =	stream.linear.gather [hbm4b:s0+s4], $0x1400, $0x38;
	[tilespmem:$0x1C980] =	vst v63  }
0x1a4: {  	_ =	swait.ge [sflag:s17], $0x1400  }
0x1a5: {  	[sflag:s17] =	ssyncset.done $0x0  }
0x1a6: {  	s30 =	simm.s32 $0x0;
	[sflag:s17] =	ssyncadd.s32 $0xFFFFEC00  }
0x1a7: {  	s0 =	simm.s32 $0x200;
	v1 =	vld [tilespmem:s30+$0x500]  }
.LBB2_17:
0x1a8: {  	p0 =	sne.s32 s0, $0x4E00  }
.Ltmp7:
0x1a9: {  	_ = 	snop;
	(pc) =	sbr.rel @p0 .LBB2_17-.Ltmp7, $3  }
0x1aa: {  	_ =	sdelay $0x1  }
0x1ab: {  	[tilespmem:s30+$0x2D00] =	vst v1;
	s30 =	sshra.s32 s0, $0x2;
	s0 =	sadd.s32 $0x200, s0  }
0x1ac: {  	v1 =	vld [tilespmem:s30+$0x500]  }
0x1ad: {  	_ =	sdelay $0x3  }
0x1ae: {  	s0 =	simm.s32 $0x2D00;
	s31 =	sshll.u32 s31, $0x4;
	[tilespmem:s30+$0x2D00] =	vst v1  }
0x1af: {  	[spmem:s1] =	stream.indirect.scatter.add.f32 [tilespmem:s0], [sflag:$0x4], $0x80, s20, s28, $0xb8;
	[tilespmem:$0x1C980] =	vst v63  }
0x1b0: {  	s10 =	simm.s32 $0x0;
	s0 =	sadd.s32 s6, s31  }
0x1b1: {  	[tilespmem:s25], [sflag:$0x2] =	stream.linear.gather [hbm4b:s0+s10], $0x1400, $0x38;
	[tilespmem:$0x1C980] =	vst v63  }
0x1b2: {  	_ =	swait.ge [sflag:s11], $0x1400  }
0x1b3: {  	[sflag:s11] =	ssyncset.done $0x0  }
0x1b4: {  	s30 =	simm.s32 $0x0;
	[sflag:s11] =	ssyncadd.s32 $0xFFFFEC00  }
0x1b5: {  	s0 =	simm.s32 $0x200;
	v1 =	vld [tilespmem:s30+$0x1900]  }
.LBB2_19:
0x1b6: {  	p0 =	sne.s32 s0, $0x4E00  }
.Ltmp8:
0x1b7: {  	_ = 	snop;
	(pc) =	sbr.rel @p0 .LBB2_19-.Ltmp8, $3  }
0x1b8: {  	_ =	sdelay $0x1  }
0x1b9: {  	[tilespmem:s30+$0x4100] =	vst v1;
	s30 =	sshra.s32 s0, $0x2;
	s0 =	sadd.s32 $0x200, s0  }
0x1ba: {  	v1 =	vld [tilespmem:s30+$0x1900]  }
0x1bb: {  	_ =	sdelay $0x3  }
0x1bc: {  	s0 =	simm.s32 $0x4100;
	s31 =	sshll.u32 s29, $0x4;
	[tilespmem:s30+$0x4100] =	vst v1  }
0x1bd: {  	[spmem:s1] =	stream.indirect.scatter.add.f32 [tilespmem:s0], [sflag:$0x4], $0x80, s21, s28, $0xb8;
	[tilespmem:$0x1C980] =	vst v63  }
0x1be: {  	s10 =	simm.s32 $0x0;
	s0 =	sadd.s32 s6, s31  }
0x1bf: {  	[tilespmem:s15], [sflag:$0x3] =	stream.linear.gather [hbm4b:s0+s10], $0x1400, $0x38;
	[tilespmem:$0x1C980] =	vst v63  }
0x1c0: {  	_ =	swait.ge [sflag:s17], $0x1400  }
0x1c1: {  	[sflag:s17] =	ssyncset.done $0x0  }
0x1c2: {  	s29 =	simm.s32 $0x0;
	[sflag:s17] =	ssyncadd.s32 $0xFFFFEC00  }
0x1c3: {  	s0 =	simm.s32 $0x200;
	v1 =	vld [tilespmem:s29+$0x500]  }
.LBB2_21:
0x1c4: {  	p0 =	sne.s32 s0, $0x4E00  }
.Ltmp9:
0x1c5: {  	_ = 	snop;
	(pc) =	sbr.rel @p0 .LBB2_21-.Ltmp9, $3  }
0x1c6: {  	_ =	sdelay $0x1  }
0x1c7: {  	[tilespmem:s29+$0x5500] =	vst v1;
	s29 =	sshra.s32 s0, $0x2;
	s0 =	sadd.s32 $0x200, s0  }
0x1c8: {  	v1 =	vld [tilespmem:s29+$0x500]  }
0x1c9: {  	_ =	sdelay $0x3  }
0x1ca: {  	s0 =	simm.s32 $0x5500;
	s30 =	sshll.u32 s3, $0x4;
	[tilespmem:s29+$0x5500] =	vst v1  }
0x1cb: {  	[spmem:s1] =	stream.indirect.scatter.add.f32 [tilespmem:s0], [sflag:$0x4], $0x80, s22, s28, $0xb8;
	[tilespmem:$0x1C980] =	vst v63  }
0x1cc: {  	s31 =	simm.s32 $0x0;
	s0 =	sadd.s32 s6, s30  }
0x1cd: {  	[tilespmem:s25], [sflag:$0x2] =	stream.linear.gather [hbm4b:s0+s31], $0x1400, $0x38;
	[tilespmem:$0x1C980] =	vst v63  }
0x1ce: {  	_ =	swait.ge [sflag:s11], $0x1400  }
0x1cf: {  	[sflag:s11] =	ssyncset.done $0x0  }
0x1d0: {  	s3 =	simm.s32 $0x0;
	[sflag:s11] =	ssyncadd.s32 $0xFFFFEC00  }
0x1d1: {  	s0 =	simm.s32 $0x200;
	v1 =	vld [tilespmem:s3+$0x1900]  }
.LBB2_23:
0x1d2: {  	p0 =	sne.s32 s0, $0x4E00  }
.Ltmp10:
0x1d3: {  	_ = 	snop;
	(pc) =	sbr.rel @p0 .LBB2_23-.Ltmp10, $3  }
0x1d4: {  	_ =	sdelay $0x1  }
0x1d5: {  	[tilespmem:s3+$0x6900] =	vst v1;
	s3 =	sshra.s32 s0, $0x2;
	s0 =	sadd.s32 $0x200, s0  }
0x1d6: {  	v1 =	vld [tilespmem:s3+$0x1900]  }
0x1d7: {  	_ =	sdelay $0x3  }
0x1d8: {  	s0 =	simm.s32 $0x6900;
	[tilespmem:s3+$0x6900] =	vst v1  }
0x1d9: {  	[spmem:s1] =	stream.indirect.scatter.add.f32 [tilespmem:s0], [sflag:$0x4], $0x80, s23, s28, $0xb8;
	[tilespmem:$0x1C980] =	vst v63  }
0x1da: {  	_ =	swait.ge [sflag:s17], $0x1400  }
0x1db: {  	[sflag:s17] =	ssyncset.done $0x0  }
0x1dc: {  	s3 =	simm.s32 $0x0;
	[sflag:s17] =	ssyncadd.s32 $0xFFFFEC00  }
0x1dd: {  	s0 =	simm.s32 $0x200;
	v1 =	vld [tilespmem:s3+$0x500]  }
.LBB2_25:
0x1de: {  	p0 =	sne.s32 s0, $0x4E00  }
.Ltmp11:
0x1df: {  	_ = 	snop;
	(pc) =	sbr.rel @p0 .LBB2_25-.Ltmp11, $3  }
0x1e0: {  	_ =	sdelay $0x1  }
0x1e1: {  	[tilespmem:s3+$0x7D00] =	vst v1;
	s3 =	sshra.s32 s0, $0x2;
	s0 =	sadd.s32 $0x200, s0  }
0x1e2: {  	v1 =	vld [tilespmem:s3+$0x500]  }
0x1e3: {  	_ =	sdelay $0x3  }
0x1e4: {  	[tilespmem:s3+$0x7D00] =	vst v1  }
0x1e5: {  	[spmem:s1] =	stream.indirect.scatter.add.f32 [tilespmem:s14], [sflag:$0x4], $0x80, s24, s28, $0xb8;
	[tilespmem:$0x1C980] =	vst v63  }
0x1e6: {  	_ =	swait.ge [sflag:s19], $0x1400  }
0x1e7: {  	[sflag:s19] =	ssyncset.done $0x0  }
0x1e8: {  	[sflag:s19] =	ssyncadd.s32 $0xFFFFEC00  }
0x1e9: {  	_ =	swait.ge [sflag:s19], $0x1400  }
0x1ea: {  	[sflag:s19] =	ssyncset.done $0x0  }
0x1eb: {  	[sflag:s19] =	ssyncadd.s32 $0xFFFFEC00  }
0x1ec: {  	_ =	swait.ge [sflag:s19], $0x1400  }
0x1ed: {  	[sflag:s19] =	ssyncset.done $0x0  }
0x1ee: {  	s13 =	sadd.s32 $0x1, s13;
	[sflag:s19] =	ssyncadd.s32 $0xFFFFEC00  }
0x1ef: {  	p0 =	sne.s32 s13, $0x32;
	_ =	swait.ge [sflag:s19], $0x1400  }
.Ltmp12:
0x1f0: {  	[sflag:s19] =	ssyncset.done $0x0;
	(pc) =	sbr.rel @p0 .LBB2_16-.Ltmp12, $4  }
0x1f1: {  	[sflag:s19] =	ssyncadd.s32 $0xFFFFEC00  }
0x1f2: {  	_ =	swait.ge [sflag:s19], $0x1400  }
0x1f3: {  	[sflag:s19] =	ssyncset.done $0x0  }
0x1f4: {  	[sflag:s19] =	ssyncadd.s32 $0xFFFFEC00  }
0x1f5: {  	[bflag:$0x0] =	sbarrier.arrive $0xFFFF  }
0x1f6: {  	s3 =	rddreg [dreg:$0x7]  }
0x1f7: {  	s0 =	rddreg [dreg:$0xc]  }
0x1f8: {  	s4 =	simm.s32 $0xA;
	s10 =	rddreg [dreg:$0xf]  }
0x1f9: {  	[hbm:s0], [sflag:s3] =	dma.local [spmem:s10], $0x2700  }
0x1fa: {  	_ =	swait.ge [sflag:s4], $0x2700  }
0x1fb: {  	[sflag:s4] =	ssyncset.done $0x0;
	s31 =	rddreg [dreg:$0xd]  }
0x1fc: {  	s13 =	rddreg [dreg:$0x10];
	[sflag:s4] =	ssyncadd.s32 $0xFFFFD900  }
0x1fd: {  	[hbm:s31], [sflag:s3] =	dma.local [spmem:s13], $0x100  }
0x1fe: {  	_ =	swait.ge [sflag:s4], $0x100  }
0x1ff: {  	s29 =	rddreg [dreg:$0x4]  }
0x200: {  	s30 =	rddreg [dreg:$0xe];
	s0 =	sadd.s32 $0x1, s29  }
0x201: {  	p0 =	sne.s32 s0, s30  }
.Ltmp13:
0x202: {  	_ = 	snop;
	(pc) =	sbr.rel @p0 .LBB2_1-.Ltmp13, $3  }
0x203: {  	_ =	sdelay $0x1  }
0x204: {  	s31 =	simm.s32 $0xA;
	[sflag:s4] =	ssyncset.done $0x0  }
0x205: {  	s4 =	smov.u32 s10;
	[sflag:s31] =	ssyncadd.s32 $0xFFFFFF00;
	[dreg:$0x4] =	wrdreg s0  }
0x206: {  	_ =	sfence.sel $0x180000  }
0x207: {  	[bflag:$0x0] =	sbarrier.arrive $0xFFFF  }
0x208: {  	_ =	strace $0x9000004A  }
0x209: {  	s0 =	stileid.u32;
	[bflag:$0x2] =	sbarrier.arrive $0xFFFF  }
0x20a: {  	p0 =	sne.s32 s0, $0x0;
	s0 =	rddreg [dreg:$0x3]  }
0x20b: {  	s0 =	sadd.s32 @!p0 $0x100000, s0  }
0x20c: {  	[sflag:s0] =	ssyncadd.tile.s32 @!p0 $0x1;
	_ =	shalt  }
.Lfunc_end2:
_tile_overlayer_lowered:
.L_overlay_start_2:
0x20d: {  	(tag) =	ssettag $0x2  }
0x20e: {  	s0 =	rddreg [dreg:$0x0];
	s2 =	stileid.u32  }
0x20f: {  	s1 =	rddreg [dreg:$0x1];
	p0 =	sne.s32 s2, $0x0  }
0x210: {  	s3 =	rddreg [dreg:$0x2];
	[bflag:$0x3] =	sbarrier.arrive $0xFFFF;
	s2 =	simm.s32 @!p0 $0x1C0A  }
0x211: {  	[timem:s3], [sflag:s2] =	dma.local @!p0 [hbm:s0], s1  }
0x212: {  	s0 =	simm.s32 @!p0 $0xA  }
0x213: {  	_ =	swait.ge @!p0 [sflag:s0], s1  }
0x214: {  	s1 =	ssub.s32 @!p0 $0x0, s1;
	[sflag:s0] =	ssyncset.done @!p0 $0x0  }
0x215: {  	[sflag:s0] =	ssyncadd.s32 @!p0 s1  }
0x216: {  	[bflag:$0x3] =	sbarrier.arrive $0xFFFF  }
0x217: {  	_ =	shalt  }

// kernel: kernel.7.cloned.1.call-start
scs
__scs_entry_jumppad:
0x0: {  	(pc) =	sbr.rel $0x88, $3  }
0x1: {  	(tag) =	ssettag $0x0;
	lr =	simm.s32 $0x1  }
0x2: {  	[smem:$0x3F90] =	sst lr;
	_ =	strace $0xD0000000  }
0x3: {  	_ = 	snop  }
0x4: {  	_ = 	snop  }
0x5: {  	_ = 	snop  }
0x6: {  	_ = 	snop  }
0x7: {  	_ = 	snop  }
__scs_overlays_trampoline_lowered:
0x8: {  	[smem:$0x3F9F] =	sst s0  }
0x9: {  	[smem:$0x3FA0] =	sst s1  }
0xa: {  	[smem:$0x3FA1] =	sst s2  }
0xb: {  	[smem:$0x3FA2] =	sst s3  }
0xc: {  	[smem:$0x3FA3] =	sst s4  }
0xd: {  	[smem:$0x3FA4] =	sst s5  }
0xe: {  	[smem:$0x3FA5] =	sst s6  }
0xf: {  	[smem:$0x3FA6] =	sst s7  }
0x10: {  	[smem:$0x3FA7] =	sst s8  }
0x11: {  	[smem:$0x3FA8] =	sst s9;
	s0 =	simm.s32 @!p0 $0x0  }
0x12: {  	s1 =	sld [smem:$0x3F8E];
	s0 =	simm.s32 @p0 $0x1  }
0x13: {  	[smem:$0x3FA9] =	sst s0;
	s0 =	simm.s32 @!p1 $0x0  }
0x14: {  	s2 =	sld [smem:$0x3F8D];
	s0 =	simm.s32 @p1 $0x1  }
0x15: {  	[smem:$0x3FAA] =	sst s0;
	s0 =	simm.s32 @!p2 $0x0  }
0x16: {  	s3 =	sld [smem:$0x3FDB];
	s0 =	simm.s32 @p2 $0x1  }
0x17: {  	s4 =	simm.s32 $0x1BF5;
	[smem:$0x3FAC] =	sst s0  }
0x18: {  	s0 =	sld [smem:$0x3F8F];
	_ =	swait.ge [sflag:s4], $0x0  }
0x19: {  	s7 =	sld [smem:$0x3F90]  }
0x1a: {  	s8 =	sadd.s32 $0xFFFFE003, lr  }
0x1b: {  	s9 =	sadd.s32 $0xFFFFFEF7, lr;
	s5 =	simm.s32 $0xFFFFFFFF;
	p2 =	slt.u32 s8, $0xFFFFF086  }
0x1c: {  	p1 =	slt.u32 s9, $0xF7A;
	s5 =	simm.s32 @!p2 $0x0  }
0x1d: {  	s5 =	simm.s32 @p1 $0x1;
	p0 =	seq.s32 s7, s2  }
0x1e: {  	s7 =	smul.u32 @!p0 $0xF7A, s2;
	p2 =	seq.s32 @!p0 s5, $0x0  }
0x1f: {  	s9 =	smul.u32 $0xF7A, s1;
	s8 =	simm.s32 @!p0 $0x1BF5;
	p2 =	por !p2, p0  }
0x20: {  	[sflag:s8] =	ssyncset.s32 @!p0 $0xFFFFF086;
	s6 =	sadd.s32 @!p0 s3, s7;
	s7 =	simm.s32 @!p0 $0x108  }
0x21: {  	s3 =	sadd.s32 s3, s9;
	s6 =	sadd.s32 @!p0 $0x88, s6;
	s7 =	simm.s32 @p2 $0x1082  }
0x22: {  	[simem:s7], [sflag:s8] =	dma.local @!p0 [hbm:s6], $0xF7A  }
0x23: {  	s9 =	sor.u32 $0xD0000000, s2;
	s6 =	simm.s32 $0x108;
	_ =	swait.ge @!p0 [sflag:s8], $0x0  }
0x24: {  	s3 =	sadd.s32 $0x88, s3;
	s6 =	simm.s32 @!p1 $0x1082;
	[sflag:s4] =	ssyncset.s32 $0xFFFFF086  }
0x25: {  	[simem:s6], [sflag:s4] =	dma.local [hbm:s3], $0xF7A  }
0x26: {  	[smem:$0x3F90] =	sst s1;
	(tag) =	ssettag s2;
	_ =	strace s9  }
0x27: {  	s1 =	sld [smem:$0x3FA0]  }
0x28: {  	s2 =	sld [smem:$0x3FA1]  }
0x29: {  	s4 =	sld [smem:$0x3FA3]  }
0x2a: {  	p0 =	seq.s32 s5, $0x0;
	s5 =	sld [smem:$0x3FA4]  }
0x2b: {  	s6 =	sld [smem:$0x3FA5]  }
0x2c: {  	s7 =	sld [smem:$0x3FA6]  }
0x2d: {  	s3 =	simm.s32 $0x108;
	s8 =	sld [smem:$0x3FA7]  }
0x2e: {  	s3 =	simm.s32 @!p0 $0x1082;
	s9 =	sld [smem:$0x3FA8]  }
0x2f: {  	lr =	sadd.s32 s0, s3;
	s0 =	sld [smem:$0x3F9F]  }
0x30: {  	s3 =	sld [smem:$0x3FA2]  }
0x31: {  	[smem:$0x3FAB] =	sst s10  }
0x32: {  	s10 =	sld [smem:$0x3FA9];
	_ =	sdelay $0x3  }
0x33: {  	p0 =	seq.s32 s10, $0x1;
	s10 =	sld [smem:$0x3FAB];
	_ =	sdelay $0x3  }
0x34: {  	[smem:$0x3FAB] =	sst s10  }
0x35: {  	s10 =	sld [smem:$0x3FAA];
	_ =	sdelay $0x3  }
0x36: {  	p1 =	seq.s32 s10, $0x1;
	s10 =	sld [smem:$0x3FAB];
	_ =	sdelay $0x3  }
0x37: {  	[smem:$0x3FAB] =	sst s10  }
0x38: {  	s10 =	sld [smem:$0x3FAC]  }
0x39: {  	_ = 	snop;
	(pc) =	sbr.ind lr, $3  }
0x3a: {  	_ = 	snop  }
0x3b: {  	_ = 	snop  }
0x3c: {  	p2 =	seq.s32 s10, $0x1;
	s10 =	sld [smem:$0x3FAB]  }
0x3d: {  	_ =	shalt  }
0x3e: {  	_ =	shalt  }
0x3f: {  	_ =	shalt  }
0x40: {  	_ =	shalt  }
0x41: {  	_ =	shalt  }
0x42: {  	_ =	shalt  }
0x43: {  	_ =	shalt  }
0x44: {  	_ =	shalt  }
0x45: {  	_ =	shalt  }
0x46: {  	_ =	shalt  }
0x47: {  	_ =	shalt  }
0x48: {  	_ =	shalt  }
0x49: {  	_ =	shalt  }
0x4a: {  	_ =	shalt  }
0x4b: {  	_ =	shalt  }
0x4c: {  	_ =	shalt  }
0x4d: {  	_ =	shalt  }
0x4e: {  	_ =	shalt  }
0x4f: {  	_ =	shalt  }
0x50: {  	_ =	shalt  }
0x51: {  	_ =	shalt  }
0x52: {  	_ =	shalt  }
0x53: {  	_ =	shalt  }
0x54: {  	_ =	shalt  }
0x55: {  	_ =	shalt  }
0x56: {  	_ =	shalt  }
0x57: {  	_ =	shalt  }
0x58: {  	_ =	shalt  }
0x59: {  	_ =	shalt  }
0x5a: {  	_ =	shalt  }
0x5b: {  	_ =	shalt  }
0x5c: {  	_ =	shalt  }
0x5d: {  	_ =	shalt  }
0x5e: {  	_ =	shalt  }
0x5f: {  	_ =	shalt  }
0x60: {  	_ =	shalt  }
0x61: {  	_ =	shalt  }
0x62: {  	_ =	shalt  }
0x63: {  	_ =	shalt  }
0x64: {  	_ =	shalt  }
0x65: {  	_ =	shalt  }
0x66: {  	_ =	shalt  }
0x67: {  	_ =	shalt  }
0x68: {  	_ =	shalt  }
0x69: {  	_ =	shalt  }
0x6a: {  	_ =	shalt  }
0x6b: {  	_ =	shalt  }
0x6c: {  	_ =	shalt  }
0x6d: {  	_ =	shalt  }
0x6e: {  	_ =	shalt  }
0x6f: {  	_ =	shalt  }
0x70: {  	_ =	shalt  }
0x71: {  	_ =	shalt  }
0x72: {  	_ =	shalt  }
0x73: {  	_ =	shalt  }
0x74: {  	_ =	shalt  }
0x75: {  	_ =	shalt  }
0x76: {  	_ =	shalt  }
0x77: {  	_ =	shalt  }
0x78: {  	_ =	shalt  }
0x79: {  	_ =	shalt  }
0x7a: {  	_ =	shalt  }
0x7b: {  	_ =	shalt  }
0x7c: {  	_ =	shalt  }
0x7d: {  	_ =	shalt  }
0x7e: {  	_ =	shalt  }
0x7f: {  	_ =	shalt  }
0x80: {  	_ =	shalt  }
0x81: {  	_ =	shalt  }
0x82: {  	_ =	shalt  }
0x83: {  	_ =	shalt  }
0x84: {  	_ =	shalt  }
0x85: {  	_ =	shalt  }
0x86: {  	_ =	shalt  }
0x87: {  	_ =	shalt  }
.Lfunc_end0:
.L_simem_size_0:
called_computation_lowered:
.L_overlay_start_0:
0x88: {  	s2 =	sld [smem:$0x3FD9]  }
0x89: {  	s3 =	sld [smem:$0x3FFE];
	_ =	sdelay $0x1  }
0x8a: {  	s1 =	srdreg.scid  }
0x8b: {  	s0 =	sand.u32 $0x1, s1  }
0x8c: {  	s17 =	sshll.u32 s0, $0xA;
	s2 =	sadd.s32 s3, s2  }
0x8d: {  	s2 =	sadd.s32 s2, s17  }
0x8e: {  	[smem:$0x3FB7] =	sst s2  }
0x8f: {  	_ = 	snop  }
0x90: {  	s2 =	sld [smem:$0x3FD0];
	(tm) =	ssettm $0x1  }
0x91: {  	s18 =	sld [smem:$0x3FFB];
	_ =	sdelay $0x3  }
0x92: {  	_ =	strace s18  }
0x93: {  	s3 =	sld [smem:$0x3FFC];
	_ =	sdelay $0x3  }
0x94: {  	_ =	strace s3  }
0x95: {  	s3 =	sld [smem:$0x3FFD];
	_ =	sdelay $0x3  }
0x96: {  	_ =	strace s3  }
0x97: {  	_ =	strace $0x8FFFFFFF  }
0x98: {  	s19 =	sld [smem:$0x3FDB];
	_ =	sdelay $0x1  }
0x99: {  	s4 =	simm.s32 $_scs_section_size  }
0x9a: {  	s5 =	simm.s32 $_size__tile_overlayer_lowered;
	s6 =	simm.s32 $_tile_overlayer_lowered  }
0x9b: {  	s22 =	simm.s32 $0x1BFF;
	s21 =	sshll.u32 s6, $0x1;
	s3 =	sadd.s32 s4, s19  }
0x9c: {  	s7 =	simm.s32 $0x0;
	s20 =	sshll.u32 s5, $0x1;
	s5 =	sadd.s32 s21, s3  }
0x9d: {  	[timem:s7], [sflag:s22] =	dma.local [hbm:s5], s20  }
0x9e: {  	_ =	swait.ge [sflag:s22], s20  }
0x9f: {  	s4 =	ssub.s32 $0x0, s20;
	[sflag:s22] =	ssyncset.done $0x0  }
0xa0: {  	[sflag:s22] =	ssyncadd.s32 s4;
	_ =	sdelay $0x1  }
0xa1: {  	s23 =	simm.s32 $0x1B8B  }
0xa2: {  	_ =	swait.ge [sflag:s23], $0x1  }
0xa3: {  	[sflag:s23] =	ssyncset.done $0x0  }
0xa4: {  	s25 =	simm.s32 $0x1B8E;
	s24 =	sld [smem:$0x3FFE];
	[sflag:s23] =	ssyncadd.s32 $0xFFFFFFFF  }
0xa5: {  	s26 =	simm.s32 $execute0_lowered;
	[smem:$0x3FD2] =	sst s25  }
0xa6: {  	s5 =	sshll.u32 s26, $0x1;
	_ =	strace $0x80000046;
	[dreg:$0x1] =	wrdreg $0xFFFFFFFF  }
0xa7: {  	s28 =	simm.s32 $_size_execute0_lowered;
	s3 =	sadd.s32 s3, s5;
	[dreg:$0x0] =	wrdreg $0x0  }
0xa8: {  	s5 =	sshll.u32 s28, $0x1;
	[dreg:$0x2] =	wrdreg s3  }
0xa9: {  	[dreg:$0x3] =	wrdreg s5  }
0xaa: {  	[dreg:$0x4] =	wrdreg $0xC0  }
0xab: {  	_ =	task [dreg:s7], $0x5FFFF  }
0xac: {  	[dreg:$0x1] =	wrdreg $0xFFFFFFFF  }
0xad: {  	[dreg:$0x0] =	wrdreg $0x60  }
0xae: {  	[dreg:$0x2] =	wrdreg s24  }
0xaf: {  	[dreg:$0x3] =	wrdreg s2  }
0xb0: {  	[dreg:$0x4] =	wrdreg $0x9  }
0xb1: {  	_ =	task.clear_ibuf [dreg:s7], $0x5FFFF;
	_ =	strace $0x90000046  }
0xb2: {  	s29 =	simm.s32 $0x9;
	_ =	strace $0x80000048  }
0xb3: {  	_ =	swait.ge [sflag:s29], $0x1  }
0xb4: {  	[sflag:s29] =	ssyncadd.s32 $0xFFFFFFFF  }
0xb5: {  	_ =	strace $0x90000048  }
0xb6: {  	_ =	sfence  }
0xb7: {  	s30 =	sld [smem:$0x0];
	_ =	sdelay $0x2  }
0xb8: {  	s31 =	sshll.u32 s1, $0xD;
	s1 =	sshrl.u32 s1, $0x2  }
0xb9: {  	s3 =	sand.u32 $0x4000, s31;
	s1 =	sadd.s32 s1, s30  }
0xba: {  	s0 =	sor.u32 s3, s0;
	s1 =	sshll.u32 s1, $0x11  }
0xbb: {  	s0 =	sor.u32 s1, s0  }
0xbc: {  	s0 =	sadd.s32 $0x8F2B, s0  }
0xbd: {  	[sflag:s0] =	ssyncadd.remote.s32 $0x1  }
0xbe: {  	_ =	sfence.sel $0xFFFF  }
0xbf: {  	[dreg:$0x0] =	wrdreg $0xFFFFFFFF;
	(pc) =	sbr.abs _section_cstart, $3  }
0xc0: {  	[dreg:$0x1] =	wrdreg $0xFFFFFFFF  }
0xc1: {  	_ =	task.clear_ibuf [dreg:s7], $0x2FFFF;
	_ =	strace $0x9FFFFFFF  }
0xc2: {  	(tm) =	ssettm $0x7FFFFFFF  }
0xc3: {  	_ =	shalt  }
tec
execute0_lowered:
.L_overlay_start_1:
0x0: {  	(tag) =	ssettag $0x1  }
0x1: {  	s0 =	rddreg [dreg:$0x0]  }
0x2: {  	s1 =	rddreg [dreg:$0x1]  }
0x3: {  	s2 =	simm.s32 $0x0;
	s25 =	srdreg.scid;
	s6 =	stileid.u32  }
0x4: {  	s10 =	simm.s32 $0x200;
	s11 =	simm.s32 $0x1;
	s12 =	simm.s32 $0x50  }
0x5: {  	s13 =	simm.s32 $0x400;
	s20 =	simm.s32 $0x2A0;
	s21 =	simm.s32 $0x11C00  }
0x6: {  	s22 =	simm.s32 $0xF0;
	s23 =	simm.s32 $0x7C00;
	s24 =	simm.s32 $0x2F0  }
0x7: {  	s28 =	simm.s32 $0xA400;
	s29 =	simm.s32 $0x340;
	s30 =	simm.s32 $0x16C00  }
0x8: {  	s31 =	simm.s32 $0x3;
	s9 =	simm.s32 $0x6;
	s14 =	simm.s32 $0x2  }
0x9: {  	s16 =	simm.s32 $0x0;
	[smem:$0x7FF] =	sst s2;
	s2 =	sand.u32 $0x1, s25  }
0xa: {  	s4 =	sadd.s32 $0xD200, s0;
	s5 =	sadd.s32 $0x3400, s0;
	s8 =	sshll.u32 s6, $0x1  }
0xb: {  	s6 =	sadd.s32 $0x17000, s0;
	s25 =	simm.s32 $0x14400;
	s3 =	ssub.s32 $0x2, s2  }
0xc: {  	_ =	strace $0x80000047;
	s2 =	sor.u32 s2, s8;
	s7 =	sshrl.u32 s3, $0x1  }
0xd: {  	s8 =	smul.u32 $0x7D, s2;
	s2 =	simm.s32 $0x7;
	s3 =	ssub.s32 s3, s7  }
0xe: {  	s7 =	sadd.s32 $0x65400, s0;
	s0 =	simm.s32 $0x4;
	s26 =	smax.u32 s3, $0x1  }
0xf: {  	s3 =	simm.s32 $0x5;
	[dreg:$0x3] =	wrdreg s26;
	s26 =	simm.s32 $0x140  }
.LBB2_1:
0x10: {  	[dreg:$0x4] =	wrdreg s16;
	s15 =	simm.s32 $0x0  }
.LBB2_2:
0x11: {  	s16 =	smul.u32 $0x5, s15;
	_ =	sdelay $0x1  }
0x12: {  	s16 =	sadd.s32 s8, s16  }
0x13: {  	s17 =	smul.u32 $0xA, s16;
	_ =	sdelay $0x1  }
0x14: {  	s19 =	simm.s32 $0x0;
	s18 =	sadd.s32 s4, s17  }
0x15: {  	[tilespmem:s19], [sflag:$0x1] =	stream.linear.gather [hbm4b:s18+s19], $0x190, $0x38;
	[tilespmem:$0x19400] =	vst v63  }
0x16: {  	s17 =	sadd.s32 s5, s17  }
0x17: {  	[tilespmem:s10], [sflag:$0x1] =	stream.linear.gather [hbm4b:s17+s19], $0x190, $0x38;
	[tilespmem:$0x19400] =	vst v63  }
0x18: {  	_ =	swait.ge [sflag:s11], $0x190  }
0x19: {  	[sflag:s11] =	ssyncset.done $0x0  }
0x1a: {  	[sflag:s11] =	ssyncadd.s32 $0xFFFFFE70  }
0x1b: {  	_ =	swait.ge [sflag:s11], $0x190  }
0x1c: {  	[sflag:s11] =	ssyncset.done $0x0  }
0x1d: {  	[sflag:s11] =	ssyncadd.s32 $0xFFFFFE70  }
0x1e: {  	[tilespmem:s13], [sflag:$0x3] =	stream.indirect.gather [hbm4b:s1+s12], $0x80, s19, s12, $0xb8;
	[tilespmem:$0x19400] =	vst v63  }
0x1f: {  	s18 =	simm.s32 $0xCC00  }
0x20: {  	[tilespmem:s18], [sflag:$0x3] =	stream.indirect.gather [hbm4b:s6+s12], $0x80, s10, s12, $0xb8;
	[tilespmem:$0x19400] =	vst v63  }
0x21: {  	s19 =	simm.s32 $0x2C00  }
0x22: {  	[tilespmem:s19], [sflag:$0x4] =	stream.indirect.gather [hbm4b:s1+s12], $0x80, s12, s12, $0xb8;
	[tilespmem:$0x19400] =	vst v63  }
0x23: {  	s18 =	simm.s32 $0x250;
	s19 =	simm.s32 $0xF400  }
0x24: {  	[tilespmem:s19], [sflag:$0x4] =	stream.indirect.gather [hbm4b:s6+s12], $0x80, s18, s12, $0xb8;
	[tilespmem:$0x19400] =	vst v63  }
0x25: {  	s18 =	simm.s32 $0xA0;
	s19 =	simm.s32 $0x5400  }
0x26: {  	[tilespmem:s19], [sflag:$0x5] =	stream.indirect.gather [hbm4b:s1+s12], $0x80, s18, s12, $0xb8;
	[tilespmem:$0x19400] =	vst v63  }
0x27: {  	_ = 	snop  }
0x28: {  	[tilespmem:s21], [sflag:$0x5] =	stream.indirect.gather [hbm4b:s6+s12], $0x80, s20, s12, $0xb8;
	[tilespmem:$0x19400] =	vst v63  }
0x29: {  	_ = 	snop  }
0x2a: {  	[tilespmem:s23], [sflag:$0x6] =	stream.indirect.gather [hbm4b:s1+s12], $0x80, s22, s12, $0xb8;
	[tilespmem:$0x19400] =	vst v63  }
0x2b: {  	_ = 	snop  }
0x2c: {  	[tilespmem:s25], [sflag:$0x6] =	stream.indirect.gather [hbm4b:s6+s12], $0x80, s24, s12, $0xb8;
	[tilespmem:$0x19400] =	vst v63  }
0x2d: {  	_ = 	snop  }
0x2e: {  	[tilespmem:s28], [sflag:$0x7] =	stream.indirect.gather [hbm4b:s1+s12], $0x80, s26, s12, $0xb8;
	[tilespmem:$0x19400] =	vst v63  }
0x2f: {  	_ = 	snop  }
0x30: {  	[tilespmem:s30], [sflag:$0x7] =	stream.indirect.gather [hbm4b:s6+s12], $0x80, s29, s12, $0xb8;
	[tilespmem:$0x19400] =	vst v63  }
0x31: {  	_ =	swait.ge [sflag:s31], $0x2800  }
0x32: {  	[sflag:s31] =	ssyncset.done $0x0  }
0x33: {  	[sflag:s31] =	ssyncadd.s32 $0xFFFFD800  }
0x34: {  	_ =	swait.ge [sflag:s31], $0x2800  }
0x35: {  	[sflag:s31] =	ssyncset.done $0x0  }
0x36: {  	s17 =	simm.s32 $0x0;
	[sflag:s31] =	ssyncadd.s32 $0xFFFFD800  }
0x37: {  	v7 =	vld [tilespmem:s17+$0xCC00]  }
0x38: {  	v11 =	vld [tilespmem:s17+$0xCC10]  }
0x39: {  	v5 =	vld [tilespmem:s17+$0xCC20]  }
0x3a: {  	v4 =	vld [tilespmem:s17+$0xCC30]  }
0x3b: {  	v3 =	vld [tilespmem:s17+$0xCC40]  }
0x3c: {  	v2 =	vld [tilespmem:s17+$0xCC50]  }
0x3d: {  	v1 =	vld [tilespmem:s17+$0xCC60]  }
0x3e: {  	v0 =	vld [tilespmem:s17+$0xCC70]  }
0x3f: {  	v12 =	vld [tilespmem:s17+$0x400]  }
0x40: {  	v13 =	vld [tilespmem:s17+$0x410]  }
0x41: {  	v10 =	vld [tilespmem:s17+$0x420]  }
0x42: {  	v9 =	vld [tilespmem:s17+$0x430]  }
0x43: {  	v8 =	vld [tilespmem:s17+$0x440]  }
0x44: {  	v6 =	vld [tilespmem:s17+$0x450];
	v12 =	vadd.f32 v7, v12  }
0x45: {  	s18 =	simm.s32 $0x200;
	v11 =	vadd.f32 v11, v13;
	v7 =	vld [tilespmem:s17+$0x460]  }
.LBB2_3:
0x46: {  	s19 =	sshra.s32 s18, $0x2;
	p0 =	sne.s32 s18, $0x9E00;
	[tilespmem:s17+$0x400] =	vst v12;
	v5 =	vadd.f32 v5, v10;
	v10 =	vld [tilespmem:s17+$0x470]  }
0x47: {  	v12 =	vld [tilespmem:s19+$0xCC00];
	[tilespmem:s17+$0x410] =	vst v11;
	v4 =	vadd.f32 v4, v9  }
0x48: {  	v11 =	vld [tilespmem:s19+$0xCC10];
	[tilespmem:s17+$0x420] =	vst v5;
	v3 =	vadd.f32 v3, v8  }
0x49: {  	v5 =	vld [tilespmem:s19+$0xCC20];
	[tilespmem:s17+$0x430] =	vst v4;
	v2 =	vadd.f32 v2, v6  }
0x4a: {  	v4 =	vld [tilespmem:s19+$0xCC30];
	[tilespmem:s17+$0x440] =	vst v3;
	v1 =	vadd.f32 v1, v7  }
0x4b: {  	v3 =	vld [tilespmem:s19+$0xCC40];
	[tilespmem:s17+$0x450] =	vst v2;
	v0 =	vadd.f32 v0, v10  }
0x4c: {  	v2 =	vld [tilespmem:s19+$0xCC50];
	[tilespmem:s17+$0x460] =	vst v1  }
0x4d: {  	v1 =	vld [tilespmem:s19+$0xCC60];
	[tilespmem:s17+$0x470] =	vst v0;
	s17 =	smov.u32 s19  }
0x4e: {  	v0 =	vld [tilespmem:s17+$0xCC70]  }
0x4f: {  	v6 =	vld [tilespmem:s17+$0x400]  }
0x50: {  	v7 =	vld [tilespmem:s17+$0x410]  }
.Ltmp0:
0x51: {  	v10 =	vld [tilespmem:s17+$0x420];
	(pc) =	sbr.rel @p0 .LBB2_3-.Ltmp0, $4  }
0x52: {  	v9 =	vld [tilespmem:s17+$0x430]  }
0x53: {  	v8 =	vld [tilespmem:s17+$0x440]  }
0x54: {  	v12 =	vadd.f32 v12, v6;
	v6 =	vld [tilespmem:s17+$0x450]  }
0x55: {  	s18 =	sadd.s32 $0x200, s18;
	v11 =	vadd.f32 v11, v7;
	v7 =	vld [tilespmem:s17+$0x460]  }
0x56: {  	[tilespmem:s17+$0x400] =	vst v12;
	v5 =	vadd.f32 v5, v10;
	v10 =	vld [tilespmem:s17+$0x470]  }
0x57: {  	[tilespmem:s17+$0x410] =	vst v11;
	v4 =	vadd.f32 v4, v9  }
0x58: {  	[tilespmem:s17+$0x420] =	vst v5;
	v3 =	vadd.f32 v3, v8  }
0x59: {  	[tilespmem:s17+$0x430] =	vst v4;
	v2 =	vadd.f32 v2, v6  }
0x5a: {  	[tilespmem:s17+$0x440] =	vst v3;
	v1 =	vadd.f32 v1, v7  }
0x5b: {  	[tilespmem:s17+$0x450] =	vst v2;
	v0 =	vadd.f32 v0, v10  }
0x5c: {  	[tilespmem:s17+$0x460] =	vst v1  }
0x5d: {  	[tilespmem:s17+$0x470] =	vst v0  }
0x5e: {  	_ =	swait.ge [sflag:s0], $0x2800  }
0x5f: {  	[sflag:s0] =	ssyncset.done $0x0  }
0x60: {  	[sflag:s0] =	ssyncadd.s32 $0xFFFFD800  }
0x61: {  	_ =	swait.ge [sflag:s0], $0x2800  }
0x62: {  	[sflag:s0] =	ssyncset.done $0x0  }
0x63: {  	s17 =	simm.s32 $0x0;
	[sflag:s0] =	ssyncadd.s32 $0xFFFFD800  }
0x64: {  	v7 =	vld [tilespmem:s17+$0xF400]  }
0x65: {  	v11 =	vld [tilespmem:s17+$0xF410]  }
0x66: {  	v5 =	vld [tilespmem:s17+$0xF420]  }
0x67: {  	v4 =	vld [tilespmem:s17+$0xF430]  }
0x68: {  	v3 =	vld [tilespmem:s17+$0xF440]  }
0x69: {  	v2 =	vld [tilespmem:s17+$0xF450]  }
0x6a: {  	v1 =	vld [tilespmem:s17+$0xF460]  }
0x6b: {  	v0 =	vld [tilespmem:s17+$0xF470]  }
0x6c: {  	v12 =	vld [tilespmem:s17+$0x2C00]  }
0x6d: {  	v13 =	vld [tilespmem:s17+$0x2C10]  }
0x6e: {  	v10 =	vld [tilespmem:s17+$0x2C20]  }
0x6f: {  	v9 =	vld [tilespmem:s17+$0x2C30]  }
0x70: {  	v8 =	vld [tilespmem:s17+$0x2C40]  }
0x71: {  	v6 =	vld [tilespmem:s17+$0x2C50];
	v12 =	vadd.f32 v7, v12  }
0x72: {  	s18 =	simm.s32 $0x200;
	v11 =	vadd.f32 v11, v13;
	v7 =	vld [tilespmem:s17+$0x2C60]  }
.LBB2_5:
0x73: {  	s19 =	sshra.s32 s18, $0x2;
	p0 =	sne.s32 s18, $0x9E00;
	[tilespmem:s17+$0x2C00] =	vst v12;
	v5 =	vadd.f32 v5, v10;
	v10 =	vld [tilespmem:s17+$0x2C70]  }
0x74: {  	v12 =	vld [tilespmem:s19+$0xF400];
	[tilespmem:s17+$0x2C10] =	vst v11;
	v4 =	vadd.f32 v4, v9  }
0x75: {  	v11 =	vld [tilespmem:s19+$0xF410];
	[tilespmem:s17+$0x2C20] =	vst v5;
	v3 =	vadd.f32 v3, v8  }
0x76: {  	v5 =	vld [tilespmem:s19+$0xF420];
	[tilespmem:s17+$0x2C30] =	vst v4;
	v2 =	vadd.f32 v2, v6  }
0x77: {  	v4 =	vld [tilespmem:s19+$0xF430];
	[tilespmem:s17+$0x2C40] =	vst v3;
	v1 =	vadd.f32 v1, v7  }
0x78: {  	v3 =	vld [tilespmem:s19+$0xF440];
	[tilespmem:s17+$0x2C50] =	vst v2;
	v0 =	vadd.f32 v0, v10  }
0x79: {  	v2 =	vld [tilespmem:s19+$0xF450];
	[tilespmem:s17+$0x2C60] =	vst v1  }
0x7a: {  	v1 =	vld [tilespmem:s19+$0xF460];
	[tilespmem:s17+$0x2C70] =	vst v0;
	s17 =	smov.u32 s19  }
0x7b: {  	v0 =	vld [tilespmem:s17+$0xF470]  }
0x7c: {  	v6 =	vld [tilespmem:s17+$0x2C00]  }
0x7d: {  	v7 =	vld [tilespmem:s17+$0x2C10]  }
.Ltmp1:
0x7e: {  	v10 =	vld [tilespmem:s17+$0x2C20];
	(pc) =	sbr.rel @p0 .LBB2_5-.Ltmp1, $4  }
0x7f: {  	v9 =	vld [tilespmem:s17+$0x2C30]  }
0x80: {  	v8 =	vld [tilespmem:s17+$0x2C40]  }
0x81: {  	v12 =	vadd.f32 v12, v6;
	v6 =	vld [tilespmem:s17+$0x2C50]  }
0x82: {  	s18 =	sadd.s32 $0x200, s18;
	v11 =	vadd.f32 v11, v7;
	v7 =	vld [tilespmem:s17+$0x2C60]  }
0x83: {  	[tilespmem:s17+$0x2C00] =	vst v12;
	v5 =	vadd.f32 v5, v10;
	v10 =	vld [tilespmem:s17+$0x2C70]  }
0x84: {  	[tilespmem:s17+$0x2C10] =	vst v11;
	v4 =	vadd.f32 v4, v9  }
0x85: {  	[tilespmem:s17+$0x2C20] =	vst v5;
	v3 =	vadd.f32 v3, v8  }
0x86: {  	[tilespmem:s17+$0x2C30] =	vst v4;
	v2 =	vadd.f32 v2, v6  }
0x87: {  	[tilespmem:s17+$0x2C40] =	vst v3;
	v1 =	vadd.f32 v1, v7  }
0x88: {  	[tilespmem:s17+$0x2C50] =	vst v2;
	v0 =	vadd.f32 v0, v10  }
0x89: {  	[tilespmem:s17+$0x2C60] =	vst v1  }
0x8a: {  	[tilespmem:s17+$0x2C70] =	vst v0  }
0x8b: {  	_ =	swait.ge [sflag:s3], $0x2800  }
0x8c: {  	[sflag:s3] =	ssyncset.done $0x0  }
0x8d: {  	[sflag:s3] =	ssyncadd.s32 $0xFFFFD800  }
0x8e: {  	_ =	swait.ge [sflag:s3], $0x2800  }
0x8f: {  	[sflag:s3] =	ssyncset.done $0x0  }
0x90: {  	s17 =	simm.s32 $0x0;
	[sflag:s3] =	ssyncadd.s32 $0xFFFFD800  }
0x91: {  	v7 =	vld [tilespmem:s17+$0x11C00]  }
0x92: {  	v11 =	vld [tilespmem:s17+$0x11C10]  }
0x93: {  	v5 =	vld [tilespmem:s17+$0x11C20]  }
0x94: {  	v4 =	vld [tilespmem:s17+$0x11C30]  }
0x95: {  	v3 =	vld [tilespmem:s17+$0x11C40]  }
0x96: {  	v2 =	vld [tilespmem:s17+$0x11C50]  }
0x97: {  	v1 =	vld [tilespmem:s17+$0x11C60]  }
0x98: {  	v0 =	vld [tilespmem:s17+$0x11C70]  }
0x99: {  	v12 =	vld [tilespmem:s17+$0x5400]  }
0x9a: {  	v13 =	vld [tilespmem:s17+$0x5410]  }
0x9b: {  	v10 =	vld [tilespmem:s17+$0x5420]  }
0x9c: {  	v9 =	vld [tilespmem:s17+$0x5430]  }
0x9d: {  	v8 =	vld [tilespmem:s17+$0x5440]  }
0x9e: {  	v6 =	vld [tilespmem:s17+$0x5450];
	v12 =	vadd.f32 v7, v12  }
0x9f: {  	s18 =	simm.s32 $0x200;
	v11 =	vadd.f32 v11, v13;
	v7 =	vld [tilespmem:s17+$0x5460]  }
.LBB2_7:
0xa0: {  	s19 =	sshra.s32 s18, $0x2;
	p0 =	sne.s32 s18, $0x9E00;
	[tilespmem:s17+$0x5400] =	vst v12;
	v5 =	vadd.f32 v5, v10;
	v10 =	vld [tilespmem:s17+$0x5470]  }
0xa1: {  	v12 =	vld [tilespmem:s19+$0x11C00];
	[tilespmem:s17+$0x5410] =	vst v11;
	v4 =	vadd.f32 v4, v9  }
0xa2: {  	v11 =	vld [tilespmem:s19+$0x11C10];
	[tilespmem:s17+$0x5420] =	vst v5;
	v3 =	vadd.f32 v3, v8  }
0xa3: {  	v5 =	vld [tilespmem:s19+$0x11C20];
	[tilespmem:s17+$0x5430] =	vst v4;
	v2 =	vadd.f32 v2, v6  }
0xa4: {  	v4 =	vld [tilespmem:s19+$0x11C30];
	[tilespmem:s17+$0x5440] =	vst v3;
	v1 =	vadd.f32 v1, v7  }
0xa5: {  	v3 =	vld [tilespmem:s19+$0x11C40];
	[tilespmem:s17+$0x5450] =	vst v2;
	v0 =	vadd.f32 v0, v10  }
0xa6: {  	v2 =	vld [tilespmem:s19+$0x11C50];
	[tilespmem:s17+$0x5460] =	vst v1  }
0xa7: {  	v1 =	vld [tilespmem:s19+$0x11C60];
	[tilespmem:s17+$0x5470] =	vst v0;
	s17 =	smov.u32 s19  }
0xa8: {  	v0 =	vld [tilespmem:s17+$0x11C70]  }
0xa9: {  	v6 =	vld [tilespmem:s17+$0x5400]  }
0xaa: {  	v7 =	vld [tilespmem:s17+$0x5410]  }
.Ltmp2:
0xab: {  	v10 =	vld [tilespmem:s17+$0x5420];
	(pc) =	sbr.rel @p0 .LBB2_7-.Ltmp2, $4  }
0xac: {  	v9 =	vld [tilespmem:s17+$0x5430]  }
0xad: {  	v8 =	vld [tilespmem:s17+$0x5440]  }
0xae: {  	v12 =	vadd.f32 v12, v6;
	v6 =	vld [tilespmem:s17+$0x5450]  }
0xaf: {  	s18 =	sadd.s32 $0x200, s18;
	v11 =	vadd.f32 v11, v7;
	v7 =	vld [tilespmem:s17+$0x5460]  }
0xb0: {  	[tilespmem:s17+$0x5400] =	vst v12;
	v5 =	vadd.f32 v5, v10;
	v10 =	vld [tilespmem:s17+$0x5470]  }
0xb1: {  	[tilespmem:s17+$0x5410] =	vst v11;
	v4 =	vadd.f32 v4, v9  }
0xb2: {  	[tilespmem:s17+$0x5420] =	vst v5;
	v3 =	vadd.f32 v3, v8  }
0xb3: {  	[tilespmem:s17+$0x5430] =	vst v4;
	v2 =	vadd.f32 v2, v6  }
0xb4: {  	[tilespmem:s17+$0x5440] =	vst v3;
	v1 =	vadd.f32 v1, v7  }
0xb5: {  	[tilespmem:s17+$0x5450] =	vst v2;
	v0 =	vadd.f32 v0, v10  }
0xb6: {  	[tilespmem:s17+$0x5460] =	vst v1  }
0xb7: {  	[tilespmem:s17+$0x5470] =	vst v0  }
0xb8: {  	_ =	swait.ge [sflag:s9], $0x2800  }
0xb9: {  	[sflag:s9] =	ssyncset.done $0x0  }
0xba: {  	[sflag:s9] =	ssyncadd.s32 $0xFFFFD800  }
0xbb: {  	_ =	swait.ge [sflag:s9], $0x2800  }
0xbc: {  	[sflag:s9] =	ssyncset.done $0x0  }
0xbd: {  	s17 =	simm.s32 $0x0;
	[sflag:s9] =	ssyncadd.s32 $0xFFFFD800  }
0xbe: {  	v7 =	vld [tilespmem:s17+$0x14400]  }
0xbf: {  	v11 =	vld [tilespmem:s17+$0x14410]  }
0xc0: {  	v5 =	vld [tilespmem:s17+$0x14420]  }
0xc1: {  	v4 =	vld [tilespmem:s17+$0x14430]  }
0xc2: {  	v3 =	vld [tilespmem:s17+$0x14440]  }
0xc3: {  	v2 =	vld [tilespmem:s17+$0x14450]  }
0xc4: {  	v1 =	vld [tilespmem:s17+$0x14460]  }
0xc5: {  	v0 =	vld [tilespmem:s17+$0x14470]  }
0xc6: {  	v12 =	vld [tilespmem:s17+$0x7C00]  }
0xc7: {  	v13 =	vld [tilespmem:s17+$0x7C10]  }
0xc8: {  	v10 =	vld [tilespmem:s17+$0x7C20]  }
0xc9: {  	v9 =	vld [tilespmem:s17+$0x7C30]  }
0xca: {  	v8 =	vld [tilespmem:s17+$0x7C40]  }
0xcb: {  	v6 =	vld [tilespmem:s17+$0x7C50];
	v12 =	vadd.f32 v7, v12  }
0xcc: {  	s18 =	simm.s32 $0x200;
	v11 =	vadd.f32 v11, v13;
	v7 =	vld [tilespmem:s17+$0x7C60]  }
.LBB2_9:
0xcd: {  	s19 =	sshra.s32 s18, $0x2;
	p0 =	sne.s32 s18, $0x9E00;
	[tilespmem:s17+$0x7C00] =	vst v12;
	v5 =	vadd.f32 v5, v10;
	v10 =	vld [tilespmem:s17+$0x7C70]  }
0xce: {  	v12 =	vld [tilespmem:s19+$0x14400];
	[tilespmem:s17+$0x7C10] =	vst v11;
	v4 =	vadd.f32 v4, v9  }
0xcf: {  	v11 =	vld [tilespmem:s19+$0x14410];
	[tilespmem:s17+$0x7C20] =	vst v5;
	v3 =	vadd.f32 v3, v8  }
0xd0: {  	v5 =	vld [tilespmem:s19+$0x14420];
	[tilespmem:s17+$0x7C30] =	vst v4;
	v2 =	vadd.f32 v2, v6  }
0xd1: {  	v4 =	vld [tilespmem:s19+$0x14430];
	[tilespmem:s17+$0x7C40] =	vst v3;
	v1 =	vadd.f32 v1, v7  }
0xd2: {  	v3 =	vld [tilespmem:s19+$0x14440];
	[tilespmem:s17+$0x7C50] =	vst v2;
	v0 =	vadd.f32 v0, v10  }
0xd3: {  	v2 =	vld [tilespmem:s19+$0x14450];
	[tilespmem:s17+$0x7C60] =	vst v1  }
0xd4: {  	v1 =	vld [tilespmem:s19+$0x14460];
	[tilespmem:s17+$0x7C70] =	vst v0;
	s17 =	smov.u32 s19  }
0xd5: {  	v0 =	vld [tilespmem:s17+$0x14470]  }
0xd6: {  	v6 =	vld [tilespmem:s17+$0x7C00]  }
0xd7: {  	v7 =	vld [tilespmem:s17+$0x7C10]  }
.Ltmp3:
0xd8: {  	v10 =	vld [tilespmem:s17+$0x7C20];
	(pc) =	sbr.rel @p0 .LBB2_9-.Ltmp3, $4  }
0xd9: {  	v9 =	vld [tilespmem:s17+$0x7C30]  }
0xda: {  	v8 =	vld [tilespmem:s17+$0x7C40]  }
0xdb: {  	v12 =	vadd.f32 v12, v6;
	v6 =	vld [tilespmem:s17+$0x7C50]  }
0xdc: {  	s18 =	sadd.s32 $0x200, s18;
	v11 =	vadd.f32 v11, v7;
	v7 =	vld [tilespmem:s17+$0x7C60]  }
0xdd: {  	[tilespmem:s17+$0x7C00] =	vst v12;
	v5 =	vadd.f32 v5, v10;
	v10 =	vld [tilespmem:s17+$0x7C70]  }
0xde: {  	[tilespmem:s17+$0x7C10] =	vst v11;
	v4 =	vadd.f32 v4, v9  }
0xdf: {  	[tilespmem:s17+$0x7C20] =	vst v5;
	v3 =	vadd.f32 v3, v8  }
0xe0: {  	[tilespmem:s17+$0x7C30] =	vst v4;
	v2 =	vadd.f32 v2, v6  }
0xe1: {  	[tilespmem:s17+$0x7C40] =	vst v3;
	v1 =	vadd.f32 v1, v7  }
0xe2: {  	[tilespmem:s17+$0x7C50] =	vst v2;
	v0 =	vadd.f32 v0, v10  }
0xe3: {  	[tilespmem:s17+$0x7C60] =	vst v1  }
0xe4: {  	[tilespmem:s17+$0x7C70] =	vst v0  }
0xe5: {  	_ =	swait.ge [sflag:s2], $0x2800  }
0xe6: {  	[sflag:s2] =	ssyncset.done $0x0  }
0xe7: {  	[sflag:s2] =	ssyncadd.s32 $0xFFFFD800  }
0xe8: {  	_ =	swait.ge [sflag:s2], $0x2800  }
0xe9: {  	[sflag:s2] =	ssyncset.done $0x0  }
0xea: {  	s17 =	simm.s32 $0x0;
	[sflag:s2] =	ssyncadd.s32 $0xFFFFD800  }
0xeb: {  	v7 =	vld [tilespmem:s17+$0x16C00]  }
0xec: {  	v11 =	vld [tilespmem:s17+$0x16C10]  }
0xed: {  	v5 =	vld [tilespmem:s17+$0x16C20]  }
0xee: {  	v4 =	vld [tilespmem:s17+$0x16C30]  }
0xef: {  	v3 =	vld [tilespmem:s17+$0x16C40]  }
0xf0: {  	v2 =	vld [tilespmem:s17+$0x16C50]  }
0xf1: {  	v1 =	vld [tilespmem:s17+$0x16C60]  }
0xf2: {  	v0 =	vld [tilespmem:s17+$0x16C70]  }
0xf3: {  	v12 =	vld [tilespmem:s17+$0xA400]  }
0xf4: {  	v13 =	vld [tilespmem:s17+$0xA410]  }
0xf5: {  	v10 =	vld [tilespmem:s17+$0xA420]  }
0xf6: {  	v9 =	vld [tilespmem:s17+$0xA430]  }
0xf7: {  	v8 =	vld [tilespmem:s17+$0xA440]  }
0xf8: {  	v6 =	vld [tilespmem:s17+$0xA450];
	v12 =	vadd.f32 v7, v12  }
0xf9: {  	s18 =	simm.s32 $0x200;
	v11 =	vadd.f32 v11, v13;
	v7 =	vld [tilespmem:s17+$0xA460]  }
.LBB2_11:
0xfa: {  	s19 =	sshra.s32 s18, $0x2;
	p0 =	sne.s32 s18, $0x9E00;
	[tilespmem:s17+$0xA400] =	vst v12;
	v5 =	vadd.f32 v5, v10;
	v10 =	vld [tilespmem:s17+$0xA470]  }
0xfb: {  	v12 =	vld [tilespmem:s19+$0x16C00];
	[tilespmem:s17+$0xA410] =	vst v11;
	v4 =	vadd.f32 v4, v9  }
0xfc: {  	v11 =	vld [tilespmem:s19+$0x16C10];
	[tilespmem:s17+$0xA420] =	vst v5;
	v3 =	vadd.f32 v3, v8  }
0xfd: {  	v5 =	vld [tilespmem:s19+$0x16C20];
	[tilespmem:s17+$0xA430] =	vst v4;
	v2 =	vadd.f32 v2, v6  }
0xfe: {  	v4 =	vld [tilespmem:s19+$0x16C30];
	[tilespmem:s17+$0xA440] =	vst v3;
	v1 =	vadd.f32 v1, v7  }
0xff: {  	v3 =	vld [tilespmem:s19+$0x16C40];
	[tilespmem:s17+$0xA450] =	vst v2;
	v0 =	vadd.f32 v0, v10  }
0x100: {  	v2 =	vld [tilespmem:s19+$0x16C50];
	[tilespmem:s17+$0xA460] =	vst v1  }
0x101: {  	v1 =	vld [tilespmem:s19+$0x16C60];
	[tilespmem:s17+$0xA470] =	vst v0;
	s17 =	smov.u32 s19  }
0x102: {  	v0 =	vld [tilespmem:s17+$0x16C70]  }
0x103: {  	v6 =	vld [tilespmem:s17+$0xA400]  }
0x104: {  	v7 =	vld [tilespmem:s17+$0xA410]  }
.Ltmp4:
0x105: {  	v10 =	vld [tilespmem:s17+$0xA420];
	(pc) =	sbr.rel @p0 .LBB2_11-.Ltmp4, $4  }
0x106: {  	v9 =	vld [tilespmem:s17+$0xA430]  }
0x107: {  	v8 =	vld [tilespmem:s17+$0xA440]  }
0x108: {  	v12 =	vadd.f32 v12, v6;
	v6 =	vld [tilespmem:s17+$0xA450]  }
0x109: {  	s18 =	sadd.s32 $0x200, s18;
	v11 =	vadd.f32 v11, v7;
	v7 =	vld [tilespmem:s17+$0xA460]  }
0x10a: {  	[tilespmem:s17+$0xA400] =	vst v12;
	v5 =	vadd.f32 v5, v10;
	v63 =	vld [tilespmem:s17+$0xA470]  }
0x10b: {  	[tilespmem:s17+$0xA410] =	vst v11;
	v4 =	vadd.f32 v4, v9  }
0x10c: {  	[tilespmem:s17+$0xA420] =	vst v5;
	v3 =	vadd.f32 v3, v8  }
0x10d: {  	[tilespmem:s17+$0xA430] =	vst v4;
	v2 =	vadd.f32 v2, v6  }
0x10e: {  	[tilespmem:s17+$0xA440] =	vst v3;
	v1 =	vadd.f32 v1, v7  }
0x10f: {  	s16 =	smul.u32 $0x500, s16;
	s15 =	sadd.s32 $0x1, s15;
	[tilespmem:s17+$0xA450] =	vst v2;
	v0 =	vadd.f32 v0, v63  }
0x110: {  	p0 =	sne.s32 s15, $0x19;
	[tilespmem:s17+$0xA460] =	vst v1  }
.Ltmp5:
0x111: {  	s19 =	simm.s32 $0x0;
	s16 =	sadd.s32 s7, s16;
	[tilespmem:s17+$0xA470] =	vst v0;
	(pc) =	sbr.rel @p0 .LBB2_2-.Ltmp5, $4  }
0x112: {  	[hbm4b:s16+s19] =	stream.linear.scatter [tilespmem:s13], [sflag:$0x2], $0xC800, $0x38;
	[tilespmem:$0x19400] =	vst v63  }
0x113: {  	_ =	swait.ge [sflag:s14], $0xC800  }
0x114: {  	[sflag:s14] =	ssyncset.done $0x0  }
0x115: {  	[sflag:s14] =	ssyncadd.s32 $0xFFFF3800  }
0x116: {  	s16 =	rddreg [dreg:$0x4]  }
0x117: {  	s15 =	rddreg [dreg:$0x3];
	s16 =	sadd.s32 $0x1, s16  }
0x118: {  	p0 =	sne.s32 s16, s15  }
.Ltmp6:
0x119: {  	_ = 	snop;
	(pc) =	sbr.rel @p0 .LBB2_1-.Ltmp6, $1  }
0x11a: {  	_ =	sdelay $0x3  }
0x11b: {  	_ =	sfence.sel $0x180000  }
0x11c: {  	[bflag:$0x0] =	sbarrier.arrive $0xFFFF  }
0x11d: {  	_ =	strace $0x90000047  }
0x11e: {  	s0 =	stileid.u32;
	[bflag:$0x2] =	sbarrier.arrive $0xFFFF  }
0x11f: {  	p0 =	sne.s32 s0, $0x0;
	s0 =	rddreg [dreg:$0x2]  }
0x120: {  	s0 =	sadd.s32 @!p0 $0x100000, s0  }
0x121: {  	[sflag:s0] =	ssyncadd.tile.s32 @!p0 $0x1;
	_ =	shalt  }
.Lfunc_end2:
_tile_overlayer_lowered:
.L_overlay_start_2:
0x122: {  	(tag) =	ssettag $0x2  }
0x123: {  	s0 =	rddreg [dreg:$0x0];
	s2 =	stileid.u32  }
0x124: {  	s1 =	rddreg [dreg:$0x1];
	p0 =	sne.s32 s2, $0x0  }
0x125: {  	s3 =	rddreg [dreg:$0x2];
	[bflag:$0x3] =	sbarrier.arrive $0xFFFF;
	s2 =	simm.s32 @!p0 $0x1C08  }
0x126: {  	[timem:s3], [sflag:s2] =	dma.local @!p0 [hbm:s0], s1  }
0x127: {  	s0 =	simm.s32 @!p0 $0x8  }
0x128: {  	_ =	swait.ge @!p0 [sflag:s0], s1  }
0x129: {  	s1 =	ssub.s32 @!p0 $0x0, s1;
	[sflag:s0] =	ssyncset.done @!p0 $0x0  }
0x12a: {  	[sflag:s0] =	ssyncadd.s32 @!p0 s1  }
0x12b: {  	[bflag:$0x3] =	sbarrier.arrive $0xFFFF  }
0x12c: {  	_ =	shalt  }

</sc_bundles>
